<compile_context>
chip_gen: v7x
topology: tpu7x:2x2x1
jax: 0.10.2.dev20260603
libtpu: 0.0.44.dev20260713+nightly
codegen_flags: <defaults>
</compile_context>

<pallas_src>
import functools

import jax
import jax.numpy as jnp
from jax import lax
from jax.experimental import pallas as pl
from jax.experimental.pallas import tpu as pltpu
from jax.experimental.pallas import tpu_sc as plsc

N = 10000
E = 320000
NGRP = E // 128
NW = 32
KMAX = (NGRP + NW - 1) // NW
ROWS_PER_TILE = N // 16


def _sc_mesh():
    return plsc.VectorSubcoreMesh(core_axis_name="c", subcore_axis_name="s")


_SC_PARAMS = pltpu.CompilerParams(needs_layout_passes=False,
                                  use_tc_tiling_on_sc=False)


@functools.partial(
    pl.kernel,
    out_type=jax.ShapeDtypeStruct((NW, N), jnp.float32),
    mesh=_sc_mesh(),
    scratch_types=[
        pltpu.VMEM((128,), jnp.int32),
        pltpu.VMEM((N,), jnp.float32),
    ],
    compiler_params=_SC_PARAMS,
)
def _deg(dst_hbm, out_hbm, dst_v, deg_v):
    c = lax.axis_index("c")
    s = lax.axis_index("s")
    wid = s * 2 + c

    zeros16 = jnp.zeros((16,), jnp.float32)
    ones16 = jnp.ones((16,), jnp.float32)

    def zbody(i, carry):
        deg_v[pl.ds(i * 16, 16)] = zeros16
        return carry

    lax.fori_loop(0, N // 16, zbody, 0)

    def ebody(k, carry):
        r = wid + NW * k

        @pl.when(r < NGRP)
        def _():
            pltpu.sync_copy(dst_hbm.at[pl.ds(r * 128, 128)], dst_v)
            for j in range(8):
                idx = dst_v[pl.ds(j * 16, 16)]
                plsc.addupdate_scatter(deg_v, [idx], ones16)

        return carry

    lax.fori_loop(0, KMAX, ebody, 0)
    pltpu.sync_copy(deg_v, out_hbm.at[wid])


def _make_prop(W):
    @functools.partial(
        pl.kernel,
        out_type=jax.ShapeDtypeStruct((2, N, W), jnp.float32),
        mesh=_sc_mesh(),
        scratch_types=(
            [pltpu.VMEM((2, 128), jnp.int32)] * 4
            + [pltpu.VMEM((128, W), jnp.float32)] * 2
            + [pltpu.VMEM((125, W), jnp.float32)]
            + [pltpu.VMEM_SHARED((N, W), jnp.float32)]
            + [pltpu.SemaphoreType.DMA] * 8
        ),
        compiler_params=_SC_PARAMS,
    )
    def _prop(hs_hbm, ei_hbm, out_hbm, ev0, ev1, ev2, ev3, rows0, rows1, z_v,
              acc, si0, si1, si2, si3, sg0, sg1, ss0, ss1):
        c = lax.axis_index("c")
        s = lax.axis_index("s")
        wid = s * 2 + c

        evs = (ev0, ev1, ev2, ev3)
        rows = (rows0, rows1)
        sem_i = (si0, si1, si2, si3)
        sem_g = (sg0, sg1)
        sem_s = (ss0, ss1)

        zeros16 = jnp.zeros((16,), jnp.float32)

        def zbody(i, carry):
            for j in range(W // 16):
                z_v[i, pl.ds(j * 16, 16)] = zeros16
            return carry

        lax.fori_loop(0, 125, zbody, 0)
        for i in range(ROWS_PER_TILE // 125):
            pltpu.sync_copy(z_v, acc.at[pl.ds(s * ROWS_PER_TILE + i * 125, 125), :])
        plsc.subcore_barrier()

        def guard(k, u, fn):
            cond = (jnp.int32(k) >= 0) & (wid + NW * k < NGRP)

            @pl.when(cond)
            def _():
                fn(wid + NW * k, u % 2, u % 4)

        def idx_start(r, b, q):
            pltpu.async_copy(ei_hbm.at[r], evs[q], sem_i[q])

        def idx_wait(r, b, q):
            pltpu.make_async_copy(ei_hbm.at[r], evs[q], sem_i[q]).wait()

        def gather_start(r, b, q):
            pltpu.async_copy(hs_hbm.at[evs[q].at[0]], rows[b], sem_g[b])

        def gather_wait(r, b, q):
            pltpu.make_async_copy(hs_hbm.at[evs[q].at[0]], rows[b],
                                  sem_g[b]).wait()

        def scat_start(r, b, q):
            pltpu.async_copy(rows[b], acc.at[evs[q].at[1]], sem_s[b], add=True)

        def scat_wait(r, b, q):
            pltpu.make_async_copy(rows[b], acc.at[evs[q].at[1]],
                                  sem_s[b]).wait()

        def step(k, u):
            guard(k, u, gather_wait)
            guard(k, u, scat_start)
            guard(k + 1, u + 1, idx_wait)
            guard(k - 1, u - 1, scat_wait)
            guard(k + 1, u + 1, gather_start)
            guard(k + 3, u + 3, idx_start)

        for k in range(3):
            guard(k, k, idx_start)
        guard(0, 0, idx_wait)
        guard(0, 0, gather_start)

        def ebody(t, carry):
            for u in range(4):
                step(4 * t + u, u)
            return carry

        nfull = KMAX // 4
        lax.fori_loop(0, nfull, ebody, 0)
        for k in range(4 * nfull, KMAX):
            step(k, k)
        guard(KMAX - 1, KMAX - 1, scat_wait)
        plsc.subcore_barrier()
        pltpu.sync_copy(
            acc.at[pl.ds(s * ROWS_PER_TILE, ROWS_PER_TILE), :],
            out_hbm.at[c, pl.ds(s * ROWS_PER_TILE, ROWS_PER_TILE), :],
        )

    return _prop


_prop128 = _make_prop(128)
_prop64 = _make_prop(64)


BR = 2000
GRID = N // BR


def _gelu(t):
    return 0.5 * t * (1.0 + lax.erf(t * 0.7071067811865476))


def _dinv_of(deg_ref):
    return lax.rsqrt(jnp.sum(deg_ref[...], axis=1) + 2.0)[:, None]


def _tc0_body(deg_ref, x_ref, w_ref, hs_ref):
    dinv = _dinv_of(deg_ref)
    hs_ref[...] = jnp.dot(x_ref[...], w_ref[...],
                          preferred_element_type=jnp.float32) * dinv


def _tc1_body(acc_ref, hs_ref, deg_ref, b_ref, w_ref, h1_ref, hs1_ref):
    dinv = _dinv_of(deg_ref)
    t = (acc_ref[0] + acc_ref[1] + 2.0 * hs_ref[...]) * dinv + b_ref[...]
    h1 = _gelu(t)
    h1_ref[...] = h1
    hs1_ref[...] = jnp.dot(h1, w_ref[...],
                           preferred_element_type=jnp.float32) * dinv


def _tc2_body(acc_ref, hs_ref, h1_ref, deg_ref, b_ref, w_ref, hs2_ref):
    dinv = _dinv_of(deg_ref)
    t = h1_ref[...] + (acc_ref[0] + acc_ref[1] + 2.0 * hs_ref[...]) * dinv \
        + b_ref[...]
    h2 = _gelu(t)
    hs2_ref[...] = jnp.dot(h2, w_ref[...],
                           preferred_element_type=jnp.float32) * dinv


def _tc3_body(acc_ref, hs_ref, deg_ref, b_ref, out_ref):
    dinv = _dinv_of(deg_ref)
    out_ref[...] = (acc_ref[0] + acc_ref[1] + 2.0 * hs_ref[...]) * dinv \
        + b_ref[...]


def _row_spec(w):
    return pl.BlockSpec((BR, w), lambda i: (i, 0))


def _acc_spec(w):
    return pl.BlockSpec((2, BR, w), lambda i: (0, i, 0))


_DEG_SPEC = pl.BlockSpec((BR, NW), lambda i: (i, 0))


def _full_spec(shape):
    return pl.BlockSpec(shape, lambda i: tuple(0 for _ in shape))


def _tc0(deg, x, w0):
    return pl.pallas_call(
        _tc0_body,
        grid=(GRID,),
        in_specs=[_DEG_SPEC, _row_spec(128), _full_spec((128, 128))],
        out_specs=_row_spec(128),
        out_shape=jax.ShapeDtypeStruct((N, 128), jnp.float32),
    )(deg, x, w0)


def _tc1(acc, hs, deg, b, w1):
    return pl.pallas_call(
        _tc1_body,
        grid=(GRID,),
        in_specs=[_acc_spec(128), _row_spec(128), _DEG_SPEC,
                  _full_spec((1, 128)), _full_spec((128, 128))],
        out_specs=[_row_spec(128), _row_spec(128)],
        out_shape=[jax.ShapeDtypeStruct((N, 128), jnp.float32),
                   jax.ShapeDtypeStruct((N, 128), jnp.float32)],
    )(acc, hs, deg, b, w1)


def _tc2(acc, hs, h1, deg, b, w2):
    return pl.pallas_call(
        _tc2_body,
        grid=(GRID,),
        in_specs=[_acc_spec(128), _row_spec(128), _row_spec(128), _DEG_SPEC,
                  _full_spec((1, 128)), _full_spec((128, 64))],
        out_specs=_row_spec(64),
        out_shape=jax.ShapeDtypeStruct((N, 64), jnp.float32),
    )(acc, hs, h1, deg, b, w2)


def _tc3(acc, hs, deg, b):
    return pl.pallas_call(
        _tc3_body,
        grid=(GRID,),
        in_specs=[_acc_spec(64), _row_spec(64), _DEG_SPEC,
                  _full_spec((1, 64))],
        out_specs=_row_spec(64),
        out_shape=jax.ShapeDtypeStruct((N, 64), jnp.float32),
    )(acc, hs, deg, b)


@jax.jit
def kernel(x, edge_index, W0, b0, W1, b1, W2, b2):
    dst = edge_index[1]
    ei = edge_index.reshape(2, NGRP, 128).transpose(1, 0, 2)

    deg = _deg(dst).T

    hs0 = _tc0(deg, x, W0)
    acc0 = _prop128(hs0, ei)
    h1, hs1 = _tc1(acc0, hs0, deg, b0.reshape(1, 128), W1)
    acc1 = _prop128(hs1, ei)
    hs2 = _tc2(acc1, hs1, h1, deg, b1.reshape(1, 128), W2)
    acc2 = _prop64(hs2, ei)
    out = _tc3(acc2, hs2, deg, b2.reshape(1, 64))
    return out

# --- scband reference (transcript-rebuilt; emitter-appended) ---
"""Pipeline reference for scband-gcn-6270652252215 (READ-ONLY COPY).

The authoritative reference and input builder live on the scoring server;
editing this copy changes nothing except your own understanding.
"""

import jax, jax.numpy as jnp
import numpy as np

N_NODES = 10000
N_EDGES = 320000
D_FEAT = 128
HIDDEN = 128
N_CLASSES = 64


def setup_inputs(seed: int = 0) -> dict:
    key = jax.random.key(seed)
    ks = jax.random.split(key, 8)
    x = jax.random.normal(ks[0], (N_NODES, D_FEAT), dtype=jnp.float32)
    edge_index = jax.random.randint(ks[1], (2, N_EDGES), 0, N_NODES, dtype=jnp.int32)
    W0 = jax.random.normal(ks[2], (D_FEAT, HIDDEN), dtype=jnp.float32) * (1.0 / np.sqrt(D_FEAT))
    b0 = jnp.zeros((HIDDEN,), dtype=jnp.float32)
    W1 = jax.random.normal(ks[3], (HIDDEN, HIDDEN), dtype=jnp.float32) * (1.0 / np.sqrt(HIDDEN))
    b1 = jnp.zeros((HIDDEN,), dtype=jnp.float32)
    W2 = jax.random.normal(ks[4], (HIDDEN, N_CLASSES), dtype=jnp.float32) * (1.0 / np.sqrt(HIDDEN))
    b2 = jnp.zeros((N_CLASSES,), dtype=jnp.float32)
    return {"x": x, "edge_index": edge_index, "W0": W0, "b0": b0, "W1": W1, "b1": b1, "W2": W2, "b2": b2}


def _gcn_conv(x, edge_index, W, b):
    # PyG GCNConv with improved=True: self-loop weight 2.0, symmetric normalization
    n = x.shape[0]
    src = edge_index[0]
    dst = edge_index[1]
    loop = jnp.arange(n, dtype=edge_index.dtype)
    all_src = jnp.concatenate([src, loop])
    all_dst = jnp.concatenate([dst, loop])
    all_w = jnp.concatenate([
        jnp.ones((src.shape[0],), dtype=jnp.float32),
        2.0 * jnp.ones((n,), dtype=jnp.float32),
    ])
    deg = jax.ops.segment_sum(all_w, all_dst, num_segments=n)
    dinv = jnp.where(deg > 0, jax.lax.rsqrt(jnp.maximum(deg, 1e-12)), 0.0)
    norm = dinv[all_src] * all_w * dinv[all_dst]
    h = x @ W
    msg = h[all_src] * norm[:, None]
    out = jax.ops.segment_sum(msg, all_dst, num_segments=n)
    return out + b


def reference(x, edge_index, W0, b0, W1, b1, W2, b2):
    # layer 0
    h = _gcn_conv(x, edge_index, W0, b0)
    # layer 1: Residual(GCNConv) with preceding gelu (dropout_rate=0.0 -> identity)
    h = jax.nn.gelu(h, approximate=False)
    h = h + _gcn_conv(h, edge_index, W1, b1)
    # layer 2: output GCNConv
    h = jax.nn.gelu(h, approximate=False)
    out = _gcn_conv(h, edge_index, W2, b2)
    return out

if __name__ == "__main__":
    import jax
    _d = setup_inputs()
    print(jax.jit(kernel)(*tuple(_d.values())))

</pallas_src>

<mosaic_0001>
#map = affine_map<(d0, d1) -> (0, 0)>
#map1 = affine_map<(d0, d1) -> (0, 0, 0)>
module attributes {stable_mosaic.version = 14 : i64} {
  func.func @_prop(%arg0: i32, %arg1: i32, %arg2: memref<10000x64xf32, #tpu.memory_space<hbm>>, %arg3: memref<2500x2x128xi32, #tpu.memory_space<hbm>>, %arg4: memref<2x10000x64xf32, #tpu.memory_space<hbm>>, %arg5: memref<2x128xi32, #tpu.memory_space<vmem>>, %arg6: memref<2x128xi32, #tpu.memory_space<vmem>>, %arg7: memref<2x128xi32, #tpu.memory_space<vmem>>, %arg8: memref<2x128xi32, #tpu.memory_space<vmem>>, %arg9: memref<128x64xf32, #tpu.memory_space<vmem>>, %arg10: memref<128x64xf32, #tpu.memory_space<vmem>>, %arg11: memref<125x64xf32, #tpu.memory_space<vmem>>, %arg12: memref<10000x64xf32, #tpu.memory_space<vmem_shared>>, %arg13: memref<!tpu.dma_semaphore, #tpu.memory_space<semaphore_mem>>, %arg14: memref<!tpu.dma_semaphore, #tpu.memory_space<semaphore_mem>>, %arg15: memref<!tpu.dma_semaphore, #tpu.memory_space<semaphore_mem>>, %arg16: memref<!tpu.dma_semaphore, #tpu.memory_space<semaphore_mem>>, %arg17: memref<!tpu.dma_semaphore, #tpu.memory_space<semaphore_mem>>, %arg18: memref<!tpu.dma_semaphore, #tpu.memory_space<semaphore_mem>>, %arg19: memref<!tpu.dma_semaphore, #tpu.memory_space<semaphore_mem>>, %arg20: memref<!tpu.dma_semaphore, #tpu.memory_space<semaphore_mem>>) attributes {dimension_semantics = [#tpu.dimension_semantics<core_parallel>, #tpu.dimension_semantics<subcore_parallel>], iteration_bounds = array<i64: 2, 16>, scalar_prefetch = 0 : i64, scratch_operands = 16 : i64, tpu.core_type = #tpu.core_type<sc_vector_subcore>, window_params = [{transform_indices = #map}, {transform_indices = #map1}, {transform_indices = #map1}]} {
    %mul3A = arith.constant 2 : i32
    %mul3A_0 = arith.muli %arg1, %mul3A : i32
    %add3A = arith.addi %mul3A_0, %arg0 : i32
    %broadcast_in_dim3A = arith.constant 0.000000e+00 : f32
    %broadcast_in_dim3A_1 = vector.broadcast %broadcast_in_dim3A : f32 to vector<16xf32>
    %scan3A = arith.constant 0 : i32
    %scan3A_2 = arith.constant 0 : i32
    %scan3A_3 = arith.constant 125 : i32
    %scan3A_4 = arith.addi %scan3A_2, %scan3A_3 : i32
    %scan3A_5 = arith.constant 1 : i32
    scf.for %scan3A_297 = %scan3A_2 to %scan3A_4 step %scan3A_5  : i32 {
      %swap3A = arith.index_cast %scan3A_297 : i32 to index
      %swap3A_298 = arith.constant 0 : index
      %swap3A_299 = tpu.vector_load %arg11[%swap3A, %swap3A_298] {strides = array<i32>} : memref<125x64xf32, #tpu.memory_space<vmem>>, vector<16xf32>,
      tpu.vector_store %arg11[%swap3A, %swap3A_298], %broadcast_in_dim3A_1 {strides = array<i32>} : memref<125x64xf32, #tpu.memory_space<vmem>>, vector<16xf32>,
      %swap3A_300 = arith.index_cast %scan3A_297 : i32 to index
      %swap3A_301 = arith.constant 16 : index
      %swap3A_302 = tpu.vector_load %arg11[%swap3A_300, %swap3A_301] {strides = array<i32>} : memref<125x64xf32, #tpu.memory_space<vmem>>, vector<16xf32>,
      tpu.vector_store %arg11[%swap3A_300, %swap3A_301], %broadcast_in_dim3A_1 {strides = array<i32>} : memref<125x64xf32, #tpu.memory_space<vmem>>, vector<16xf32>,
      %swap3A_303 = arith.index_cast %scan3A_297 : i32 to index
      %swap3A_304 = arith.constant 32 : index
      %swap3A_305 = tpu.vector_load %arg11[%swap3A_303, %swap3A_304] {strides = array<i32>} : memref<125x64xf32, #tpu.memory_space<vmem>>, vector<16xf32>,
      tpu.vector_store %arg11[%swap3A_303, %swap3A_304], %broadcast_in_dim3A_1 {strides = array<i32>} : memref<125x64xf32, #tpu.memory_space<vmem>>, vector<16xf32>,
      %swap3A_306 = arith.index_cast %scan3A_297 : i32 to index
      %swap3A_307 = arith.constant 48 : index
      %swap3A_308 = tpu.vector_load %arg11[%swap3A_306, %swap3A_307] {strides = array<i32>} : memref<125x64xf32, #tpu.memory_space<vmem>>, vector<16xf32>,
      tpu.vector_store %arg11[%swap3A_306, %swap3A_307], %broadcast_in_dim3A_1 {strides = array<i32>} : memref<125x64xf32, #tpu.memory_space<vmem>>, vector<16xf32>,
    }
    %scan3A_6 = arith.constant 125 : i32
    %mul3A_7 = arith.constant 625 : i32
    %mul3A_8 = arith.muli %arg1, %mul3A_7 : i32
    %add3A_9 = arith.constant 0 : i32
    %add3A_10 = arith.addi %mul3A_8, %add3A_9 : i32
    "tpu.region"() ({
      %run_scoped3A = tpu.sem_alloc : memref<!tpu.dma_semaphore, #tpu.memory_space<semaphore_mem>>
      %dma_start3A = arith.constant 0 : i32
      %dma_start3A_297 = tpu.memref_slice %arg12[%add3A_10, %dma_start3A] : memref<10000x64xf32, #tpu.memory_space<vmem_shared>> -> memref<125x64xf32, #tpu.memory_space<vmem_shared>>
      %dma_start3A_298 = arith.constant 0 : i32
      %dma_start3A_299 = tpu.memref_slice %arg12[%add3A_10, %dma_start3A_298] : memref<10000x64xf32, #tpu.memory_space<vmem_shared>> -> memref<125x64xf32, #tpu.memory_space<vmem_shared>>
      tpu.enqueue_dma source(%arg11 : memref<125x64xf32, #tpu.memory_space<vmem>>) target(%dma_start3A_299 : memref<125x64xf32, #tpu.memory_space<vmem_shared>>) target_semaphore(%run_scoped3A : memref<!tpu.dma_semaphore, #tpu.memory_space<semaphore_mem>>)
      %dma_wait3A = arith.constant 0 : i32
      %dma_wait3A_300 = tpu.memref_slice %arg12[%add3A_10, %dma_wait3A] : memref<10000x64xf32, #tpu.memory_space<vmem_shared>> -> memref<125x64xf32, #tpu.memory_space<vmem_shared>>
      %dma_wait3A_301 = arith.constant 0 : i32
      %dma_wait3A_302 = tpu.memref_slice %arg12[%add3A_10, %dma_wait3A_301] : memref<10000x64xf32, #tpu.memory_space<vmem_shared>> -> memref<125x64xf32, #tpu.memory_space<vmem_shared>>
      tpu.wait_dma2 semaphore(%run_scoped3A : memref<!tpu.dma_semaphore, #tpu.memory_space<semaphore_mem>>) src(%arg11 : memref<125x64xf32, #tpu.memory_space<vmem>>) dst(%dma_wait3A_302 : memref<125x64xf32, #tpu.memory_space<vmem_shared>>)
      tpu.yield
    }) : () -> ()
    %mul3A_11 = arith.constant 625 : i32
    %mul3A_12 = arith.muli %arg1, %mul3A_11 : i32
    %add3A_13 = arith.constant 125 : i32
    %add3A_14 = arith.addi %mul3A_12, %add3A_13 : i32
    "tpu.region"() ({
      %run_scoped3A = tpu.sem_alloc : memref<!tpu.dma_semaphore, #tpu.memory_space<semaphore_mem>>
      %dma_start3A = arith.constant 0 : i32
      %dma_start3A_297 = tpu.memref_slice %arg12[%add3A_14, %dma_start3A] : memref<10000x64xf32, #tpu.memory_space<vmem_shared>> -> memref<125x64xf32, #tpu.memory_space<vmem_shared>>
      %dma_start3A_298 = arith.constant 0 : i32
      %dma_start3A_299 = tpu.memref_slice %arg12[%add3A_14, %dma_start3A_298] : memref<10000x64xf32, #tpu.memory_space<vmem_shared>> -> memref<125x64xf32, #tpu.memory_space<vmem_shared>>
      tpu.enqueue_dma source(%arg11 : memref<125x64xf32, #tpu.memory_space<vmem>>) target(%dma_start3A_299 : memref<125x64xf32, #tpu.memory_space<vmem_shared>>) target_semaphore(%run_scoped3A : memref<!tpu.dma_semaphore, #tpu.memory_space<semaphore_mem>>)
      %dma_wait3A = arith.constant 0 : i32
      %dma_wait3A_300 = tpu.memref_slice %arg12[%add3A_14, %dma_wait3A] : memref<10000x64xf32, #tpu.memory_space<vmem_shared>> -> memref<125x64xf32, #tpu.memory_space<vmem_shared>>
      %dma_wait3A_301 = arith.constant 0 : i32
      %dma_wait3A_302 = tpu.memref_slice %arg12[%add3A_14, %dma_wait3A_301] : memref<10000x64xf32, #tpu.memory_space<vmem_shared>> -> memref<125x64xf32, #tpu.memory_space<vmem_shared>>
      tpu.wait_dma2 semaphore(%run_scoped3A : memref<!tpu.dma_semaphore, #tpu.memory_space<semaphore_mem>>) src(%arg11 : memref<125x64xf32, #tpu.memory_space<vmem>>) dst(%dma_wait3A_302 : memref<125x64xf32, #tpu.memory_space<vmem_shared>>)
      tpu.yield
    }) : () -> ()
    %mul3A_15 = arith.constant 625 : i32
    %mul3A_16 = arith.muli %arg1, %mul3A_15 : i32
    %add3A_17 = arith.constant 250 : i32
    %add3A_18 = arith.addi %mul3A_16, %add3A_17 : i32
    "tpu.region"() ({
      %run_scoped3A = tpu.sem_alloc : memref<!tpu.dma_semaphore, #tpu.memory_space<semaphore_mem>>
      %dma_start3A = arith.constant 0 : i32
      %dma_start3A_297 = tpu.memref_slice %arg12[%add3A_18, %dma_start3A] : memref<10000x64xf32, #tpu.memory_space<vmem_shared>> -> memref<125x64xf32, #tpu.memory_space<vmem_shared>>
      %dma_start3A_298 = arith.constant 0 : i32
      %dma_start3A_299 = tpu.memref_slice %arg12[%add3A_18, %dma_start3A_298] : memref<10000x64xf32, #tpu.memory_space<vmem_shared>> -> memref<125x64xf32, #tpu.memory_space<vmem_shared>>
      tpu.enqueue_dma source(%arg11 : memref<125x64xf32, #tpu.memory_space<vmem>>) target(%dma_start3A_299 : memref<125x64xf32, #tpu.memory_space<vmem_shared>>) target_semaphore(%run_scoped3A : memref<!tpu.dma_semaphore, #tpu.memory_space<semaphore_mem>>)
      %dma_wait3A = arith.constant 0 : i32
      %dma_wait3A_300 = tpu.memref_slice %arg12[%add3A_18, %dma_wait3A] : memref<10000x64xf32, #tpu.memory_space<vmem_shared>> -> memref<125x64xf32, #tpu.memory_space<vmem_shared>>
      %dma_wait3A_301 = arith.constant 0 : i32
      %dma_wait3A_302 = tpu.memref_slice %arg12[%add3A_18, %dma_wait3A_301] : memref<10000x64xf32, #tpu.memory_space<vmem_shared>> -> memref<125x64xf32, #tpu.memory_space<vmem_shared>>
      tpu.wait_dma2 semaphore(%run_scoped3A : memref<!tpu.dma_semaphore, #tpu.memory_space<semaphore_mem>>) src(%arg11 : memref<125x64xf32, #tpu.memory_space<vmem>>) dst(%dma_wait3A_302 : memref<125x64xf32, #tpu.memory_space<vmem_shared>>)
      tpu.yield
    }) : () -> ()
    %mul3A_19 = arith.constant 625 : i32
    %mul3A_20 = arith.muli %arg1, %mul3A_19 : i32
    %add3A_21 = arith.constant 375 : i32
    %add3A_22 = arith.addi %mul3A_20, %add3A_21 : i32
    "tpu.region"() ({
      %run_scoped3A = tpu.sem_alloc : memref<!tpu.dma_semaphore, #tpu.memory_space<semaphore_mem>>
      %dma_start3A = arith.constant 0 : i32
      %dma_start3A_297 = tpu.memref_slice %arg12[%add3A_22, %dma_start3A] : memref<10000x64xf32, #tpu.memory_space<vmem_shared>> -> memref<125x64xf32, #tpu.memory_space<vmem_shared>>
      %dma_start3A_298 = arith.constant 0 : i32
      %dma_start3A_299 = tpu.memref_slice %arg12[%add3A_22, %dma_start3A_298] : memref<10000x64xf32, #tpu.memory_space<vmem_shared>> -> memref<125x64xf32, #tpu.memory_space<vmem_shared>>
      tpu.enqueue_dma source(%arg11 : memref<125x64xf32, #tpu.memory_space<vmem>>) target(%dma_start3A_299 : memref<125x64xf32, #tpu.memory_space<vmem_shared>>) target_semaphore(%run_scoped3A : memref<!tpu.dma_semaphore, #tpu.memory_space<semaphore_mem>>)
      %dma_wait3A = arith.constant 0 : i32
      %dma_wait3A_300 = tpu.memref_slice %arg12[%add3A_22, %dma_wait3A] : memref<10000x64xf32, #tpu.memory_space<vmem_shared>> -> memref<125x64xf32, #tpu.memory_space<vmem_shared>>
      %dma_wait3A_301 = arith.constant 0 : i32
      %dma_wait3A_302 = tpu.memref_slice %arg12[%add3A_22, %dma_wait3A_301] : memref<10000x64xf32, #tpu.memory_space<vmem_shared>> -> memref<125x64xf32, #tpu.memory_space<vmem_shared>>
      tpu.wait_dma2 semaphore(%run_scoped3A : memref<!tpu.dma_semaphore, #tpu.memory_space<semaphore_mem>>) src(%arg11 : memref<125x64xf32, #tpu.memory_space<vmem>>) dst(%dma_wait3A_302 : memref<125x64xf32, #tpu.memory_space<vmem_shared>>)
      tpu.yield
    }) : () -> ()
    %mul3A_23 = arith.constant 625 : i32
    %mul3A_24 = arith.muli %arg1, %mul3A_23 : i32
    %add3A_25 = arith.constant 500 : i32
    %add3A_26 = arith.addi %mul3A_24, %add3A_25 : i32
    "tpu.region"() ({
      %run_scoped3A = tpu.sem_alloc : memref<!tpu.dma_semaphore, #tpu.memory_space<semaphore_mem>>
      %dma_start3A = arith.constant 0 : i32
      %dma_start3A_297 = tpu.memref_slice %arg12[%add3A_26, %dma_start3A] : memref<10000x64xf32, #tpu.memory_space<vmem_shared>> -> memref<125x64xf32, #tpu.memory_space<vmem_shared>>
      %dma_start3A_298 = arith.constant 0 : i32
      %dma_start3A_299 = tpu.memref_slice %arg12[%add3A_26, %dma_start3A_298] : memref<10000x64xf32, #tpu.memory_space<vmem_shared>> -> memref<125x64xf32, #tpu.memory_space<vmem_shared>>
      tpu.enqueue_dma source(%arg11 : memref<125x64xf32, #tpu.memory_space<vmem>>) target(%dma_start3A_299 : memref<125x64xf32, #tpu.memory_space<vmem_shared>>) target_semaphore(%run_scoped3A : memref<!tpu.dma_semaphore, #tpu.memory_space<semaphore_mem>>)
      %dma_wait3A = arith.constant 0 : i32
      %dma_wait3A_300 = tpu.memref_slice %arg12[%add3A_26, %dma_wait3A] : memref<10000x64xf32, #tpu.memory_space<vmem_shared>> -> memref<125x64xf32, #tpu.memory_space<vmem_shared>>
      %dma_wait3A_301 = arith.constant 0 : i32
      %dma_wait3A_302 = tpu.memref_slice %arg12[%add3A_26, %dma_wait3A_301] : memref<10000x64xf32, #tpu.memory_space<vmem_shared>> -> memref<125x64xf32, #tpu.memory_space<vmem_shared>>
      tpu.wait_dma2 semaphore(%run_scoped3A : memref<!tpu.dma_semaphore, #tpu.memory_space<semaphore_mem>>) src(%arg11 : memref<125x64xf32, #tpu.memory_space<vmem>>) dst(%dma_wait3A_302 : memref<125x64xf32, #tpu.memory_space<vmem_shared>>)
      tpu.yield
    }) : () -> ()
    %barrier3A = arith.constant 0 : index
    tpu.barrier barrier_id(%barrier3A)
    %ge3A = arith.constant 0 : i32
    %ge3A_27 = arith.constant 0 : i32
    %ge3A_28 = arith.cmpi sge, %ge3A, %ge3A_27 : i32
    %add3A_29 = arith.constant 0 : i32
    %add3A_30 = arith.addi %add3A, %add3A_29 : i32
    %lt3A = arith.constant 2500 : i32
    %lt3A_31 = arith.cmpi slt, %add3A_30, %lt3A : i32
    %and3A = arith.andi %ge3A_28, %lt3A_31 : i1
    %convert_element_type3A = arith.extui %and3A : i1 to i32
    %cond3A = arith.constant 0 : i32
    %cond3A_32 = arith.cmpi ne, %convert_element_type3A, %cond3A : i32
    scf.if %cond3A_32 {
      %add3A_297 = arith.constant 0 : i32
      %add3A_298 = arith.addi %add3A, %add3A_297 : i32
      %dma_start3A = arith.constant 0 : i32
      %dma_start3A_299 = arith.constant 0 : i32
      %dma_start3A_300 = tpu.memref_slice %arg3[%add3A_298, %dma_start3A, %dma_start3A_299] : memref<2500x2x128xi32, #tpu.memory_space<hbm>> -> memref<1x2x128xi32, #tpu.memory_space<hbm>>
      %dma_start3A_301 = tpu.memref_squeeze %dma_start3A_300 : memref<1x2x128xi32, #tpu.memory_space<hbm>> -> memref<2x128xi32, #tpu.memory_space<hbm>>
      %dma_start3A_302 = arith.constant 0 : i32
      %dma_start3A_303 = arith.constant 0 : i32
      %dma_start3A_304 = tpu.memref_slice %arg3[%add3A_298, %dma_start3A_302, %dma_start3A_303] : memref<2500x2x128xi32, #tpu.memory_space<hbm>> -> memref<1x2x128xi32, #tpu.memory_space<hbm>>
      %dma_start3A_305 = tpu.memref_squeeze %dma_start3A_304 : memref<1x2x128xi32, #tpu.memory_space<hbm>> -> memref<2x128xi32, #tpu.memory_space<hbm>>
      tpu.enqueue_dma source(%dma_start3A_305 : memref<2x128xi32, #tpu.memory_space<hbm>>) target(%arg5 : memref<2x128xi32, #tpu.memory_space<vmem>>) target_semaphore(%arg13 : memref<!tpu.dma_semaphore, #tpu.memory_space<semaphore_mem>>)
    } else {
    }
    %ge3A_33 = arith.constant 1 : i32
    %ge3A_34 = arith.constant 0 : i32
    %ge3A_35 = arith.cmpi sge, %ge3A_33, %ge3A_34 : i32
    %add3A_36 = arith.constant 32 : i32
    %add3A_37 = arith.addi %add3A, %add3A_36 : i32
    %lt3A_38 = arith.constant 2500 : i32
    %lt3A_39 = arith.cmpi slt, %add3A_37, %lt3A_38 : i32
    %and3A_40 = arith.andi %ge3A_35, %lt3A_39 : i1
    %convert_element_type3A_41 = arith.extui %and3A_40 : i1 to i32
    %cond3A_42 = arith.constant 0 : i32
    %cond3A_43 = arith.cmpi ne, %convert_element_type3A_41, %cond3A_42 : i32
    scf.if %cond3A_43 {
      %add3A_297 = arith.constant 32 : i32
      %add3A_298 = arith.addi %add3A, %add3A_297 : i32
      %dma_start3A = arith.constant 0 : i32
      %dma_start3A_299 = arith.constant 0 : i32
      %dma_start3A_300 = tpu.memref_slice %arg3[%add3A_298, %dma_start3A, %dma_start3A_299] : memref<2500x2x128xi32, #tpu.memory_space<hbm>> -> memref<1x2x128xi32, #tpu.memory_space<hbm>>
      %dma_start3A_301 = tpu.memref_squeeze %dma_start3A_300 : memref<1x2x128xi32, #tpu.memory_space<hbm>> -> memref<2x128xi32, #tpu.memory_space<hbm>>
      %dma_start3A_302 = arith.constant 0 : i32
      %dma_start3A_303 = arith.constant 0 : i32
      %dma_start3A_304 = tpu.memref_slice %arg3[%add3A_298, %dma_start3A_302, %dma_start3A_303] : memref<2500x2x128xi32, #tpu.memory_space<hbm>> -> memref<1x2x128xi32, #tpu.memory_space<hbm>>
      %dma_start3A_305 = tpu.memref_squeeze %dma_start3A_304 : memref<1x2x128xi32, #tpu.memory_space<hbm>> -> memref<2x128xi32, #tpu.memory_space<hbm>>
      tpu.enqueue_dma source(%dma_start3A_305 : memref<2x128xi32, #tpu.memory_space<hbm>>) target(%arg6 : memref<2x128xi32, #tpu.memory_space<vmem>>) target_semaphore(%arg14 : memref<!tpu.dma_semaphore, #tpu.memory_space<semaphore_mem>>)
    } else {
    }
    %ge3A_44 = arith.constant 2 : i32
    %ge3A_45 = arith.constant 0 : i32
    %ge3A_46 = arith.cmpi sge, %ge3A_44, %ge3A_45 : i32
    %add3A_47 = arith.constant 64 : i32
    %add3A_48 = arith.addi %add3A, %add3A_47 : i32
    %lt3A_49 = arith.constant 2500 : i32
    %lt3A_50 = arith.cmpi slt, %add3A_48, %lt3A_49 : i32
    %and3A_51 = arith.andi %ge3A_46, %lt3A_50 : i1
    %convert_element_type3A_52 = arith.extui %and3A_51 : i1 to i32
    %cond3A_53 = arith.constant 0 : i32
    %cond3A_54 = arith.cmpi ne, %convert_element_type3A_52, %cond3A_53 : i32
    scf.if %cond3A_54 {
      %add3A_297 = arith.constant 64 : i32
      %add3A_298 = arith.addi %add3A, %add3A_297 : i32
      %dma_start3A = arith.constant 0 : i32
      %dma_start3A_299 = arith.constant 0 : i32
      %dma_start3A_300 = tpu.memref_slice %arg3[%add3A_298, %dma_start3A, %dma_start3A_299] : memref<2500x2x128xi32, #tpu.memory_space<hbm>> -> memref<1x2x128xi32, #tpu.memory_space<hbm>>
      %dma_start3A_301 = tpu.memref_squeeze %dma_start3A_300 : memref<1x2x128xi32, #tpu.memory_space<hbm>> -> memref<2x128xi32, #tpu.memory_space<hbm>>
      %dma_start3A_302 = arith.constant 0 : i32
      %dma_start3A_303 = arith.constant 0 : i32
      %dma_start3A_304 = tpu.memref_slice %arg3[%add3A_298, %dma_start3A_302, %dma_start3A_303] : memref<2500x2x128xi32, #tpu.memory_space<hbm>> -> memref<1x2x128xi32, #tpu.memory_space<hbm>>
      %dma_start3A_305 = tpu.memref_squeeze %dma_start3A_304 : memref<1x2x128xi32, #tpu.memory_space<hbm>> -> memref<2x128xi32, #tpu.memory_space<hbm>>
      tpu.enqueue_dma source(%dma_start3A_305 : memref<2x128xi32, #tpu.memory_space<hbm>>) target(%arg7 : memref<2x128xi32, #tpu.memory_space<vmem>>) target_semaphore(%arg15 : memref<!tpu.dma_semaphore, #tpu.memory_space<semaphore_mem>>)
    } else {
    }
    %ge3A_55 = arith.constant 0 : i32
    %ge3A_56 = arith.constant 0 : i32
    %ge3A_57 = arith.cmpi sge, %ge3A_55, %ge3A_56 : i32
    %add3A_58 = arith.constant 0 : i32
    %add3A_59 = arith.addi %add3A, %add3A_58 : i32
    %lt3A_60 = arith.constant 2500 : i32
    %lt3A_61 = arith.cmpi slt, %add3A_59, %lt3A_60 : i32
    %and3A_62 = arith.andi %ge3A_57, %lt3A_61 : i1
    %convert_element_type3A_63 = arith.extui %and3A_62 : i1 to i32
    %cond3A_64 = arith.constant 0 : i32
    %cond3A_65 = arith.cmpi ne, %convert_element_type3A_63, %cond3A_64 : i32
    scf.if %cond3A_65 {
      %add3A_297 = arith.constant 0 : i32
      %add3A_298 = arith.addi %add3A, %add3A_297 : i32
      %dma_wait3A = arith.constant 0 : i32
      %dma_wait3A_299 = arith.constant 0 : i32
      %dma_wait3A_300 = tpu.memref_slice %arg3[%add3A_298, %dma_wait3A, %dma_wait3A_299] : memref<2500x2x128xi32, #tpu.memory_space<hbm>> -> memref<1x2x128xi32, #tpu.memory_space<hbm>>
      %dma_wait3A_301 = tpu.memref_squeeze %dma_wait3A_300 : memref<1x2x128xi32, #tpu.memory_space<hbm>> -> memref<2x128xi32, #tpu.memory_space<hbm>>
      %dma_wait3A_302 = arith.constant 0 : i32
      %dma_wait3A_303 = arith.constant 0 : i32
      %dma_wait3A_304 = tpu.memref_slice %arg3[%add3A_298, %dma_wait3A_302, %dma_wait3A_303] : memref<2500x2x128xi32, #tpu.memory_space<hbm>> -> memref<1x2x128xi32, #tpu.memory_space<hbm>>
      %dma_wait3A_305 = tpu.memref_squeeze %dma_wait3A_304 : memref<1x2x128xi32, #tpu.memory_space<hbm>> -> memref<2x128xi32, #tpu.memory_space<hbm>>
      tpu.wait_dma2 semaphore(%arg13 : memref<!tpu.dma_semaphore, #tpu.memory_space<semaphore_mem>>) src(%dma_wait3A_305 : memref<2x128xi32, #tpu.memory_space<hbm>>) dst(%arg5 : memref<2x128xi32, #tpu.memory_space<vmem>>)
    } else {
    }
    %ge3A_66 = arith.constant 0 : i32
    %ge3A_67 = arith.constant 0 : i32
    %ge3A_68 = arith.cmpi sge, %ge3A_66, %ge3A_67 : i32
    %add3A_69 = arith.constant 0 : i32
    %add3A_70 = arith.addi %add3A, %add3A_69 : i32
    %lt3A_71 = arith.constant 2500 : i32
    %lt3A_72 = arith.cmpi slt, %add3A_70, %lt3A_71 : i32
    %and3A_73 = arith.andi %ge3A_68, %lt3A_72 : i1
    %convert_element_type3A_74 = arith.extui %and3A_73 : i1 to i32
    %cond3A_75 = arith.constant 0 : i32
    %cond3A_76 = arith.cmpi ne, %convert_element_type3A_74, %cond3A_75 : i32
    scf.if %cond3A_76 {
      %add3A_297 = arith.constant 0 : i32
      %add3A_298 = arith.addi %add3A, %add3A_297 : i32
      %dma_start3A = arith.constant 0 : i32
      %dma_start3A_299 = arith.constant 0 : i32
      %dma_start3A_300 = tpu.memref_slice %arg5[%dma_start3A, %dma_start3A_299] : memref<2x128xi32, #tpu.memory_space<vmem>> -> memref<1x128xi32, #tpu.memory_space<vmem>>
      %dma_start3A_301 = tpu.memref_squeeze %dma_start3A_300 : memref<1x128xi32, #tpu.memory_space<vmem>> -> memref<128xi32, #tpu.memory_space<vmem>>
      %dma_start3A_302 = arith.constant 0 : i32
      %dma_start3A_303 = arith.constant 0 : i32
      %dma_start3A_304 = tpu.memref_slice %arg2[%dma_start3A_302, %dma_start3A_303] : memref<10000x64xf32, #tpu.memory_space<hbm>> -> memref<10000x64xf32, #tpu.memory_space<hbm>>
      tpu.enqueue_indirect_dma source(%dma_start3A_304 : memref<10000x64xf32, #tpu.memory_space<hbm>>) target(%arg9 : memref<128x64xf32, #tpu.memory_space<vmem>>) offsets(%dma_start3A_301 : memref<128xi32, #tpu.memory_space<vmem>>) semaphore(%arg17 : memref<!tpu.dma_semaphore, #tpu.memory_space<semaphore_mem>>)
    } else {
    }
    %scan3A_77 = arith.constant 0 : i32
    %scan3A_78 = arith.constant 0 : i32
    %scan3A_79 = arith.constant 19 : i32
    %scan3A_80 = arith.addi %scan3A_78, %scan3A_79 : i32
    %scan3A_81 = arith.constant 1 : i32
    scf.for %scan3A_297 = %scan3A_78 to %scan3A_80 step %scan3A_81  : i32 {
      %mul3A_298 = arith.constant 4 : i32
      %mul3A_299 = arith.muli %mul3A_298, %scan3A_297 : i32
      %add3A_300 = arith.constant 0 : i32
      %add3A_301 = arith.addi %mul3A_299, %add3A_300 : i32
      %ge3A_302 = arith.constant 0 : i32
      %ge3A_303 = arith.cmpi sge, %add3A_301, %ge3A_302 : i32
      %mul3A_304 = arith.constant 32 : i32
      %mul3A_305 = arith.muli %mul3A_304, %add3A_301 : i32
      %add3A_306 = arith.addi %add3A, %mul3A_305 : i32
      %lt3A_307 = arith.constant 2500 : i32
      %lt3A_308 = arith.cmpi slt, %add3A_306, %lt3A_307 : i32
      %and3A_309 = arith.andi %ge3A_303, %lt3A_308 : i1
      %convert_element_type3A_310 = arith.extui %and3A_309 : i1 to i32
      %cond3A_311 = arith.constant 0 : i32
      %cond3A_312 = arith.cmpi ne, %convert_element_type3A_310, %cond3A_311 : i32
      scf.if %cond3A_312 {
        %mul3A_609 = arith.constant 32 : i32
        %mul3A_610 = arith.muli %mul3A_609, %add3A_301 : i32
        %add3A_611 = arith.addi %add3A, %mul3A_610 : i32
        %dma_wait3A = arith.constant 0 : i32
        %dma_wait3A_612 = arith.constant 0 : i32
        %dma_wait3A_613 = tpu.memref_slice %arg5[%dma_wait3A, %dma_wait3A_612] : memref<2x128xi32, #tpu.memory_space<vmem>> -> memref<1x128xi32, #tpu.memory_space<vmem>>
        %dma_wait3A_614 = tpu.memref_squeeze %dma_wait3A_613 : memref<1x128xi32, #tpu.memory_space<vmem>> -> memref<128xi32, #tpu.memory_space<vmem>>
        %dma_wait3A_615 = arith.constant 0 : i32
        %dma_wait3A_616 = arith.constant 0 : i32
        %dma_wait3A_617 = tpu.memref_slice %arg2[%dma_wait3A_615, %dma_wait3A_616] : memref<10000x64xf32, #tpu.memory_space<hbm>> -> memref<10000x64xf32, #tpu.memory_space<hbm>>
        tpu.wait_indirect_dma semaphore(%arg17 : memref<!tpu.dma_semaphore, #tpu.memory_space<semaphore_mem>>) src(%dma_wait3A_617 : memref<10000x64xf32, #tpu.memory_space<hbm>>) dst(%arg9 : memref<128x64xf32, #tpu.memory_space<vmem>>)
      } else {
      }
      %ge3A_313 = arith.constant 0 : i32
      %ge3A_314 = arith.cmpi sge, %add3A_301, %ge3A_313 : i32
      %mul3A_315 = arith.constant 32 : i32
      %mul3A_316 = arith.muli %mul3A_315, %add3A_301 : i32
      %add3A_317 = arith.addi %add3A, %mul3A_316 : i32
      %lt3A_318 = arith.constant 2500 : i32
      %lt3A_319 = arith.cmpi slt, %add3A_317, %lt3A_318 : i32
      %and3A_320 = arith.andi %ge3A_314, %lt3A_319 : i1
      %convert_element_type3A_321 = arith.extui %and3A_320 : i1 to i32
      %cond3A_322 = arith.constant 0 : i32
      %cond3A_323 = arith.cmpi ne, %convert_element_type3A_321, %cond3A_322 : i32
      scf.if %cond3A_323 {
        %mul3A_609 = arith.constant 32 : i32
        %mul3A_610 = arith.muli %mul3A_609, %add3A_301 : i32
        %add3A_611 = arith.addi %add3A, %mul3A_610 : i32
        %dma_start3A = arith.constant 1 : i32
        %dma_start3A_612 = arith.constant 0 : i32
        %dma_start3A_613 = tpu.memref_slice %arg5[%dma_start3A, %dma_start3A_612] : memref<2x128xi32, #tpu.memory_space<vmem>> -> memref<1x128xi32, #tpu.memory_space<vmem>>
        %dma_start3A_614 = tpu.memref_squeeze %dma_start3A_613 : memref<1x128xi32, #tpu.memory_space<vmem>> -> memref<128xi32, #tpu.memory_space<vmem>>
        %dma_start3A_615 = arith.constant 0 : i32
        %dma_start3A_616 = arith.constant 0 : i32
        %dma_start3A_617 = tpu.memref_slice %arg12[%dma_start3A_615, %dma_start3A_616] : memref<10000x64xf32, #tpu.memory_space<vmem_shared>> -> memref<10000x64xf32, #tpu.memory_space<vmem_shared>>
        tpu.enqueue_indirect_dma source(%arg9 : memref<128x64xf32, #tpu.memory_space<vmem>>) target(%dma_start3A_617 : memref<10000x64xf32, #tpu.memory_space<vmem_shared>>) offsets(%dma_start3A_614 : memref<128xi32, #tpu.memory_space<vmem>>) semaphore(%arg19 : memref<!tpu.dma_semaphore, #tpu.memory_space<semaphore_mem>>) {add = true}
      } else {
      }
      %add3A_324 = arith.constant 1 : i32
      %add3A_325 = arith.addi %add3A_301, %add3A_324 : i32
      %ge3A_326 = arith.constant 0 : i32
      %ge3A_327 = arith.cmpi sge, %add3A_325, %ge3A_326 : i32
      %mul3A_328 = arith.constant 32 : i32
      %mul3A_329 = arith.muli %mul3A_328, %add3A_325 : i32
      %add3A_330 = arith.addi %add3A, %mul3A_329 : i32
      %lt3A_331 = arith.constant 2500 : i32
      %lt3A_332 = arith.cmpi slt, %add3A_330, %lt3A_331 : i32
      %and3A_333 = arith.andi %ge3A_327, %lt3A_332 : i1
      %convert_element_type3A_334 = arith.extui %and3A_333 : i1 to i32
      %cond3A_335 = arith.constant 0 : i32
      %cond3A_336 = arith.cmpi ne, %convert_element_type3A_334, %cond3A_335 : i32
      scf.if %cond3A_336 {
        %mul3A_609 = arith.constant 32 : i32
        %mul3A_610 = arith.muli %mul3A_609, %add3A_325 : i32
        %add3A_611 = arith.addi %add3A, %mul3A_610 : i32
        %dma_wait3A = arith.constant 0 : i32
        %dma_wait3A_612 = arith.constant 0 : i32
        %dma_wait3A_613 = tpu.memref_slice %arg3[%add3A_611, %dma_wait3A, %dma_wait3A_612] : memref<2500x2x128xi32, #tpu.memory_space<hbm>> -> memref<1x2x128xi32, #tpu.memory_space<hbm>>
        %dma_wait3A_614 = tpu.memref_squeeze %dma_wait3A_613 : memref<1x2x128xi32, #tpu.memory_space<hbm>> -> memref<2x128xi32, #tpu.memory_space<hbm>>
        %dma_wait3A_615 = arith.constant 0 : i32
        %dma_wait3A_616 = arith.constant 0 : i32
        %dma_wait3A_617 = tpu.memref_slice %arg3[%add3A_611, %dma_wait3A_615, %dma_wait3A_616] : memref<2500x2x128xi32, #tpu.memory_space<hbm>> -> memref<1x2x128xi32, #tpu.memory_space<hbm>>
        %dma_wait3A_618 = tpu.memref_squeeze %dma_wait3A_617 : memref<1x2x128xi32, #tpu.memory_space<hbm>> -> memref<2x128xi32, #tpu.memory_space<hbm>>
        tpu.wait_dma2 semaphore(%arg14 : memref<!tpu.dma_semaphore, #tpu.memory_space<semaphore_mem>>) src(%dma_wait3A_618 : memref<2x128xi32, #tpu.memory_space<hbm>>) dst(%arg6 : memref<2x128xi32, #tpu.memory_space<vmem>>)
      } else {
      }
      %sub3A = arith.constant 1 : i32
      %sub3A_337 = arith.subi %add3A_301, %sub3A : i32
      %ge3A_338 = arith.constant 0 : i32
      %ge3A_339 = arith.cmpi sge, %sub3A_337, %ge3A_338 : i32
      %mul3A_340 = arith.constant 32 : i32
      %mul3A_341 = arith.muli %mul3A_340, %sub3A_337 : i32
      %add3A_342 = arith.addi %add3A, %mul3A_341 : i32
      %lt3A_343 = arith.constant 2500 : i32
      %lt3A_344 = arith.cmpi slt, %add3A_342, %lt3A_343 : i32
      %and3A_345 = arith.andi %ge3A_339, %lt3A_344 : i1
      %convert_element_type3A_346 = arith.extui %and3A_345 : i1 to i32
      %cond3A_347 = arith.constant 0 : i32
      %cond3A_348 = arith.cmpi ne, %convert_element_type3A_346, %cond3A_347 : i32
      scf.if %cond3A_348 {
        %mul3A_609 = arith.constant 32 : i32
        %mul3A_610 = arith.muli %mul3A_609, %sub3A_337 : i32
        %add3A_611 = arith.addi %add3A, %mul3A_610 : i32
        %dma_wait3A = arith.constant 1 : i32
        %dma_wait3A_612 = arith.constant 0 : i32
        %dma_wait3A_613 = tpu.memref_slice %arg8[%dma_wait3A, %dma_wait3A_612] : memref<2x128xi32, #tpu.memory_space<vmem>> -> memref<1x128xi32, #tpu.memory_space<vmem>>
        %dma_wait3A_614 = tpu.memref_squeeze %dma_wait3A_613 : memref<1x128xi32, #tpu.memory_space<vmem>> -> memref<128xi32, #tpu.memory_space<vmem>>
        %dma_wait3A_615 = arith.constant 0 : i32
        %dma_wait3A_616 = arith.constant 0 : i32
        %dma_wait3A_617 = tpu.memref_slice %arg12[%dma_wait3A_615, %dma_wait3A_616] : memref<10000x64xf32, #tpu.memory_space<vmem_shared>> -> memref<10000x64xf32, #tpu.memory_space<vmem_shared>>
        tpu.wait_indirect_dma semaphore(%arg20 : memref<!tpu.dma_semaphore, #tpu.memory_space<semaphore_mem>>) src(%arg10 : memref<128x64xf32, #tpu.memory_space<vmem>>) dst(%dma_wait3A_617 : memref<10000x64xf32, #tpu.memory_space<vmem_shared>>)
      } else {
      }
      %add3A_349 = arith.constant 1 : i32
      %add3A_350 = arith.addi %add3A_301, %add3A_349 : i32
      %ge3A_351 = arith.constant 0 : i32
      %ge3A_352 = arith.cmpi sge, %add3A_350, %ge3A_351 : i32
      %mul3A_353 = arith.constant 32 : i32
      %mul3A_354 = arith.muli %mul3A_353, %add3A_350 : i32
      %add3A_355 = arith.addi %add3A, %mul3A_354 : i32
      %lt3A_356 = arith.constant 2500 : i32
      %lt3A_357 = arith.cmpi slt, %add3A_355, %lt3A_356 : i32
      %and3A_358 = arith.andi %ge3A_352, %lt3A_357 : i1
      %convert_element_type3A_359 = arith.extui %and3A_358 : i1 to i32
      %cond3A_360 = arith.constant 0 : i32
      %cond3A_361 = arith.cmpi ne, %convert_element_type3A_359, %cond3A_360 : i32
      scf.if %cond3A_361 {
        %mul3A_609 = arith.constant 32 : i32
        %mul3A_610 = arith.muli %mul3A_609, %add3A_350 : i32
        %add3A_611 = arith.addi %add3A, %mul3A_610 : i32
        %dma_start3A = arith.constant 0 : i32
        %dma_start3A_612 = arith.constant 0 : i32
        %dma_start3A_613 = tpu.memref_slice %arg6[%dma_start3A, %dma_start3A_612] : memref<2x128xi32, #tpu.memory_space<vmem>> -> memref<1x128xi32, #tpu.memory_space<vmem>>
        %dma_start3A_614 = tpu.memref_squeeze %dma_start3A_613 : memref<1x128xi32, #tpu.memory_space<vmem>> -> memref<128xi32, #tpu.memory_space<vmem>>
        %dma_start3A_615 = arith.constant 0 : i32
        %dma_start3A_616 = arith.constant 0 : i32
        %dma_start3A_617 = tpu.memref_slice %arg2[%dma_start3A_615, %dma_start3A_616] : memref<10000x64xf32, #tpu.memory_space<hbm>> -> memref<10000x64xf32, #tpu.memory_space<hbm>>
        tpu.enqueue_indirect_dma source(%dma_start3A_617 : memref<10000x64xf32, #tpu.memory_space<hbm>>) target(%arg10 : memref<128x64xf32, #tpu.memory_space<vmem>>) offsets(%dma_start3A_614 : memref<128xi32, #tpu.memory_space<vmem>>) semaphore(%arg18 : memref<!tpu.dma_semaphore, #tpu.memory_space<semaphore_mem>>)
      } else {
      }
      %add3A_362 = arith.constant 3 : i32
      %add3A_363 = arith.addi %add3A_301, %add3A_362 : i32
      %ge3A_364 = arith.constant 0 : i32
      %ge3A_365 = arith.cmpi sge, %add3A_363, %ge3A_364 : i32
      %mul3A_366 = arith.constant 32 : i32
      %mul3A_367 = arith.muli %mul3A_366, %add3A_363 : i32
      %add3A_368 = arith.addi %add3A, %mul3A_367 : i32
      %lt3A_369 = arith.constant 2500 : i32
      %lt3A_370 = arith.cmpi slt, %add3A_368, %lt3A_369 : i32
      %and3A_371 = arith.andi %ge3A_365, %lt3A_370 : i1
      %convert_element_type3A_372 = arith.extui %and3A_371 : i1 to i32
      %cond3A_373 = arith.constant 0 : i32
      %cond3A_374 = arith.cmpi ne, %convert_element_type3A_372, %cond3A_373 : i32
      scf.if %cond3A_374 {
        %mul3A_609 = arith.constant 32 : i32
        %mul3A_610 = arith.muli %mul3A_609, %add3A_363 : i32
        %add3A_611 = arith.addi %add3A, %mul3A_610 : i32
        %dma_start3A = arith.constant 0 : i32
        %dma_start3A_612 = arith.constant 0 : i32
        %dma_start3A_613 = tpu.memref_slice %arg3[%add3A_611, %dma_start3A, %dma_start3A_612] : memref<2500x2x128xi32, #tpu.memory_space<hbm>> -> memref<1x2x128xi32, #tpu.memory_space<hbm>>
        %dma_start3A_614 = tpu.memref_squeeze %dma_start3A_613 : memref<1x2x128xi32, #tpu.memory_space<hbm>> -> memref<2x128xi32, #tpu.memory_space<hbm>>
        %dma_start3A_615 = arith.constant 0 : i32
        %dma_start3A_616 = arith.constant 0 : i32
        %dma_start3A_617 = tpu.memref_slice %arg3[%add3A_611, %dma_start3A_615, %dma_start3A_616] : memref<2500x2x128xi32, #tpu.memory_space<hbm>> -> memref<1x2x128xi32, #tpu.memory_space<hbm>>
        %dma_start3A_618 = tpu.memref_squeeze %dma_start3A_617 : memref<1x2x128xi32, #tpu.memory_space<hbm>> -> memref<2x128xi32, #tpu.memory_space<hbm>>
        tpu.enqueue_dma source(%dma_start3A_618 : memref<2x128xi32, #tpu.memory_space<hbm>>) target(%arg8 : memref<2x128xi32, #tpu.memory_space<vmem>>) target_semaphore(%arg16 : memref<!tpu.dma_semaphore, #tpu.memory_space<semaphore_mem>>)
      } else {
      }
      %mul3A_375 = arith.constant 4 : i32
      %mul3A_376 = arith.muli %mul3A_375, %scan3A_297 : i32
      %add3A_377 = arith.constant 1 : i32
      %add3A_378 = arith.addi %mul3A_376, %add3A_377 : i32
      %ge3A_379 = arith.constant 0 : i32
      %ge3A_380 = arith.cmpi sge, %add3A_378, %ge3A_379 : i32
      %mul3A_381 = arith.constant 32 : i32
      %mul3A_382 = arith.muli %mul3A_381, %add3A_378 : i32
      %add3A_383 = arith.addi %add3A, %mul3A_382 : i32
      %lt3A_384 = arith.constant 2500 : i32
      %lt3A_385 = arith.cmpi slt, %add3A_383, %lt3A_384 : i32
      %and3A_386 = arith.andi %ge3A_380, %lt3A_385 : i1
      %convert_element_type3A_387 = arith.extui %and3A_386 : i1 to i32
      %cond3A_388 = arith.constant 0 : i32
      %cond3A_389 = arith.cmpi ne, %convert_element_type3A_387, %cond3A_388 : i32
      scf.if %cond3A_389 {
        %mul3A_609 = arith.constant 32 : i32
        %mul3A_610 = arith.muli %mul3A_609, %add3A_378 : i32
        %add3A_611 = arith.addi %add3A, %mul3A_610 : i32
        %dma_wait3A = arith.constant 0 : i32
        %dma_wait3A_612 = arith.constant 0 : i32
        %dma_wait3A_613 = tpu.memref_slice %arg6[%dma_wait3A, %dma_wait3A_612] : memref<2x128xi32, #tpu.memory_space<vmem>> -> memref<1x128xi32, #tpu.memory_space<vmem>>
        %dma_wait3A_614 = tpu.memref_squeeze %dma_wait3A_613 : memref<1x128xi32, #tpu.memory_space<vmem>> -> memref<128xi32, #tpu.memory_space<vmem>>
        %dma_wait3A_615 = arith.constant 0 : i32
        %dma_wait3A_616 = arith.constant 0 : i32
        %dma_wait3A_617 = tpu.memref_slice %arg2[%dma_wait3A_615, %dma_wait3A_616] : memref<10000x64xf32, #tpu.memory_space<hbm>> -> memref<10000x64xf32, #tpu.memory_space<hbm>>
        tpu.wait_indirect_dma semaphore(%arg18 : memref<!tpu.dma_semaphore, #tpu.memory_space<semaphore_mem>>) src(%dma_wait3A_617 : memref<10000x64xf32, #tpu.memory_space<hbm>>) dst(%arg10 : memref<128x64xf32, #tpu.memory_space<vmem>>)
      } else {
      }
      %ge3A_390 = arith.constant 0 : i32
      %ge3A_391 = arith.cmpi sge, %add3A_378, %ge3A_390 : i32
      %mul3A_392 = arith.constant 32 : i32
      %mul3A_393 = arith.muli %mul3A_392, %add3A_378 : i32
      %add3A_394 = arith.addi %add3A, %mul3A_393 : i32
      %lt3A_395 = arith.constant 2500 : i32
      %lt3A_396 = arith.cmpi slt, %add3A_394, %lt3A_395 : i32
      %and3A_397 = arith.andi %ge3A_391, %lt3A_396 : i1
      %convert_element_type3A_398 = arith.extui %and3A_397 : i1 to i32
      %cond3A_399 = arith.constant 0 : i32
      %cond3A_400 = arith.cmpi ne, %convert_element_type3A_398, %cond3A_399 : i32
      scf.if %cond3A_400 {
        %mul3A_609 = arith.constant 32 : i32
        %mul3A_610 = arith.muli %mul3A_609, %add3A_378 : i32
        %add3A_611 = arith.addi %add3A, %mul3A_610 : i32
        %dma_start3A = arith.constant 1 : i32
        %dma_start3A_612 = arith.constant 0 : i32
        %dma_start3A_613 = tpu.memref_slice %arg6[%dma_start3A, %dma_start3A_612] : memref<2x128xi32, #tpu.memory_space<vmem>> -> memref<1x128xi32, #tpu.memory_space<vmem>>
        %dma_start3A_614 = tpu.memref_squeeze %dma_start3A_613 : memref<1x128xi32, #tpu.memory_space<vmem>> -> memref<128xi32, #tpu.memory_space<vmem>>
        %dma_start3A_615 = arith.constant 0 : i32
        %dma_start3A_616 = arith.constant 0 : i32
        %dma_start3A_617 = tpu.memref_slice %arg12[%dma_start3A_615, %dma_start3A_616] : memref<10000x64xf32, #tpu.memory_space<vmem_shared>> -> memref<10000x64xf32, #tpu.memory_space<vmem_shared>>
        tpu.enqueue_indirect_dma source(%arg10 : memref<128x64xf32, #tpu.memory_space<vmem>>) target(%dma_start3A_617 : memref<10000x64xf32, #tpu.memory_space<vmem_shared>>) offsets(%dma_start3A_614 : memref<128xi32, #tpu.memory_space<vmem>>) semaphore(%arg20 : memref<!tpu.dma_semaphore, #tpu.memory_space<semaphore_mem>>) {add = true}
      } else {
      }
      %add3A_401 = arith.constant 1 : i32
      %add3A_402 = arith.addi %add3A_378, %add3A_401 : i32
      %ge3A_403 = arith.constant 0 : i32
      %ge3A_404 = arith.cmpi sge, %add3A_402, %ge3A_403 : i32
      %mul3A_405 = arith.constant 32 : i32
      %mul3A_406 = arith.muli %mul3A_405, %add3A_402 : i32
      %add3A_407 = arith.addi %add3A, %mul3A_406 : i32
      %lt3A_408 = arith.constant 2500 : i32
      %lt3A_409 = arith.cmpi slt, %add3A_407, %lt3A_408 : i32
      %and3A_410 = arith.andi %ge3A_404, %lt3A_409 : i1
      %convert_element_type3A_411 = arith.extui %and3A_410 : i1 to i32
      %cond3A_412 = arith.constant 0 : i32
      %cond3A_413 = arith.cmpi ne, %convert_element_type3A_411, %cond3A_412 : i32
      scf.if %cond3A_413 {
        %mul3A_609 = arith.constant 32 : i32
        %mul3A_610 = arith.muli %mul3A_609, %add3A_402 : i32
        %add3A_611 = arith.addi %add3A, %mul3A_610 : i32
        %dma_wait3A = arith.constant 0 : i32
        %dma_wait3A_612 = arith.constant 0 : i32
        %dma_wait3A_613 = tpu.memref_slice %arg3[%add3A_611, %dma_wait3A, %dma_wait3A_612] : memref<2500x2x128xi32, #tpu.memory_space<hbm>> -> memref<1x2x128xi32, #tpu.memory_space<hbm>>
        %dma_wait3A_614 = tpu.memref_squeeze %dma_wait3A_613 : memref<1x2x128xi32, #tpu.memory_space<hbm>> -> memref<2x128xi32, #tpu.memory_space<hbm>>
        %dma_wait3A_615 = arith.constant 0 : i32
        %dma_wait3A_616 = arith.constant 0 : i32
        %dma_wait3A_617 = tpu.memref_slice %arg3[%add3A_611, %dma_wait3A_615, %dma_wait3A_616] : memref<2500x2x128xi32, #tpu.memory_space<hbm>> -> memref<1x2x128xi32, #tpu.memory_space<hbm>>
        %dma_wait3A_618 = tpu.memref_squeeze %dma_wait3A_617 : memref<1x2x128xi32, #tpu.memory_space<hbm>> -> memref<2x128xi32, #tpu.memory_space<hbm>>
        tpu.wait_dma2 semaphore(%arg15 : memref<!tpu.dma_semaphore, #tpu.memory_space<semaphore_mem>>) src(%dma_wait3A_618 : memref<2x128xi32, #tpu.memory_space<hbm>>) dst(%arg7 : memref<2x128xi32, #tpu.memory_space<vmem>>)
      } else {
      }
      %sub3A_414 = arith.constant 1 : i32
      %sub3A_415 = arith.subi %add3A_378, %sub3A_414 : i32
      %ge3A_416 = arith.constant 0 : i32
      %ge3A_417 = arith.cmpi sge, %sub3A_415, %ge3A_416 : i32
      %mul3A_418 = arith.constant 32 : i32
      %mul3A_419 = arith.muli %mul3A_418, %sub3A_415 : i32
      %add3A_420 = arith.addi %add3A, %mul3A_419 : i32
      %lt3A_421 = arith.constant 2500 : i32
      %lt3A_422 = arith.cmpi slt, %add3A_420, %lt3A_421 : i32
      %and3A_423 = arith.andi %ge3A_417, %lt3A_422 : i1
      %convert_element_type3A_424 = arith.extui %and3A_423 : i1 to i32
      %cond3A_425 = arith.constant 0 : i32
      %cond3A_426 = arith.cmpi ne, %convert_element_type3A_424, %cond3A_425 : i32
      scf.if %cond3A_426 {
        %mul3A_609 = arith.constant 32 : i32
        %mul3A_610 = arith.muli %mul3A_609, %sub3A_415 : i32
        %add3A_611 = arith.addi %add3A, %mul3A_610 : i32
        %dma_wait3A = arith.constant 1 : i32
        %dma_wait3A_612 = arith.constant 0 : i32
        %dma_wait3A_613 = tpu.memref_slice %arg5[%dma_wait3A, %dma_wait3A_612] : memref<2x128xi32, #tpu.memory_space<vmem>> -> memref<1x128xi32, #tpu.memory_space<vmem>>
        %dma_wait3A_614 = tpu.memref_squeeze %dma_wait3A_613 : memref<1x128xi32, #tpu.memory_space<vmem>> -> memref<128xi32, #tpu.memory_space<vmem>>
        %dma_wait3A_615 = arith.constant 0 : i32
        %dma_wait3A_616 = arith.constant 0 : i32
        %dma_wait3A_617 = tpu.memref_slice %arg12[%dma_wait3A_615, %dma_wait3A_616] : memref<10000x64xf32, #tpu.memory_space<vmem_shared>> -> memref<10000x64xf32, #tpu.memory_space<vmem_shared>>
        tpu.wait_indirect_dma semaphore(%arg19 : memref<!tpu.dma_semaphore, #tpu.memory_space<semaphore_mem>>) src(%arg9 : memref<128x64xf32, #tpu.memory_space<vmem>>) dst(%dma_wait3A_617 : memref<10000x64xf32, #tpu.memory_space<vmem_shared>>)
      } else {
      }
      %add3A_427 = arith.constant 1 : i32
      %add3A_428 = arith.addi %add3A_378, %add3A_427 : i32
      %ge3A_429 = arith.constant 0 : i32
      %ge3A_430 = arith.cmpi sge, %add3A_428, %ge3A_429 : i32
      %mul3A_431 = arith.constant 32 : i32
      %mul3A_432 = arith.muli %mul3A_431, %add3A_428 : i32
      %add3A_433 = arith.addi %add3A, %mul3A_432 : i32
      %lt3A_434 = arith.constant 2500 : i32
      %lt3A_435 = arith.cmpi slt, %add3A_433, %lt3A_434 : i32
      %and3A_436 = arith.andi %ge3A_430, %lt3A_435 : i1
      %convert_element_type3A_437 = arith.extui %and3A_436 : i1 to i32
      %cond3A_438 = arith.constant 0 : i32
      %cond3A_439 = arith.cmpi ne, %convert_element_type3A_437, %cond3A_438 : i32
      scf.if %cond3A_439 {
        %mul3A_609 = arith.constant 32 : i32
        %mul3A_610 = arith.muli %mul3A_609, %add3A_428 : i32
        %add3A_611 = arith.addi %add3A, %mul3A_610 : i32
        %dma_start3A = arith.constant 0 : i32
        %dma_start3A_612 = arith.constant 0 : i32
        %dma_start3A_613 = tpu.memref_slice %arg7[%dma_start3A, %dma_start3A_612] : memref<2x128xi32, #tpu.memory_space<vmem>> -> memref<1x128xi32, #tpu.memory_space<vmem>>
        %dma_start3A_614 = tpu.memref_squeeze %dma_start3A_613 : memref<1x128xi32, #tpu.memory_space<vmem>> -> memref<128xi32, #tpu.memory_space<vmem>>
        %dma_start3A_615 = arith.constant 0 : i32
        %dma_start3A_616 = arith.constant 0 : i32
        %dma_start3A_617 = tpu.memref_slice %arg2[%dma_start3A_615, %dma_start3A_616] : memref<10000x64xf32, #tpu.memory_space<hbm>> -> memref<10000x64xf32, #tpu.memory_space<hbm>>
        tpu.enqueue_indirect_dma source(%dma_start3A_617 : memref<10000x64xf32, #tpu.memory_space<hbm>>) target(%arg9 : memref<128x64xf32, #tpu.memory_space<vmem>>) offsets(%dma_start3A_614 : memref<128xi32, #tpu.memory_space<vmem>>) semaphore(%arg17 : memref<!tpu.dma_semaphore, #tpu.memory_space<semaphore_mem>>)
      } else {
      }
      %add3A_440 = arith.constant 3 : i32
      %add3A_441 = arith.addi %add3A_378, %add3A_440 : i32
      %ge3A_442 = arith.constant 0 : i32
      %ge3A_443 = arith.cmpi sge, %add3A_441, %ge3A_442 : i32
      %mul3A_444 = arith.constant 32 : i32
      %mul3A_445 = arith.muli %mul3A_444, %add3A_441 : i32
      %add3A_446 = arith.addi %add3A, %mul3A_445 : i32
      %lt3A_447 = arith.constant 2500 : i32
      %lt3A_448 = arith.cmpi slt, %add3A_446, %lt3A_447 : i32
      %and3A_449 = arith.andi %ge3A_443, %lt3A_448 : i1
      %convert_element_type3A_450 = arith.extui %and3A_449 : i1 to i32
      %cond3A_451 = arith.constant 0 : i32
      %cond3A_452 = arith.cmpi ne, %convert_element_type3A_450, %cond3A_451 : i32
      scf.if %cond3A_452 {
        %mul3A_609 = arith.constant 32 : i32
        %mul3A_610 = arith.muli %mul3A_609, %add3A_441 : i32
        %add3A_611 = arith.addi %add3A, %mul3A_610 : i32
        %dma_start3A = arith.constant 0 : i32
        %dma_start3A_612 = arith.constant 0 : i32
        %dma_start3A_613 = tpu.memref_slice %arg3[%add3A_611, %dma_start3A, %dma_start3A_612] : memref<2500x2x128xi32, #tpu.memory_space<hbm>> -> memref<1x2x128xi32, #tpu.memory_space<hbm>>
        %dma_start3A_614 = tpu.memref_squeeze %dma_start3A_613 : memref<1x2x128xi32, #tpu.memory_space<hbm>> -> memref<2x128xi32, #tpu.memory_space<hbm>>
        %dma_start3A_615 = arith.constant 0 : i32
        %dma_start3A_616 = arith.constant 0 : i32
        %dma_start3A_617 = tpu.memref_slice %arg3[%add3A_611, %dma_start3A_615, %dma_start3A_616] : memref<2500x2x128xi32, #tpu.memory_space<hbm>> -> memref<1x2x128xi32, #tpu.memory_space<hbm>>
        %dma_start3A_618 = tpu.memref_squeeze %dma_start3A_617 : memref<1x2x128xi32, #tpu.memory_space<hbm>> -> memref<2x128xi32, #tpu.memory_space<hbm>>
        tpu.enqueue_dma source(%dma_start3A_618 : memref<2x128xi32, #tpu.memory_space<hbm>>) target(%arg5 : memref<2x128xi32, #tpu.memory_space<vmem>>) target_semaphore(%arg13 : memref<!tpu.dma_semaphore, #tpu.memory_space<semaphore_mem>>)
      } else {
      }
      %mul3A_453 = arith.constant 4 : i32
      %mul3A_454 = arith.muli %mul3A_453, %scan3A_297 : i32
      %add3A_455 = arith.constant 2 : i32
      %add3A_456 = arith.addi %mul3A_454, %add3A_455 : i32
      %ge3A_457 = arith.constant 0 : i32
      %ge3A_458 = arith.cmpi sge, %add3A_456, %ge3A_457 : i32
      %mul3A_459 = arith.constant 32 : i32
      %mul3A_460 = arith.muli %mul3A_459, %add3A_456 : i32
      %add3A_461 = arith.addi %add3A, %mul3A_460 : i32
      %lt3A_462 = arith.constant 2500 : i32
      %lt3A_463 = arith.cmpi slt, %add3A_461, %lt3A_462 : i32
      %and3A_464 = arith.andi %ge3A_458, %lt3A_463 : i1
      %convert_element_type3A_465 = arith.extui %and3A_464 : i1 to i32
      %cond3A_466 = arith.constant 0 : i32
      %cond3A_467 = arith.cmpi ne, %convert_element_type3A_465, %cond3A_466 : i32
      scf.if %cond3A_467 {
        %mul3A_609 = arith.constant 32 : i32
        %mul3A_610 = arith.muli %mul3A_609, %add3A_456 : i32
        %add3A_611 = arith.addi %add3A, %mul3A_610 : i32
        %dma_wait3A = arith.constant 0 : i32
        %dma_wait3A_612 = arith.constant 0 : i32
        %dma_wait3A_613 = tpu.memref_slice %arg7[%dma_wait3A, %dma_wait3A_612] : memref<2x128xi32, #tpu.memory_space<vmem>> -> memref<1x128xi32, #tpu.memory_space<vmem>>
        %dma_wait3A_614 = tpu.memref_squeeze %dma_wait3A_613 : memref<1x128xi32, #tpu.memory_space<vmem>> -> memref<128xi32, #tpu.memory_space<vmem>>
        %dma_wait3A_615 = arith.constant 0 : i32
        %dma_wait3A_616 = arith.constant 0 : i32
        %dma_wait3A_617 = tpu.memref_slice %arg2[%dma_wait3A_615, %dma_wait3A_616] : memref<10000x64xf32, #tpu.memory_space<hbm>> -> memref<10000x64xf32, #tpu.memory_space<hbm>>
        tpu.wait_indirect_dma semaphore(%arg17 : memref<!tpu.dma_semaphore, #tpu.memory_space<semaphore_mem>>) src(%dma_wait3A_617 : memref<10000x64xf32, #tpu.memory_space<hbm>>) dst(%arg9 : memref<128x64xf32, #tpu.memory_space<vmem>>)
      } else {
      }
      %ge3A_468 = arith.constant 0 : i32
      %ge3A_469 = arith.cmpi sge, %add3A_456, %ge3A_468 : i32
      %mul3A_470 = arith.constant 32 : i32
      %mul3A_471 = arith.muli %mul3A_470, %add3A_456 : i32
      %add3A_472 = arith.addi %add3A, %mul3A_471 : i32
      %lt3A_473 = arith.constant 2500 : i32
      %lt3A_474 = arith.cmpi slt, %add3A_472, %lt3A_473 : i32
      %and3A_475 = arith.andi %ge3A_469, %lt3A_474 : i1
      %convert_element_type3A_476 = arith.extui %and3A_475 : i1 to i32
      %cond3A_477 = arith.constant 0 : i32
      %cond3A_478 = arith.cmpi ne, %convert_element_type3A_476, %cond3A_477 : i32
      scf.if %cond3A_478 {
        %mul3A_609 = arith.constant 32 : i32
        %mul3A_610 = arith.muli %mul3A_609, %add3A_456 : i32
        %add3A_611 = arith.addi %add3A, %mul3A_610 : i32
        %dma_start3A = arith.constant 1 : i32
        %dma_start3A_612 = arith.constant 0 : i32
        %dma_start3A_613 = tpu.memref_slice %arg7[%dma_start3A, %dma_start3A_612] : memref<2x128xi32, #tpu.memory_space<vmem>> -> memref<1x128xi32, #tpu.memory_space<vmem>>
        %dma_start3A_614 = tpu.memref_squeeze %dma_start3A_613 : memref<1x128xi32, #tpu.memory_space<vmem>> -> memref<128xi32, #tpu.memory_space<vmem>>
        %dma_start3A_615 = arith.constant 0 : i32
        %dma_start3A_616 = arith.constant 0 : i32
        %dma_start3A_617 = tpu.memref_slice %arg12[%dma_start3A_615, %dma_start3A_616] : memref<10000x64xf32, #tpu.memory_space<vmem_shared>> -> memref<10000x64xf32, #tpu.memory_space<vmem_shared>>
        tpu.enqueue_indirect_dma source(%arg9 : memref<128x64xf32, #tpu.memory_space<vmem>>) target(%dma_start3A_617 : memref<10000x64xf32, #tpu.memory_space<vmem_shared>>) offsets(%dma_start3A_614 : memref<128xi32, #tpu.memory_space<vmem>>) semaphore(%arg19 : memref<!tpu.dma_semaphore, #tpu.memory_space<semaphore_mem>>) {add = true}
      } else {
      }
      %add3A_479 = arith.constant 1 : i32
      %add3A_480 = arith.addi %add3A_456, %add3A_479 : i32
      %ge3A_481 = arith.constant 0 : i32
      %ge3A_482 = arith.cmpi sge, %add3A_480, %ge3A_481 : i32
      %mul3A_483 = arith.constant 32 : i32
      %mul3A_484 = arith.muli %mul3A_483, %add3A_480 : i32
      %add3A_485 = arith.addi %add3A, %mul3A_484 : i32
      %lt3A_486 = arith.constant 2500 : i32
      %lt3A_487 = arith.cmpi slt, %add3A_485, %lt3A_486 : i32
      %and3A_488 = arith.andi %ge3A_482, %lt3A_487 : i1
      %convert_element_type3A_489 = arith.extui %and3A_488 : i1 to i32
      %cond3A_490 = arith.constant 0 : i32
      %cond3A_491 = arith.cmpi ne, %convert_element_type3A_489, %cond3A_490 : i32
      scf.if %cond3A_491 {
        %mul3A_609 = arith.constant 32 : i32
        %mul3A_610 = arith.muli %mul3A_609, %add3A_480 : i32
        %add3A_611 = arith.addi %add3A, %mul3A_610 : i32
        %dma_wait3A = arith.constant 0 : i32
        %dma_wait3A_612 = arith.constant 0 : i32
        %dma_wait3A_613 = tpu.memref_slice %arg3[%add3A_611, %dma_wait3A, %dma_wait3A_612] : memref<2500x2x128xi32, #tpu.memory_space<hbm>> -> memref<1x2x128xi32, #tpu.memory_space<hbm>>
        %dma_wait3A_614 = tpu.memref_squeeze %dma_wait3A_613 : memref<1x2x128xi32, #tpu.memory_space<hbm>> -> memref<2x128xi32, #tpu.memory_space<hbm>>
        %dma_wait3A_615 = arith.constant 0 : i32
        %dma_wait3A_616 = arith.constant 0 : i32
        %dma_wait3A_617 = tpu.memref_slice %arg3[%add3A_611, %dma_wait3A_615, %dma_wait3A_616] : memref<2500x2x128xi32, #tpu.memory_space<hbm>> -> memref<1x2x128xi32, #tpu.memory_space<hbm>>
        %dma_wait3A_618 = tpu.memref_squeeze %dma_wait3A_617 : memref<1x2x128xi32, #tpu.memory_space<hbm>> -> memref<2x128xi32, #tpu.memory_space<hbm>>
        tpu.wait_dma2 semaphore(%arg16 : memref<!tpu.dma_semaphore, #tpu.memory_space<semaphore_mem>>) src(%dma_wait3A_618 : memref<2x128xi32, #tpu.memory_space<hbm>>) dst(%arg8 : memref<2x128xi32, #tpu.memory_space<vmem>>)
      } else {
      }
      %sub3A_492 = arith.constant 1 : i32
      %sub3A_493 = arith.subi %add3A_456, %sub3A_492 : i32
      %ge3A_494 = arith.constant 0 : i32
      %ge3A_495 = arith.cmpi sge, %sub3A_493, %ge3A_494 : i32
      %mul3A_496 = arith.constant 32 : i32
      %mul3A_497 = arith.muli %mul3A_496, %sub3A_493 : i32
      %add3A_498 = arith.addi %add3A, %mul3A_497 : i32
      %lt3A_499 = arith.constant 2500 : i32
      %lt3A_500 = arith.cmpi slt, %add3A_498, %lt3A_499 : i32
      %and3A_501 = arith.andi %ge3A_495, %lt3A_500 : i1
      %convert_element_type3A_502 = arith.extui %and3A_501 : i1 to i32
      %cond3A_503 = arith.constant 0 : i32
      %cond3A_504 = arith.cmpi ne, %convert_element_type3A_502, %cond3A_503 : i32
      scf.if %cond3A_504 {
        %mul3A_609 = arith.constant 32 : i32
        %mul3A_610 = arith.muli %mul3A_609, %sub3A_493 : i32
        %add3A_611 = arith.addi %add3A, %mul3A_610 : i32
        %dma_wait3A = arith.constant 1 : i32
        %dma_wait3A_612 = arith.constant 0 : i32
        %dma_wait3A_613 = tpu.memref_slice %arg6[%dma_wait3A, %dma_wait3A_612] : memref<2x128xi32, #tpu.memory_space<vmem>> -> memref<1x128xi32, #tpu.memory_space<vmem>>
        %dma_wait3A_614 = tpu.memref_squeeze %dma_wait3A_613 : memref<1x128xi32, #tpu.memory_space<vmem>> -> memref<128xi32, #tpu.memory_space<vmem>>
        %dma_wait3A_615 = arith.constant 0 : i32
        %dma_wait3A_616 = arith.constant 0 : i32
        %dma_wait3A_617 = tpu.memref_slice %arg12[%dma_wait3A_615, %dma_wait3A_616] : memref<10000x64xf32, #tpu.memory_space<vmem_shared>> -> memref<10000x64xf32, #tpu.memory_space<vmem_shared>>
        tpu.wait_indirect_dma semaphore(%arg20 : memref<!tpu.dma_semaphore, #tpu.memory_space<semaphore_mem>>) src(%arg10 : memref<128x64xf32, #tpu.memory_space<vmem>>) dst(%dma_wait3A_617 : memref<10000x64xf32, #tpu.memory_space<vmem_shared>>)
      } else {
      }
      %add3A_505 = arith.constant 1 : i32
      %add3A_506 = arith.addi %add3A_456, %add3A_505 : i32
      %ge3A_507 = arith.constant 0 : i32
      %ge3A_508 = arith.cmpi sge, %add3A_506, %ge3A_507 : i32
      %mul3A_509 = arith.constant 32 : i32
      %mul3A_510 = arith.muli %mul3A_509, %add3A_506 : i32
      %add3A_511 = arith.addi %add3A, %mul3A_510 : i32
      %lt3A_512 = arith.constant 2500 : i32
      %lt3A_513 = arith.cmpi slt, %add3A_511, %lt3A_512 : i32
      %and3A_514 = arith.andi %ge3A_508, %lt3A_513 : i1
      %convert_element_type3A_515 = arith.extui %and3A_514 : i1 to i32
      %cond3A_516 = arith.constant 0 : i32
      %cond3A_517 = arith.cmpi ne, %convert_element_type3A_515, %cond3A_516 : i32
      scf.if %cond3A_517 {
        %mul3A_609 = arith.constant 32 : i32
        %mul3A_610 = arith.muli %mul3A_609, %add3A_506 : i32
        %add3A_611 = arith.addi %add3A, %mul3A_610 : i32
        %dma_start3A = arith.constant 0 : i32
        %dma_start3A_612 = arith.constant 0 : i32
        %dma_start3A_613 = tpu.memref_slice %arg8[%dma_start3A, %dma_start3A_612] : memref<2x128xi32, #tpu.memory_space<vmem>> -> memref<1x128xi32, #tpu.memory_space<vmem>>
        %dma_start3A_614 = tpu.memref_squeeze %dma_start3A_613 : memref<1x128xi32, #tpu.memory_space<vmem>> -> memref<128xi32, #tpu.memory_space<vmem>>
        %dma_start3A_615 = arith.constant 0 : i32
        %dma_start3A_616 = arith.constant 0 : i32
        %dma_start3A_617 = tpu.memref_slice %arg2[%dma_start3A_615, %dma_start3A_616] : memref<10000x64xf32, #tpu.memory_space<hbm>> -> memref<10000x64xf32, #tpu.memory_space<hbm>>
        tpu.enqueue_indirect_dma source(%dma_start3A_617 : memref<10000x64xf32, #tpu.memory_space<hbm>>) target(%arg10 : memref<128x64xf32, #tpu.memory_space<vmem>>) offsets(%dma_start3A_614 : memref<128xi32, #tpu.memory_space<vmem>>) semaphore(%arg18 : memref<!tpu.dma_semaphore, #tpu.memory_space<semaphore_mem>>)
      } else {
      }
      %add3A_518 = arith.constant 3 : i32
      %add3A_519 = arith.addi %add3A_456, %add3A_518 : i32
      %ge3A_520 = arith.constant 0 : i32
      %ge3A_521 = arith.cmpi sge, %add3A_519, %ge3A_520 : i32
      %mul3A_522 = arith.constant 32 : i32
      %mul3A_523 = arith.muli %mul3A_522, %add3A_519 : i32
      %add3A_524 = arith.addi %add3A, %mul3A_523 : i32
      %lt3A_525 = arith.constant 2500 : i32
      %lt3A_526 = arith.cmpi slt, %add3A_524, %lt3A_525 : i32
      %and3A_527 = arith.andi %ge3A_521, %lt3A_526 : i1
      %convert_element_type3A_528 = arith.extui %and3A_527 : i1 to i32
      %cond3A_529 = arith.constant 0 : i32
      %cond3A_530 = arith.cmpi ne, %convert_element_type3A_528, %cond3A_529 : i32
      scf.if %cond3A_530 {
        %mul3A_609 = arith.constant 32 : i32
        %mul3A_610 = arith.muli %mul3A_609, %add3A_519 : i32
        %add3A_611 = arith.addi %add3A, %mul3A_610 : i32
        %dma_start3A = arith.constant 0 : i32
        %dma_start3A_612 = arith.constant 0 : i32
        %dma_start3A_613 = tpu.memref_slice %arg3[%add3A_611, %dma_start3A, %dma_start3A_612] : memref<2500x2x128xi32, #tpu.memory_space<hbm>> -> memref<1x2x128xi32, #tpu.memory_space<hbm>>
        %dma_start3A_614 = tpu.memref_squeeze %dma_start3A_613 : memref<1x2x128xi32, #tpu.memory_space<hbm>> -> memref<2x128xi32, #tpu.memory_space<hbm>>
        %dma_start3A_615 = arith.constant 0 : i32
        %dma_start3A_616 = arith.constant 0 : i32
        %dma_start3A_617 = tpu.memref_slice %arg3[%add3A_611, %dma_start3A_615, %dma_start3A_616] : memref<2500x2x128xi32, #tpu.memory_space<hbm>> -> memref<1x2x128xi32, #tpu.memory_space<hbm>>
        %dma_start3A_618 = tpu.memref_squeeze %dma_start3A_617 : memref<1x2x128xi32, #tpu.memory_space<hbm>> -> memref<2x128xi32, #tpu.memory_space<hbm>>
        tpu.enqueue_dma source(%dma_start3A_618 : memref<2x128xi32, #tpu.memory_space<hbm>>) target(%arg6 : memref<2x128xi32, #tpu.memory_space<vmem>>) target_semaphore(%arg14 : memref<!tpu.dma_semaphore, #tpu.memory_space<semaphore_mem>>)
      } else {
      }
      %mul3A_531 = arith.constant 4 : i32
      %mul3A_532 = arith.muli %mul3A_531, %scan3A_297 : i32
      %add3A_533 = arith.constant 3 : i32
      %add3A_534 = arith.addi %mul3A_532, %add3A_533 : i32
      %ge3A_535 = arith.constant 0 : i32
      %ge3A_536 = arith.cmpi sge, %add3A_534, %ge3A_535 : i32
      %mul3A_537 = arith.constant 32 : i32
      %mul3A_538 = arith.muli %mul3A_537, %add3A_534 : i32
      %add3A_539 = arith.addi %add3A, %mul3A_538 : i32
      %lt3A_540 = arith.constant 2500 : i32
      %lt3A_541 = arith.cmpi slt, %add3A_539, %lt3A_540 : i32
      %and3A_542 = arith.andi %ge3A_536, %lt3A_541 : i1
      %convert_element_type3A_543 = arith.extui %and3A_542 : i1 to i32
      %cond3A_544 = arith.constant 0 : i32
      %cond3A_545 = arith.cmpi ne, %convert_element_type3A_543, %cond3A_544 : i32
      scf.if %cond3A_545 {
        %mul3A_609 = arith.constant 32 : i32
        %mul3A_610 = arith.muli %mul3A_609, %add3A_534 : i32
        %add3A_611 = arith.addi %add3A, %mul3A_610 : i32
        %dma_wait3A = arith.constant 0 : i32
        %dma_wait3A_612 = arith.constant 0 : i32
        %dma_wait3A_613 = tpu.memref_slice %arg8[%dma_wait3A, %dma_wait3A_612] : memref<2x128xi32, #tpu.memory_space<vmem>> -> memref<1x128xi32, #tpu.memory_space<vmem>>
        %dma_wait3A_614 = tpu.memref_squeeze %dma_wait3A_613 : memref<1x128xi32, #tpu.memory_space<vmem>> -> memref<128xi32, #tpu.memory_space<vmem>>
        %dma_wait3A_615 = arith.constant 0 : i32
        %dma_wait3A_616 = arith.constant 0 : i32
        %dma_wait3A_617 = tpu.memref_slice %arg2[%dma_wait3A_615, %dma_wait3A_616] : memref<10000x64xf32, #tpu.memory_space<hbm>> -> memref<10000x64xf32, #tpu.memory_space<hbm>>
        tpu.wait_indirect_dma semaphore(%arg18 : memref<!tpu.dma_semaphore, #tpu.memory_space<semaphore_mem>>) src(%dma_wait3A_617 : memref<10000x64xf32, #tpu.memory_space<hbm>>) dst(%arg10 : memref<128x64xf32, #tpu.memory_space<vmem>>)
      } else {
      }
      %ge3A_546 = arith.constant 0 : i32
      %ge3A_547 = arith.cmpi sge, %add3A_534, %ge3A_546 : i32
      %mul3A_548 = arith.constant 32 : i32
      %mul3A_549 = arith.muli %mul3A_548, %add3A_534 : i32
      %add3A_550 = arith.addi %add3A, %mul3A_549 : i32
      %lt3A_551 = arith.constant 2500 : i32
      %lt3A_552 = arith.cmpi slt, %add3A_550, %lt3A_551 : i32
      %and3A_553 = arith.andi %ge3A_547, %lt3A_552 : i1
      %convert_element_type3A_554 = arith.extui %and3A_553 : i1 to i32
      %cond3A_555 = arith.constant 0 : i32
      %cond3A_556 = arith.cmpi ne, %convert_element_type3A_554, %cond3A_555 : i32
      scf.if %cond3A_556 {
        %mul3A_609 = arith.constant 32 : i32
        %mul3A_610 = arith.muli %mul3A_609, %add3A_534 : i32
        %add3A_611 = arith.addi %add3A, %mul3A_610 : i32
        %dma_start3A = arith.constant 1 : i32
        %dma_start3A_612 = arith.constant 0 : i32
        %dma_start3A_613 = tpu.memref_slice %arg8[%dma_start3A, %dma_start3A_612] : memref<2x128xi32, #tpu.memory_space<vmem>> -> memref<1x128xi32, #tpu.memory_space<vmem>>
        %dma_start3A_614 = tpu.memref_squeeze %dma_start3A_613 : memref<1x128xi32, #tpu.memory_space<vmem>> -> memref<128xi32, #tpu.memory_space<vmem>>
        %dma_start3A_615 = arith.constant 0 : i32
        %dma_start3A_616 = arith.constant 0 : i32
        %dma_start3A_617 = tpu.memref_slice %arg12[%dma_start3A_615, %dma_start3A_616] : memref<10000x64xf32, #tpu.memory_space<vmem_shared>> -> memref<10000x64xf32, #tpu.memory_space<vmem_shared>>
        tpu.enqueue_indirect_dma source(%arg10 : memref<128x64xf32, #tpu.memory_space<vmem>>) target(%dma_start3A_617 : memref<10000x64xf32, #tpu.memory_space<vmem_shared>>) offsets(%dma_start3A_614 : memref<128xi32, #tpu.memory_space<vmem>>) semaphore(%arg20 : memref<!tpu.dma_semaphore, #tpu.memory_space<semaphore_mem>>) {add = true}
      } else {
      }
      %add3A_557 = arith.constant 1 : i32
      %add3A_558 = arith.addi %add3A_534, %add3A_557 : i32
      %ge3A_559 = arith.constant 0 : i32
      %ge3A_560 = arith.cmpi sge, %add3A_558, %ge3A_559 : i32
      %mul3A_561 = arith.constant 32 : i32
      %mul3A_562 = arith.muli %mul3A_561, %add3A_558 : i32
      %add3A_563 = arith.addi %add3A, %mul3A_562 : i32
      %lt3A_564 = arith.constant 2500 : i32
      %lt3A_565 = arith.cmpi slt, %add3A_563, %lt3A_564 : i32
      %and3A_566 = arith.andi %ge3A_560, %lt3A_565 : i1
      %convert_element_type3A_567 = arith.extui %and3A_566 : i1 to i32
      %cond3A_568 = arith.constant 0 : i32
      %cond3A_569 = arith.cmpi ne, %convert_element_type3A_567, %cond3A_568 : i32
      scf.if %cond3A_569 {
        %mul3A_609 = arith.constant 32 : i32
        %mul3A_610 = arith.muli %mul3A_609, %add3A_558 : i32
        %add3A_611 = arith.addi %add3A, %mul3A_610 : i32
        %dma_wait3A = arith.constant 0 : i32
        %dma_wait3A_612 = arith.constant 0 : i32
        %dma_wait3A_613 = tpu.memref_slice %arg3[%add3A_611, %dma_wait3A, %dma_wait3A_612] : memref<2500x2x128xi32, #tpu.memory_space<hbm>> -> memref<1x2x128xi32, #tpu.memory_space<hbm>>
        %dma_wait3A_614 = tpu.memref_squeeze %dma_wait3A_613 : memref<1x2x128xi32, #tpu.memory_space<hbm>> -> memref<2x128xi32, #tpu.memory_space<hbm>>
        %dma_wait3A_615 = arith.constant 0 : i32
        %dma_wait3A_616 = arith.constant 0 : i32
        %dma_wait3A_617 = tpu.memref_slice %arg3[%add3A_611, %dma_wait3A_615, %dma_wait3A_616] : memref<2500x2x128xi32, #tpu.memory_space<hbm>> -> memref<1x2x128xi32, #tpu.memory_space<hbm>>
        %dma_wait3A_618 = tpu.memref_squeeze %dma_wait3A_617 : memref<1x2x128xi32, #tpu.memory_space<hbm>> -> memref<2x128xi32, #tpu.memory_space<hbm>>
        tpu.wait_dma2 semaphore(%arg13 : memref<!tpu.dma_semaphore, #tpu.memory_space<semaphore_mem>>) src(%dma_wait3A_618 : memref<2x128xi32, #tpu.memory_space<hbm>>) dst(%arg5 : memref<2x128xi32, #tpu.memory_space<vmem>>)
      } else {
      }
      %sub3A_570 = arith.constant 1 : i32
      %sub3A_571 = arith.subi %add3A_534, %sub3A_570 : i32
      %ge3A_572 = arith.constant 0 : i32
      %ge3A_573 = arith.cmpi sge, %sub3A_571, %ge3A_572 : i32
      %mul3A_574 = arith.constant 32 : i32
      %mul3A_575 = arith.muli %mul3A_574, %sub3A_571 : i32
      %add3A_576 = arith.addi %add3A, %mul3A_575 : i32
      %lt3A_577 = arith.constant 2500 : i32
      %lt3A_578 = arith.cmpi slt, %add3A_576, %lt3A_577 : i32
      %and3A_579 = arith.andi %ge3A_573, %lt3A_578 : i1
      %convert_element_type3A_580 = arith.extui %and3A_579 : i1 to i32
      %cond3A_581 = arith.constant 0 : i32
      %cond3A_582 = arith.cmpi ne, %convert_element_type3A_580, %cond3A_581 : i32
      scf.if %cond3A_582 {
        %mul3A_609 = arith.constant 32 : i32
        %mul3A_610 = arith.muli %mul3A_609, %sub3A_571 : i32
        %add3A_611 = arith.addi %add3A, %mul3A_610 : i32
        %dma_wait3A = arith.constant 1 : i32
        %dma_wait3A_612 = arith.constant 0 : i32
        %dma_wait3A_613 = tpu.memref_slice %arg7[%dma_wait3A, %dma_wait3A_612] : memref<2x128xi32, #tpu.memory_space<vmem>> -> memref<1x128xi32, #tpu.memory_space<vmem>>
        %dma_wait3A_614 = tpu.memref_squeeze %dma_wait3A_613 : memref<1x128xi32, #tpu.memory_space<vmem>> -> memref<128xi32, #tpu.memory_space<vmem>>
        %dma_wait3A_615 = arith.constant 0 : i32
        %dma_wait3A_616 = arith.constant 0 : i32
        %dma_wait3A_617 = tpu.memref_slice %arg12[%dma_wait3A_615, %dma_wait3A_616] : memref<10000x64xf32, #tpu.memory_space<vmem_shared>> -> memref<10000x64xf32, #tpu.memory_space<vmem_shared>>
        tpu.wait_indirect_dma semaphore(%arg19 : memref<!tpu.dma_semaphore, #tpu.memory_space<semaphore_mem>>) src(%arg9 : memref<128x64xf32, #tpu.memory_space<vmem>>) dst(%dma_wait3A_617 : memref<10000x64xf32, #tpu.memory_space<vmem_shared>>)
      } else {
      }
      %add3A_583 = arith.constant 1 : i32
      %add3A_584 = arith.addi %add3A_534, %add3A_583 : i32
      %ge3A_585 = arith.constant 0 : i32
      %ge3A_586 = arith.cmpi sge, %add3A_584, %ge3A_585 : i32
      %mul3A_587 = arith.constant 32 : i32
      %mul3A_588 = arith.muli %mul3A_587, %add3A_584 : i32
      %add3A_589 = arith.addi %add3A, %mul3A_588 : i32
      %lt3A_590 = arith.constant 2500 : i32
      %lt3A_591 = arith.cmpi slt, %add3A_589, %lt3A_590 : i32
      %and3A_592 = arith.andi %ge3A_586, %lt3A_591 : i1
      %convert_element_type3A_593 = arith.extui %and3A_592 : i1 to i32
      %cond3A_594 = arith.constant 0 : i32
      %cond3A_595 = arith.cmpi ne, %convert_element_type3A_593, %cond3A_594 : i32
      scf.if %cond3A_595 {
        %mul3A_609 = arith.constant 32 : i32
        %mul3A_610 = arith.muli %mul3A_609, %add3A_584 : i32
        %add3A_611 = arith.addi %add3A, %mul3A_610 : i32
        %dma_start3A = arith.constant 0 : i32
        %dma_start3A_612 = arith.constant 0 : i32
        %dma_start3A_613 = tpu.memref_slice %arg5[%dma_start3A, %dma_start3A_612] : memref<2x128xi32, #tpu.memory_space<vmem>> -> memref<1x128xi32, #tpu.memory_space<vmem>>
        %dma_start3A_614 = tpu.memref_squeeze %dma_start3A_613 : memref<1x128xi32, #tpu.memory_space<vmem>> -> memref<128xi32, #tpu.memory_space<vmem>>
        %dma_start3A_615 = arith.constant 0 : i32
        %dma_start3A_616 = arith.constant 0 : i32
        %dma_start3A_617 = tpu.memref_slice %arg2[%dma_start3A_615, %dma_start3A_616] : memref<10000x64xf32, #tpu.memory_space<hbm>> -> memref<10000x64xf32, #tpu.memory_space<hbm>>
        tpu.enqueue_indirect_dma source(%dma_start3A_617 : memref<10000x64xf32, #tpu.memory_space<hbm>>) target(%arg9 : memref<128x64xf32, #tpu.memory_space<vmem>>) offsets(%dma_start3A_614 : memref<128xi32, #tpu.memory_space<vmem>>) semaphore(%arg17 : memref<!tpu.dma_semaphore, #tpu.memory_space<semaphore_mem>>)
      } else {
      }
      %add3A_596 = arith.constant 3 : i32
      %add3A_597 = arith.addi %add3A_534, %add3A_596 : i32
      %ge3A_598 = arith.constant 0 : i32
      %ge3A_599 = arith.cmpi sge, %add3A_597, %ge3A_598 : i32
      %mul3A_600 = arith.constant 32 : i32
      %mul3A_601 = arith.muli %mul3A_600, %add3A_597 : i32
      %add3A_602 = arith.addi %add3A, %mul3A_601 : i32
      %lt3A_603 = arith.constant 2500 : i32
      %lt3A_604 = arith.cmpi slt, %add3A_602, %lt3A_603 : i32
      %and3A_605 = arith.andi %ge3A_599, %lt3A_604 : i1
      %convert_element_type3A_606 = arith.extui %and3A_605 : i1 to i32
      %cond3A_607 = arith.constant 0 : i32
      %cond3A_608 = arith.cmpi ne, %convert_element_type3A_606, %cond3A_607 : i32
      scf.if %cond3A_608 {
        %mul3A_609 = arith.constant 32 : i32
        %mul3A_610 = arith.muli %mul3A_609, %add3A_597 : i32
        %add3A_611 = arith.addi %add3A, %mul3A_610 : i32
        %dma_start3A = arith.constant 0 : i32
        %dma_start3A_612 = arith.constant 0 : i32
        %dma_start3A_613 = tpu.memref_slice %arg3[%add3A_611, %dma_start3A, %dma_start3A_612] : memref<2500x2x128xi32, #tpu.memory_space<hbm>> -> memref<1x2x128xi32, #tpu.memory_space<hbm>>
        %dma_start3A_614 = tpu.memref_squeeze %dma_start3A_613 : memref<1x2x128xi32, #tpu.memory_space<hbm>> -> memref<2x128xi32, #tpu.memory_space<hbm>>
        %dma_start3A_615 = arith.constant 0 : i32
        %dma_start3A_616 = arith.constant 0 : i32
        %dma_start3A_617 = tpu.memref_slice %arg3[%add3A_611, %dma_start3A_615, %dma_start3A_616] : memref<2500x2x128xi32, #tpu.memory_space<hbm>> -> memref<1x2x128xi32, #tpu.memory_space<hbm>>
        %dma_start3A_618 = tpu.memref_squeeze %dma_start3A_617 : memref<1x2x128xi32, #tpu.memory_space<hbm>> -> memref<2x128xi32, #tpu.memory_space<hbm>>
        tpu.enqueue_dma source(%dma_start3A_618 : memref<2x128xi32, #tpu.memory_space<hbm>>) target(%arg7 : memref<2x128xi32, #tpu.memory_space<vmem>>) target_semaphore(%arg15 : memref<!tpu.dma_semaphore, #tpu.memory_space<semaphore_mem>>)
      } else {
      }
    }
    %scan3A_82 = arith.constant 19 : i32
    %ge3A_83 = arith.constant 76 : i32
    %ge3A_84 = arith.constant 0 : i32
    %ge3A_85 = arith.cmpi sge, %ge3A_83, %ge3A_84 : i32
    %add3A_86 = arith.constant 2432 : i32
    %add3A_87 = arith.addi %add3A, %add3A_86 : i32
    %lt3A_88 = arith.constant 2500 : i32
    %lt3A_89 = arith.cmpi slt, %add3A_87, %lt3A_88 : i32
    %and3A_90 = arith.andi %ge3A_85, %lt3A_89 : i1
    %convert_element_type3A_91 = arith.extui %and3A_90 : i1 to i32
    %cond3A_92 = arith.constant 0 : i32
    %cond3A_93 = arith.cmpi ne, %convert_element_type3A_91, %cond3A_92 : i32
    scf.if %cond3A_93 {
      %add3A_297 = arith.constant 2432 : i32
      %add3A_298 = arith.addi %add3A, %add3A_297 : i32
      %dma_wait3A = arith.constant 0 : i32
      %dma_wait3A_299 = arith.constant 0 : i32
      %dma_wait3A_300 = tpu.memref_slice %arg5[%dma_wait3A, %dma_wait3A_299] : memref<2x128xi32, #tpu.memory_space<vmem>> -> memref<1x128xi32, #tpu.memory_space<vmem>>
      %dma_wait3A_301 = tpu.memref_squeeze %dma_wait3A_300 : memref<1x128xi32, #tpu.memory_space<vmem>> -> memref<128xi32, #tpu.memory_space<vmem>>
      %dma_wait3A_302 = arith.constant 0 : i32
      %dma_wait3A_303 = arith.constant 0 : i32
      %dma_wait3A_304 = tpu.memref_slice %arg2[%dma_wait3A_302, %dma_wait3A_303] : memref<10000x64xf32, #tpu.memory_space<hbm>> -> memref<10000x64xf32, #tpu.memory_space<hbm>>
      tpu.wait_indirect_dma semaphore(%arg17 : memref<!tpu.dma_semaphore, #tpu.memory_space<semaphore_mem>>) src(%dma_wait3A_304 : memref<10000x64xf32, #tpu.memory_space<hbm>>) dst(%arg9 : memref<128x64xf32, #tpu.memory_space<vmem>>)
    } else {
    }
    %ge3A_94 = arith.constant 76 : i32
    %ge3A_95 = arith.constant 0 : i32
    %ge3A_96 = arith.cmpi sge, %ge3A_94, %ge3A_95 : i32
    %add3A_97 = arith.constant 2432 : i32
    %add3A_98 = arith.addi %add3A, %add3A_97 : i32
    %lt3A_99 = arith.constant 2500 : i32
    %lt3A_100 = arith.cmpi slt, %add3A_98, %lt3A_99 : i32
    %and3A_101 = arith.andi %ge3A_96, %lt3A_100 : i1
    %convert_element_type3A_102 = arith.extui %and3A_101 : i1 to i32
    %cond3A_103 = arith.constant 0 : i32
    %cond3A_104 = arith.cmpi ne, %convert_element_type3A_102, %cond3A_103 : i32
    scf.if %cond3A_104 {
      %add3A_297 = arith.constant 2432 : i32
      %add3A_298 = arith.addi %add3A, %add3A_297 : i32
      %dma_start3A = arith.constant 1 : i32
      %dma_start3A_299 = arith.constant 0 : i32
      %dma_start3A_300 = tpu.memref_slice %arg5[%dma_start3A, %dma_start3A_299] : memref<2x128xi32, #tpu.memory_space<vmem>> -> memref<1x128xi32, #tpu.memory_space<vmem>>
      %dma_start3A_301 = tpu.memref_squeeze %dma_start3A_300 : memref<1x128xi32, #tpu.memory_space<vmem>> -> memref<128xi32, #tpu.memory_space<vmem>>
      %dma_start3A_302 = arith.constant 0 : i32
      %dma_start3A_303 = arith.constant 0 : i32
      %dma_start3A_304 = tpu.memref_slice %arg12[%dma_start3A_302, %dma_start3A_303] : memref<10000x64xf32, #tpu.memory_space<vmem_shared>> -> memref<10000x64xf32, #tpu.memory_space<vmem_shared>>
      tpu.enqueue_indirect_dma source(%arg9 : memref<128x64xf32, #tpu.memory_space<vmem>>) target(%dma_start3A_304 : memref<10000x64xf32, #tpu.memory_space<vmem_shared>>) offsets(%dma_start3A_301 : memref<128xi32, #tpu.memory_space<vmem>>) semaphore(%arg19 : memref<!tpu.dma_semaphore, #tpu.memory_space<semaphore_mem>>) {add = true}
    } else {
    }
    %ge3A_105 = arith.constant 77 : i32
    %ge3A_106 = arith.constant 0 : i32
    %ge3A_107 = arith.cmpi sge, %ge3A_105, %ge3A_106 : i32
    %add3A_108 = arith.constant 2464 : i32
    %add3A_109 = arith.addi %add3A, %add3A_108 : i32
    %lt3A_110 = arith.constant 2500 : i32
    %lt3A_111 = arith.cmpi slt, %add3A_109, %lt3A_110 : i32
    %and3A_112 = arith.andi %ge3A_107, %lt3A_111 : i1
    %convert_element_type3A_113 = arith.extui %and3A_112 : i1 to i32
    %cond3A_114 = arith.constant 0 : i32
    %cond3A_115 = arith.cmpi ne, %convert_element_type3A_113, %cond3A_114 : i32
    scf.if %cond3A_115 {
      %add3A_297 = arith.constant 2464 : i32
      %add3A_298 = arith.addi %add3A, %add3A_297 : i32
      %dma_wait3A = arith.constant 0 : i32
      %dma_wait3A_299 = arith.constant 0 : i32
      %dma_wait3A_300 = tpu.memref_slice %arg3[%add3A_298, %dma_wait3A, %dma_wait3A_299] : memref<2500x2x128xi32, #tpu.memory_space<hbm>> -> memref<1x2x128xi32, #tpu.memory_space<hbm>>
      %dma_wait3A_301 = tpu.memref_squeeze %dma_wait3A_300 : memref<1x2x128xi32, #tpu.memory_space<hbm>> -> memref<2x128xi32, #tpu.memory_space<hbm>>
      %dma_wait3A_302 = arith.constant 0 : i32
      %dma_wait3A_303 = arith.constant 0 : i32
      %dma_wait3A_304 = tpu.memref_slice %arg3[%add3A_298, %dma_wait3A_302, %dma_wait3A_303] : memref<2500x2x128xi32, #tpu.memory_space<hbm>> -> memref<1x2x128xi32, #tpu.memory_space<hbm>>
      %dma_wait3A_305 = tpu.memref_squeeze %dma_wait3A_304 : memref<1x2x128xi32, #tpu.memory_space<hbm>> -> memref<2x128xi32, #tpu.memory_space<hbm>>
      tpu.wait_dma2 semaphore(%arg14 : memref<!tpu.dma_semaphore, #tpu.memory_space<semaphore_mem>>) src(%dma_wait3A_305 : memref<2x128xi32, #tpu.memory_space<hbm>>) dst(%arg6 : memref<2x128xi32, #tpu.memory_space<vmem>>)
    } else {
    }
    %ge3A_116 = arith.constant 75 : i32
    %ge3A_117 = arith.constant 0 : i32
    %ge3A_118 = arith.cmpi sge, %ge3A_116, %ge3A_117 : i32
    %add3A_119 = arith.constant 2400 : i32
    %add3A_120 = arith.addi %add3A, %add3A_119 : i32
    %lt3A_121 = arith.constant 2500 : i32
    %lt3A_122 = arith.cmpi slt, %add3A_120, %lt3A_121 : i32
    %and3A_123 = arith.andi %ge3A_118, %lt3A_122 : i1
    %convert_element_type3A_124 = arith.extui %and3A_123 : i1 to i32
    %cond3A_125 = arith.constant 0 : i32
    %cond3A_126 = arith.cmpi ne, %convert_element_type3A_124, %cond3A_125 : i32
    scf.if %cond3A_126 {
      %add3A_297 = arith.constant 2400 : i32
      %add3A_298 = arith.addi %add3A, %add3A_297 : i32
      %dma_wait3A = arith.constant 1 : i32
      %dma_wait3A_299 = arith.constant 0 : i32
      %dma_wait3A_300 = tpu.memref_slice %arg8[%dma_wait3A, %dma_wait3A_299] : memref<2x128xi32, #tpu.memory_space<vmem>> -> memref<1x128xi32, #tpu.memory_space<vmem>>
      %dma_wait3A_301 = tpu.memref_squeeze %dma_wait3A_300 : memref<1x128xi32, #tpu.memory_space<vmem>> -> memref<128xi32, #tpu.memory_space<vmem>>
      %dma_wait3A_302 = arith.constant 0 : i32
      %dma_wait3A_303 = arith.constant 0 : i32
      %dma_wait3A_304 = tpu.memref_slice %arg12[%dma_wait3A_302, %dma_wait3A_303] : memref<10000x64xf32, #tpu.memory_space<vmem_shared>> -> memref<10000x64xf32, #tpu.memory_space<vmem_shared>>
      tpu.wait_indirect_dma semaphore(%arg20 : memref<!tpu.dma_semaphore, #tpu.memory_space<semaphore_mem>>) src(%arg10 : memref<128x64xf32, #tpu.memory_space<vmem>>) dst(%dma_wait3A_304 : memref<10000x64xf32, #tpu.memory_space<vmem_shared>>)
    } else {
    }
    %ge3A_127 = arith.constant 77 : i32
    %ge3A_128 = arith.constant 0 : i32
    %ge3A_129 = arith.cmpi sge, %ge3A_127, %ge3A_128 : i32
    %add3A_130 = arith.constant 2464 : i32
    %add3A_131 = arith.addi %add3A, %add3A_130 : i32
    %lt3A_132 = arith.constant 2500 : i32
    %lt3A_133 = arith.cmpi slt, %add3A_131, %lt3A_132 : i32
    %and3A_134 = arith.andi %ge3A_129, %lt3A_133 : i1
    %convert_element_type3A_135 = arith.extui %and3A_134 : i1 to i32
    %cond3A_136 = arith.constant 0 : i32
    %cond3A_137 = arith.cmpi ne, %convert_element_type3A_135, %cond3A_136 : i32
    scf.if %cond3A_137 {
      %add3A_297 = arith.constant 2464 : i32
      %add3A_298 = arith.addi %add3A, %add3A_297 : i32
      %dma_start3A = arith.constant 0 : i32
      %dma_start3A_299 = arith.constant 0 : i32
      %dma_start3A_300 = tpu.memref_slice %arg6[%dma_start3A, %dma_start3A_299] : memref<2x128xi32, #tpu.memory_space<vmem>> -> memref<1x128xi32, #tpu.memory_space<vmem>>
      %dma_start3A_301 = tpu.memref_squeeze %dma_start3A_300 : memref<1x128xi32, #tpu.memory_space<vmem>> -> memref<128xi32, #tpu.memory_space<vmem>>
      %dma_start3A_302 = arith.constant 0 : i32
      %dma_start3A_303 = arith.constant 0 : i32
      %dma_start3A_304 = tpu.memref_slice %arg2[%dma_start3A_302, %dma_start3A_303] : memref<10000x64xf32, #tpu.memory_space<hbm>> -> memref<10000x64xf32, #tpu.memory_space<hbm>>
      tpu.enqueue_indirect_dma source(%dma_start3A_304 : memref<10000x64xf32, #tpu.memory_space<hbm>>) target(%arg10 : memref<128x64xf32, #tpu.memory_space<vmem>>) offsets(%dma_start3A_301 : memref<128xi32, #tpu.memory_space<vmem>>) semaphore(%arg18 : memref<!tpu.dma_semaphore, #tpu.memory_space<semaphore_mem>>)
    } else {
    }
    %ge3A_138 = arith.constant 79 : i32
    %ge3A_139 = arith.constant 0 : i32
    %ge3A_140 = arith.cmpi sge, %ge3A_138, %ge3A_139 : i32
    %add3A_141 = arith.constant 2528 : i32
    %add3A_142 = arith.addi %add3A, %add3A_141 : i32
    %lt3A_143 = arith.constant 2500 : i32
    %lt3A_144 = arith.cmpi slt, %add3A_142, %lt3A_143 : i32
    %and3A_145 = arith.andi %ge3A_140, %lt3A_144 : i1
    %convert_element_type3A_146 = arith.extui %and3A_145 : i1 to i32
    %cond3A_147 = arith.constant 0 : i32
    %cond3A_148 = arith.cmpi ne, %convert_element_type3A_146, %cond3A_147 : i32
    scf.if %cond3A_148 {
      %add3A_297 = arith.constant 2528 : i32
      %add3A_298 = arith.addi %add3A, %add3A_297 : i32
      %dma_start3A = arith.constant 0 : i32
      %dma_start3A_299 = arith.constant 0 : i32
      %dma_start3A_300 = tpu.memref_slice %arg3[%add3A_298, %dma_start3A, %dma_start3A_299] : memref<2500x2x128xi32, #tpu.memory_space<hbm>> -> memref<1x2x128xi32, #tpu.memory_space<hbm>>
      %dma_start3A_301 = tpu.memref_squeeze %dma_start3A_300 : memref<1x2x128xi32, #tpu.memory_space<hbm>> -> memref<2x128xi32, #tpu.memory_space<hbm>>
      %dma_start3A_302 = arith.constant 0 : i32
      %dma_start3A_303 = arith.constant 0 : i32
      %dma_start3A_304 = tpu.memref_slice %arg3[%add3A_298, %dma_start3A_302, %dma_start3A_303] : memref<2500x2x128xi32, #tpu.memory_space<hbm>> -> memref<1x2x128xi32, #tpu.memory_space<hbm>>
      %dma_start3A_305 = tpu.memref_squeeze %dma_start3A_304 : memref<1x2x128xi32, #tpu.memory_space<hbm>> -> memref<2x128xi32, #tpu.memory_space<hbm>>
      tpu.enqueue_dma source(%dma_start3A_305 : memref<2x128xi32, #tpu.memory_space<hbm>>) target(%arg8 : memref<2x128xi32, #tpu.memory_space<vmem>>) target_semaphore(%arg16 : memref<!tpu.dma_semaphore, #tpu.memory_space<semaphore_mem>>)
    } else {
    }
    %ge3A_149 = arith.constant 77 : i32
    %ge3A_150 = arith.constant 0 : i32
    %ge3A_151 = arith.cmpi sge, %ge3A_149, %ge3A_150 : i32
    %add3A_152 = arith.constant 2464 : i32
    %add3A_153 = arith.addi %add3A, %add3A_152 : i32
    %lt3A_154 = arith.constant 2500 : i32
    %lt3A_155 = arith.cmpi slt, %add3A_153, %lt3A_154 : i32
    %and3A_156 = arith.andi %ge3A_151, %lt3A_155 : i1
    %convert_element_type3A_157 = arith.extui %and3A_156 : i1 to i32
    %cond3A_158 = arith.constant 0 : i32
    %cond3A_159 = arith.cmpi ne, %convert_element_type3A_157, %cond3A_158 : i32
    scf.if %cond3A_159 {
      %add3A_297 = arith.constant 2464 : i32
      %add3A_298 = arith.addi %add3A, %add3A_297 : i32
      %dma_wait3A = arith.constant 0 : i32
      %dma_wait3A_299 = arith.constant 0 : i32
      %dma_wait3A_300 = tpu.memref_slice %arg6[%dma_wait3A, %dma_wait3A_299] : memref<2x128xi32, #tpu.memory_space<vmem>> -> memref<1x128xi32, #tpu.memory_space<vmem>>
      %dma_wait3A_301 = tpu.memref_squeeze %dma_wait3A_300 : memref<1x128xi32, #tpu.memory_space<vmem>> -> memref<128xi32, #tpu.memory_space<vmem>>
      %dma_wait3A_302 = arith.constant 0 : i32
      %dma_wait3A_303 = arith.constant 0 : i32
      %dma_wait3A_304 = tpu.memref_slice %arg2[%dma_wait3A_302, %dma_wait3A_303] : memref<10000x64xf32, #tpu.memory_space<hbm>> -> memref<10000x64xf32, #tpu.memory_space<hbm>>
      tpu.wait_indirect_dma semaphore(%arg18 : memref<!tpu.dma_semaphore, #tpu.memory_space<semaphore_mem>>) src(%dma_wait3A_304 : memref<10000x64xf32, #tpu.memory_space<hbm>>) dst(%arg10 : memref<128x64xf32, #tpu.memory_space<vmem>>)
    } else {
    }
    %ge3A_160 = arith.constant 77 : i32
    %ge3A_161 = arith.constant 0 : i32
    %ge3A_162 = arith.cmpi sge, %ge3A_160, %ge3A_161 : i32
    %add3A_163 = arith.constant 2464 : i32
    %add3A_164 = arith.addi %add3A, %add3A_163 : i32
    %lt3A_165 = arith.constant 2500 : i32
    %lt3A_166 = arith.cmpi slt, %add3A_164, %lt3A_165 : i32
    %and3A_167 = arith.andi %ge3A_162, %lt3A_166 : i1
    %convert_element_type3A_168 = arith.extui %and3A_167 : i1 to i32
    %cond3A_169 = arith.constant 0 : i32
    %cond3A_170 = arith.cmpi ne, %convert_element_type3A_168, %cond3A_169 : i32
    scf.if %cond3A_170 {
      %add3A_297 = arith.constant 2464 : i32
      %add3A_298 = arith.addi %add3A, %add3A_297 : i32
      %dma_start3A = arith.constant 1 : i32
      %dma_start3A_299 = arith.constant 0 : i32
      %dma_start3A_300 = tpu.memref_slice %arg6[%dma_start3A, %dma_start3A_299] : memref<2x128xi32, #tpu.memory_space<vmem>> -> memref<1x128xi32, #tpu.memory_space<vmem>>
      %dma_start3A_301 = tpu.memref_squeeze %dma_start3A_300 : memref<1x128xi32, #tpu.memory_space<vmem>> -> memref<128xi32, #tpu.memory_space<vmem>>
      %dma_start3A_302 = arith.constant 0 : i32
      %dma_start3A_303 = arith.constant 0 : i32
      %dma_start3A_304 = tpu.memref_slice %arg12[%dma_start3A_302, %dma_start3A_303] : memref<10000x64xf32, #tpu.memory_space<vmem_shared>> -> memref<10000x64xf32, #tpu.memory_space<vmem_shared>>
      tpu.enqueue_indirect_dma source(%arg10 : memref<128x64xf32, #tpu.memory_space<vmem>>) target(%dma_start3A_304 : memref<10000x64xf32, #tpu.memory_space<vmem_shared>>) offsets(%dma_start3A_301 : memref<128xi32, #tpu.memory_space<vmem>>) semaphore(%arg20 : memref<!tpu.dma_semaphore, #tpu.memory_space<semaphore_mem>>) {add = true}
    } else {
    }
    %ge3A_171 = arith.constant 78 : i32
    %ge3A_172 = arith.constant 0 : i32
    %ge3A_173 = arith.cmpi sge, %ge3A_171, %ge3A_172 : i32
    %add3A_174 = arith.constant 2496 : i32
    %add3A_175 = arith.addi %add3A, %add3A_174 : i32
    %lt3A_176 = arith.constant 2500 : i32
    %lt3A_177 = arith.cmpi slt, %add3A_175, %lt3A_176 : i32
    %and3A_178 = arith.andi %ge3A_173, %lt3A_177 : i1
    %convert_element_type3A_179 = arith.extui %and3A_178 : i1 to i32
    %cond3A_180 = arith.constant 0 : i32
    %cond3A_181 = arith.cmpi ne, %convert_element_type3A_179, %cond3A_180 : i32
    scf.if %cond3A_181 {
      %add3A_297 = arith.constant 2496 : i32
      %add3A_298 = arith.addi %add3A, %add3A_297 : i32
      %dma_wait3A = arith.constant 0 : i32
      %dma_wait3A_299 = arith.constant 0 : i32
      %dma_wait3A_300 = tpu.memref_slice %arg3[%add3A_298, %dma_wait3A, %dma_wait3A_299] : memref<2500x2x128xi32, #tpu.memory_space<hbm>> -> memref<1x2x128xi32, #tpu.memory_space<hbm>>
      %dma_wait3A_301 = tpu.memref_squeeze %dma_wait3A_300 : memref<1x2x128xi32, #tpu.memory_space<hbm>> -> memref<2x128xi32, #tpu.memory_space<hbm>>
      %dma_wait3A_302 = arith.constant 0 : i32
      %dma_wait3A_303 = arith.constant 0 : i32
      %dma_wait3A_304 = tpu.memref_slice %arg3[%add3A_298, %dma_wait3A_302, %dma_wait3A_303] : memref<2500x2x128xi32, #tpu.memory_space<hbm>> -> memref<1x2x128xi32, #tpu.memory_space<hbm>>
      %dma_wait3A_305 = tpu.memref_squeeze %dma_wait3A_304 : memref<1x2x128xi32, #tpu.memory_space<hbm>> -> memref<2x128xi32, #tpu.memory_space<hbm>>
      tpu.wait_dma2 semaphore(%arg15 : memref<!tpu.dma_semaphore, #tpu.memory_space<semaphore_mem>>) src(%dma_wait3A_305 : memref<2x128xi32, #tpu.memory_space<hbm>>) dst(%arg7 : memref<2x128xi32, #tpu.memory_space<vmem>>)
    } else {
    }
    %ge3A_182 = arith.constant 76 : i32
    %ge3A_183 = arith.constant 0 : i32
    %ge3A_184 = arith.cmpi sge, %ge3A_182, %ge3A_183 : i32
    %add3A_185 = arith.constant 2432 : i32
    %add3A_186 = arith.addi %add3A, %add3A_185 : i32
    %lt3A_187 = arith.constant 2500 : i32
    %lt3A_188 = arith.cmpi slt, %add3A_186, %lt3A_187 : i32
    %and3A_189 = arith.andi %ge3A_184, %lt3A_188 : i1
    %convert_element_type3A_190 = arith.extui %and3A_189 : i1 to i32
    %cond3A_191 = arith.constant 0 : i32
    %cond3A_192 = arith.cmpi ne, %convert_element_type3A_190, %cond3A_191 : i32
    scf.if %cond3A_192 {
      %add3A_297 = arith.constant 2432 : i32
      %add3A_298 = arith.addi %add3A, %add3A_297 : i32
      %dma_wait3A = arith.constant 1 : i32
      %dma_wait3A_299 = arith.constant 0 : i32
      %dma_wait3A_300 = tpu.memref_slice %arg5[%dma_wait3A, %dma_wait3A_299] : memref<2x128xi32, #tpu.memory_space<vmem>> -> memref<1x128xi32, #tpu.memory_space<vmem>>
      %dma_wait3A_301 = tpu.memref_squeeze %dma_wait3A_300 : memref<1x128xi32, #tpu.memory_space<vmem>> -> memref<128xi32, #tpu.memory_space<vmem>>
      %dma_wait3A_302 = arith.constant 0 : i32
      %dma_wait3A_303 = arith.constant 0 : i32
      %dma_wait3A_304 = tpu.memref_slice %arg12[%dma_wait3A_302, %dma_wait3A_303] : memref<10000x64xf32, #tpu.memory_space<vmem_shared>> -> memref<10000x64xf32, #tpu.memory_space<vmem_shared>>
      tpu.wait_indirect_dma semaphore(%arg19 : memref<!tpu.dma_semaphore, #tpu.memory_space<semaphore_mem>>) src(%arg9 : memref<128x64xf32, #tpu.memory_space<vmem>>) dst(%dma_wait3A_304 : memref<10000x64xf32, #tpu.memory_space<vmem_shared>>)
    } else {
    }
    %ge3A_193 = arith.constant 78 : i32
    %ge3A_194 = arith.constant 0 : i32
    %ge3A_195 = arith.cmpi sge, %ge3A_193, %ge3A_194 : i32
    %add3A_196 = arith.constant 2496 : i32
    %add3A_197 = arith.addi %add3A, %add3A_196 : i32
    %lt3A_198 = arith.constant 2500 : i32
    %lt3A_199 = arith.cmpi slt, %add3A_197, %lt3A_198 : i32
    %and3A_200 = arith.andi %ge3A_195, %lt3A_199 : i1
    %convert_element_type3A_201 = arith.extui %and3A_200 : i1 to i32
    %cond3A_202 = arith.constant 0 : i32
    %cond3A_203 = arith.cmpi ne, %convert_element_type3A_201, %cond3A_202 : i32
    scf.if %cond3A_203 {
      %add3A_297 = arith.constant 2496 : i32
      %add3A_298 = arith.addi %add3A, %add3A_297 : i32
      %dma_start3A = arith.constant 0 : i32
      %dma_start3A_299 = arith.constant 0 : i32
      %dma_start3A_300 = tpu.memref_slice %arg7[%dma_start3A, %dma_start3A_299] : memref<2x128xi32, #tpu.memory_space<vmem>> -> memref<1x128xi32, #tpu.memory_space<vmem>>
      %dma_start3A_301 = tpu.memref_squeeze %dma_start3A_300 : memref<1x128xi32, #tpu.memory_space<vmem>> -> memref<128xi32, #tpu.memory_space<vmem>>
      %dma_start3A_302 = arith.constant 0 : i32
      %dma_start3A_303 = arith.constant 0 : i32
      %dma_start3A_304 = tpu.memref_slice %arg2[%dma_start3A_302, %dma_start3A_303] : memref<10000x64xf32, #tpu.memory_space<hbm>> -> memref<10000x64xf32, #tpu.memory_space<hbm>>
      tpu.enqueue_indirect_dma source(%dma_start3A_304 : memref<10000x64xf32, #tpu.memory_space<hbm>>) target(%arg9 : memref<128x64xf32, #tpu.memory_space<vmem>>) offsets(%dma_start3A_301 : memref<128xi32, #tpu.memory_space<vmem>>) semaphore(%arg17 : memref<!tpu.dma_semaphore, #tpu.memory_space<semaphore_mem>>)
    } else {
    }
    %ge3A_204 = arith.constant 80 : i32
    %ge3A_205 = arith.constant 0 : i32
    %ge3A_206 = arith.cmpi sge, %ge3A_204, %ge3A_205 : i32
    %add3A_207 = arith.constant 2560 : i32
    %add3A_208 = arith.addi %add3A, %add3A_207 : i32
    %lt3A_209 = arith.constant 2500 : i32
    %lt3A_210 = arith.cmpi slt, %add3A_208, %lt3A_209 : i32
    %and3A_211 = arith.andi %ge3A_206, %lt3A_210 : i1
    %convert_element_type3A_212 = arith.extui %and3A_211 : i1 to i32
    %cond3A_213 = arith.constant 0 : i32
    %cond3A_214 = arith.cmpi ne, %convert_element_type3A_212, %cond3A_213 : i32
    scf.if %cond3A_214 {
      %add3A_297 = arith.constant 2560 : i32
      %add3A_298 = arith.addi %add3A, %add3A_297 : i32
      %dma_start3A = arith.constant 0 : i32
      %dma_start3A_299 = arith.constant 0 : i32
      %dma_start3A_300 = tpu.memref_slice %arg3[%add3A_298, %dma_start3A, %dma_start3A_299] : memref<2500x2x128xi32, #tpu.memory_space<hbm>> -> memref<1x2x128xi32, #tpu.memory_space<hbm>>
      %dma_start3A_301 = tpu.memref_squeeze %dma_start3A_300 : memref<1x2x128xi32, #tpu.memory_space<hbm>> -> memref<2x128xi32, #tpu.memory_space<hbm>>
      %dma_start3A_302 = arith.constant 0 : i32
      %dma_start3A_303 = arith.constant 0 : i32
      %dma_start3A_304 = tpu.memref_slice %arg3[%add3A_298, %dma_start3A_302, %dma_start3A_303] : memref<2500x2x128xi32, #tpu.memory_space<hbm>> -> memref<1x2x128xi32, #tpu.memory_space<hbm>>
      %dma_start3A_305 = tpu.memref_squeeze %dma_start3A_304 : memref<1x2x128xi32, #tpu.memory_space<hbm>> -> memref<2x128xi32, #tpu.memory_space<hbm>>
      tpu.enqueue_dma source(%dma_start3A_305 : memref<2x128xi32, #tpu.memory_space<hbm>>) target(%arg5 : memref<2x128xi32, #tpu.memory_space<vmem>>) target_semaphore(%arg13 : memref<!tpu.dma_semaphore, #tpu.memory_space<semaphore_mem>>)
    } else {
    }
    %ge3A_215 = arith.constant 78 : i32
    %ge3A_216 = arith.constant 0 : i32
    %ge3A_217 = arith.cmpi sge, %ge3A_215, %ge3A_216 : i32
    %add3A_218 = arith.constant 2496 : i32
    %add3A_219 = arith.addi %add3A, %add3A_218 : i32
    %lt3A_220 = arith.constant 2500 : i32
    %lt3A_221 = arith.cmpi slt, %add3A_219, %lt3A_220 : i32
    %and3A_222 = arith.andi %ge3A_217, %lt3A_221 : i1
    %convert_element_type3A_223 = arith.extui %and3A_222 : i1 to i32
    %cond3A_224 = arith.constant 0 : i32
    %cond3A_225 = arith.cmpi ne, %convert_element_type3A_223, %cond3A_224 : i32
    scf.if %cond3A_225 {
      %add3A_297 = arith.constant 2496 : i32
      %add3A_298 = arith.addi %add3A, %add3A_297 : i32
      %dma_wait3A = arith.constant 0 : i32
      %dma_wait3A_299 = arith.constant 0 : i32
      %dma_wait3A_300 = tpu.memref_slice %arg7[%dma_wait3A, %dma_wait3A_299] : memref<2x128xi32, #tpu.memory_space<vmem>> -> memref<1x128xi32, #tpu.memory_space<vmem>>
      %dma_wait3A_301 = tpu.memref_squeeze %dma_wait3A_300 : memref<1x128xi32, #tpu.memory_space<vmem>> -> memref<128xi32, #tpu.memory_space<vmem>>
      %dma_wait3A_302 = arith.constant 0 : i32
      %dma_wait3A_303 = arith.constant 0 : i32
      %dma_wait3A_304 = tpu.memref_slice %arg2[%dma_wait3A_302, %dma_wait3A_303] : memref<10000x64xf32, #tpu.memory_space<hbm>> -> memref<10000x64xf32, #tpu.memory_space<hbm>>
      tpu.wait_indirect_dma semaphore(%arg17 : memref<!tpu.dma_semaphore, #tpu.memory_space<semaphore_mem>>) src(%dma_wait3A_304 : memref<10000x64xf32, #tpu.memory_space<hbm>>) dst(%arg9 : memref<128x64xf32, #tpu.memory_space<vmem>>)
    } else {
    }
    %ge3A_226 = arith.constant 78 : i32
    %ge3A_227 = arith.constant 0 : i32
    %ge3A_228 = arith.cmpi sge, %ge3A_226, %ge3A_227 : i32
    %add3A_229 = arith.constant 2496 : i32
    %add3A_230 = arith.addi %add3A, %add3A_229 : i32
    %lt3A_231 = arith.constant 2500 : i32
    %lt3A_232 = arith.cmpi slt, %add3A_230, %lt3A_231 : i32
    %and3A_233 = arith.andi %ge3A_228, %lt3A_232 : i1
    %convert_element_type3A_234 = arith.extui %and3A_233 : i1 to i32
    %cond3A_235 = arith.constant 0 : i32
    %cond3A_236 = arith.cmpi ne, %convert_element_type3A_234, %cond3A_235 : i32
    scf.if %cond3A_236 {
      %add3A_297 = arith.constant 2496 : i32
      %add3A_298 = arith.addi %add3A, %add3A_297 : i32
      %dma_start3A = arith.constant 1 : i32
      %dma_start3A_299 = arith.constant 0 : i32
      %dma_start3A_300 = tpu.memref_slice %arg7[%dma_start3A, %dma_start3A_299] : memref<2x128xi32, #tpu.memory_space<vmem>> -> memref<1x128xi32, #tpu.memory_space<vmem>>
      %dma_start3A_301 = tpu.memref_squeeze %dma_start3A_300 : memref<1x128xi32, #tpu.memory_space<vmem>> -> memref<128xi32, #tpu.memory_space<vmem>>
      %dma_start3A_302 = arith.constant 0 : i32
      %dma_start3A_303 = arith.constant 0 : i32
      %dma_start3A_304 = tpu.memref_slice %arg12[%dma_start3A_302, %dma_start3A_303] : memref<10000x64xf32, #tpu.memory_space<vmem_shared>> -> memref<10000x64xf32, #tpu.memory_space<vmem_shared>>
      tpu.enqueue_indirect_dma source(%arg9 : memref<128x64xf32, #tpu.memory_space<vmem>>) target(%dma_start3A_304 : memref<10000x64xf32, #tpu.memory_space<vmem_shared>>) offsets(%dma_start3A_301 : memref<128xi32, #tpu.memory_space<vmem>>) semaphore(%arg19 : memref<!tpu.dma_semaphore, #tpu.memory_space<semaphore_mem>>) {add = true}
    } else {
    }
    %ge3A_237 = arith.constant 79 : i32
    %ge3A_238 = arith.constant 0 : i32
    %ge3A_239 = arith.cmpi sge, %ge3A_237, %ge3A_238 : i32
    %add3A_240 = arith.constant 2528 : i32
    %add3A_241 = arith.addi %add3A, %add3A_240 : i32
    %lt3A_242 = arith.constant 2500 : i32
    %lt3A_243 = arith.cmpi slt, %add3A_241, %lt3A_242 : i32
    %and3A_244 = arith.andi %ge3A_239, %lt3A_243 : i1
    %convert_element_type3A_245 = arith.extui %and3A_244 : i1 to i32
    %cond3A_246 = arith.constant 0 : i32
    %cond3A_247 = arith.cmpi ne, %convert_element_type3A_245, %cond3A_246 : i32
    scf.if %cond3A_247 {
      %add3A_297 = arith.constant 2528 : i32
      %add3A_298 = arith.addi %add3A, %add3A_297 : i32
      %dma_wait3A = arith.constant 0 : i32
      %dma_wait3A_299 = arith.constant 0 : i32
      %dma_wait3A_300 = tpu.memref_slice %arg3[%add3A_298, %dma_wait3A, %dma_wait3A_299] : memref<2500x2x128xi32, #tpu.memory_space<hbm>> -> memref<1x2x128xi32, #tpu.memory_space<hbm>>
      %dma_wait3A_301 = tpu.memref_squeeze %dma_wait3A_300 : memref<1x2x128xi32, #tpu.memory_space<hbm>> -> memref<2x128xi32, #tpu.memory_space<hbm>>
      %dma_wait3A_302 = arith.constant 0 : i32
      %dma_wait3A_303 = arith.constant 0 : i32
      %dma_wait3A_304 = tpu.memref_slice %arg3[%add3A_298, %dma_wait3A_302, %dma_wait3A_303] : memref<2500x2x128xi32, #tpu.memory_space<hbm>> -> memref<1x2x128xi32, #tpu.memory_space<hbm>>
      %dma_wait3A_305 = tpu.memref_squeeze %dma_wait3A_304 : memref<1x2x128xi32, #tpu.memory_space<hbm>> -> memref<2x128xi32, #tpu.memory_space<hbm>>
      tpu.wait_dma2 semaphore(%arg16 : memref<!tpu.dma_semaphore, #tpu.memory_space<semaphore_mem>>) src(%dma_wait3A_305 : memref<2x128xi32, #tpu.memory_space<hbm>>) dst(%arg8 : memref<2x128xi32, #tpu.memory_space<vmem>>)
    } else {
    }
    %ge3A_248 = arith.constant 77 : i32
    %ge3A_249 = arith.constant 0 : i32
    %ge3A_250 = arith.cmpi sge, %ge3A_248, %ge3A_249 : i32
    %add3A_251 = arith.constant 2464 : i32
    %add3A_252 = arith.addi %add3A, %add3A_251 : i32
    %lt3A_253 = arith.constant 2500 : i32
    %lt3A_254 = arith.cmpi slt, %add3A_252, %lt3A_253 : i32
    %and3A_255 = arith.andi %ge3A_250, %lt3A_254 : i1
    %convert_element_type3A_256 = arith.extui %and3A_255 : i1 to i32
    %cond3A_257 = arith.constant 0 : i32
    %cond3A_258 = arith.cmpi ne, %convert_element_type3A_256, %cond3A_257 : i32
    scf.if %cond3A_258 {
      %add3A_297 = arith.constant 2464 : i32
      %add3A_298 = arith.addi %add3A, %add3A_297 : i32
      %dma_wait3A = arith.constant 1 : i32
      %dma_wait3A_299 = arith.constant 0 : i32
      %dma_wait3A_300 = tpu.memref_slice %arg6[%dma_wait3A, %dma_wait3A_299] : memref<2x128xi32, #tpu.memory_space<vmem>> -> memref<1x128xi32, #tpu.memory_space<vmem>>
      %dma_wait3A_301 = tpu.memref_squeeze %dma_wait3A_300 : memref<1x128xi32, #tpu.memory_space<vmem>> -> memref<128xi32, #tpu.memory_space<vmem>>
      %dma_wait3A_302 = arith.constant 0 : i32
      %dma_wait3A_303 = arith.constant 0 : i32
      %dma_wait3A_304 = tpu.memref_slice %arg12[%dma_wait3A_302, %dma_wait3A_303] : memref<10000x64xf32, #tpu.memory_space<vmem_shared>> -> memref<10000x64xf32, #tpu.memory_space<vmem_shared>>
      tpu.wait_indirect_dma semaphore(%arg20 : memref<!tpu.dma_semaphore, #tpu.memory_space<semaphore_mem>>) src(%arg10 : memref<128x64xf32, #tpu.memory_space<vmem>>) dst(%dma_wait3A_304 : memref<10000x64xf32, #tpu.memory_space<vmem_shared>>)
    } else {
    }
    %ge3A_259 = arith.constant 79 : i32
    %ge3A_260 = arith.constant 0 : i32
    %ge3A_261 = arith.cmpi sge, %ge3A_259, %ge3A_260 : i32
    %add3A_262 = arith.constant 2528 : i32
    %add3A_263 = arith.addi %add3A, %add3A_262 : i32
    %lt3A_264 = arith.constant 2500 : i32
    %lt3A_265 = arith.cmpi slt, %add3A_263, %lt3A_264 : i32
    %and3A_266 = arith.andi %ge3A_261, %lt3A_265 : i1
    %convert_element_type3A_267 = arith.extui %and3A_266 : i1 to i32
    %cond3A_268 = arith.constant 0 : i32
    %cond3A_269 = arith.cmpi ne, %convert_element_type3A_267, %cond3A_268 : i32
    scf.if %cond3A_269 {
      %add3A_297 = arith.constant 2528 : i32
      %add3A_298 = arith.addi %add3A, %add3A_297 : i32
      %dma_start3A = arith.constant 0 : i32
      %dma_start3A_299 = arith.constant 0 : i32
      %dma_start3A_300 = tpu.memref_slice %arg8[%dma_start3A, %dma_start3A_299] : memref<2x128xi32, #tpu.memory_space<vmem>> -> memref<1x128xi32, #tpu.memory_space<vmem>>
      %dma_start3A_301 = tpu.memref_squeeze %dma_start3A_300 : memref<1x128xi32, #tpu.memory_space<vmem>> -> memref<128xi32, #tpu.memory_space<vmem>>
      %dma_start3A_302 = arith.constant 0 : i32
      %dma_start3A_303 = arith.constant 0 : i32
      %dma_start3A_304 = tpu.memref_slice %arg2[%dma_start3A_302, %dma_start3A_303] : memref<10000x64xf32, #tpu.memory_space<hbm>> -> memref<10000x64xf32, #tpu.memory_space<hbm>>
      tpu.enqueue_indirect_dma source(%dma_start3A_304 : memref<10000x64xf32, #tpu.memory_space<hbm>>) target(%arg10 : memref<128x64xf32, #tpu.memory_space<vmem>>) offsets(%dma_start3A_301 : memref<128xi32, #tpu.memory_space<vmem>>) semaphore(%arg18 : memref<!tpu.dma_semaphore, #tpu.memory_space<semaphore_mem>>)
    } else {
    }
    %ge3A_270 = arith.constant 81 : i32
    %ge3A_271 = arith.constant 0 : i32
    %ge3A_272 = arith.cmpi sge, %ge3A_270, %ge3A_271 : i32
    %add3A_273 = arith.constant 2592 : i32
    %add3A_274 = arith.addi %add3A, %add3A_273 : i32
    %lt3A_275 = arith.constant 2500 : i32
    %lt3A_276 = arith.cmpi slt, %add3A_274, %lt3A_275 : i32
    %and3A_277 = arith.andi %ge3A_272, %lt3A_276 : i1
    %convert_element_type3A_278 = arith.extui %and3A_277 : i1 to i32
    %cond3A_279 = arith.constant 0 : i32
    %cond3A_280 = arith.cmpi ne, %convert_element_type3A_278, %cond3A_279 : i32
    scf.if %cond3A_280 {
      %add3A_297 = arith.constant 2592 : i32
      %add3A_298 = arith.addi %add3A, %add3A_297 : i32
      %dma_start3A = arith.constant 0 : i32
      %dma_start3A_299 = arith.constant 0 : i32
      %dma_start3A_300 = tpu.memref_slice %arg3[%add3A_298, %dma_start3A, %dma_start3A_299] : memref<2500x2x128xi32, #tpu.memory_space<hbm>> -> memref<1x2x128xi32, #tpu.memory_space<hbm>>
      %dma_start3A_301 = tpu.memref_squeeze %dma_start3A_300 : memref<1x2x128xi32, #tpu.memory_space<hbm>> -> memref<2x128xi32, #tpu.memory_space<hbm>>
      %dma_start3A_302 = arith.constant 0 : i32
      %dma_start3A_303 = arith.constant 0 : i32
      %dma_start3A_304 = tpu.memref_slice %arg3[%add3A_298, %dma_start3A_302, %dma_start3A_303] : memref<2500x2x128xi32, #tpu.memory_space<hbm>> -> memref<1x2x128xi32, #tpu.memory_space<hbm>>
      %dma_start3A_305 = tpu.memref_squeeze %dma_start3A_304 : memref<1x2x128xi32, #tpu.memory_space<hbm>> -> memref<2x128xi32, #tpu.memory_space<hbm>>
      tpu.enqueue_dma source(%dma_start3A_305 : memref<2x128xi32, #tpu.memory_space<hbm>>) target(%arg6 : memref<2x128xi32, #tpu.memory_space<vmem>>) target_semaphore(%arg14 : memref<!tpu.dma_semaphore, #tpu.memory_space<semaphore_mem>>)
    } else {
    }
    %ge3A_281 = arith.constant 78 : i32
    %ge3A_282 = arith.constant 0 : i32
    %ge3A_283 = arith.cmpi sge, %ge3A_281, %ge3A_282 : i32
    %add3A_284 = arith.constant 2496 : i32
    %add3A_285 = arith.addi %add3A, %add3A_284 : i32
    %lt3A_286 = arith.constant 2500 : i32
    %lt3A_287 = arith.cmpi slt, %add3A_285, %lt3A_286 : i32
    %and3A_288 = arith.andi %ge3A_283, %lt3A_287 : i1
    %convert_element_type3A_289 = arith.extui %and3A_288 : i1 to i32
    %cond3A_290 = arith.constant 0 : i32
    %cond3A_291 = arith.cmpi ne, %convert_element_type3A_289, %cond3A_290 : i32
    scf.if %cond3A_291 {
      %add3A_297 = arith.constant 2496 : i32
      %add3A_298 = arith.addi %add3A, %add3A_297 : i32
      %dma_wait3A = arith.constant 1 : i32
      %dma_wait3A_299 = arith.constant 0 : i32
      %dma_wait3A_300 = tpu.memref_slice %arg7[%dma_wait3A, %dma_wait3A_299] : memref<2x128xi32, #tpu.memory_space<vmem>> -> memref<1x128xi32, #tpu.memory_space<vmem>>
      %dma_wait3A_301 = tpu.memref_squeeze %dma_wait3A_300 : memref<1x128xi32, #tpu.memory_space<vmem>> -> memref<128xi32, #tpu.memory_space<vmem>>
      %dma_wait3A_302 = arith.constant 0 : i32
      %dma_wait3A_303 = arith.constant 0 : i32
      %dma_wait3A_304 = tpu.memref_slice %arg12[%dma_wait3A_302, %dma_wait3A_303] : memref<10000x64xf32, #tpu.memory_space<vmem_shared>> -> memref<10000x64xf32, #tpu.memory_space<vmem_shared>>
      tpu.wait_indirect_dma semaphore(%arg19 : memref<!tpu.dma_semaphore, #tpu.memory_space<semaphore_mem>>) src(%arg9 : memref<128x64xf32, #tpu.memory_space<vmem>>) dst(%dma_wait3A_304 : memref<10000x64xf32, #tpu.memory_space<vmem_shared>>)
    } else {
    }
    %barrier3A_292 = arith.constant 0 : index
    tpu.barrier barrier_id(%barrier3A_292)
    %mul3A_293 = arith.constant 625 : i32
    %mul3A_294 = arith.muli %arg1, %mul3A_293 : i32
    %mul3A_295 = arith.constant 625 : i32
    %mul3A_296 = arith.muli %arg1, %mul3A_295 : i32
    "tpu.region"() ({
      %run_scoped3A = tpu.sem_alloc : memref<!tpu.dma_semaphore, #tpu.memory_space<semaphore_mem>>
      %dma_start3A = arith.constant 0 : i32
      %dma_start3A_297 = tpu.memref_slice %arg4[%arg0, %mul3A_296, %dma_start3A] : memref<2x10000x64xf32, #tpu.memory_space<hbm>> -> memref<1x625x64xf32, #tpu.memory_space<hbm>>
      %dma_start3A_298 = tpu.memref_squeeze %dma_start3A_297 : memref<1x625x64xf32, #tpu.memory_space<hbm>> -> memref<625x64xf32, #tpu.memory_space<hbm>>
      %dma_start3A_299 = arith.constant 0 : i32
      %dma_start3A_300 = tpu.memref_slice %arg12[%mul3A_294, %dma_start3A_299] : memref<10000x64xf32, #tpu.memory_space<vmem_shared>> -> memref<625x64xf32, #tpu.memory_space<vmem_shared>>
      tpu.enqueue_dma source(%dma_start3A_300 : memref<625x64xf32, #tpu.memory_space<vmem_shared>>) target(%dma_start3A_298 : memref<625x64xf32, #tpu.memory_space<hbm>>) target_semaphore(%run_scoped3A : memref<!tpu.dma_semaphore, #tpu.memory_space<semaphore_mem>>)
      %dma_wait3A = arith.constant 0 : i32
      %dma_wait3A_301 = tpu.memref_slice %arg4[%arg0, %mul3A_296, %dma_wait3A] : memref<2x10000x64xf32, #tpu.memory_space<hbm>> -> memref<1x625x64xf32, #tpu.memory_space<hbm>>
      %dma_wait3A_302 = tpu.memref_squeeze %dma_wait3A_301 : memref<1x625x64xf32, #tpu.memory_space<hbm>> -> memref<625x64xf32, #tpu.memory_space<hbm>>
      %dma_wait3A_303 = arith.constant 0 : i32
      %dma_wait3A_304 = tpu.memref_slice %arg12[%mul3A_294, %dma_wait3A_303] : memref<10000x64xf32, #tpu.memory_space<vmem_shared>> -> memref<625x64xf32, #tpu.memory_space<vmem_shared>>
      tpu.wait_dma2 semaphore(%run_scoped3A : memref<!tpu.dma_semaphore, #tpu.memory_space<semaphore_mem>>) src(%dma_wait3A_304 : memref<625x64xf32, #tpu.memory_space<vmem_shared>>) dst(%dma_wait3A_302 : memref<625x64xf32, #tpu.memory_space<hbm>>)
      tpu.yield
    }) : () -> ()
    return
  }
}

#map = affine_map<(d0, d1) -> (0)>
#map1 = affine_map<(d0, d1) -> (0, 0)>
module attributes {stable_mosaic.version = 14 : i64} {
  func.func @_deg(%arg0: i32, %arg1: i32, %arg2: memref<320000xi32, #tpu.memory_space<hbm>>, %arg3: memref<32x10000xf32, #tpu.memory_space<hbm>>, %arg4: memref<128xi32, #tpu.memory_space<vmem>>, %arg5: memref<10000xf32, #tpu.memory_space<vmem>>) attributes {dimension_semantics = [#tpu.dimension_semantics<core_parallel>, #tpu.dimension_semantics<subcore_parallel>], iteration_bounds = array<i64: 2, 16>, scalar_prefetch = 0 : i64, scratch_operands = 2 : i64, tpu.core_type = #tpu.core_type<sc_vector_subcore>, window_params = [{transform_indices = #map}, {transform_indices = #map1}]} {
    %mul3A = arith.constant 2 : i32
    %mul3A_0 = arith.muli %arg1, %mul3A : i32
    %add3A = arith.addi %mul3A_0, %arg0 : i32
    %broadcast_in_dim3A = arith.constant 0.000000e+00 : f32
    %broadcast_in_dim3A_1 = vector.broadcast %broadcast_in_dim3A : f32 to vector<16xf32>
    %broadcast_in_dim3A_2 = arith.constant 1.000000e+00 : f32
    %broadcast_in_dim3A_3 = vector.broadcast %broadcast_in_dim3A_2 : f32 to vector<16xf32>
    %scan3A = arith.constant 0 : i32
    %scan3A_4 = arith.constant 0 : i32
    %scan3A_5 = arith.constant 625 : i32
    %scan3A_6 = arith.addi %scan3A_4, %scan3A_5 : i32
    %scan3A_7 = arith.constant 1 : i32
    scf.for %scan3A_15 = %scan3A_4 to %scan3A_6 step %scan3A_7  : i32 {
      %mul3A_16 = arith.constant 16 : i32
      %mul3A_17 = arith.muli %scan3A_15, %mul3A_16 : i32
      %swap3A = arith.index_cast %mul3A_17 : i32 to index
      %swap3A_18 = tpu.vector_load %arg5[%swap3A] {strides = array<i32>} : memref<10000xf32, #tpu.memory_space<vmem>>, vector<16xf32>,
      tpu.vector_store %arg5[%swap3A], %broadcast_in_dim3A_1 {strides = array<i32>} : memref<10000xf32, #tpu.memory_space<vmem>>, vector<16xf32>,
    }
    %scan3A_8 = arith.constant 625 : i32
    %scan3A_9 = arith.constant 0 : i32
    %scan3A_10 = arith.constant 0 : i32
    %scan3A_11 = arith.constant 79 : i32
    %scan3A_12 = arith.addi %scan3A_10, %scan3A_11 : i32
    %scan3A_13 = arith.constant 1 : i32
    scf.for %scan3A_15 = %scan3A_10 to %scan3A_12 step %scan3A_13  : i32 {
      %mul3A_16 = arith.constant 32 : i32
      %mul3A_17 = arith.muli %mul3A_16, %scan3A_15 : i32
      %add3A_18 = arith.addi %add3A, %mul3A_17 : i32
      %lt3A = arith.constant 2500 : i32
      %lt3A_19 = arith.cmpi slt, %add3A_18, %lt3A : i32
      %convert_element_type3A = arith.extui %lt3A_19 : i1 to i32
      %cond3A = arith.constant 0 : i32
      %cond3A_20 = arith.cmpi ne, %convert_element_type3A, %cond3A : i32
      scf.if %cond3A_20 {
        %mul3A_21 = arith.constant 128 : i32
        %mul3A_22 = arith.muli %add3A_18, %mul3A_21 : i32
        "tpu.region"() ({
          %run_scoped3A = tpu.sem_alloc : memref<!tpu.dma_semaphore, #tpu.memory_space<semaphore_mem>>
          %dma_start3A = tpu.memref_slice %arg2[%mul3A_22] : memref<320000xi32, #tpu.memory_space<hbm>> -> memref<128xi32, #tpu.memory_space<hbm>>
          %dma_start3A_38 = tpu.memref_slice %arg2[%mul3A_22] : memref<320000xi32, #tpu.memory_space<hbm>> -> memref<128xi32, #tpu.memory_space<hbm>>
          tpu.enqueue_dma source(%dma_start3A_38 : memref<128xi32, #tpu.memory_space<hbm>>) target(%arg4 : memref<128xi32, #tpu.memory_space<vmem>>) target_semaphore(%run_scoped3A : memref<!tpu.dma_semaphore, #tpu.memory_space<semaphore_mem>>)
          %dma_wait3A = tpu.memref_slice %arg2[%mul3A_22] : memref<320000xi32, #tpu.memory_space<hbm>> -> memref<128xi32, #tpu.memory_space<hbm>>
          %dma_wait3A_39 = tpu.memref_slice %arg2[%mul3A_22] : memref<320000xi32, #tpu.memory_space<hbm>> -> memref<128xi32, #tpu.memory_space<hbm>>
          tpu.wait_dma2 semaphore(%run_scoped3A : memref<!tpu.dma_semaphore, #tpu.memory_space<semaphore_mem>>) src(%dma_wait3A_39 : memref<128xi32, #tpu.memory_space<hbm>>) dst(%arg4 : memref<128xi32, #tpu.memory_space<vmem>>)
          tpu.yield
        }) : () -> ()
        %get3A = arith.constant 0 : index
        %get3A_23 = tpu.vector_load %arg4[%get3A] {strides = array<i32>} : memref<128xi32, #tpu.memory_space<vmem>>, vector<16xi32>,
        tpu.vector_store_idx %arg5[%get3A_23], %broadcast_in_dim3A_3 {add = true} : memref<10000xf32, #tpu.memory_space<vmem>>[vector<16xi32>], vector<16xf32>,
        %get3A_24 = arith.constant 16 : index
        %get3A_25 = tpu.vector_load %arg4[%get3A_24] {strides = array<i32>} : memref<128xi32, #tpu.memory_space<vmem>>, vector<16xi32>,
        tpu.vector_store_idx %arg5[%get3A_25], %broadcast_in_dim3A_3 {add = true} : memref<10000xf32, #tpu.memory_space<vmem>>[vector<16xi32>], vector<16xf32>,
        %get3A_26 = arith.constant 32 : index
        %get3A_27 = tpu.vector_load %arg4[%get3A_26] {strides = array<i32>} : memref<128xi32, #tpu.memory_space<vmem>>, vector<16xi32>,
        tpu.vector_store_idx %arg5[%get3A_27], %broadcast_in_dim3A_3 {add = true} : memref<10000xf32, #tpu.memory_space<vmem>>[vector<16xi32>], vector<16xf32>,
        %get3A_28 = arith.constant 48 : index
        %get3A_29 = tpu.vector_load %arg4[%get3A_28] {strides = array<i32>} : memref<128xi32, #tpu.memory_space<vmem>>, vector<16xi32>,
        tpu.vector_store_idx %arg5[%get3A_29], %broadcast_in_dim3A_3 {add = true} : memref<10000xf32, #tpu.memory_space<vmem>>[vector<16xi32>], vector<16xf32>,
        %get3A_30 = arith.constant 64 : index
        %get3A_31 = tpu.vector_load %arg4[%get3A_30] {strides = array<i32>} : memref<128xi32, #tpu.memory_space<vmem>>, vector<16xi32>,
        tpu.vector_store_idx %arg5[%get3A_31], %broadcast_in_dim3A_3 {add = true} : memref<10000xf32, #tpu.memory_space<vmem>>[vector<16xi32>], vector<16xf32>,
        %get3A_32 = arith.constant 80 : index
        %get3A_33 = tpu.vector_load %arg4[%get3A_32] {strides = array<i32>} : memref<128xi32, #tpu.memory_space<vmem>>, vector<16xi32>,
        tpu.vector_store_idx %arg5[%get3A_33], %broadcast_in_dim3A_3 {add = true} : memref<10000xf32, #tpu.memory_space<vmem>>[vector<16xi32>], vector<16xf32>,
        %get3A_34 = arith.constant 96 : index
        %get3A_35 = tpu.vector_load %arg4[%get3A_34] {strides = array<i32>} : memref<128xi32, #tpu.memory_space<vmem>>, vector<16xi32>,
        tpu.vector_store_idx %arg5[%get3A_35], %broadcast_in_dim3A_3 {add = true} : memref<10000xf32, #tpu.memory_space<vmem>>[vector<16xi32>], vector<16xf32>,
        %get3A_36 = arith.constant 112 : index
        %get3A_37 = tpu.vector_load %arg4[%get3A_36] {strides = array<i32>} : memref<128xi32, #tpu.memory_space<vmem>>, vector<16xi32>,
        tpu.vector_store_idx %arg5[%get3A_37], %broadcast_in_dim3A_3 {add = true} : memref<10000xf32, #tpu.memory_space<vmem>>[vector<16xi32>], vector<16xf32>,
      } else {
      }
    }
    %scan3A_14 = arith.constant 79 : i32
    "tpu.region"() ({
      %run_scoped3A = tpu.sem_alloc : memref<!tpu.dma_semaphore, #tpu.memory_space<semaphore_mem>>
      %dma_start3A = arith.constant 0 : i32
      %dma_start3A_15 = tpu.memref_slice %arg3[%add3A, %dma_start3A] : memref<32x10000xf32, #tpu.memory_space<hbm>> -> memref<1x10000xf32, #tpu.memory_space<hbm>>
      %dma_start3A_16 = tpu.memref_squeeze %dma_start3A_15 : memref<1x10000xf32, #tpu.memory_space<hbm>> -> memref<10000xf32, #tpu.memory_space<hbm>>
      %dma_start3A_17 = arith.constant 0 : i32
      %dma_start3A_18 = tpu.memref_slice %arg3[%add3A, %dma_start3A_17] : memref<32x10000xf32, #tpu.memory_space<hbm>> -> memref<1x10000xf32, #tpu.memory_space<hbm>>
      %dma_start3A_19 = tpu.memref_squeeze %dma_start3A_18 : memref<1x10000xf32, #tpu.memory_space<hbm>> -> memref<10000xf32, #tpu.memory_space<hbm>>
      tpu.enqueue_dma source(%arg5 : memref<10000xf32, #tpu.memory_space<vmem>>) target(%dma_start3A_19 : memref<10000xf32, #tpu.memory_space<hbm>>) target_semaphore(%run_scoped3A : memref<!tpu.dma_semaphore, #tpu.memory_space<semaphore_mem>>)
      %dma_wait3A = arith.constant 0 : i32
      %dma_wait3A_20 = tpu.memref_slice %arg3[%add3A, %dma_wait3A] : memref<32x10000xf32, #tpu.memory_space<hbm>> -> memref<1x10000xf32, #tpu.memory_space<hbm>>
      %dma_wait3A_21 = tpu.memref_squeeze %dma_wait3A_20 : memref<1x10000xf32, #tpu.memory_space<hbm>> -> memref<10000xf32, #tpu.memory_space<hbm>>
      %dma_wait3A_22 = arith.constant 0 : i32
      %dma_wait3A_23 = tpu.memref_slice %arg3[%add3A, %dma_wait3A_22] : memref<32x10000xf32, #tpu.memory_space<hbm>> -> memref<1x10000xf32, #tpu.memory_space<hbm>>
      %dma_wait3A_24 = tpu.memref_squeeze %dma_wait3A_23 : memref<1x10000xf32, #tpu.memory_space<hbm>> -> memref<10000xf32, #tpu.memory_space<hbm>>
      tpu.wait_dma2 semaphore(%run_scoped3A : memref<!tpu.dma_semaphore, #tpu.memory_space<semaphore_mem>>) src(%arg5 : memref<10000xf32, #tpu.memory_space<vmem>>) dst(%dma_wait3A_24 : memref<10000xf32, #tpu.memory_space<hbm>>)
      tpu.yield
    }) : () -> ()
    return
  }
}

#map = affine_map<(d0, d1) -> (0, 0)>
#map1 = affine_map<(d0, d1) -> (0, 0, 0)>
module attributes {stable_mosaic.version = 14 : i64} {
  func.func @_prop(%arg0: i32, %arg1: i32, %arg2: memref<10000x128xf32, #tpu.memory_space<hbm>>, %arg3: memref<2500x2x128xi32, #tpu.memory_space<hbm>>, %arg4: memref<2x10000x128xf32, #tpu.memory_space<hbm>>, %arg5: memref<2x128xi32, #tpu.memory_space<vmem>>, %arg6: memref<2x128xi32, #tpu.memory_space<vmem>>, %arg7: memref<2x128xi32, #tpu.memory_space<vmem>>, %arg8: memref<2x128xi32, #tpu.memory_space<vmem>>, %arg9: memref<128x128xf32, #tpu.memory_space<vmem>>, %arg10: memref<128x128xf32, #tpu.memory_space<vmem>>, %arg11: memref<125x128xf32, #tpu.memory_space<vmem>>, %arg12: memref<10000x128xf32, #tpu.memory_space<vmem_shared>>, %arg13: memref<!tpu.dma_semaphore, #tpu.memory_space<semaphore_mem>>, %arg14: memref<!tpu.dma_semaphore, #tpu.memory_space<semaphore_mem>>, %arg15: memref<!tpu.dma_semaphore, #tpu.memory_space<semaphore_mem>>, %arg16: memref<!tpu.dma_semaphore, #tpu.memory_space<semaphore_mem>>, %arg17: memref<!tpu.dma_semaphore, #tpu.memory_space<semaphore_mem>>, %arg18: memref<!tpu.dma_semaphore, #tpu.memory_space<semaphore_mem>>, %arg19: memref<!tpu.dma_semaphore, #tpu.memory_space<semaphore_mem>>, %arg20: memref<!tpu.dma_semaphore, #tpu.memory_space<semaphore_mem>>) attributes {dimension_semantics = [#tpu.dimension_semantics<core_parallel>, #tpu.dimension_semantics<subcore_parallel>], iteration_bounds = array<i64: 2, 16>, scalar_prefetch = 0 : i64, scratch_operands = 16 : i64, tpu.core_type = #tpu.core_type<sc_vector_subcore>, window_params = [{transform_indices = #map}, {transform_indices = #map1}, {transform_indices = #map1}]} {
    %mul3A = arith.constant 2 : i32
    %mul3A_0 = arith.muli %arg1, %mul3A : i32
    %add3A = arith.addi %mul3A_0, %arg0 : i32
    %broadcast_in_dim3A = arith.constant 0.000000e+00 : f32
    %broadcast_in_dim3A_1 = vector.broadcast %broadcast_in_dim3A : f32 to vector<16xf32>
    %scan3A = arith.constant 0 : i32
    %scan3A_2 = arith.constant 0 : i32
    %scan3A_3 = arith.constant 125 : i32
    %scan3A_4 = arith.addi %scan3A_2, %scan3A_3 : i32
    %scan3A_5 = arith.constant 1 : i32
    scf.for %scan3A_297 = %scan3A_2 to %scan3A_4 step %scan3A_5  : i32 {
      %swap3A = arith.index_cast %scan3A_297 : i32 to index
      %swap3A_298 = arith.constant 0 : index
      %swap3A_299 = tpu.vector_load %arg11[%swap3A, %swap3A_298] {strides = array<i32>} : memref<125x128xf32, #tpu.memory_space<vmem>>, vector<16xf32>,
      tpu.vector_store %arg11[%swap3A, %swap3A_298], %broadcast_in_dim3A_1 {strides = array<i32>} : memref<125x128xf32, #tpu.memory_space<vmem>>, vector<16xf32>,
      %swap3A_300 = arith.index_cast %scan3A_297 : i32 to index
      %swap3A_301 = arith.constant 16 : index
      %swap3A_302 = tpu.vector_load %arg11[%swap3A_300, %swap3A_301] {strides = array<i32>} : memref<125x128xf32, #tpu.memory_space<vmem>>, vector<16xf32>,
      tpu.vector_store %arg11[%swap3A_300, %swap3A_301], %broadcast_in_dim3A_1 {strides = array<i32>} : memref<125x128xf32, #tpu.memory_space<vmem>>, vector<16xf32>,
      %swap3A_303 = arith.index_cast %scan3A_297 : i32 to index
      %swap3A_304 = arith.constant 32 : index
      %swap3A_305 = tpu.vector_load %arg11[%swap3A_303, %swap3A_304] {strides = array<i32>} : memref<125x128xf32, #tpu.memory_space<vmem>>, vector<16xf32>,
      tpu.vector_store %arg11[%swap3A_303, %swap3A_304], %broadcast_in_dim3A_1 {strides = array<i32>} : memref<125x128xf32, #tpu.memory_space<vmem>>, vector<16xf32>,
      %swap3A_306 = arith.index_cast %scan3A_297 : i32 to index
      %swap3A_307 = arith.constant 48 : index
      %swap3A_308 = tpu.vector_load %arg11[%swap3A_306, %swap3A_307] {strides = array<i32>} : memref<125x128xf32, #tpu.memory_space<vmem>>, vector<16xf32>,
      tpu.vector_store %arg11[%swap3A_306, %swap3A_307], %broadcast_in_dim3A_1 {strides = array<i32>} : memref<125x128xf32, #tpu.memory_space<vmem>>, vector<16xf32>,
      %swap3A_309 = arith.index_cast %scan3A_297 : i32 to index
      %swap3A_310 = arith.constant 64 : index
      %swap3A_311 = tpu.vector_load %arg11[%swap3A_309, %swap3A_310] {strides = array<i32>} : memref<125x128xf32, #tpu.memory_space<vmem>>, vector<16xf32>,
      tpu.vector_store %arg11[%swap3A_309, %swap3A_310], %broadcast_in_dim3A_1 {strides = array<i32>} : memref<125x128xf32, #tpu.memory_space<vmem>>, vector<16xf32>,
      %swap3A_312 = arith.index_cast %scan3A_297 : i32 to index
      %swap3A_313 = arith.constant 80 : index
      %swap3A_314 = tpu.vector_load %arg11[%swap3A_312, %swap3A_313] {strides = array<i32>} : memref<125x128xf32, #tpu.memory_space<vmem>>, vector<16xf32>,
      tpu.vector_store %arg11[%swap3A_312, %swap3A_313], %broadcast_in_dim3A_1 {strides = array<i32>} : memref<125x128xf32, #tpu.memory_space<vmem>>, vector<16xf32>,
      %swap3A_315 = arith.index_cast %scan3A_297 : i32 to index
      %swap3A_316 = arith.constant 96 : index
      %swap3A_317 = tpu.vector_load %arg11[%swap3A_315, %swap3A_316] {strides = array<i32>} : memref<125x128xf32, #tpu.memory_space<vmem>>, vector<16xf32>,
      tpu.vector_store %arg11[%swap3A_315, %swap3A_316], %broadcast_in_dim3A_1 {strides = array<i32>} : memref<125x128xf32, #tpu.memory_space<vmem>>, vector<16xf32>,
      %swap3A_318 = arith.index_cast %scan3A_297 : i32 to index
      %swap3A_319 = arith.constant 112 : index
      %swap3A_320 = tpu.vector_load %arg11[%swap3A_318, %swap3A_319] {strides = array<i32>} : memref<125x128xf32, #tpu.memory_space<vmem>>, vector<16xf32>,
      tpu.vector_store %arg11[%swap3A_318, %swap3A_319], %broadcast_in_dim3A_1 {strides = array<i32>} : memref<125x128xf32, #tpu.memory_space<vmem>>, vector<16xf32>,
    }
    %scan3A_6 = arith.constant 125 : i32
    %mul3A_7 = arith.constant 625 : i32
    %mul3A_8 = arith.muli %arg1, %mul3A_7 : i32
    %add3A_9 = arith.constant 0 : i32
    %add3A_10 = arith.addi %mul3A_8, %add3A_9 : i32
    "tpu.region"() ({
      %run_scoped3A = tpu.sem_alloc : memref<!tpu.dma_semaphore, #tpu.memory_space<semaphore_mem>>
      %dma_start3A = arith.constant 0 : i32
      %dma_start3A_297 = tpu.memref_slice %arg12[%add3A_10, %dma_start3A] : memref<10000x128xf32, #tpu.memory_space<vmem_shared>> -> memref<125x128xf32, #tpu.memory_space<vmem_shared>>
      %dma_start3A_298 = arith.constant 0 : i32
      %dma_start3A_299 = tpu.memref_slice %arg12[%add3A_10, %dma_start3A_298] : memref<10000x128xf32, #tpu.memory_space<vmem_shared>> -> memref<125x128xf32, #tpu.memory_space<vmem_shared>>
      tpu.enqueue_dma source(%arg11 : memref<125x128xf32, #tpu.memory_space<vmem>>) target(%dma_start3A_299 : memref<125x128xf32, #tpu.memory_space<vmem_shared>>) target_semaphore(%run_scoped3A : memref<!tpu.dma_semaphore, #tpu.memory_space<semaphore_mem>>)
      %dma_wait3A = arith.constant 0 : i32
      %dma_wait3A_300 = tpu.memref_slice %arg12[%add3A_10, %dma_wait3A] : memref<10000x128xf32, #tpu.memory_space<vmem_shared>> -> memref<125x128xf32, #tpu.memory_space<vmem_shared>>
      %dma_wait3A_301 = arith.constant 0 : i32
      %dma_wait3A_302 = tpu.memref_slice %arg12[%add3A_10, %dma_wait3A_301] : memref<10000x128xf32, #tpu.memory_space<vmem_shared>> -> memref<125x128xf32, #tpu.memory_space<vmem_shared>>
      tpu.wait_dma2 semaphore(%run_scoped3A : memref<!tpu.dma_semaphore, #tpu.memory_space<semaphore_mem>>) src(%arg11 : memref<125x128xf32, #tpu.memory_space<vmem>>) dst(%dma_wait3A_302 : memref<125x128xf32, #tpu.memory_space<vmem_shared>>)
      tpu.yield
    }) : () -> ()
    %mul3A_11 = arith.constant 625 : i32
    %mul3A_12 = arith.muli %arg1, %mul3A_11 : i32
    %add3A_13 = arith.constant 125 : i32
    %add3A_14 = arith.addi %mul3A_12, %add3A_13 : i32
    "tpu.region"() ({
      %run_scoped3A = tpu.sem_alloc : memref<!tpu.dma_semaphore, #tpu.memory_space<semaphore_mem>>
      %dma_start3A = arith.constant 0 : i32
      %dma_start3A_297 = tpu.memref_slice %arg12[%add3A_14, %dma_start3A] : memref<10000x128xf32, #tpu.memory_space<vmem_shared>> -> memref<125x128xf32, #tpu.memory_space<vmem_shared>>
      %dma_start3A_298 = arith.constant 0 : i32
      %dma_start3A_299 = tpu.memref_slice %arg12[%add3A_14, %dma_start3A_298] : memref<10000x128xf32, #tpu.memory_space<vmem_shared>> -> memref<125x128xf32, #tpu.memory_space<vmem_shared>>
      tpu.enqueue_dma source(%arg11 : memref<125x128xf32, #tpu.memory_space<vmem>>) target(%dma_start3A_299 : memref<125x128xf32, #tpu.memory_space<vmem_shared>>) target_semaphore(%run_scoped3A : memref<!tpu.dma_semaphore, #tpu.memory_space<semaphore_mem>>)
      %dma_wait3A = arith.constant 0 : i32
      %dma_wait3A_300 = tpu.memref_slice %arg12[%add3A_14, %dma_wait3A] : memref<10000x128xf32, #tpu.memory_space<vmem_shared>> -> memref<125x128xf32, #tpu.memory_space<vmem_shared>>
      %dma_wait3A_301 = arith.constant 0 : i32
      %dma_wait3A_302 = tpu.memref_slice %arg12[%add3A_14, %dma_wait3A_301] : memref<10000x128xf32, #tpu.memory_space<vmem_shared>> -> memref<125x128xf32, #tpu.memory_space<vmem_shared>>
      tpu.wait_dma2 semaphore(%run_scoped3A : memref<!tpu.dma_semaphore, #tpu.memory_space<semaphore_mem>>) src(%arg11 : memref<125x128xf32, #tpu.memory_space<vmem>>) dst(%dma_wait3A_302 : memref<125x128xf32, #tpu.memory_space<vmem_shared>>)
      tpu.yield
    }) : () -> ()
    %mul3A_15 = arith.constant 625 : i32
    %mul3A_16 = arith.muli %arg1, %mul3A_15 : i32
    %add3A_17 = arith.constant 250 : i32
    %add3A_18 = arith.addi %mul3A_16, %add3A_17 : i32
    "tpu.region"() ({
      %run_scoped3A = tpu.sem_alloc : memref<!tpu.dma_semaphore, #tpu.memory_space<semaphore_mem>>
      %dma_start3A = arith.constant 0 : i32
      %dma_start3A_297 = tpu.memref_slice %arg12[%add3A_18, %dma_start3A] : memref<10000x128xf32, #tpu.memory_space<vmem_shared>> -> memref<125x128xf32, #tpu.memory_space<vmem_shared>>
      %dma_start3A_298 = arith.constant 0 : i32
      %dma_start3A_299 = tpu.memref_slice %arg12[%add3A_18, %dma_start3A_298] : memref<10000x128xf32, #tpu.memory_space<vmem_shared>> -> memref<125x128xf32, #tpu.memory_space<vmem_shared>>
      tpu.enqueue_dma source(%arg11 : memref<125x128xf32, #tpu.memory_space<vmem>>) target(%dma_start3A_299 : memref<125x128xf32, #tpu.memory_space<vmem_shared>>) target_semaphore(%run_scoped3A : memref<!tpu.dma_semaphore, #tpu.memory_space<semaphore_mem>>)
      %dma_wait3A = arith.constant 0 : i32
      %dma_wait3A_300 = tpu.memref_slice %arg12[%add3A_18, %dma_wait3A] : memref<10000x128xf32, #tpu.memory_space<vmem_shared>> -> memref<125x128xf32, #tpu.memory_space<vmem_shared>>
      %dma_wait3A_301 = arith.constant 0 : i32
      %dma_wait3A_302 = tpu.memref_slice %arg12[%add3A_18, %dma_wait3A_301] : memref<10000x128xf32, #tpu.memory_space<vmem_shared>> -> memref<125x128xf32, #tpu.memory_space<vmem_shared>>
      tpu.wait_dma2 semaphore(%run_scoped3A : memref<!tpu.dma_semaphore, #tpu.memory_space<semaphore_mem>>) src(%arg11 : memref<125x128xf32, #tpu.memory_space<vmem>>) dst(%dma_wait3A_302 : memref<125x128xf32, #tpu.memory_space<vmem_shared>>)
      tpu.yield
    }) : () -> ()
    %mul3A_19 = arith.constant 625 : i32
    %mul3A_20 = arith.muli %arg1, %mul3A_19 : i32
    %add3A_21 = arith.constant 375 : i32
    %add3A_22 = arith.addi %mul3A_20, %add3A_21 : i32
    "tpu.region"() ({
      %run_scoped3A = tpu.sem_alloc : memref<!tpu.dma_semaphore, #tpu.memory_space<semaphore_mem>>
      %dma_start3A = arith.constant 0 : i32
      %dma_start3A_297 = tpu.memref_slice %arg12[%add3A_22, %dma_start3A] : memref<10000x128xf32, #tpu.memory_space<vmem_shared>> -> memref<125x128xf32, #tpu.memory_space<vmem_shared>>
      %dma_start3A_298 = arith.constant 0 : i32
      %dma_start3A_299 = tpu.memref_slice %arg12[%add3A_22, %dma_start3A_298] : memref<10000x128xf32, #tpu.memory_space<vmem_shared>> -> memref<125x128xf32, #tpu.memory_space<vmem_shared>>
      tpu.enqueue_dma source(%arg11 : memref<125x128xf32, #tpu.memory_space<vmem>>) target(%dma_start3A_299 : memref<125x128xf32, #tpu.memory_space<vmem_shared>>) target_semaphore(%run_scoped3A : memref<!tpu.dma_semaphore, #tpu.memory_space<semaphore_mem>>)
      %dma_wait3A = arith.constant 0 : i32
      %dma_wait3A_300 = tpu.memref_slice %arg12[%add3A_22, %dma_wait3A] : memref<10000x128xf32, #tpu.memory_space<vmem_shared>> -> memref<125x128xf32, #tpu.memory_space<vmem_shared>>
      %dma_wait3A_301 = arith.constant 0 : i32
      %dma_wait3A_302 = tpu.memref_slice %arg12[%add3A_22, %dma_wait3A_301] : memref<10000x128xf32, #tpu.memory_space<vmem_shared>> -> memref<125x128xf32, #tpu.memory_space<vmem_shared>>
      tpu.wait_dma2 semaphore(%run_scoped3A : memref<!tpu.dma_semaphore, #tpu.memory_space<semaphore_mem>>) src(%arg11 : memref<125x128xf32, #tpu.memory_space<vmem>>) dst(%dma_wait3A_302 : memref<125x128xf32, #tpu.memory_space<vmem_shared>>)
      tpu.yield
    }) : () -> ()
    %mul3A_23 = arith.constant 625 : i32
    %mul3A_24 = arith.muli %arg1, %mul3A_23 : i32
    %add3A_25 = arith.constant 500 : i32
    %add3A_26 = arith.addi %mul3A_24, %add3A_25 : i32
    "tpu.region"() ({
      %run_scoped3A = tpu.sem_alloc : memref<!tpu.dma_semaphore, #tpu.memory_space<semaphore_mem>>
      %dma_start3A = arith.constant 0 : i32
      %dma_start3A_297 = tpu.memref_slice %arg12[%add3A_26, %dma_start3A] : memref<10000x128xf32, #tpu.memory_space<vmem_shared>> -> memref<125x128xf32, #tpu.memory_space<vmem_shared>>
      %dma_start3A_298 = arith.constant 0 : i32
      %dma_start3A_299 = tpu.memref_slice %arg12[%add3A_26, %dma_start3A_298] : memref<10000x128xf32, #tpu.memory_space<vmem_shared>> -> memref<125x128xf32, #tpu.memory_space<vmem_shared>>
      tpu.enqueue_dma source(%arg11 : memref<125x128xf32, #tpu.memory_space<vmem>>) target(%dma_start3A_299 : memref<125x128xf32, #tpu.memory_space<vmem_shared>>) target_semaphore(%run_scoped3A : memref<!tpu.dma_semaphore, #tpu.memory_space<semaphore_mem>>)
      %dma_wait3A = arith.constant 0 : i32
      %dma_wait3A_300 = tpu.memref_slice %arg12[%add3A_26, %dma_wait3A] : memref<10000x128xf32, #tpu.memory_space<vmem_shared>> -> memref<125x128xf32, #tpu.memory_space<vmem_shared>>
      %dma_wait3A_301 = arith.constant 0 : i32
      %dma_wait3A_302 = tpu.memref_slice %arg12[%add3A_26, %dma_wait3A_301] : memref<10000x128xf32, #tpu.memory_space<vmem_shared>> -> memref<125x128xf32, #tpu.memory_space<vmem_shared>>
      tpu.wait_dma2 semaphore(%run_scoped3A : memref<!tpu.dma_semaphore, #tpu.memory_space<semaphore_mem>>) src(%arg11 : memref<125x128xf32, #tpu.memory_space<vmem>>) dst(%dma_wait3A_302 : memref<125x128xf32, #tpu.memory_space<vmem_shared>>)
      tpu.yield
    }) : () -> ()
    %barrier3A = arith.constant 0 : index
    tpu.barrier barrier_id(%barrier3A)
    %ge3A = arith.constant 0 : i32
    %ge3A_27 = arith.constant 0 : i32
    %ge3A_28 = arith.cmpi sge, %ge3A, %ge3A_27 : i32
    %add3A_29 = arith.constant 0 : i32
    %add3A_30 = arith.addi %add3A, %add3A_29 : i32
    %lt3A = arith.constant 2500 : i32
    %lt3A_31 = arith.cmpi slt, %add3A_30, %lt3A : i32
    %and3A = arith.andi %ge3A_28, %lt3A_31 : i1
    %convert_element_type3A = arith.extui %and3A : i1 to i32
    %cond3A = arith.constant 0 : i32
    %cond3A_32 = arith.cmpi ne, %convert_element_type3A, %cond3A : i32
    scf.if %cond3A_32 {
      %add3A_297 = arith.constant 0 : i32
      %add3A_298 = arith.addi %add3A, %add3A_297 : i32
      %dma_start3A = arith.constant 0 : i32
      %dma_start3A_299 = arith.constant 0 : i32
      %dma_start3A_300 = tpu.memref_slice %arg3[%add3A_298, %dma_start3A, %dma_start3A_299] : memref<2500x2x128xi32, #tpu.memory_space<hbm>> -> memref<1x2x128xi32, #tpu.memory_space<hbm>>
      %dma_start3A_301 = tpu.memref_squeeze %dma_start3A_300 : memref<1x2x128xi32, #tpu.memory_space<hbm>> -> memref<2x128xi32, #tpu.memory_space<hbm>>
      %dma_start3A_302 = arith.constant 0 : i32
      %dma_start3A_303 = arith.constant 0 : i32
      %dma_start3A_304 = tpu.memref_slice %arg3[%add3A_298, %dma_start3A_302, %dma_start3A_303] : memref<2500x2x128xi32, #tpu.memory_space<hbm>> -> memref<1x2x128xi32, #tpu.memory_space<hbm>>
      %dma_start3A_305 = tpu.memref_squeeze %dma_start3A_304 : memref<1x2x128xi32, #tpu.memory_space<hbm>> -> memref<2x128xi32, #tpu.memory_space<hbm>>
      tpu.enqueue_dma source(%dma_start3A_305 : memref<2x128xi32, #tpu.memory_space<hbm>>) target(%arg5 : memref<2x128xi32, #tpu.memory_space<vmem>>) target_semaphore(%arg13 : memref<!tpu.dma_semaphore, #tpu.memory_space<semaphore_mem>>)
    } else {
    }
    %ge3A_33 = arith.constant 1 : i32
    %ge3A_34 = arith.constant 0 : i32
    %ge3A_35 = arith.cmpi sge, %ge3A_33, %ge3A_34 : i32
    %add3A_36 = arith.constant 32 : i32
    %add3A_37 = arith.addi %add3A, %add3A_36 : i32
    %lt3A_38 = arith.constant 2500 : i32
    %lt3A_39 = arith.cmpi slt, %add3A_37, %lt3A_38 : i32
    %and3A_40 = arith.andi %ge3A_35, %lt3A_39 : i1
    %convert_element_type3A_41 = arith.extui %and3A_40 : i1 to i32
    %cond3A_42 = arith.constant 0 : i32
    %cond3A_43 = arith.cmpi ne, %convert_element_type3A_41, %cond3A_42 : i32
    scf.if %cond3A_43 {
      %add3A_297 = arith.constant 32 : i32
      %add3A_298 = arith.addi %add3A, %add3A_297 : i32
      %dma_start3A = arith.constant 0 : i32
      %dma_start3A_299 = arith.constant 0 : i32
      %dma_start3A_300 = tpu.memref_slice %arg3[%add3A_298, %dma_start3A, %dma_start3A_299] : memref<2500x2x128xi32, #tpu.memory_space<hbm>> -> memref<1x2x128xi32, #tpu.memory_space<hbm>>
      %dma_start3A_301 = tpu.memref_squeeze %dma_start3A_300 : memref<1x2x128xi32, #tpu.memory_space<hbm>> -> memref<2x128xi32, #tpu.memory_space<hbm>>
      %dma_start3A_302 = arith.constant 0 : i32
      %dma_start3A_303 = arith.constant 0 : i32
      %dma_start3A_304 = tpu.memref_slice %arg3[%add3A_298, %dma_start3A_302, %dma_start3A_303] : memref<2500x2x128xi32, #tpu.memory_space<hbm>> -> memref<1x2x128xi32, #tpu.memory_space<hbm>>
      %dma_start3A_305 = tpu.memref_squeeze %dma_start3A_304 : memref<1x2x128xi32, #tpu.memory_space<hbm>> -> memref<2x128xi32, #tpu.memory_space<hbm>>
      tpu.enqueue_dma source(%dma_start3A_305 : memref<2x128xi32, #tpu.memory_space<hbm>>) target(%arg6 : memref<2x128xi32, #tpu.memory_space<vmem>>) target_semaphore(%arg14 : memref<!tpu.dma_semaphore, #tpu.memory_space<semaphore_mem>>)
    } else {
    }
    %ge3A_44 = arith.constant 2 : i32
    %ge3A_45 = arith.constant 0 : i32
    %ge3A_46 = arith.cmpi sge, %ge3A_44, %ge3A_45 : i32
    %add3A_47 = arith.constant 64 : i32
    %add3A_48 = arith.addi %add3A, %add3A_47 : i32
    %lt3A_49 = arith.constant 2500 : i32
    %lt3A_50 = arith.cmpi slt, %add3A_48, %lt3A_49 : i32
    %and3A_51 = arith.andi %ge3A_46, %lt3A_50 : i1
    %convert_element_type3A_52 = arith.extui %and3A_51 : i1 to i32
    %cond3A_53 = arith.constant 0 : i32
    %cond3A_54 = arith.cmpi ne, %convert_element_type3A_52, %cond3A_53 : i32
    scf.if %cond3A_54 {
      %add3A_297 = arith.constant 64 : i32
      %add3A_298 = arith.addi %add3A, %add3A_297 : i32
      %dma_start3A = arith.constant 0 : i32
      %dma_start3A_299 = arith.constant 0 : i32
      %dma_start3A_300 = tpu.memref_slice %arg3[%add3A_298, %dma_start3A, %dma_start3A_299] : memref<2500x2x128xi32, #tpu.memory_space<hbm>> -> memref<1x2x128xi32, #tpu.memory_space<hbm>>
      %dma_start3A_301 = tpu.memref_squeeze %dma_start3A_300 : memref<1x2x128xi32, #tpu.memory_space<hbm>> -> memref<2x128xi32, #tpu.memory_space<hbm>>
      %dma_start3A_302 = arith.constant 0 : i32
      %dma_start3A_303 = arith.constant 0 : i32
      %dma_start3A_304 = tpu.memref_slice %arg3[%add3A_298, %dma_start3A_302, %dma_start3A_303] : memref<2500x2x128xi32, #tpu.memory_space<hbm>> -> memref<1x2x128xi32, #tpu.memory_space<hbm>>
      %dma_start3A_305 = tpu.memref_squeeze %dma_start3A_304 : memref<1x2x128xi32, #tpu.memory_space<hbm>> -> memref<2x128xi32, #tpu.memory_space<hbm>>
      tpu.enqueue_dma source(%dma_start3A_305 : memref<2x128xi32, #tpu.memory_space<hbm>>) target(%arg7 : memref<2x128xi32, #tpu.memory_space<vmem>>) target_semaphore(%arg15 : memref<!tpu.dma_semaphore, #tpu.memory_space<semaphore_mem>>)
    } else {
    }
    %ge3A_55 = arith.constant 0 : i32
    %ge3A_56 = arith.constant 0 : i32
    %ge3A_57 = arith.cmpi sge, %ge3A_55, %ge3A_56 : i32
    %add3A_58 = arith.constant 0 : i32
    %add3A_59 = arith.addi %add3A, %add3A_58 : i32
    %lt3A_60 = arith.constant 2500 : i32
    %lt3A_61 = arith.cmpi slt, %add3A_59, %lt3A_60 : i32
    %and3A_62 = arith.andi %ge3A_57, %lt3A_61 : i1
    %convert_element_type3A_63 = arith.extui %and3A_62 : i1 to i32
    %cond3A_64 = arith.constant 0 : i32
    %cond3A_65 = arith.cmpi ne, %convert_element_type3A_63, %cond3A_64 : i32
    scf.if %cond3A_65 {
      %add3A_297 = arith.constant 0 : i32
      %add3A_298 = arith.addi %add3A, %add3A_297 : i32
      %dma_wait3A = arith.constant 0 : i32
      %dma_wait3A_299 = arith.constant 0 : i32
      %dma_wait3A_300 = tpu.memref_slice %arg3[%add3A_298, %dma_wait3A, %dma_wait3A_299] : memref<2500x2x128xi32, #tpu.memory_space<hbm>> -> memref<1x2x128xi32, #tpu.memory_space<hbm>>
      %dma_wait3A_301 = tpu.memref_squeeze %dma_wait3A_300 : memref<1x2x128xi32, #tpu.memory_space<hbm>> -> memref<2x128xi32, #tpu.memory_space<hbm>>
      %dma_wait3A_302 = arith.constant 0 : i32
      %dma_wait3A_303 = arith.constant 0 : i32
      %dma_wait3A_304 = tpu.memref_slice %arg3[%add3A_298, %dma_wait3A_302, %dma_wait3A_303] : memref<2500x2x128xi32, #tpu.memory_space<hbm>> -> memref<1x2x128xi32, #tpu.memory_space<hbm>>
      %dma_wait3A_305 = tpu.memref_squeeze %dma_wait3A_304 : memref<1x2x128xi32, #tpu.memory_space<hbm>> -> memref<2x128xi32, #tpu.memory_space<hbm>>
      tpu.wait_dma2 semaphore(%arg13 : memref<!tpu.dma_semaphore, #tpu.memory_space<semaphore_mem>>) src(%dma_wait3A_305 : memref<2x128xi32, #tpu.memory_space<hbm>>) dst(%arg5 : memref<2x128xi32, #tpu.memory_space<vmem>>)
    } else {
    }
    %ge3A_66 = arith.constant 0 : i32
    %ge3A_67 = arith.constant 0 : i32
    %ge3A_68 = arith.cmpi sge, %ge3A_66, %ge3A_67 : i32
    %add3A_69 = arith.constant 0 : i32
    %add3A_70 = arith.addi %add3A, %add3A_69 : i32
    %lt3A_71 = arith.constant 2500 : i32
    %lt3A_72 = arith.cmpi slt, %add3A_70, %lt3A_71 : i32
    %and3A_73 = arith.andi %ge3A_68, %lt3A_72 : i1
    %convert_element_type3A_74 = arith.extui %and3A_73 : i1 to i32
    %cond3A_75 = arith.constant 0 : i32
    %cond3A_76 = arith.cmpi ne, %convert_element_type3A_74, %cond3A_75 : i32
    scf.if %cond3A_76 {
      %add3A_297 = arith.constant 0 : i32
      %add3A_298 = arith.addi %add3A, %add3A_297 : i32
      %dma_start3A = arith.constant 0 : i32
      %dma_start3A_299 = arith.constant 0 : i32
      %dma_start3A_300 = tpu.memref_slice %arg5[%dma_start3A, %dma_start3A_299] : memref<2x128xi32, #tpu.memory_space<vmem>> -> memref<1x128xi32, #tpu.memory_space<vmem>>
      %dma_start3A_301 = tpu.memref_squeeze %dma_start3A_300 : memref<1x128xi32, #tpu.memory_space<vmem>> -> memref<128xi32, #tpu.memory_space<vmem>>
      %dma_start3A_302 = arith.constant 0 : i32
      %dma_start3A_303 = arith.constant 0 : i32
      %dma_start3A_304 = tpu.memref_slice %arg2[%dma_start3A_302, %dma_start3A_303] : memref<10000x128xf32, #tpu.memory_space<hbm>> -> memref<10000x128xf32, #tpu.memory_space<hbm>>
      tpu.enqueue_indirect_dma source(%dma_start3A_304 : memref<10000x128xf32, #tpu.memory_space<hbm>>) target(%arg9 : memref<128x128xf32, #tpu.memory_space<vmem>>) offsets(%dma_start3A_301 : memref<128xi32, #tpu.memory_space<vmem>>) semaphore(%arg17 : memref<!tpu.dma_semaphore, #tpu.memory_space<semaphore_mem>>)
    } else {
    }
    %scan3A_77 = arith.constant 0 : i32
    %scan3A_78 = arith.constant 0 : i32
    %scan3A_79 = arith.constant 19 : i32
    %scan3A_80 = arith.addi %scan3A_78, %scan3A_79 : i32
    %scan3A_81 = arith.constant 1 : i32
    scf.for %scan3A_297 = %scan3A_78 to %scan3A_80 step %scan3A_81  : i32 {
      %mul3A_298 = arith.constant 4 : i32
      %mul3A_299 = arith.muli %mul3A_298, %scan3A_297 : i32
      %add3A_300 = arith.constant 0 : i32
      %add3A_301 = arith.addi %mul3A_299, %add3A_300 : i32
      %ge3A_302 = arith.constant 0 : i32
      %ge3A_303 = arith.cmpi sge, %add3A_301, %ge3A_302 : i32
      %mul3A_304 = arith.constant 32 : i32
      %mul3A_305 = arith.muli %mul3A_304, %add3A_301 : i32
      %add3A_306 = arith.addi %add3A, %mul3A_305 : i32
      %lt3A_307 = arith.constant 2500 : i32
      %lt3A_308 = arith.cmpi slt, %add3A_306, %lt3A_307 : i32
      %and3A_309 = arith.andi %ge3A_303, %lt3A_308 : i1
      %convert_element_type3A_310 = arith.extui %and3A_309 : i1 to i32
      %cond3A_311 = arith.constant 0 : i32
      %cond3A_312 = arith.cmpi ne, %convert_element_type3A_310, %cond3A_311 : i32
      scf.if %cond3A_312 {
        %mul3A_609 = arith.constant 32 : i32
        %mul3A_610 = arith.muli %mul3A_609, %add3A_301 : i32
        %add3A_611 = arith.addi %add3A, %mul3A_610 : i32
        %dma_wait3A = arith.constant 0 : i32
        %dma_wait3A_612 = arith.constant 0 : i32
        %dma_wait3A_613 = tpu.memref_slice %arg5[%dma_wait3A, %dma_wait3A_612] : memref<2x128xi32, #tpu.memory_space<vmem>> -> memref<1x128xi32, #tpu.memory_space<vmem>>
        %dma_wait3A_614 = tpu.memref_squeeze %dma_wait3A_613 : memref<1x128xi32, #tpu.memory_space<vmem>> -> memref<128xi32, #tpu.memory_space<vmem>>
        %dma_wait3A_615 = arith.constant 0 : i32
        %dma_wait3A_616 = arith.constant 0 : i32
        %dma_wait3A_617 = tpu.memref_slice %arg2[%dma_wait3A_615, %dma_wait3A_616] : memref<10000x128xf32, #tpu.memory_space<hbm>> -> memref<10000x128xf32, #tpu.memory_space<hbm>>
        tpu.wait_indirect_dma semaphore(%arg17 : memref<!tpu.dma_semaphore, #tpu.memory_space<semaphore_mem>>) src(%dma_wait3A_617 : memref<10000x128xf32, #tpu.memory_space<hbm>>) dst(%arg9 : memref<128x128xf32, #tpu.memory_space<vmem>>)
      } else {
      }
      %ge3A_313 = arith.constant 0 : i32
      %ge3A_314 = arith.cmpi sge, %add3A_301, %ge3A_313 : i32
      %mul3A_315 = arith.constant 32 : i32
      %mul3A_316 = arith.muli %mul3A_315, %add3A_301 : i32
      %add3A_317 = arith.addi %add3A, %mul3A_316 : i32
      %lt3A_318 = arith.constant 2500 : i32
      %lt3A_319 = arith.cmpi slt, %add3A_317, %lt3A_318 : i32
      %and3A_320 = arith.andi %ge3A_314, %lt3A_319 : i1
      %convert_element_type3A_321 = arith.extui %and3A_320 : i1 to i32
      %cond3A_322 = arith.constant 0 : i32
      %cond3A_323 = arith.cmpi ne, %convert_element_type3A_321, %cond3A_322 : i32
      scf.if %cond3A_323 {
        %mul3A_609 = arith.constant 32 : i32
        %mul3A_610 = arith.muli %mul3A_609, %add3A_301 : i32
        %add3A_611 = arith.addi %add3A, %mul3A_610 : i32
        %dma_start3A = arith.constant 1 : i32
        %dma_start3A_612 = arith.constant 0 : i32
        %dma_start3A_613 = tpu.memref_slice %arg5[%dma_start3A, %dma_start3A_612] : memref<2x128xi32, #tpu.memory_space<vmem>> -> memref<1x128xi32, #tpu.memory_space<vmem>>
        %dma_start3A_614 = tpu.memref_squeeze %dma_start3A_613 : memref<1x128xi32, #tpu.memory_space<vmem>> -> memref<128xi32, #tpu.memory_space<vmem>>
        %dma_start3A_615 = arith.constant 0 : i32
        %dma_start3A_616 = arith.constant 0 : i32
        %dma_start3A_617 = tpu.memref_slice %arg12[%dma_start3A_615, %dma_start3A_616] : memref<10000x128xf32, #tpu.memory_space<vmem_shared>> -> memref<10000x128xf32, #tpu.memory_space<vmem_shared>>
        tpu.enqueue_indirect_dma source(%arg9 : memref<128x128xf32, #tpu.memory_space<vmem>>) target(%dma_start3A_617 : memref<10000x128xf32, #tpu.memory_space<vmem_shared>>) offsets(%dma_start3A_614 : memref<128xi32, #tpu.memory_space<vmem>>) semaphore(%arg19 : memref<!tpu.dma_semaphore, #tpu.memory_space<semaphore_mem>>) {add = true}
      } else {
      }
      %add3A_324 = arith.constant 1 : i32
      %add3A_325 = arith.addi %add3A_301, %add3A_324 : i32
      %ge3A_326 = arith.constant 0 : i32
      %ge3A_327 = arith.cmpi sge, %add3A_325, %ge3A_326 : i32
      %mul3A_328 = arith.constant 32 : i32
      %mul3A_329 = arith.muli %mul3A_328, %add3A_325 : i32
      %add3A_330 = arith.addi %add3A, %mul3A_329 : i32
      %lt3A_331 = arith.constant 2500 : i32
      %lt3A_332 = arith.cmpi slt, %add3A_330, %lt3A_331 : i32
      %and3A_333 = arith.andi %ge3A_327, %lt3A_332 : i1
      %convert_element_type3A_334 = arith.extui %and3A_333 : i1 to i32
      %cond3A_335 = arith.constant 0 : i32
      %cond3A_336 = arith.cmpi ne, %convert_element_type3A_334, %cond3A_335 : i32
      scf.if %cond3A_336 {
        %mul3A_609 = arith.constant 32 : i32
        %mul3A_610 = arith.muli %mul3A_609, %add3A_325 : i32
        %add3A_611 = arith.addi %add3A, %mul3A_610 : i32
        %dma_wait3A = arith.constant 0 : i32
        %dma_wait3A_612 = arith.constant 0 : i32
        %dma_wait3A_613 = tpu.memref_slice %arg3[%add3A_611, %dma_wait3A, %dma_wait3A_612] : memref<2500x2x128xi32, #tpu.memory_space<hbm>> -> memref<1x2x128xi32, #tpu.memory_space<hbm>>
        %dma_wait3A_614 = tpu.memref_squeeze %dma_wait3A_613 : memref<1x2x128xi32, #tpu.memory_space<hbm>> -> memref<2x128xi32, #tpu.memory_space<hbm>>
        %dma_wait3A_615 = arith.constant 0 : i32
        %dma_wait3A_616 = arith.constant 0 : i32
        %dma_wait3A_617 = tpu.memref_slice %arg3[%add3A_611, %dma_wait3A_615, %dma_wait3A_616] : memref<2500x2x128xi32, #tpu.memory_space<hbm>> -> memref<1x2x128xi32, #tpu.memory_space<hbm>>
        %dma_wait3A_618 = tpu.memref_squeeze %dma_wait3A_617 : memref<1x2x128xi32, #tpu.memory_space<hbm>> -> memref<2x128xi32, #tpu.memory_space<hbm>>
        tpu.wait_dma2 semaphore(%arg14 : memref<!tpu.dma_semaphore, #tpu.memory_space<semaphore_mem>>) src(%dma_wait3A_618 : memref<2x128xi32, #tpu.memory_space<hbm>>) dst(%arg6 : memref<2x128xi32, #tpu.memory_space<vmem>>)
      } else {
      }
      %sub3A = arith.constant 1 : i32
      %sub3A_337 = arith.subi %add3A_301, %sub3A : i32
      %ge3A_338 = arith.constant 0 : i32
      %ge3A_339 = arith.cmpi sge, %sub3A_337, %ge3A_338 : i32
      %mul3A_340 = arith.constant 32 : i32
      %mul3A_341 = arith.muli %mul3A_340, %sub3A_337 : i32
      %add3A_342 = arith.addi %add3A, %mul3A_341 : i32
      %lt3A_343 = arith.constant 2500 : i32
      %lt3A_344 = arith.cmpi slt, %add3A_342, %lt3A_343 : i32
      %and3A_345 = arith.andi %ge3A_339, %lt3A_344 : i1
      %convert_element_type3A_346 = arith.extui %and3A_345 : i1 to i32
      %cond3A_347 = arith.constant 0 : i32
      %cond3A_348 = arith.cmpi ne, %convert_element_type3A_346, %cond3A_347 : i32
      scf.if %cond3A_348 {
        %mul3A_609 = arith.constant 32 : i32
        %mul3A_610 = arith.muli %mul3A_609, %sub3A_337 : i32
        %add3A_611 = arith.addi %add3A, %mul3A_610 : i32
        %dma_wait3A = arith.constant 1 : i32
        %dma_wait3A_612 = arith.constant 0 : i32
        %dma_wait3A_613 = tpu.memref_slice %arg8[%dma_wait3A, %dma_wait3A_612] : memref<2x128xi32, #tpu.memory_space<vmem>> -> memref<1x128xi32, #tpu.memory_space<vmem>>
        %dma_wait3A_614 = tpu.memref_squeeze %dma_wait3A_613 : memref<1x128xi32, #tpu.memory_space<vmem>> -> memref<128xi32, #tpu.memory_space<vmem>>
        %dma_wait3A_615 = arith.constant 0 : i32
        %dma_wait3A_616 = arith.constant 0 : i32
        %dma_wait3A_617 = tpu.memref_slice %arg12[%dma_wait3A_615, %dma_wait3A_616] : memref<10000x128xf32, #tpu.memory_space<vmem_shared>> -> memref<10000x128xf32, #tpu.memory_space<vmem_shared>>
        tpu.wait_indirect_dma semaphore(%arg20 : memref<!tpu.dma_semaphore, #tpu.memory_space<semaphore_mem>>) src(%arg10 : memref<128x128xf32, #tpu.memory_space<vmem>>) dst(%dma_wait3A_617 : memref<10000x128xf32, #tpu.memory_space<vmem_shared>>)
      } else {
      }
      %add3A_349 = arith.constant 1 : i32
      %add3A_350 = arith.addi %add3A_301, %add3A_349 : i32
      %ge3A_351 = arith.constant 0 : i32
      %ge3A_352 = arith.cmpi sge, %add3A_350, %ge3A_351 : i32
      %mul3A_353 = arith.constant 32 : i32
      %mul3A_354 = arith.muli %mul3A_353, %add3A_350 : i32
      %add3A_355 = arith.addi %add3A, %mul3A_354 : i32
      %lt3A_356 = arith.constant 2500 : i32
      %lt3A_357 = arith.cmpi slt, %add3A_355, %lt3A_356 : i32
      %and3A_358 = arith.andi %ge3A_352, %lt3A_357 : i1
      %convert_element_type3A_359 = arith.extui %and3A_358 : i1 to i32
      %cond3A_360 = arith.constant 0 : i32
      %cond3A_361 = arith.cmpi ne, %convert_element_type3A_359, %cond3A_360 : i32
      scf.if %cond3A_361 {
        %mul3A_609 = arith.constant 32 : i32
        %mul3A_610 = arith.muli %mul3A_609, %add3A_350 : i32
        %add3A_611 = arith.addi %add3A, %mul3A_610 : i32
        %dma_start3A = arith.constant 0 : i32
        %dma_start3A_612 = arith.constant 0 : i32
        %dma_start3A_613 = tpu.memref_slice %arg6[%dma_start3A, %dma_start3A_612] : memref<2x128xi32, #tpu.memory_space<vmem>> -> memref<1x128xi32, #tpu.memory_space<vmem>>
        %dma_start3A_614 = tpu.memref_squeeze %dma_start3A_613 : memref<1x128xi32, #tpu.memory_space<vmem>> -> memref<128xi32, #tpu.memory_space<vmem>>
        %dma_start3A_615 = arith.constant 0 : i32
        %dma_start3A_616 = arith.constant 0 : i32
        %dma_start3A_617 = tpu.memref_slice %arg2[%dma_start3A_615, %dma_start3A_616] : memref<10000x128xf32, #tpu.memory_space<hbm>> -> memref<10000x128xf32, #tpu.memory_space<hbm>>
        tpu.enqueue_indirect_dma source(%dma_start3A_617 : memref<10000x128xf32, #tpu.memory_space<hbm>>) target(%arg10 : memref<128x128xf32, #tpu.memory_space<vmem>>) offsets(%dma_start3A_614 : memref<128xi32, #tpu.memory_space<vmem>>) semaphore(%arg18 : memref<!tpu.dma_semaphore, #tpu.memory_space<semaphore_mem>>)
      } else {
      }
      %add3A_362 = arith.constant 3 : i32
      %add3A_363 = arith.addi %add3A_301, %add3A_362 : i32
      %ge3A_364 = arith.constant 0 : i32
      %ge3A_365 = arith.cmpi sge, %add3A_363, %ge3A_364 : i32
      %mul3A_366 = arith.constant 32 : i32
      %mul3A_367 = arith.muli %mul3A_366, %add3A_363 : i32
      %add3A_368 = arith.addi %add3A, %mul3A_367 : i32
      %lt3A_369 = arith.constant 2500 : i32
      %lt3A_370 = arith.cmpi slt, %add3A_368, %lt3A_369 : i32
      %and3A_371 = arith.andi %ge3A_365, %lt3A_370 : i1
      %convert_element_type3A_372 = arith.extui %and3A_371 : i1 to i32
      %cond3A_373 = arith.constant 0 : i32
      %cond3A_374 = arith.cmpi ne, %convert_element_type3A_372, %cond3A_373 : i32
      scf.if %cond3A_374 {
        %mul3A_609 = arith.constant 32 : i32
        %mul3A_610 = arith.muli %mul3A_609, %add3A_363 : i32
        %add3A_611 = arith.addi %add3A, %mul3A_610 : i32
        %dma_start3A = arith.constant 0 : i32
        %dma_start3A_612 = arith.constant 0 : i32
        %dma_start3A_613 = tpu.memref_slice %arg3[%add3A_611, %dma_start3A, %dma_start3A_612] : memref<2500x2x128xi32, #tpu.memory_space<hbm>> -> memref<1x2x128xi32, #tpu.memory_space<hbm>>
        %dma_start3A_614 = tpu.memref_squeeze %dma_start3A_613 : memref<1x2x128xi32, #tpu.memory_space<hbm>> -> memref<2x128xi32, #tpu.memory_space<hbm>>
        %dma_start3A_615 = arith.constant 0 : i32
        %dma_start3A_616 = arith.constant 0 : i32
        %dma_start3A_617 = tpu.memref_slice %arg3[%add3A_611, %dma_start3A_615, %dma_start3A_616] : memref<2500x2x128xi32, #tpu.memory_space<hbm>> -> memref<1x2x128xi32, #tpu.memory_space<hbm>>
        %dma_start3A_618 = tpu.memref_squeeze %dma_start3A_617 : memref<1x2x128xi32, #tpu.memory_space<hbm>> -> memref<2x128xi32, #tpu.memory_space<hbm>>
        tpu.enqueue_dma source(%dma_start3A_618 : memref<2x128xi32, #tpu.memory_space<hbm>>) target(%arg8 : memref<2x128xi32, #tpu.memory_space<vmem>>) target_semaphore(%arg16 : memref<!tpu.dma_semaphore, #tpu.memory_space<semaphore_mem>>)
      } else {
      }
      %mul3A_375 = arith.constant 4 : i32
      %mul3A_376 = arith.muli %mul3A_375, %scan3A_297 : i32
      %add3A_377 = arith.constant 1 : i32
      %add3A_378 = arith.addi %mul3A_376, %add3A_377 : i32
      %ge3A_379 = arith.constant 0 : i32
      %ge3A_380 = arith.cmpi sge, %add3A_378, %ge3A_379 : i32
      %mul3A_381 = arith.constant 32 : i32
      %mul3A_382 = arith.muli %mul3A_381, %add3A_378 : i32
      %add3A_383 = arith.addi %add3A, %mul3A_382 : i32
      %lt3A_384 = arith.constant 2500 : i32
      %lt3A_385 = arith.cmpi slt, %add3A_383, %lt3A_384 : i32
      %and3A_386 = arith.andi %ge3A_380, %lt3A_385 : i1
      %convert_element_type3A_387 = arith.extui %and3A_386 : i1 to i32
      %cond3A_388 = arith.constant 0 : i32
      %cond3A_389 = arith.cmpi ne, %convert_element_type3A_387, %cond3A_388 : i32
      scf.if %cond3A_389 {
        %mul3A_609 = arith.constant 32 : i32
        %mul3A_610 = arith.muli %mul3A_609, %add3A_378 : i32
        %add3A_611 = arith.addi %add3A, %mul3A_610 : i32
        %dma_wait3A = arith.constant 0 : i32
        %dma_wait3A_612 = arith.constant 0 : i32
        %dma_wait3A_613 = tpu.memref_slice %arg6[%dma_wait3A, %dma_wait3A_612] : memref<2x128xi32, #tpu.memory_space<vmem>> -> memref<1x128xi32, #tpu.memory_space<vmem>>
        %dma_wait3A_614 = tpu.memref_squeeze %dma_wait3A_613 : memref<1x128xi32, #tpu.memory_space<vmem>> -> memref<128xi32, #tpu.memory_space<vmem>>
        %dma_wait3A_615 = arith.constant 0 : i32
        %dma_wait3A_616 = arith.constant 0 : i32
        %dma_wait3A_617 = tpu.memref_slice %arg2[%dma_wait3A_615, %dma_wait3A_616] : memref<10000x128xf32, #tpu.memory_space<hbm>> -> memref<10000x128xf32, #tpu.memory_space<hbm>>
        tpu.wait_indirect_dma semaphore(%arg18 : memref<!tpu.dma_semaphore, #tpu.memory_space<semaphore_mem>>) src(%dma_wait3A_617 : memref<10000x128xf32, #tpu.memory_space<hbm>>) dst(%arg10 : memref<128x128xf32, #tpu.memory_space<vmem>>)
      } else {
      }
      %ge3A_390 = arith.constant 0 : i32
      %ge3A_391 = arith.cmpi sge, %add3A_378, %ge3A_390 : i32
      %mul3A_392 = arith.constant 32 : i32
      %mul3A_393 = arith.muli %mul3A_392, %add3A_378 : i32
      %add3A_394 = arith.addi %add3A, %mul3A_393 : i32
      %lt3A_395 = arith.constant 2500 : i32
      %lt3A_396 = arith.cmpi slt, %add3A_394, %lt3A_395 : i32
      %and3A_397 = arith.andi %ge3A_391, %lt3A_396 : i1
      %convert_element_type3A_398 = arith.extui %and3A_397 : i1 to i32
      %cond3A_399 = arith.constant 0 : i32
      %cond3A_400 = arith.cmpi ne, %convert_element_type3A_398, %cond3A_399 : i32
      scf.if %cond3A_400 {
        %mul3A_609 = arith.constant 32 : i32
        %mul3A_610 = arith.muli %mul3A_609, %add3A_378 : i32
        %add3A_611 = arith.addi %add3A, %mul3A_610 : i32
        %dma_start3A = arith.constant 1 : i32
        %dma_start3A_612 = arith.constant 0 : i32
        %dma_start3A_613 = tpu.memref_slice %arg6[%dma_start3A, %dma_start3A_612] : memref<2x128xi32, #tpu.memory_space<vmem>> -> memref<1x128xi32, #tpu.memory_space<vmem>>
        %dma_start3A_614 = tpu.memref_squeeze %dma_start3A_613 : memref<1x128xi32, #tpu.memory_space<vmem>> -> memref<128xi32, #tpu.memory_space<vmem>>
        %dma_start3A_615 = arith.constant 0 : i32
        %dma_start3A_616 = arith.constant 0 : i32
        %dma_start3A_617 = tpu.memref_slice %arg12[%dma_start3A_615, %dma_start3A_616] : memref<10000x128xf32, #tpu.memory_space<vmem_shared>> -> memref<10000x128xf32, #tpu.memory_space<vmem_shared>>
        tpu.enqueue_indirect_dma source(%arg10 : memref<128x128xf32, #tpu.memory_space<vmem>>) target(%dma_start3A_617 : memref<10000x128xf32, #tpu.memory_space<vmem_shared>>) offsets(%dma_start3A_614 : memref<128xi32, #tpu.memory_space<vmem>>) semaphore(%arg20 : memref<!tpu.dma_semaphore, #tpu.memory_space<semaphore_mem>>) {add = true}
      } else {
      }
      %add3A_401 = arith.constant 1 : i32
      %add3A_402 = arith.addi %add3A_378, %add3A_401 : i32
      %ge3A_403 = arith.constant 0 : i32
      %ge3A_404 = arith.cmpi sge, %add3A_402, %ge3A_403 : i32
      %mul3A_405 = arith.constant 32 : i32
      %mul3A_406 = arith.muli %mul3A_405, %add3A_402 : i32
      %add3A_407 = arith.addi %add3A, %mul3A_406 : i32
      %lt3A_408 = arith.constant 2500 : i32
      %lt3A_409 = arith.cmpi slt, %add3A_407, %lt3A_408 : i32
      %and3A_410 = arith.andi %ge3A_404, %lt3A_409 : i1
      %convert_element_type3A_411 = arith.extui %and3A_410 : i1 to i32
      %cond3A_412 = arith.constant 0 : i32
      %cond3A_413 = arith.cmpi ne, %convert_element_type3A_411, %cond3A_412 : i32
      scf.if %cond3A_413 {
        %mul3A_609 = arith.constant 32 : i32
        %mul3A_610 = arith.muli %mul3A_609, %add3A_402 : i32
        %add3A_611 = arith.addi %add3A, %mul3A_610 : i32
        %dma_wait3A = arith.constant 0 : i32
        %dma_wait3A_612 = arith.constant 0 : i32
        %dma_wait3A_613 = tpu.memref_slice %arg3[%add3A_611, %dma_wait3A, %dma_wait3A_612] : memref<2500x2x128xi32, #tpu.memory_space<hbm>> -> memref<1x2x128xi32, #tpu.memory_space<hbm>>
        %dma_wait3A_614 = tpu.memref_squeeze %dma_wait3A_613 : memref<1x2x128xi32, #tpu.memory_space<hbm>> -> memref<2x128xi32, #tpu.memory_space<hbm>>
        %dma_wait3A_615 = arith.constant 0 : i32
        %dma_wait3A_616 = arith.constant 0 : i32
        %dma_wait3A_617 = tpu.memref_slice %arg3[%add3A_611, %dma_wait3A_615, %dma_wait3A_616] : memref<2500x2x128xi32, #tpu.memory_space<hbm>> -> memref<1x2x128xi32, #tpu.memory_space<hbm>>
        %dma_wait3A_618 = tpu.memref_squeeze %dma_wait3A_617 : memref<1x2x128xi32, #tpu.memory_space<hbm>> -> memref<2x128xi32, #tpu.memory_space<hbm>>
        tpu.wait_dma2 semaphore(%arg15 : memref<!tpu.dma_semaphore, #tpu.memory_space<semaphore_mem>>) src(%dma_wait3A_618 : memref<2x128xi32, #tpu.memory_space<hbm>>) dst(%arg7 : memref<2x128xi32, #tpu.memory_space<vmem>>)
      } else {
      }
      %sub3A_414 = arith.constant 1 : i32
      %sub3A_415 = arith.subi %add3A_378, %sub3A_414 : i32
      %ge3A_416 = arith.constant 0 : i32
      %ge3A_417 = arith.cmpi sge, %sub3A_415, %ge3A_416 : i32
      %mul3A_418 = arith.constant 32 : i32
      %mul3A_419 = arith.muli %mul3A_418, %sub3A_415 : i32
      %add3A_420 = arith.addi %add3A, %mul3A_419 : i32
      %lt3A_421 = arith.constant 2500 : i32
      %lt3A_422 = arith.cmpi slt, %add3A_420, %lt3A_421 : i32
      %and3A_423 = arith.andi %ge3A_417, %lt3A_422 : i1
      %convert_element_type3A_424 = arith.extui %and3A_423 : i1 to i32
      %cond3A_425 = arith.constant 0 : i32
      %cond3A_426 = arith.cmpi ne, %convert_element_type3A_424, %cond3A_425 : i32
      scf.if %cond3A_426 {
        %mul3A_609 = arith.constant 32 : i32
        %mul3A_610 = arith.muli %mul3A_609, %sub3A_415 : i32
        %add3A_611 = arith.addi %add3A, %mul3A_610 : i32
        %dma_wait3A = arith.constant 1 : i32
        %dma_wait3A_612 = arith.constant 0 : i32
        %dma_wait3A_613 = tpu.memref_slice %arg5[%dma_wait3A, %dma_wait3A_612] : memref<2x128xi32, #tpu.memory_space<vmem>> -> memref<1x128xi32, #tpu.memory_space<vmem>>
        %dma_wait3A_614 = tpu.memref_squeeze %dma_wait3A_613 : memref<1x128xi32, #tpu.memory_space<vmem>> -> memref<128xi32, #tpu.memory_space<vmem>>
        %dma_wait3A_615 = arith.constant 0 : i32
        %dma_wait3A_616 = arith.constant 0 : i32
        %dma_wait3A_617 = tpu.memref_slice %arg12[%dma_wait3A_615, %dma_wait3A_616] : memref<10000x128xf32, #tpu.memory_space<vmem_shared>> -> memref<10000x128xf32, #tpu.memory_space<vmem_shared>>
        tpu.wait_indirect_dma semaphore(%arg19 : memref<!tpu.dma_semaphore, #tpu.memory_space<semaphore_mem>>) src(%arg9 : memref<128x128xf32, #tpu.memory_space<vmem>>) dst(%dma_wait3A_617 : memref<10000x128xf32, #tpu.memory_space<vmem_shared>>)
      } else {
      }
      %add3A_427 = arith.constant 1 : i32
      %add3A_428 = arith.addi %add3A_378, %add3A_427 : i32
      %ge3A_429 = arith.constant 0 : i32
      %ge3A_430 = arith.cmpi sge, %add3A_428, %ge3A_429 : i32
      %mul3A_431 = arith.constant 32 : i32
      %mul3A_432 = arith.muli %mul3A_431, %add3A_428 : i32
      %add3A_433 = arith.addi %add3A, %mul3A_432 : i32
      %lt3A_434 = arith.constant 2500 : i32
      %lt3A_435 = arith.cmpi slt, %add3A_433, %lt3A_434 : i32
      %and3A_436 = arith.andi %ge3A_430, %lt3A_435 : i1
      %convert_element_type3A_437 = arith.extui %and3A_436 : i1 to i32
      %cond3A_438 = arith.constant 0 : i32
      %cond3A_439 = arith.cmpi ne, %convert_element_type3A_437, %cond3A_438 : i32
      scf.if %cond3A_439 {
        %mul3A_609 = arith.constant 32 : i32
        %mul3A_610 = arith.muli %mul3A_609, %add3A_428 : i32
        %add3A_611 = arith.addi %add3A, %mul3A_610 : i32
        %dma_start3A = arith.constant 0 : i32
        %dma_start3A_612 = arith.constant 0 : i32
        %dma_start3A_613 = tpu.memref_slice %arg7[%dma_start3A, %dma_start3A_612] : memref<2x128xi32, #tpu.memory_space<vmem>> -> memref<1x128xi32, #tpu.memory_space<vmem>>
        %dma_start3A_614 = tpu.memref_squeeze %dma_start3A_613 : memref<1x128xi32, #tpu.memory_space<vmem>> -> memref<128xi32, #tpu.memory_space<vmem>>
        %dma_start3A_615 = arith.constant 0 : i32
        %dma_start3A_616 = arith.constant 0 : i32
        %dma_start3A_617 = tpu.memref_slice %arg2[%dma_start3A_615, %dma_start3A_616] : memref<10000x128xf32, #tpu.memory_space<hbm>> -> memref<10000x128xf32, #tpu.memory_space<hbm>>
        tpu.enqueue_indirect_dma source(%dma_start3A_617 : memref<10000x128xf32, #tpu.memory_space<hbm>>) target(%arg9 : memref<128x128xf32, #tpu.memory_space<vmem>>) offsets(%dma_start3A_614 : memref<128xi32, #tpu.memory_space<vmem>>) semaphore(%arg17 : memref<!tpu.dma_semaphore, #tpu.memory_space<semaphore_mem>>)
      } else {
      }
      %add3A_440 = arith.constant 3 : i32
      %add3A_441 = arith.addi %add3A_378, %add3A_440 : i32
      %ge3A_442 = arith.constant 0 : i32
      %ge3A_443 = arith.cmpi sge, %add3A_441, %ge3A_442 : i32
      %mul3A_444 = arith.constant 32 : i32
      %mul3A_445 = arith.muli %mul3A_444, %add3A_441 : i32
      %add3A_446 = arith.addi %add3A, %mul3A_445 : i32
      %lt3A_447 = arith.constant 2500 : i32
      %lt3A_448 = arith.cmpi slt, %add3A_446, %lt3A_447 : i32
      %and3A_449 = arith.andi %ge3A_443, %lt3A_448 : i1
      %convert_element_type3A_450 = arith.extui %and3A_449 : i1 to i32
      %cond3A_451 = arith.constant 0 : i32
      %cond3A_452 = arith.cmpi ne, %convert_element_type3A_450, %cond3A_451 : i32
      scf.if %cond3A_452 {
        %mul3A_609 = arith.constant 32 : i32
        %mul3A_610 = arith.muli %mul3A_609, %add3A_441 : i32
        %add3A_611 = arith.addi %add3A, %mul3A_610 : i32
        %dma_start3A = arith.constant 0 : i32
        %dma_start3A_612 = arith.constant 0 : i32
        %dma_start3A_613 = tpu.memref_slice %arg3[%add3A_611, %dma_start3A, %dma_start3A_612] : memref<2500x2x128xi32, #tpu.memory_space<hbm>> -> memref<1x2x128xi32, #tpu.memory_space<hbm>>
        %dma_start3A_614 = tpu.memref_squeeze %dma_start3A_613 : memref<1x2x128xi32, #tpu.memory_space<hbm>> -> memref<2x128xi32, #tpu.memory_space<hbm>>
        %dma_start3A_615 = arith.constant 0 : i32
        %dma_start3A_616 = arith.constant 0 : i32
        %dma_start3A_617 = tpu.memref_slice %arg3[%add3A_611, %dma_start3A_615, %dma_start3A_616] : memref<2500x2x128xi32, #tpu.memory_space<hbm>> -> memref<1x2x128xi32, #tpu.memory_space<hbm>>
        %dma_start3A_618 = tpu.memref_squeeze %dma_start3A_617 : memref<1x2x128xi32, #tpu.memory_space<hbm>> -> memref<2x128xi32, #tpu.memory_space<hbm>>
        tpu.enqueue_dma source(%dma_start3A_618 : memref<2x128xi32, #tpu.memory_space<hbm>>) target(%arg5 : memref<2x128xi32, #tpu.memory_space<vmem>>) target_semaphore(%arg13 : memref<!tpu.dma_semaphore, #tpu.memory_space<semaphore_mem>>)
      } else {
      }
      %mul3A_453 = arith.constant 4 : i32
      %mul3A_454 = arith.muli %mul3A_453, %scan3A_297 : i32
      %add3A_455 = arith.constant 2 : i32
      %add3A_456 = arith.addi %mul3A_454, %add3A_455 : i32
      %ge3A_457 = arith.constant 0 : i32
      %ge3A_458 = arith.cmpi sge, %add3A_456, %ge3A_457 : i32
      %mul3A_459 = arith.constant 32 : i32
      %mul3A_460 = arith.muli %mul3A_459, %add3A_456 : i32
      %add3A_461 = arith.addi %add3A, %mul3A_460 : i32
      %lt3A_462 = arith.constant 2500 : i32
      %lt3A_463 = arith.cmpi slt, %add3A_461, %lt3A_462 : i32
      %and3A_464 = arith.andi %ge3A_458, %lt3A_463 : i1
      %convert_element_type3A_465 = arith.extui %and3A_464 : i1 to i32
      %cond3A_466 = arith.constant 0 : i32
      %cond3A_467 = arith.cmpi ne, %convert_element_type3A_465, %cond3A_466 : i32
      scf.if %cond3A_467 {
        %mul3A_609 = arith.constant 32 : i32
        %mul3A_610 = arith.muli %mul3A_609, %add3A_456 : i32
        %add3A_611 = arith.addi %add3A, %mul3A_610 : i32
        %dma_wait3A = arith.constant 0 : i32
        %dma_wait3A_612 = arith.constant 0 : i32
        %dma_wait3A_613 = tpu.memref_slice %arg7[%dma_wait3A, %dma_wait3A_612] : memref<2x128xi32, #tpu.memory_space<vmem>> -> memref<1x128xi32, #tpu.memory_space<vmem>>
        %dma_wait3A_614 = tpu.memref_squeeze %dma_wait3A_613 : memref<1x128xi32, #tpu.memory_space<vmem>> -> memref<128xi32, #tpu.memory_space<vmem>>
        %dma_wait3A_615 = arith.constant 0 : i32
        %dma_wait3A_616 = arith.constant 0 : i32
        %dma_wait3A_617 = tpu.memref_slice %arg2[%dma_wait3A_615, %dma_wait3A_616] : memref<10000x128xf32, #tpu.memory_space<hbm>> -> memref<10000x128xf32, #tpu.memory_space<hbm>>
        tpu.wait_indirect_dma semaphore(%arg17 : memref<!tpu.dma_semaphore, #tpu.memory_space<semaphore_mem>>) src(%dma_wait3A_617 : memref<10000x128xf32, #tpu.memory_space<hbm>>) dst(%arg9 : memref<128x128xf32, #tpu.memory_space<vmem>>)
      } else {
      }
      %ge3A_468 = arith.constant 0 : i32
      %ge3A_469 = arith.cmpi sge, %add3A_456, %ge3A_468 : i32
      %mul3A_470 = arith.constant 32 : i32
      %mul3A_471 = arith.muli %mul3A_470, %add3A_456 : i32
      %add3A_472 = arith.addi %add3A, %mul3A_471 : i32
      %lt3A_473 = arith.constant 2500 : i32
      %lt3A_474 = arith.cmpi slt, %add3A_472, %lt3A_473 : i32
      %and3A_475 = arith.andi %ge3A_469, %lt3A_474 : i1
      %convert_element_type3A_476 = arith.extui %and3A_475 : i1 to i32
      %cond3A_477 = arith.constant 0 : i32
      %cond3A_478 = arith.cmpi ne, %convert_element_type3A_476, %cond3A_477 : i32
      scf.if %cond3A_478 {
        %mul3A_609 = arith.constant 32 : i32
        %mul3A_610 = arith.muli %mul3A_609, %add3A_456 : i32
        %add3A_611 = arith.addi %add3A, %mul3A_610 : i32
        %dma_start3A = arith.constant 1 : i32
        %dma_start3A_612 = arith.constant 0 : i32
        %dma_start3A_613 = tpu.memref_slice %arg7[%dma_start3A, %dma_start3A_612] : memref<2x128xi32, #tpu.memory_space<vmem>> -> memref<1x128xi32, #tpu.memory_space<vmem>>
        %dma_start3A_614 = tpu.memref_squeeze %dma_start3A_613 : memref<1x128xi32, #tpu.memory_space<vmem>> -> memref<128xi32, #tpu.memory_space<vmem>>
        %dma_start3A_615 = arith.constant 0 : i32
        %dma_start3A_616 = arith.constant 0 : i32
        %dma_start3A_617 = tpu.memref_slice %arg12[%dma_start3A_615, %dma_start3A_616] : memref<10000x128xf32, #tpu.memory_space<vmem_shared>> -> memref<10000x128xf32, #tpu.memory_space<vmem_shared>>
        tpu.enqueue_indirect_dma source(%arg9 : memref<128x128xf32, #tpu.memory_space<vmem>>) target(%dma_start3A_617 : memref<10000x128xf32, #tpu.memory_space<vmem_shared>>) offsets(%dma_start3A_614 : memref<128xi32, #tpu.memory_space<vmem>>) semaphore(%arg19 : memref<!tpu.dma_semaphore, #tpu.memory_space<semaphore_mem>>) {add = true}
      } else {
      }
      %add3A_479 = arith.constant 1 : i32
      %add3A_480 = arith.addi %add3A_456, %add3A_479 : i32
      %ge3A_481 = arith.constant 0 : i32
      %ge3A_482 = arith.cmpi sge, %add3A_480, %ge3A_481 : i32
      %mul3A_483 = arith.constant 32 : i32
      %mul3A_484 = arith.muli %mul3A_483, %add3A_480 : i32
      %add3A_485 = arith.addi %add3A, %mul3A_484 : i32
      %lt3A_486 = arith.constant 2500 : i32
      %lt3A_487 = arith.cmpi slt, %add3A_485, %lt3A_486 : i32
      %and3A_488 = arith.andi %ge3A_482, %lt3A_487 : i1
      %convert_element_type3A_489 = arith.extui %and3A_488 : i1 to i32
      %cond3A_490 = arith.constant 0 : i32
      %cond3A_491 = arith.cmpi ne, %convert_element_type3A_489, %cond3A_490 : i32
      scf.if %cond3A_491 {
        %mul3A_609 = arith.constant 32 : i32
        %mul3A_610 = arith.muli %mul3A_609, %add3A_480 : i32
        %add3A_611 = arith.addi %add3A, %mul3A_610 : i32
        %dma_wait3A = arith.constant 0 : i32
        %dma_wait3A_612 = arith.constant 0 : i32
        %dma_wait3A_613 = tpu.memref_slice %arg3[%add3A_611, %dma_wait3A, %dma_wait3A_612] : memref<2500x2x128xi32, #tpu.memory_space<hbm>> -> memref<1x2x128xi32, #tpu.memory_space<hbm>>
        %dma_wait3A_614 = tpu.memref_squeeze %dma_wait3A_613 : memref<1x2x128xi32, #tpu.memory_space<hbm>> -> memref<2x128xi32, #tpu.memory_space<hbm>>
        %dma_wait3A_615 = arith.constant 0 : i32
        %dma_wait3A_616 = arith.constant 0 : i32
        %dma_wait3A_617 = tpu.memref_slice %arg3[%add3A_611, %dma_wait3A_615, %dma_wait3A_616] : memref<2500x2x128xi32, #tpu.memory_space<hbm>> -> memref<1x2x128xi32, #tpu.memory_space<hbm>>
        %dma_wait3A_618 = tpu.memref_squeeze %dma_wait3A_617 : memref<1x2x128xi32, #tpu.memory_space<hbm>> -> memref<2x128xi32, #tpu.memory_space<hbm>>
        tpu.wait_dma2 semaphore(%arg16 : memref<!tpu.dma_semaphore, #tpu.memory_space<semaphore_mem>>) src(%dma_wait3A_618 : memref<2x128xi32, #tpu.memory_space<hbm>>) dst(%arg8 : memref<2x128xi32, #tpu.memory_space<vmem>>)
      } else {
      }
      %sub3A_492 = arith.constant 1 : i32
      %sub3A_493 = arith.subi %add3A_456, %sub3A_492 : i32
      %ge3A_494 = arith.constant 0 : i32
      %ge3A_495 = arith.cmpi sge, %sub3A_493, %ge3A_494 : i32
      %mul3A_496 = arith.constant 32 : i32
      %mul3A_497 = arith.muli %mul3A_496, %sub3A_493 : i32
      %add3A_498 = arith.addi %add3A, %mul3A_497 : i32
      %lt3A_499 = arith.constant 2500 : i32
      %lt3A_500 = arith.cmpi slt, %add3A_498, %lt3A_499 : i32
      %and3A_501 = arith.andi %ge3A_495, %lt3A_500 : i1
      %convert_element_type3A_502 = arith.extui %and3A_501 : i1 to i32
      %cond3A_503 = arith.constant 0 : i32
      %cond3A_504 = arith.cmpi ne, %convert_element_type3A_502, %cond3A_503 : i32
      scf.if %cond3A_504 {
        %mul3A_609 = arith.constant 32 : i32
        %mul3A_610 = arith.muli %mul3A_609, %sub3A_493 : i32
        %add3A_611 = arith.addi %add3A, %mul3A_610 : i32
        %dma_wait3A = arith.constant 1 : i32
        %dma_wait3A_612 = arith.constant 0 : i32
        %dma_wait3A_613 = tpu.memref_slice %arg6[%dma_wait3A, %dma_wait3A_612] : memref<2x128xi32, #tpu.memory_space<vmem>> -> memref<1x128xi32, #tpu.memory_space<vmem>>
        %dma_wait3A_614 = tpu.memref_squeeze %dma_wait3A_613 : memref<1x128xi32, #tpu.memory_space<vmem>> -> memref<128xi32, #tpu.memory_space<vmem>>
        %dma_wait3A_615 = arith.constant 0 : i32
        %dma_wait3A_616 = arith.constant 0 : i32
        %dma_wait3A_617 = tpu.memref_slice %arg12[%dma_wait3A_615, %dma_wait3A_616] : memref<10000x128xf32, #tpu.memory_space<vmem_shared>> -> memref<10000x128xf32, #tpu.memory_space<vmem_shared>>
        tpu.wait_indirect_dma semaphore(%arg20 : memref<!tpu.dma_semaphore, #tpu.memory_space<semaphore_mem>>) src(%arg10 : memref<128x128xf32, #tpu.memory_space<vmem>>) dst(%dma_wait3A_617 : memref<10000x128xf32, #tpu.memory_space<vmem_shared>>)
      } else {
      }
      %add3A_505 = arith.constant 1 : i32
      %add3A_506 = arith.addi %add3A_456, %add3A_505 : i32
      %ge3A_507 = arith.constant 0 : i32
      %ge3A_508 = arith.cmpi sge, %add3A_506, %ge3A_507 : i32
      %mul3A_509 = arith.constant 32 : i32
      %mul3A_510 = arith.muli %mul3A_509, %add3A_506 : i32
      %add3A_511 = arith.addi %add3A, %mul3A_510 : i32
      %lt3A_512 = arith.constant 2500 : i32
      %lt3A_513 = arith.cmpi slt, %add3A_511, %lt3A_512 : i32
      %and3A_514 = arith.andi %ge3A_508, %lt3A_513 : i1
      %convert_element_type3A_515 = arith.extui %and3A_514 : i1 to i32
      %cond3A_516 = arith.constant 0 : i32
      %cond3A_517 = arith.cmpi ne, %convert_element_type3A_515, %cond3A_516 : i32
      scf.if %cond3A_517 {
        %mul3A_609 = arith.constant 32 : i32
        %mul3A_610 = arith.muli %mul3A_609, %add3A_506 : i32
        %add3A_611 = arith.addi %add3A, %mul3A_610 : i32
        %dma_start3A = arith.constant 0 : i32
        %dma_start3A_612 = arith.constant 0 : i32
        %dma_start3A_613 = tpu.memref_slice %arg8[%dma_start3A, %dma_start3A_612] : memref<2x128xi32, #tpu.memory_space<vmem>> -> memref<1x128xi32, #tpu.memory_space<vmem>>
        %dma_start3A_614 = tpu.memref_squeeze %dma_start3A_613 : memref<1x128xi32, #tpu.memory_space<vmem>> -> memref<128xi32, #tpu.memory_space<vmem>>
        %dma_start3A_615 = arith.constant 0 : i32
        %dma_start3A_616 = arith.constant 0 : i32
        %dma_start3A_617 = tpu.memref_slice %arg2[%dma_start3A_615, %dma_start3A_616] : memref<10000x128xf32, #tpu.memory_space<hbm>> -> memref<10000x128xf32, #tpu.memory_space<hbm>>
        tpu.enqueue_indirect_dma source(%dma_start3A_617 : memref<10000x128xf32, #tpu.memory_space<hbm>>) target(%arg10 : memref<128x128xf32, #tpu.memory_space<vmem>>) offsets(%dma_start3A_614 : memref<128xi32, #tpu.memory_space<vmem>>) semaphore(%arg18 : memref<!tpu.dma_semaphore, #tpu.memory_space<semaphore_mem>>)
      } else {
      }
      %add3A_518 = arith.constant 3 : i32
      %add3A_519 = arith.addi %add3A_456, %add3A_518 : i32
      %ge3A_520 = arith.constant 0 : i32
      %ge3A_521 = arith.cmpi sge, %add3A_519, %ge3A_520 : i32
      %mul3A_522 = arith.constant 32 : i32
      %mul3A_523 = arith.muli %mul3A_522, %add3A_519 : i32
      %add3A_524 = arith.addi %add3A, %mul3A_523 : i32
      %lt3A_525 = arith.constant 2500 : i32
      %lt3A_526 = arith.cmpi slt, %add3A_524, %lt3A_525 : i32
      %and3A_527 = arith.andi %ge3A_521, %lt3A_526 : i1
      %convert_element_type3A_528 = arith.extui %and3A_527 : i1 to i32
      %cond3A_529 = arith.constant 0 : i32
      %cond3A_530 = arith.cmpi ne, %convert_element_type3A_528, %cond3A_529 : i32
      scf.if %cond3A_530 {
        %mul3A_609 = arith.constant 32 : i32
        %mul3A_610 = arith.muli %mul3A_609, %add3A_519 : i32
        %add3A_611 = arith.addi %add3A, %mul3A_610 : i32
        %dma_start3A = arith.constant 0 : i32
        %dma_start3A_612 = arith.constant 0 : i32
        %dma_start3A_613 = tpu.memref_slice %arg3[%add3A_611, %dma_start3A, %dma_start3A_612] : memref<2500x2x128xi32, #tpu.memory_space<hbm>> -> memref<1x2x128xi32, #tpu.memory_space<hbm>>
        %dma_start3A_614 = tpu.memref_squeeze %dma_start3A_613 : memref<1x2x128xi32, #tpu.memory_space<hbm>> -> memref<2x128xi32, #tpu.memory_space<hbm>>
        %dma_start3A_615 = arith.constant 0 : i32
        %dma_start3A_616 = arith.constant 0 : i32
        %dma_start3A_617 = tpu.memref_slice %arg3[%add3A_611, %dma_start3A_615, %dma_start3A_616] : memref<2500x2x128xi32, #tpu.memory_space<hbm>> -> memref<1x2x128xi32, #tpu.memory_space<hbm>>
        %dma_start3A_618 = tpu.memref_squeeze %dma_start3A_617 : memref<1x2x128xi32, #tpu.memory_space<hbm>> -> memref<2x128xi32, #tpu.memory_space<hbm>>
        tpu.enqueue_dma source(%dma_start3A_618 : memref<2x128xi32, #tpu.memory_space<hbm>>) target(%arg6 : memref<2x128xi32, #tpu.memory_space<vmem>>) target_semaphore(%arg14 : memref<!tpu.dma_semaphore, #tpu.memory_space<semaphore_mem>>)
      } else {
      }
      %mul3A_531 = arith.constant 4 : i32
      %mul3A_532 = arith.muli %mul3A_531, %scan3A_297 : i32
      %add3A_533 = arith.constant 3 : i32
      %add3A_534 = arith.addi %mul3A_532, %add3A_533 : i32
      %ge3A_535 = arith.constant 0 : i32
      %ge3A_536 = arith.cmpi sge, %add3A_534, %ge3A_535 : i32
      %mul3A_537 = arith.constant 32 : i32
      %mul3A_538 = arith.muli %mul3A_537, %add3A_534 : i32
      %add3A_539 = arith.addi %add3A, %mul3A_538 : i32
      %lt3A_540 = arith.constant 2500 : i32
      %lt3A_541 = arith.cmpi slt, %add3A_539, %lt3A_540 : i32
      %and3A_542 = arith.andi %ge3A_536, %lt3A_541 : i1
      %convert_element_type3A_543 = arith.extui %and3A_542 : i1 to i32
      %cond3A_544 = arith.constant 0 : i32
      %cond3A_545 = arith.cmpi ne, %convert_element_type3A_543, %cond3A_544 : i32
      scf.if %cond3A_545 {
        %mul3A_609 = arith.constant 32 : i32
        %mul3A_610 = arith.muli %mul3A_609, %add3A_534 : i32
        %add3A_611 = arith.addi %add3A, %mul3A_610 : i32
        %dma_wait3A = arith.constant 0 : i32
        %dma_wait3A_612 = arith.constant 0 : i32
        %dma_wait3A_613 = tpu.memref_slice %arg8[%dma_wait3A, %dma_wait3A_612] : memref<2x128xi32, #tpu.memory_space<vmem>> -> memref<1x128xi32, #tpu.memory_space<vmem>>
        %dma_wait3A_614 = tpu.memref_squeeze %dma_wait3A_613 : memref<1x128xi32, #tpu.memory_space<vmem>> -> memref<128xi32, #tpu.memory_space<vmem>>
        %dma_wait3A_615 = arith.constant 0 : i32
        %dma_wait3A_616 = arith.constant 0 : i32
        %dma_wait3A_617 = tpu.memref_slice %arg2[%dma_wait3A_615, %dma_wait3A_616] : memref<10000x128xf32, #tpu.memory_space<hbm>> -> memref<10000x128xf32, #tpu.memory_space<hbm>>
        tpu.wait_indirect_dma semaphore(%arg18 : memref<!tpu.dma_semaphore, #tpu.memory_space<semaphore_mem>>) src(%dma_wait3A_617 : memref<10000x128xf32, #tpu.memory_space<hbm>>) dst(%arg10 : memref<128x128xf32, #tpu.memory_space<vmem>>)
      } else {
      }
      %ge3A_546 = arith.constant 0 : i32
      %ge3A_547 = arith.cmpi sge, %add3A_534, %ge3A_546 : i32
      %mul3A_548 = arith.constant 32 : i32
      %mul3A_549 = arith.muli %mul3A_548, %add3A_534 : i32
      %add3A_550 = arith.addi %add3A, %mul3A_549 : i32
      %lt3A_551 = arith.constant 2500 : i32
      %lt3A_552 = arith.cmpi slt, %add3A_550, %lt3A_551 : i32
      %and3A_553 = arith.andi %ge3A_547, %lt3A_552 : i1
      %convert_element_type3A_554 = arith.extui %and3A_553 : i1 to i32
      %cond3A_555 = arith.constant 0 : i32
      %cond3A_556 = arith.cmpi ne, %convert_element_type3A_554, %cond3A_555 : i32
      scf.if %cond3A_556 {
        %mul3A_609 = arith.constant 32 : i32
        %mul3A_610 = arith.muli %mul3A_609, %add3A_534 : i32
        %add3A_611 = arith.addi %add3A, %mul3A_610 : i32
        %dma_start3A = arith.constant 1 : i32
        %dma_start3A_612 = arith.constant 0 : i32
        %dma_start3A_613 = tpu.memref_slice %arg8[%dma_start3A, %dma_start3A_612] : memref<2x128xi32, #tpu.memory_space<vmem>> -> memref<1x128xi32, #tpu.memory_space<vmem>>
        %dma_start3A_614 = tpu.memref_squeeze %dma_start3A_613 : memref<1x128xi32, #tpu.memory_space<vmem>> -> memref<128xi32, #tpu.memory_space<vmem>>
        %dma_start3A_615 = arith.constant 0 : i32
        %dma_start3A_616 = arith.constant 0 : i32
        %dma_start3A_617 = tpu.memref_slice %arg12[%dma_start3A_615, %dma_start3A_616] : memref<10000x128xf32, #tpu.memory_space<vmem_shared>> -> memref<10000x128xf32, #tpu.memory_space<vmem_shared>>
        tpu.enqueue_indirect_dma source(%arg10 : memref<128x128xf32, #tpu.memory_space<vmem>>) target(%dma_start3A_617 : memref<10000x128xf32, #tpu.memory_space<vmem_shared>>) offsets(%dma_start3A_614 : memref<128xi32, #tpu.memory_space<vmem>>) semaphore(%arg20 : memref<!tpu.dma_semaphore, #tpu.memory_space<semaphore_mem>>) {add = true}
      } else {
      }
      %add3A_557 = arith.constant 1 : i32
      %add3A_558 = arith.addi %add3A_534, %add3A_557 : i32
      %ge3A_559 = arith.constant 0 : i32
      %ge3A_560 = arith.cmpi sge, %add3A_558, %ge3A_559 : i32
      %mul3A_561 = arith.constant 32 : i32
      %mul3A_562 = arith.muli %mul3A_561, %add3A_558 : i32
      %add3A_563 = arith.addi %add3A, %mul3A_562 : i32
      %lt3A_564 = arith.constant 2500 : i32
      %lt3A_565 = arith.cmpi slt, %add3A_563, %lt3A_564 : i32
      %and3A_566 = arith.andi %ge3A_560, %lt3A_565 : i1
      %convert_element_type3A_567 = arith.extui %and3A_566 : i1 to i32
      %cond3A_568 = arith.constant 0 : i32
      %cond3A_569 = arith.cmpi ne, %convert_element_type3A_567, %cond3A_568 : i32
      scf.if %cond3A_569 {
        %mul3A_609 = arith.constant 32 : i32
        %mul3A_610 = arith.muli %mul3A_609, %add3A_558 : i32
        %add3A_611 = arith.addi %add3A, %mul3A_610 : i32
        %dma_wait3A = arith.constant 0 : i32
        %dma_wait3A_612 = arith.constant 0 : i32
        %dma_wait3A_613 = tpu.memref_slice %arg3[%add3A_611, %dma_wait3A, %dma_wait3A_612] : memref<2500x2x128xi32, #tpu.memory_space<hbm>> -> memref<1x2x128xi32, #tpu.memory_space<hbm>>
        %dma_wait3A_614 = tpu.memref_squeeze %dma_wait3A_613 : memref<1x2x128xi32, #tpu.memory_space<hbm>> -> memref<2x128xi32, #tpu.memory_space<hbm>>
        %dma_wait3A_615 = arith.constant 0 : i32
        %dma_wait3A_616 = arith.constant 0 : i32
        %dma_wait3A_617 = tpu.memref_slice %arg3[%add3A_611, %dma_wait3A_615, %dma_wait3A_616] : memref<2500x2x128xi32, #tpu.memory_space<hbm>> -> memref<1x2x128xi32, #tpu.memory_space<hbm>>
        %dma_wait3A_618 = tpu.memref_squeeze %dma_wait3A_617 : memref<1x2x128xi32, #tpu.memory_space<hbm>> -> memref<2x128xi32, #tpu.memory_space<hbm>>
        tpu.wait_dma2 semaphore(%arg13 : memref<!tpu.dma_semaphore, #tpu.memory_space<semaphore_mem>>) src(%dma_wait3A_618 : memref<2x128xi32, #tpu.memory_space<hbm>>) dst(%arg5 : memref<2x128xi32, #tpu.memory_space<vmem>>)
      } else {
      }
      %sub3A_570 = arith.constant 1 : i32
      %sub3A_571 = arith.subi %add3A_534, %sub3A_570 : i32
      %ge3A_572 = arith.constant 0 : i32
      %ge3A_573 = arith.cmpi sge, %sub3A_571, %ge3A_572 : i32
      %mul3A_574 = arith.constant 32 : i32
      %mul3A_575 = arith.muli %mul3A_574, %sub3A_571 : i32
      %add3A_576 = arith.addi %add3A, %mul3A_575 : i32
      %lt3A_577 = arith.constant 2500 : i32
      %lt3A_578 = arith.cmpi slt, %add3A_576, %lt3A_577 : i32
      %and3A_579 = arith.andi %ge3A_573, %lt3A_578 : i1
      %convert_element_type3A_580 = arith.extui %and3A_579 : i1 to i32
      %cond3A_581 = arith.constant 0 : i32
      %cond3A_582 = arith.cmpi ne, %convert_element_type3A_580, %cond3A_581 : i32
      scf.if %cond3A_582 {
        %mul3A_609 = arith.constant 32 : i32
        %mul3A_610 = arith.muli %mul3A_609, %sub3A_571 : i32
        %add3A_611 = arith.addi %add3A, %mul3A_610 : i32
        %dma_wait3A = arith.constant 1 : i32
        %dma_wait3A_612 = arith.constant 0 : i32
        %dma_wait3A_613 = tpu.memref_slice %arg7[%dma_wait3A, %dma_wait3A_612] : memref<2x128xi32, #tpu.memory_space<vmem>> -> memref<1x128xi32, #tpu.memory_space<vmem>>
        %dma_wait3A_614 = tpu.memref_squeeze %dma_wait3A_613 : memref<1x128xi32, #tpu.memory_space<vmem>> -> memref<128xi32, #tpu.memory_space<vmem>>
        %dma_wait3A_615 = arith.constant 0 : i32
        %dma_wait3A_616 = arith.constant 0 : i32
        %dma_wait3A_617 = tpu.memref_slice %arg12[%dma_wait3A_615, %dma_wait3A_616] : memref<10000x128xf32, #tpu.memory_space<vmem_shared>> -> memref<10000x128xf32, #tpu.memory_space<vmem_shared>>
        tpu.wait_indirect_dma semaphore(%arg19 : memref<!tpu.dma_semaphore, #tpu.memory_space<semaphore_mem>>) src(%arg9 : memref<128x128xf32, #tpu.memory_space<vmem>>) dst(%dma_wait3A_617 : memref<10000x128xf32, #tpu.memory_space<vmem_shared>>)
      } else {
      }
      %add3A_583 = arith.constant 1 : i32
      %add3A_584 = arith.addi %add3A_534, %add3A_583 : i32
      %ge3A_585 = arith.constant 0 : i32
      %ge3A_586 = arith.cmpi sge, %add3A_584, %ge3A_585 : i32
      %mul3A_587 = arith.constant 32 : i32
      %mul3A_588 = arith.muli %mul3A_587, %add3A_584 : i32
      %add3A_589 = arith.addi %add3A, %mul3A_588 : i32
      %lt3A_590 = arith.constant 2500 : i32
      %lt3A_591 = arith.cmpi slt, %add3A_589, %lt3A_590 : i32
      %and3A_592 = arith.andi %ge3A_586, %lt3A_591 : i1
      %convert_element_type3A_593 = arith.extui %and3A_592 : i1 to i32
      %cond3A_594 = arith.constant 0 : i32
      %cond3A_595 = arith.cmpi ne, %convert_element_type3A_593, %cond3A_594 : i32
      scf.if %cond3A_595 {
        %mul3A_609 = arith.constant 32 : i32
        %mul3A_610 = arith.muli %mul3A_609, %add3A_584 : i32
        %add3A_611 = arith.addi %add3A, %mul3A_610 : i32
        %dma_start3A = arith.constant 0 : i32
        %dma_start3A_612 = arith.constant 0 : i32
        %dma_start3A_613 = tpu.memref_slice %arg5[%dma_start3A, %dma_start3A_612] : memref<2x128xi32, #tpu.memory_space<vmem>> -> memref<1x128xi32, #tpu.memory_space<vmem>>
        %dma_start3A_614 = tpu.memref_squeeze %dma_start3A_613 : memref<1x128xi32, #tpu.memory_space<vmem>> -> memref<128xi32, #tpu.memory_space<vmem>>
        %dma_start3A_615 = arith.constant 0 : i32
        %dma_start3A_616 = arith.constant 0 : i32
        %dma_start3A_617 = tpu.memref_slice %arg2[%dma_start3A_615, %dma_start3A_616] : memref<10000x128xf32, #tpu.memory_space<hbm>> -> memref<10000x128xf32, #tpu.memory_space<hbm>>
        tpu.enqueue_indirect_dma source(%dma_start3A_617 : memref<10000x128xf32, #tpu.memory_space<hbm>>) target(%arg9 : memref<128x128xf32, #tpu.memory_space<vmem>>) offsets(%dma_start3A_614 : memref<128xi32, #tpu.memory_space<vmem>>) semaphore(%arg17 : memref<!tpu.dma_semaphore, #tpu.memory_space<semaphore_mem>>)
      } else {
      }
      %add3A_596 = arith.constant 3 : i32
      %add3A_597 = arith.addi %add3A_534, %add3A_596 : i32
      %ge3A_598 = arith.constant 0 : i32
      %ge3A_599 = arith.cmpi sge, %add3A_597, %ge3A_598 : i32
      %mul3A_600 = arith.constant 32 : i32
      %mul3A_601 = arith.muli %mul3A_600, %add3A_597 : i32
      %add3A_602 = arith.addi %add3A, %mul3A_601 : i32
      %lt3A_603 = arith.constant 2500 : i32
      %lt3A_604 = arith.cmpi slt, %add3A_602, %lt3A_603 : i32
      %and3A_605 = arith.andi %ge3A_599, %lt3A_604 : i1
      %convert_element_type3A_606 = arith.extui %and3A_605 : i1 to i32
      %cond3A_607 = arith.constant 0 : i32
      %cond3A_608 = arith.cmpi ne, %convert_element_type3A_606, %cond3A_607 : i32
      scf.if %cond3A_608 {
        %mul3A_609 = arith.constant 32 : i32
        %mul3A_610 = arith.muli %mul3A_609, %add3A_597 : i32
        %add3A_611 = arith.addi %add3A, %mul3A_610 : i32
        %dma_start3A = arith.constant 0 : i32
        %dma_start3A_612 = arith.constant 0 : i32
        %dma_start3A_613 = tpu.memref_slice %arg3[%add3A_611, %dma_start3A, %dma_start3A_612] : memref<2500x2x128xi32, #tpu.memory_space<hbm>> -> memref<1x2x128xi32, #tpu.memory_space<hbm>>
        %dma_start3A_614 = tpu.memref_squeeze %dma_start3A_613 : memref<1x2x128xi32, #tpu.memory_space<hbm>> -> memref<2x128xi32, #tpu.memory_space<hbm>>
        %dma_start3A_615 = arith.constant 0 : i32
        %dma_start3A_616 = arith.constant 0 : i32
        %dma_start3A_617 = tpu.memref_slice %arg3[%add3A_611, %dma_start3A_615, %dma_start3A_616] : memref<2500x2x128xi32, #tpu.memory_space<hbm>> -> memref<1x2x128xi32, #tpu.memory_space<hbm>>
        %dma_start3A_618 = tpu.memref_squeeze %dma_start3A_617 : memref<1x2x128xi32, #tpu.memory_space<hbm>> -> memref<2x128xi32, #tpu.memory_space<hbm>>
        tpu.enqueue_dma source(%dma_start3A_618 : memref<2x128xi32, #tpu.memory_space<hbm>>) target(%arg7 : memref<2x128xi32, #tpu.memory_space<vmem>>) target_semaphore(%arg15 : memref<!tpu.dma_semaphore, #tpu.memory_space<semaphore_mem>>)
      } else {
      }
    }
    %scan3A_82 = arith.constant 19 : i32
    %ge3A_83 = arith.constant 76 : i32
    %ge3A_84 = arith.constant 0 : i32
    %ge3A_85 = arith.cmpi sge, %ge3A_83, %ge3A_84 : i32
    %add3A_86 = arith.constant 2432 : i32
    %add3A_87 = arith.addi %add3A, %add3A_86 : i32
    %lt3A_88 = arith.constant 2500 : i32
    %lt3A_89 = arith.cmpi slt, %add3A_87, %lt3A_88 : i32
    %and3A_90 = arith.andi %ge3A_85, %lt3A_89 : i1
    %convert_element_type3A_91 = arith.extui %and3A_90 : i1 to i32
    %cond3A_92 = arith.constant 0 : i32
    %cond3A_93 = arith.cmpi ne, %convert_element_type3A_91, %cond3A_92 : i32
    scf.if %cond3A_93 {
      %add3A_297 = arith.constant 2432 : i32
      %add3A_298 = arith.addi %add3A, %add3A_297 : i32
      %dma_wait3A = arith.constant 0 : i32
      %dma_wait3A_299 = arith.constant 0 : i32
      %dma_wait3A_300 = tpu.memref_slice %arg5[%dma_wait3A, %dma_wait3A_299] : memref<2x128xi32, #tpu.memory_space<vmem>> -> memref<1x128xi32, #tpu.memory_space<vmem>>
      %dma_wait3A_301 = tpu.memref_squeeze %dma_wait3A_300 : memref<1x128xi32, #tpu.memory_space<vmem>> -> memref<128xi32, #tpu.memory_space<vmem>>
      %dma_wait3A_302 = arith.constant 0 : i32
      %dma_wait3A_303 = arith.constant 0 : i32
      %dma_wait3A_304 = tpu.memref_slice %arg2[%dma_wait3A_302, %dma_wait3A_303] : memref<10000x128xf32, #tpu.memory_space<hbm>> -> memref<10000x128xf32, #tpu.memory_space<hbm>>
      tpu.wait_indirect_dma semaphore(%arg17 : memref<!tpu.dma_semaphore, #tpu.memory_space<semaphore_mem>>) src(%dma_wait3A_304 : memref<10000x128xf32, #tpu.memory_space<hbm>>) dst(%arg9 : memref<128x128xf32, #tpu.memory_space<vmem>>)
    } else {
    }
    %ge3A_94 = arith.constant 76 : i32
    %ge3A_95 = arith.constant 0 : i32
    %ge3A_96 = arith.cmpi sge, %ge3A_94, %ge3A_95 : i32
    %add3A_97 = arith.constant 2432 : i32
    %add3A_98 = arith.addi %add3A, %add3A_97 : i32
    %lt3A_99 = arith.constant 2500 : i32
    %lt3A_100 = arith.cmpi slt, %add3A_98, %lt3A_99 : i32
    %and3A_101 = arith.andi %ge3A_96, %lt3A_100 : i1
    %convert_element_type3A_102 = arith.extui %and3A_101 : i1 to i32
    %cond3A_103 = arith.constant 0 : i32
    %cond3A_104 = arith.cmpi ne, %convert_element_type3A_102, %cond3A_103 : i32
    scf.if %cond3A_104 {
      %add3A_297 = arith.constant 2432 : i32
      %add3A_298 = arith.addi %add3A, %add3A_297 : i32
      %dma_start3A = arith.constant 1 : i32
      %dma_start3A_299 = arith.constant 0 : i32
      %dma_start3A_300 = tpu.memref_slice %arg5[%dma_start3A, %dma_start3A_299] : memref<2x128xi32, #tpu.memory_space<vmem>> -> memref<1x128xi32, #tpu.memory_space<vmem>>
      %dma_start3A_301 = tpu.memref_squeeze %dma_start3A_300 : memref<1x128xi32, #tpu.memory_space<vmem>> -> memref<128xi32, #tpu.memory_space<vmem>>
      %dma_start3A_302 = arith.constant 0 : i32
      %dma_start3A_303 = arith.constant 0 : i32
      %dma_start3A_304 = tpu.memref_slice %arg12[%dma_start3A_302, %dma_start3A_303] : memref<10000x128xf32, #tpu.memory_space<vmem_shared>> -> memref<10000x128xf32, #tpu.memory_space<vmem_shared>>
      tpu.enqueue_indirect_dma source(%arg9 : memref<128x128xf32, #tpu.memory_space<vmem>>) target(%dma_start3A_304 : memref<10000x128xf32, #tpu.memory_space<vmem_shared>>) offsets(%dma_start3A_301 : memref<128xi32, #tpu.memory_space<vmem>>) semaphore(%arg19 : memref<!tpu.dma_semaphore, #tpu.memory_space<semaphore_mem>>) {add = true}
    } else {
    }
    %ge3A_105 = arith.constant 77 : i32
    %ge3A_106 = arith.constant 0 : i32
    %ge3A_107 = arith.cmpi sge, %ge3A_105, %ge3A_106 : i32
    %add3A_108 = arith.constant 2464 : i32
    %add3A_109 = arith.addi %add3A, %add3A_108 : i32
    %lt3A_110 = arith.constant 2500 : i32
    %lt3A_111 = arith.cmpi slt, %add3A_109, %lt3A_110 : i32
    %and3A_112 = arith.andi %ge3A_107, %lt3A_111 : i1
    %convert_element_type3A_113 = arith.extui %and3A_112 : i1 to i32
    %cond3A_114 = arith.constant 0 : i32
    %cond3A_115 = arith.cmpi ne, %convert_element_type3A_113, %cond3A_114 : i32
    scf.if %cond3A_115 {
      %add3A_297 = arith.constant 2464 : i32
      %add3A_298 = arith.addi %add3A, %add3A_297 : i32
      %dma_wait3A = arith.constant 0 : i32
      %dma_wait3A_299 = arith.constant 0 : i32
      %dma_wait3A_300 = tpu.memref_slice %arg3[%add3A_298, %dma_wait3A, %dma_wait3A_299] : memref<2500x2x128xi32, #tpu.memory_space<hbm>> -> memref<1x2x128xi32, #tpu.memory_space<hbm>>
      %dma_wait3A_301 = tpu.memref_squeeze %dma_wait3A_300 : memref<1x2x128xi32, #tpu.memory_space<hbm>> -> memref<2x128xi32, #tpu.memory_space<hbm>>
      %dma_wait3A_302 = arith.constant 0 : i32
      %dma_wait3A_303 = arith.constant 0 : i32
      %dma_wait3A_304 = tpu.memref_slice %arg3[%add3A_298, %dma_wait3A_302, %dma_wait3A_303] : memref<2500x2x128xi32, #tpu.memory_space<hbm>> -> memref<1x2x128xi32, #tpu.memory_space<hbm>>
      %dma_wait3A_305 = tpu.memref_squeeze %dma_wait3A_304 : memref<1x2x128xi32, #tpu.memory_space<hbm>> -> memref<2x128xi32, #tpu.memory_space<hbm>>
      tpu.wait_dma2 semaphore(%arg14 : memref<!tpu.dma_semaphore, #tpu.memory_space<semaphore_mem>>) src(%dma_wait3A_305 : memref<2x128xi32, #tpu.memory_space<hbm>>) dst(%arg6 : memref<2x128xi32, #tpu.memory_space<vmem>>)
    } else {
    }
    %ge3A_116 = arith.constant 75 : i32
    %ge3A_117 = arith.constant 0 : i32
    %ge3A_118 = arith.cmpi sge, %ge3A_116, %ge3A_117 : i32
    %add3A_119 = arith.constant 2400 : i32
    %add3A_120 = arith.addi %add3A, %add3A_119 : i32
    %lt3A_121 = arith.constant 2500 : i32
    %lt3A_122 = arith.cmpi slt, %add3A_120, %lt3A_121 : i32
    %and3A_123 = arith.andi %ge3A_118, %lt3A_122 : i1
    %convert_element_type3A_124 = arith.extui %and3A_123 : i1 to i32
    %cond3A_125 = arith.constant 0 : i32
    %cond3A_126 = arith.cmpi ne, %convert_element_type3A_124, %cond3A_125 : i32
    scf.if %cond3A_126 {
      %add3A_297 = arith.constant 2400 : i32
      %add3A_298 = arith.addi %add3A, %add3A_297 : i32
      %dma_wait3A = arith.constant 1 : i32
      %dma_wait3A_299 = arith.constant 0 : i32
      %dma_wait3A_300 = tpu.memref_slice %arg8[%dma_wait3A, %dma_wait3A_299] : memref<2x128xi32, #tpu.memory_space<vmem>> -> memref<1x128xi32, #tpu.memory_space<vmem>>
      %dma_wait3A_301 = tpu.memref_squeeze %dma_wait3A_300 : memref<1x128xi32, #tpu.memory_space<vmem>> -> memref<128xi32, #tpu.memory_space<vmem>>
      %dma_wait3A_302 = arith.constant 0 : i32
      %dma_wait3A_303 = arith.constant 0 : i32
      %dma_wait3A_304 = tpu.memref_slice %arg12[%dma_wait3A_302, %dma_wait3A_303] : memref<10000x128xf32, #tpu.memory_space<vmem_shared>> -> memref<10000x128xf32, #tpu.memory_space<vmem_shared>>
      tpu.wait_indirect_dma semaphore(%arg20 : memref<!tpu.dma_semaphore, #tpu.memory_space<semaphore_mem>>) src(%arg10 : memref<128x128xf32, #tpu.memory_space<vmem>>) dst(%dma_wait3A_304 : memref<10000x128xf32, #tpu.memory_space<vmem_shared>>)
    } else {
    }
    %ge3A_127 = arith.constant 77 : i32
    %ge3A_128 = arith.constant 0 : i32
    %ge3A_129 = arith.cmpi sge, %ge3A_127, %ge3A_128 : i32
    %add3A_130 = arith.constant 2464 : i32
    %add3A_131 = arith.addi %add3A, %add3A_130 : i32
    %lt3A_132 = arith.constant 2500 : i32
    %lt3A_133 = arith.cmpi slt, %add3A_131, %lt3A_132 : i32
    %and3A_134 = arith.andi %ge3A_129, %lt3A_133 : i1
    %convert_element_type3A_135 = arith.extui %and3A_134 : i1 to i32
    %cond3A_136 = arith.constant 0 : i32
    %cond3A_137 = arith.cmpi ne, %convert_element_type3A_135, %cond3A_136 : i32
    scf.if %cond3A_137 {
      %add3A_297 = arith.constant 2464 : i32
      %add3A_298 = arith.addi %add3A, %add3A_297 : i32
      %dma_start3A = arith.constant 0 : i32
      %dma_start3A_299 = arith.constant 0 : i32
      %dma_start3A_300 = tpu.memref_slice %arg6[%dma_start3A, %dma_start3A_299] : memref<2x128xi32, #tpu.memory_space<vmem>> -> memref<1x128xi32, #tpu.memory_space<vmem>>
      %dma_start3A_301 = tpu.memref_squeeze %dma_start3A_300 : memref<1x128xi32, #tpu.memory_space<vmem>> -> memref<128xi32, #tpu.memory_space<vmem>>
      %dma_start3A_302 = arith.constant 0 : i32
      %dma_start3A_303 = arith.constant 0 : i32
      %dma_start3A_304 = tpu.memref_slice %arg2[%dma_start3A_302, %dma_start3A_303] : memref<10000x128xf32, #tpu.memory_space<hbm>> -> memref<10000x128xf32, #tpu.memory_space<hbm>>
      tpu.enqueue_indirect_dma source(%dma_start3A_304 : memref<10000x128xf32, #tpu.memory_space<hbm>>) target(%arg10 : memref<128x128xf32, #tpu.memory_space<vmem>>) offsets(%dma_start3A_301 : memref<128xi32, #tpu.memory_space<vmem>>) semaphore(%arg18 : memref<!tpu.dma_semaphore, #tpu.memory_space<semaphore_mem>>)
    } else {
    }
    %ge3A_138 = arith.constant 79 : i32
    %ge3A_139 = arith.constant 0 : i32
    %ge3A_140 = arith.cmpi sge, %ge3A_138, %ge3A_139 : i32
    %add3A_141 = arith.constant 2528 : i32
    %add3A_142 = arith.addi %add3A, %add3A_141 : i32
    %lt3A_143 = arith.constant 2500 : i32
    %lt3A_144 = arith.cmpi slt, %add3A_142, %lt3A_143 : i32
    %and3A_145 = arith.andi %ge3A_140, %lt3A_144 : i1
    %convert_element_type3A_146 = arith.extui %and3A_145 : i1 to i32
    %cond3A_147 = arith.constant 0 : i32
    %cond3A_148 = arith.cmpi ne, %convert_element_type3A_146, %cond3A_147 : i32
    scf.if %cond3A_148 {
      %add3A_297 = arith.constant 2528 : i32
      %add3A_298 = arith.addi %add3A, %add3A_297 : i32
      %dma_start3A = arith.constant 0 : i32
      %dma_start3A_299 = arith.constant 0 : i32
      %dma_start3A_300 = tpu.memref_slice %arg3[%add3A_298, %dma_start3A, %dma_start3A_299] : memref<2500x2x128xi32, #tpu.memory_space<hbm>> -> memref<1x2x128xi32, #tpu.memory_space<hbm>>
      %dma_start3A_301 = tpu.memref_squeeze %dma_start3A_300 : memref<1x2x128xi32, #tpu.memory_space<hbm>> -> memref<2x128xi32, #tpu.memory_space<hbm>>
      %dma_start3A_302 = arith.constant 0 : i32
      %dma_start3A_303 = arith.constant 0 : i32
      %dma_start3A_304 = tpu.memref_slice %arg3[%add3A_298, %dma_start3A_302, %dma_start3A_303] : memref<2500x2x128xi32, #tpu.memory_space<hbm>> -> memref<1x2x128xi32, #tpu.memory_space<hbm>>
      %dma_start3A_305 = tpu.memref_squeeze %dma_start3A_304 : memref<1x2x128xi32, #tpu.memory_space<hbm>> -> memref<2x128xi32, #tpu.memory_space<hbm>>
      tpu.enqueue_dma source(%dma_start3A_305 : memref<2x128xi32, #tpu.memory_space<hbm>>) target(%arg8 : memref<2x128xi32, #tpu.memory_space<vmem>>) target_semaphore(%arg16 : memref<!tpu.dma_semaphore, #tpu.memory_space<semaphore_mem>>)
    } else {
    }
    %ge3A_149 = arith.constant 77 : i32
    %ge3A_150 = arith.constant 0 : i32
    %ge3A_151 = arith.cmpi sge, %ge3A_149, %ge3A_150 : i32
    %add3A_152 = arith.constant 2464 : i32
    %add3A_153 = arith.addi %add3A, %add3A_152 : i32
    %lt3A_154 = arith.constant 2500 : i32
    %lt3A_155 = arith.cmpi slt, %add3A_153, %lt3A_154 : i32
    %and3A_156 = arith.andi %ge3A_151, %lt3A_155 : i1
    %convert_element_type3A_157 = arith.extui %and3A_156 : i1 to i32
    %cond3A_158 = arith.constant 0 : i32
    %cond3A_159 = arith.cmpi ne, %convert_element_type3A_157, %cond3A_158 : i32
    scf.if %cond3A_159 {
      %add3A_297 = arith.constant 2464 : i32
      %add3A_298 = arith.addi %add3A, %add3A_297 : i32
      %dma_wait3A = arith.constant 0 : i32
      %dma_wait3A_299 = arith.constant 0 : i32
      %dma_wait3A_300 = tpu.memref_slice %arg6[%dma_wait3A, %dma_wait3A_299] : memref<2x128xi32, #tpu.memory_space<vmem>> -> memref<1x128xi32, #tpu.memory_space<vmem>>
      %dma_wait3A_301 = tpu.memref_squeeze %dma_wait3A_300 : memref<1x128xi32, #tpu.memory_space<vmem>> -> memref<128xi32, #tpu.memory_space<vmem>>
      %dma_wait3A_302 = arith.constant 0 : i32
      %dma_wait3A_303 = arith.constant 0 : i32
      %dma_wait3A_304 = tpu.memref_slice %arg2[%dma_wait3A_302, %dma_wait3A_303] : memref<10000x128xf32, #tpu.memory_space<hbm>> -> memref<10000x128xf32, #tpu.memory_space<hbm>>
      tpu.wait_indirect_dma semaphore(%arg18 : memref<!tpu.dma_semaphore, #tpu.memory_space<semaphore_mem>>) src(%dma_wait3A_304 : memref<10000x128xf32, #tpu.memory_space<hbm>>) dst(%arg10 : memref<128x128xf32, #tpu.memory_space<vmem>>)
    } else {
    }
    %ge3A_160 = arith.constant 77 : i32
    %ge3A_161 = arith.constant 0 : i32
    %ge3A_162 = arith.cmpi sge, %ge3A_160, %ge3A_161 : i32
    %add3A_163 = arith.constant 2464 : i32
    %add3A_164 = arith.addi %add3A, %add3A_163 : i32
    %lt3A_165 = arith.constant 2500 : i32
    %lt3A_166 = arith.cmpi slt, %add3A_164, %lt3A_165 : i32
    %and3A_167 = arith.andi %ge3A_162, %lt3A_166 : i1
    %convert_element_type3A_168 = arith.extui %and3A_167 : i1 to i32
    %cond3A_169 = arith.constant 0 : i32
    %cond3A_170 = arith.cmpi ne, %convert_element_type3A_168, %cond3A_169 : i32
    scf.if %cond3A_170 {
      %add3A_297 = arith.constant 2464 : i32
      %add3A_298 = arith.addi %add3A, %add3A_297 : i32
      %dma_start3A = arith.constant 1 : i32
      %dma_start3A_299 = arith.constant 0 : i32
      %dma_start3A_300 = tpu.memref_slice %arg6[%dma_start3A, %dma_start3A_299] : memref<2x128xi32, #tpu.memory_space<vmem>> -> memref<1x128xi32, #tpu.memory_space<vmem>>
      %dma_start3A_301 = tpu.memref_squeeze %dma_start3A_300 : memref<1x128xi32, #tpu.memory_space<vmem>> -> memref<128xi32, #tpu.memory_space<vmem>>
      %dma_start3A_302 = arith.constant 0 : i32
      %dma_start3A_303 = arith.constant 0 : i32
      %dma_start3A_304 = tpu.memref_slice %arg12[%dma_start3A_302, %dma_start3A_303] : memref<10000x128xf32, #tpu.memory_space<vmem_shared>> -> memref<10000x128xf32, #tpu.memory_space<vmem_shared>>
      tpu.enqueue_indirect_dma source(%arg10 : memref<128x128xf32, #tpu.memory_space<vmem>>) target(%dma_start3A_304 : memref<10000x128xf32, #tpu.memory_space<vmem_shared>>) offsets(%dma_start3A_301 : memref<128xi32, #tpu.memory_space<vmem>>) semaphore(%arg20 : memref<!tpu.dma_semaphore, #tpu.memory_space<semaphore_mem>>) {add = true}
    } else {
    }
    %ge3A_171 = arith.constant 78 : i32
    %ge3A_172 = arith.constant 0 : i32
    %ge3A_173 = arith.cmpi sge, %ge3A_171, %ge3A_172 : i32
    %add3A_174 = arith.constant 2496 : i32
    %add3A_175 = arith.addi %add3A, %add3A_174 : i32
    %lt3A_176 = arith.constant 2500 : i32
    %lt3A_177 = arith.cmpi slt, %add3A_175, %lt3A_176 : i32
    %and3A_178 = arith.andi %ge3A_173, %lt3A_177 : i1
    %convert_element_type3A_179 = arith.extui %and3A_178 : i1 to i32
    %cond3A_180 = arith.constant 0 : i32
    %cond3A_181 = arith.cmpi ne, %convert_element_type3A_179, %cond3A_180 : i32
    scf.if %cond3A_181 {
      %add3A_297 = arith.constant 2496 : i32
      %add3A_298 = arith.addi %add3A, %add3A_297 : i32
      %dma_wait3A = arith.constant 0 : i32
      %dma_wait3A_299 = arith.constant 0 : i32
      %dma_wait3A_300 = tpu.memref_slice %arg3[%add3A_298, %dma_wait3A, %dma_wait3A_299] : memref<2500x2x128xi32, #tpu.memory_space<hbm>> -> memref<1x2x128xi32, #tpu.memory_space<hbm>>
      %dma_wait3A_301 = tpu.memref_squeeze %dma_wait3A_300 : memref<1x2x128xi32, #tpu.memory_space<hbm>> -> memref<2x128xi32, #tpu.memory_space<hbm>>
      %dma_wait3A_302 = arith.constant 0 : i32
      %dma_wait3A_303 = arith.constant 0 : i32
      %dma_wait3A_304 = tpu.memref_slice %arg3[%add3A_298, %dma_wait3A_302, %dma_wait3A_303] : memref<2500x2x128xi32, #tpu.memory_space<hbm>> -> memref<1x2x128xi32, #tpu.memory_space<hbm>>
      %dma_wait3A_305 = tpu.memref_squeeze %dma_wait3A_304 : memref<1x2x128xi32, #tpu.memory_space<hbm>> -> memref<2x128xi32, #tpu.memory_space<hbm>>
      tpu.wait_dma2 semaphore(%arg15 : memref<!tpu.dma_semaphore, #tpu.memory_space<semaphore_mem>>) src(%dma_wait3A_305 : memref<2x128xi32, #tpu.memory_space<hbm>>) dst(%arg7 : memref<2x128xi32, #tpu.memory_space<vmem>>)
    } else {
    }
    %ge3A_182 = arith.constant 76 : i32
    %ge3A_183 = arith.constant 0 : i32
    %ge3A_184 = arith.cmpi sge, %ge3A_182, %ge3A_183 : i32
    %add3A_185 = arith.constant 2432 : i32
    %add3A_186 = arith.addi %add3A, %add3A_185 : i32
    %lt3A_187 = arith.constant 2500 : i32
    %lt3A_188 = arith.cmpi slt, %add3A_186, %lt3A_187 : i32
    %and3A_189 = arith.andi %ge3A_184, %lt3A_188 : i1
    %convert_element_type3A_190 = arith.extui %and3A_189 : i1 to i32
    %cond3A_191 = arith.constant 0 : i32
    %cond3A_192 = arith.cmpi ne, %convert_element_type3A_190, %cond3A_191 : i32
    scf.if %cond3A_192 {
      %add3A_297 = arith.constant 2432 : i32
      %add3A_298 = arith.addi %add3A, %add3A_297 : i32
      %dma_wait3A = arith.constant 1 : i32
      %dma_wait3A_299 = arith.constant 0 : i32
      %dma_wait3A_300 = tpu.memref_slice %arg5[%dma_wait3A, %dma_wait3A_299] : memref<2x128xi32, #tpu.memory_space<vmem>> -> memref<1x128xi32, #tpu.memory_space<vmem>>
      %dma_wait3A_301 = tpu.memref_squeeze %dma_wait3A_300 : memref<1x128xi32, #tpu.memory_space<vmem>> -> memref<128xi32, #tpu.memory_space<vmem>>
      %dma_wait3A_302 = arith.constant 0 : i32
      %dma_wait3A_303 = arith.constant 0 : i32
      %dma_wait3A_304 = tpu.memref_slice %arg12[%dma_wait3A_302, %dma_wait3A_303] : memref<10000x128xf32, #tpu.memory_space<vmem_shared>> -> memref<10000x128xf32, #tpu.memory_space<vmem_shared>>
      tpu.wait_indirect_dma semaphore(%arg19 : memref<!tpu.dma_semaphore, #tpu.memory_space<semaphore_mem>>) src(%arg9 : memref<128x128xf32, #tpu.memory_space<vmem>>) dst(%dma_wait3A_304 : memref<10000x128xf32, #tpu.memory_space<vmem_shared>>)
    } else {
    }
    %ge3A_193 = arith.constant 78 : i32
    %ge3A_194 = arith.constant 0 : i32
    %ge3A_195 = arith.cmpi sge, %ge3A_193, %ge3A_194 : i32
    %add3A_196 = arith.constant 2496 : i32
    %add3A_197 = arith.addi %add3A, %add3A_196 : i32
    %lt3A_198 = arith.constant 2500 : i32
    %lt3A_199 = arith.cmpi slt, %add3A_197, %lt3A_198 : i32
    %and3A_200 = arith.andi %ge3A_195, %lt3A_199 : i1
    %convert_element_type3A_201 = arith.extui %and3A_200 : i1 to i32
    %cond3A_202 = arith.constant 0 : i32
    %cond3A_203 = arith.cmpi ne, %convert_element_type3A_201, %cond3A_202 : i32
    scf.if %cond3A_203 {
      %add3A_297 = arith.constant 2496 : i32
      %add3A_298 = arith.addi %add3A, %add3A_297 : i32
      %dma_start3A = arith.constant 0 : i32
      %dma_start3A_299 = arith.constant 0 : i32
      %dma_start3A_300 = tpu.memref_slice %arg7[%dma_start3A, %dma_start3A_299] : memref<2x128xi32, #tpu.memory_space<vmem>> -> memref<1x128xi32, #tpu.memory_space<vmem>>
      %dma_start3A_301 = tpu.memref_squeeze %dma_start3A_300 : memref<1x128xi32, #tpu.memory_space<vmem>> -> memref<128xi32, #tpu.memory_space<vmem>>
      %dma_start3A_302 = arith.constant 0 : i32
      %dma_start3A_303 = arith.constant 0 : i32
      %dma_start3A_304 = tpu.memref_slice %arg2[%dma_start3A_302, %dma_start3A_303] : memref<10000x128xf32, #tpu.memory_space<hbm>> -> memref<10000x128xf32, #tpu.memory_space<hbm>>
      tpu.enqueue_indirect_dma source(%dma_start3A_304 : memref<10000x128xf32, #tpu.memory_space<hbm>>) target(%arg9 : memref<128x128xf32, #tpu.memory_space<vmem>>) offsets(%dma_start3A_301 : memref<128xi32, #tpu.memory_space<vmem>>) semaphore(%arg17 : memref<!tpu.dma_semaphore, #tpu.memory_space<semaphore_mem>>)
    } else {
    }
    %ge3A_204 = arith.constant 80 : i32
    %ge3A_205 = arith.constant 0 : i32
    %ge3A_206 = arith.cmpi sge, %ge3A_204, %ge3A_205 : i32
    %add3A_207 = arith.constant 2560 : i32
    %add3A_208 = arith.addi %add3A, %add3A_207 : i32
    %lt3A_209 = arith.constant 2500 : i32
    %lt3A_210 = arith.cmpi slt, %add3A_208, %lt3A_209 : i32
    %and3A_211 = arith.andi %ge3A_206, %lt3A_210 : i1
    %convert_element_type3A_212 = arith.extui %and3A_211 : i1 to i32
    %cond3A_213 = arith.constant 0 : i32
    %cond3A_214 = arith.cmpi ne, %convert_element_type3A_212, %cond3A_213 : i32
    scf.if %cond3A_214 {
      %add3A_297 = arith.constant 2560 : i32
      %add3A_298 = arith.addi %add3A, %add3A_297 : i32
      %dma_start3A = arith.constant 0 : i32
      %dma_start3A_299 = arith.constant 0 : i32
      %dma_start3A_300 = tpu.memref_slice %arg3[%add3A_298, %dma_start3A, %dma_start3A_299] : memref<2500x2x128xi32, #tpu.memory_space<hbm>> -> memref<1x2x128xi32, #tpu.memory_space<hbm>>
      %dma_start3A_301 = tpu.memref_squeeze %dma_start3A_300 : memref<1x2x128xi32, #tpu.memory_space<hbm>> -> memref<2x128xi32, #tpu.memory_space<hbm>>
      %dma_start3A_302 = arith.constant 0 : i32
      %dma_start3A_303 = arith.constant 0 : i32
      %dma_start3A_304 = tpu.memref_slice %arg3[%add3A_298, %dma_start3A_302, %dma_start3A_303] : memref<2500x2x128xi32, #tpu.memory_space<hbm>> -> memref<1x2x128xi32, #tpu.memory_space<hbm>>
      %dma_start3A_305 = tpu.memref_squeeze %dma_start3A_304 : memref<1x2x128xi32, #tpu.memory_space<hbm>> -> memref<2x128xi32, #tpu.memory_space<hbm>>
      tpu.enqueue_dma source(%dma_start3A_305 : memref<2x128xi32, #tpu.memory_space<hbm>>) target(%arg5 : memref<2x128xi32, #tpu.memory_space<vmem>>) target_semaphore(%arg13 : memref<!tpu.dma_semaphore, #tpu.memory_space<semaphore_mem>>)
    } else {
    }
    %ge3A_215 = arith.constant 78 : i32
    %ge3A_216 = arith.constant 0 : i32
    %ge3A_217 = arith.cmpi sge, %ge3A_215, %ge3A_216 : i32
    %add3A_218 = arith.constant 2496 : i32
    %add3A_219 = arith.addi %add3A, %add3A_218 : i32
    %lt3A_220 = arith.constant 2500 : i32
    %lt3A_221 = arith.cmpi slt, %add3A_219, %lt3A_220 : i32
    %and3A_222 = arith.andi %ge3A_217, %lt3A_221 : i1
    %convert_element_type3A_223 = arith.extui %and3A_222 : i1 to i32
    %cond3A_224 = arith.constant 0 : i32
    %cond3A_225 = arith.cmpi ne, %convert_element_type3A_223, %cond3A_224 : i32
    scf.if %cond3A_225 {
      %add3A_297 = arith.constant 2496 : i32
      %add3A_298 = arith.addi %add3A, %add3A_297 : i32
      %dma_wait3A = arith.constant 0 : i32
      %dma_wait3A_299 = arith.constant 0 : i32
      %dma_wait3A_300 = tpu.memref_slice %arg7[%dma_wait3A, %dma_wait3A_299] : memref<2x128xi32, #tpu.memory_space<vmem>> -> memref<1x128xi32, #tpu.memory_space<vmem>>
      %dma_wait3A_301 = tpu.memref_squeeze %dma_wait3A_300 : memref<1x128xi32, #tpu.memory_space<vmem>> -> memref<128xi32, #tpu.memory_space<vmem>>
      %dma_wait3A_302 = arith.constant 0 : i32
      %dma_wait3A_303 = arith.constant 0 : i32
      %dma_wait3A_304 = tpu.memref_slice %arg2[%dma_wait3A_302, %dma_wait3A_303] : memref<10000x128xf32, #tpu.memory_space<hbm>> -> memref<10000x128xf32, #tpu.memory_space<hbm>>
      tpu.wait_indirect_dma semaphore(%arg17 : memref<!tpu.dma_semaphore, #tpu.memory_space<semaphore_mem>>) src(%dma_wait3A_304 : memref<10000x128xf32, #tpu.memory_space<hbm>>) dst(%arg9 : memref<128x128xf32, #tpu.memory_space<vmem>>)
    } else {
    }
    %ge3A_226 = arith.constant 78 : i32
    %ge3A_227 = arith.constant 0 : i32
    %ge3A_228 = arith.cmpi sge, %ge3A_226, %ge3A_227 : i32
    %add3A_229 = arith.constant 2496 : i32
    %add3A_230 = arith.addi %add3A, %add3A_229 : i32
    %lt3A_231 = arith.constant 2500 : i32
    %lt3A_232 = arith.cmpi slt, %add3A_230, %lt3A_231 : i32
    %and3A_233 = arith.andi %ge3A_228, %lt3A_232 : i1
    %convert_element_type3A_234 = arith.extui %and3A_233 : i1 to i32
    %cond3A_235 = arith.constant 0 : i32
    %cond3A_236 = arith.cmpi ne, %convert_element_type3A_234, %cond3A_235 : i32
    scf.if %cond3A_236 {
      %add3A_297 = arith.constant 2496 : i32
      %add3A_298 = arith.addi %add3A, %add3A_297 : i32
      %dma_start3A = arith.constant 1 : i32
      %dma_start3A_299 = arith.constant 0 : i32
      %dma_start3A_300 = tpu.memref_slice %arg7[%dma_start3A, %dma_start3A_299] : memref<2x128xi32, #tpu.memory_space<vmem>> -> memref<1x128xi32, #tpu.memory_space<vmem>>
      %dma_start3A_301 = tpu.memref_squeeze %dma_start3A_300 : memref<1x128xi32, #tpu.memory_space<vmem>> -> memref<128xi32, #tpu.memory_space<vmem>>
      %dma_start3A_302 = arith.constant 0 : i32
      %dma_start3A_303 = arith.constant 0 : i32
      %dma_start3A_304 = tpu.memref_slice %arg12[%dma_start3A_302, %dma_start3A_303] : memref<10000x128xf32, #tpu.memory_space<vmem_shared>> -> memref<10000x128xf32, #tpu.memory_space<vmem_shared>>
      tpu.enqueue_indirect_dma source(%arg9 : memref<128x128xf32, #tpu.memory_space<vmem>>) target(%dma_start3A_304 : memref<10000x128xf32, #tpu.memory_space<vmem_shared>>) offsets(%dma_start3A_301 : memref<128xi32, #tpu.memory_space<vmem>>) semaphore(%arg19 : memref<!tpu.dma_semaphore, #tpu.memory_space<semaphore_mem>>) {add = true}
    } else {
    }
    %ge3A_237 = arith.constant 79 : i32
    %ge3A_238 = arith.constant 0 : i32
    %ge3A_239 = arith.cmpi sge, %ge3A_237, %ge3A_238 : i32
    %add3A_240 = arith.constant 2528 : i32
    %add3A_241 = arith.addi %add3A, %add3A_240 : i32
    %lt3A_242 = arith.constant 2500 : i32
    %lt3A_243 = arith.cmpi slt, %add3A_241, %lt3A_242 : i32
    %and3A_244 = arith.andi %ge3A_239, %lt3A_243 : i1
    %convert_element_type3A_245 = arith.extui %and3A_244 : i1 to i32
    %cond3A_246 = arith.constant 0 : i32
    %cond3A_247 = arith.cmpi ne, %convert_element_type3A_245, %cond3A_246 : i32
    scf.if %cond3A_247 {
      %add3A_297 = arith.constant 2528 : i32
      %add3A_298 = arith.addi %add3A, %add3A_297 : i32
      %dma_wait3A = arith.constant 0 : i32
      %dma_wait3A_299 = arith.constant 0 : i32
      %dma_wait3A_300 = tpu.memref_slice %arg3[%add3A_298, %dma_wait3A, %dma_wait3A_299] : memref<2500x2x128xi32, #tpu.memory_space<hbm>> -> memref<1x2x128xi32, #tpu.memory_space<hbm>>
      %dma_wait3A_301 = tpu.memref_squeeze %dma_wait3A_300 : memref<1x2x128xi32, #tpu.memory_space<hbm>> -> memref<2x128xi32, #tpu.memory_space<hbm>>
      %dma_wait3A_302 = arith.constant 0 : i32
      %dma_wait3A_303 = arith.constant 0 : i32
      %dma_wait3A_304 = tpu.memref_slice %arg3[%add3A_298, %dma_wait3A_302, %dma_wait3A_303] : memref<2500x2x128xi32, #tpu.memory_space<hbm>> -> memref<1x2x128xi32, #tpu.memory_space<hbm>>
      %dma_wait3A_305 = tpu.memref_squeeze %dma_wait3A_304 : memref<1x2x128xi32, #tpu.memory_space<hbm>> -> memref<2x128xi32, #tpu.memory_space<hbm>>
      tpu.wait_dma2 semaphore(%arg16 : memref<!tpu.dma_semaphore, #tpu.memory_space<semaphore_mem>>) src(%dma_wait3A_305 : memref<2x128xi32, #tpu.memory_space<hbm>>) dst(%arg8 : memref<2x128xi32, #tpu.memory_space<vmem>>)
    } else {
    }
    %ge3A_248 = arith.constant 77 : i32
    %ge3A_249 = arith.constant 0 : i32
    %ge3A_250 = arith.cmpi sge, %ge3A_248, %ge3A_249 : i32
    %add3A_251 = arith.constant 2464 : i32
    %add3A_252 = arith.addi %add3A, %add3A_251 : i32
    %lt3A_253 = arith.constant 2500 : i32
    %lt3A_254 = arith.cmpi slt, %add3A_252, %lt3A_253 : i32
    %and3A_255 = arith.andi %ge3A_250, %lt3A_254 : i1
    %convert_element_type3A_256 = arith.extui %and3A_255 : i1 to i32
    %cond3A_257 = arith.constant 0 : i32
    %cond3A_258 = arith.cmpi ne, %convert_element_type3A_256, %cond3A_257 : i32
    scf.if %cond3A_258 {
      %add3A_297 = arith.constant 2464 : i32
      %add3A_298 = arith.addi %add3A, %add3A_297 : i32
      %dma_wait3A = arith.constant 1 : i32
      %dma_wait3A_299 = arith.constant 0 : i32
      %dma_wait3A_300 = tpu.memref_slice %arg6[%dma_wait3A, %dma_wait3A_299] : memref<2x128xi32, #tpu.memory_space<vmem>> -> memref<1x128xi32, #tpu.memory_space<vmem>>
      %dma_wait3A_301 = tpu.memref_squeeze %dma_wait3A_300 : memref<1x128xi32, #tpu.memory_space<vmem>> -> memref<128xi32, #tpu.memory_space<vmem>>
      %dma_wait3A_302 = arith.constant 0 : i32
      %dma_wait3A_303 = arith.constant 0 : i32
      %dma_wait3A_304 = tpu.memref_slice %arg12[%dma_wait3A_302, %dma_wait3A_303] : memref<10000x128xf32, #tpu.memory_space<vmem_shared>> -> memref<10000x128xf32, #tpu.memory_space<vmem_shared>>
      tpu.wait_indirect_dma semaphore(%arg20 : memref<!tpu.dma_semaphore, #tpu.memory_space<semaphore_mem>>) src(%arg10 : memref<128x128xf32, #tpu.memory_space<vmem>>) dst(%dma_wait3A_304 : memref<10000x128xf32, #tpu.memory_space<vmem_shared>>)
    } else {
    }
    %ge3A_259 = arith.constant 79 : i32
    %ge3A_260 = arith.constant 0 : i32
    %ge3A_261 = arith.cmpi sge, %ge3A_259, %ge3A_260 : i32
    %add3A_262 = arith.constant 2528 : i32
    %add3A_263 = arith.addi %add3A, %add3A_262 : i32
    %lt3A_264 = arith.constant 2500 : i32
    %lt3A_265 = arith.cmpi slt, %add3A_263, %lt3A_264 : i32
    %and3A_266 = arith.andi %ge3A_261, %lt3A_265 : i1
    %convert_element_type3A_267 = arith.extui %and3A_266 : i1 to i32
    %cond3A_268 = arith.constant 0 : i32
    %cond3A_269 = arith.cmpi ne, %convert_element_type3A_267, %cond3A_268 : i32
    scf.if %cond3A_269 {
      %add3A_297 = arith.constant 2528 : i32
      %add3A_298 = arith.addi %add3A, %add3A_297 : i32
      %dma_start3A = arith.constant 0 : i32
      %dma_start3A_299 = arith.constant 0 : i32
      %dma_start3A_300 = tpu.memref_slice %arg8[%dma_start3A, %dma_start3A_299] : memref<2x128xi32, #tpu.memory_space<vmem>> -> memref<1x128xi32, #tpu.memory_space<vmem>>
      %dma_start3A_301 = tpu.memref_squeeze %dma_start3A_300 : memref<1x128xi32, #tpu.memory_space<vmem>> -> memref<128xi32, #tpu.memory_space<vmem>>
      %dma_start3A_302 = arith.constant 0 : i32
      %dma_start3A_303 = arith.constant 0 : i32
      %dma_start3A_304 = tpu.memref_slice %arg2[%dma_start3A_302, %dma_start3A_303] : memref<10000x128xf32, #tpu.memory_space<hbm>> -> memref<10000x128xf32, #tpu.memory_space<hbm>>
      tpu.enqueue_indirect_dma source(%dma_start3A_304 : memref<10000x128xf32, #tpu.memory_space<hbm>>) target(%arg10 : memref<128x128xf32, #tpu.memory_space<vmem>>) offsets(%dma_start3A_301 : memref<128xi32, #tpu.memory_space<vmem>>) semaphore(%arg18 : memref<!tpu.dma_semaphore, #tpu.memory_space<semaphore_mem>>)
    } else {
    }
    %ge3A_270 = arith.constant 81 : i32
    %ge3A_271 = arith.constant 0 : i32
    %ge3A_272 = arith.cmpi sge, %ge3A_270, %ge3A_271 : i32
    %add3A_273 = arith.constant 2592 : i32
    %add3A_274 = arith.addi %add3A, %add3A_273 : i32
    %lt3A_275 = arith.constant 2500 : i32
    %lt3A_276 = arith.cmpi slt, %add3A_274, %lt3A_275 : i32
    %and3A_277 = arith.andi %ge3A_272, %lt3A_276 : i1
    %convert_element_type3A_278 = arith.extui %and3A_277 : i1 to i32
    %cond3A_279 = arith.constant 0 : i32
    %cond3A_280 = arith.cmpi ne, %convert_element_type3A_278, %cond3A_279 : i32
    scf.if %cond3A_280 {
      %add3A_297 = arith.constant 2592 : i32
      %add3A_298 = arith.addi %add3A, %add3A_297 : i32
      %dma_start3A = arith.constant 0 : i32
      %dma_start3A_299 = arith.constant 0 : i32
      %dma_start3A_300 = tpu.memref_slice %arg3[%add3A_298, %dma_start3A, %dma_start3A_299] : memref<2500x2x128xi32, #tpu.memory_space<hbm>> -> memref<1x2x128xi32, #tpu.memory_space<hbm>>
      %dma_start3A_301 = tpu.memref_squeeze %dma_start3A_300 : memref<1x2x128xi32, #tpu.memory_space<hbm>> -> memref<2x128xi32, #tpu.memory_space<hbm>>
      %dma_start3A_302 = arith.constant 0 : i32
      %dma_start3A_303 = arith.constant 0 : i32
      %dma_start3A_304 = tpu.memref_slice %arg3[%add3A_298, %dma_start3A_302, %dma_start3A_303] : memref<2500x2x128xi32, #tpu.memory_space<hbm>> -> memref<1x2x128xi32, #tpu.memory_space<hbm>>
      %dma_start3A_305 = tpu.memref_squeeze %dma_start3A_304 : memref<1x2x128xi32, #tpu.memory_space<hbm>> -> memref<2x128xi32, #tpu.memory_space<hbm>>
      tpu.enqueue_dma source(%dma_start3A_305 : memref<2x128xi32, #tpu.memory_space<hbm>>) target(%arg6 : memref<2x128xi32, #tpu.memory_space<vmem>>) target_semaphore(%arg14 : memref<!tpu.dma_semaphore, #tpu.memory_space<semaphore_mem>>)
    } else {
    }
    %ge3A_281 = arith.constant 78 : i32
    %ge3A_282 = arith.constant 0 : i32
    %ge3A_283 = arith.cmpi sge, %ge3A_281, %ge3A_282 : i32
    %add3A_284 = arith.constant 2496 : i32
    %add3A_285 = arith.addi %add3A, %add3A_284 : i32
    %lt3A_286 = arith.constant 2500 : i32
    %lt3A_287 = arith.cmpi slt, %add3A_285, %lt3A_286 : i32
    %and3A_288 = arith.andi %ge3A_283, %lt3A_287 : i1
    %convert_element_type3A_289 = arith.extui %and3A_288 : i1 to i32
    %cond3A_290 = arith.constant 0 : i32
    %cond3A_291 = arith.cmpi ne, %convert_element_type3A_289, %cond3A_290 : i32
    scf.if %cond3A_291 {
      %add3A_297 = arith.constant 2496 : i32
      %add3A_298 = arith.addi %add3A, %add3A_297 : i32
      %dma_wait3A = arith.constant 1 : i32
      %dma_wait3A_299 = arith.constant 0 : i32
      %dma_wait3A_300 = tpu.memref_slice %arg7[%dma_wait3A, %dma_wait3A_299] : memref<2x128xi32, #tpu.memory_space<vmem>> -> memref<1x128xi32, #tpu.memory_space<vmem>>
      %dma_wait3A_301 = tpu.memref_squeeze %dma_wait3A_300 : memref<1x128xi32, #tpu.memory_space<vmem>> -> memref<128xi32, #tpu.memory_space<vmem>>
      %dma_wait3A_302 = arith.constant 0 : i32
      %dma_wait3A_303 = arith.constant 0 : i32
      %dma_wait3A_304 = tpu.memref_slice %arg12[%dma_wait3A_302, %dma_wait3A_303] : memref<10000x128xf32, #tpu.memory_space<vmem_shared>> -> memref<10000x128xf32, #tpu.memory_space<vmem_shared>>
      tpu.wait_indirect_dma semaphore(%arg19 : memref<!tpu.dma_semaphore, #tpu.memory_space<semaphore_mem>>) src(%arg9 : memref<128x128xf32, #tpu.memory_space<vmem>>) dst(%dma_wait3A_304 : memref<10000x128xf32, #tpu.memory_space<vmem_shared>>)
    } else {
    }
    %barrier3A_292 = arith.constant 0 : index
    tpu.barrier barrier_id(%barrier3A_292)
    %mul3A_293 = arith.constant 625 : i32
    %mul3A_294 = arith.muli %arg1, %mul3A_293 : i32
    %mul3A_295 = arith.constant 625 : i32
    %mul3A_296 = arith.muli %arg1, %mul3A_295 : i32
    "tpu.region"() ({
      %run_scoped3A = tpu.sem_alloc : memref<!tpu.dma_semaphore, #tpu.memory_space<semaphore_mem>>
      %dma_start3A = arith.constant 0 : i32
      %dma_start3A_297 = tpu.memref_slice %arg4[%arg0, %mul3A_296, %dma_start3A] : memref<2x10000x128xf32, #tpu.memory_space<hbm>> -> memref<1x625x128xf32, #tpu.memory_space<hbm>>
      %dma_start3A_298 = tpu.memref_squeeze %dma_start3A_297 : memref<1x625x128xf32, #tpu.memory_space<hbm>> -> memref<625x128xf32, #tpu.memory_space<hbm>>
      %dma_start3A_299 = arith.constant 0 : i32
      %dma_start3A_300 = tpu.memref_slice %arg12[%mul3A_294, %dma_start3A_299] : memref<10000x128xf32, #tpu.memory_space<vmem_shared>> -> memref<625x128xf32, #tpu.memory_space<vmem_shared>>
      tpu.enqueue_dma source(%dma_start3A_300 : memref<625x128xf32, #tpu.memory_space<vmem_shared>>) target(%dma_start3A_298 : memref<625x128xf32, #tpu.memory_space<hbm>>) target_semaphore(%run_scoped3A : memref<!tpu.dma_semaphore, #tpu.memory_space<semaphore_mem>>)
      %dma_wait3A = arith.constant 0 : i32
      %dma_wait3A_301 = tpu.memref_slice %arg4[%arg0, %mul3A_296, %dma_wait3A] : memref<2x10000x128xf32, #tpu.memory_space<hbm>> -> memref<1x625x128xf32, #tpu.memory_space<hbm>>
      %dma_wait3A_302 = tpu.memref_squeeze %dma_wait3A_301 : memref<1x625x128xf32, #tpu.memory_space<hbm>> -> memref<625x128xf32, #tpu.memory_space<hbm>>
      %dma_wait3A_303 = arith.constant 0 : i32
      %dma_wait3A_304 = tpu.memref_slice %arg12[%mul3A_294, %dma_wait3A_303] : memref<10000x128xf32, #tpu.memory_space<vmem_shared>> -> memref<625x128xf32, #tpu.memory_space<vmem_shared>>
      tpu.wait_dma2 semaphore(%run_scoped3A : memref<!tpu.dma_semaphore, #tpu.memory_space<semaphore_mem>>) src(%dma_wait3A_304 : memref<625x128xf32, #tpu.memory_space<vmem_shared>>) dst(%dma_wait3A_302 : memref<625x128xf32, #tpu.memory_space<hbm>>)
      tpu.yield
    }) : () -> ()
    return
  }
}

#map = affine_map<(d0, d1) -> (0, 0)>
#map1 = affine_map<(d0, d1) -> (0, 0, 0)>
module attributes {stable_mosaic.version = 14 : i64} {
  func.func @_prop(%arg0: i32, %arg1: i32, %arg2: memref<10000x128xf32, #tpu.memory_space<hbm>>, %arg3: memref<2500x2x128xi32, #tpu.memory_space<hbm>>, %arg4: memref<2x10000x128xf32, #tpu.memory_space<hbm>>, %arg5: memref<2x128xi32, #tpu.memory_space<vmem>>, %arg6: memref<2x128xi32, #tpu.memory_space<vmem>>, %arg7: memref<2x128xi32, #tpu.memory_space<vmem>>, %arg8: memref<2x128xi32, #tpu.memory_space<vmem>>, %arg9: memref<128x128xf32, #tpu.memory_space<vmem>>, %arg10: memref<128x128xf32, #tpu.memory_space<vmem>>, %arg11: memref<125x128xf32, #tpu.memory_space<vmem>>, %arg12: memref<10000x128xf32, #tpu.memory_space<vmem_shared>>, %arg13: memref<!tpu.dma_semaphore, #tpu.memory_space<semaphore_mem>>, %arg14: memref<!tpu.dma_semaphore, #tpu.memory_space<semaphore_mem>>, %arg15: memref<!tpu.dma_semaphore, #tpu.memory_space<semaphore_mem>>, %arg16: memref<!tpu.dma_semaphore, #tpu.memory_space<semaphore_mem>>, %arg17: memref<!tpu.dma_semaphore, #tpu.memory_space<semaphore_mem>>, %arg18: memref<!tpu.dma_semaphore, #tpu.memory_space<semaphore_mem>>, %arg19: memref<!tpu.dma_semaphore, #tpu.memory_space<semaphore_mem>>, %arg20: memref<!tpu.dma_semaphore, #tpu.memory_space<semaphore_mem>>) attributes {dimension_semantics = [#tpu.dimension_semantics<core_parallel>, #tpu.dimension_semantics<subcore_parallel>], iteration_bounds = array<i64: 2, 16>, scalar_prefetch = 0 : i64, scratch_operands = 16 : i64, tpu.core_type = #tpu.core_type<sc_vector_subcore>, window_params = [{transform_indices = #map}, {transform_indices = #map1}, {transform_indices = #map1}]} {
    %mul3A = arith.constant 2 : i32
    %mul3A_0 = arith.muli %arg1, %mul3A : i32
    %add3A = arith.addi %mul3A_0, %arg0 : i32
    %broadcast_in_dim3A = arith.constant 0.000000e+00 : f32
    %broadcast_in_dim3A_1 = vector.broadcast %broadcast_in_dim3A : f32 to vector<16xf32>
    %scan3A = arith.constant 0 : i32
    %scan3A_2 = arith.constant 0 : i32
    %scan3A_3 = arith.constant 125 : i32
    %scan3A_4 = arith.addi %scan3A_2, %scan3A_3 : i32
    %scan3A_5 = arith.constant 1 : i32
    scf.for %scan3A_297 = %scan3A_2 to %scan3A_4 step %scan3A_5  : i32 {
      %swap3A = arith.index_cast %scan3A_297 : i32 to index
      %swap3A_298 = arith.constant 0 : index
      %swap3A_299 = tpu.vector_load %arg11[%swap3A, %swap3A_298] {strides = array<i32>} : memref<125x128xf32, #tpu.memory_space<vmem>>, vector<16xf32>,
      tpu.vector_store %arg11[%swap3A, %swap3A_298], %broadcast_in_dim3A_1 {strides = array<i32>} : memref<125x128xf32, #tpu.memory_space<vmem>>, vector<16xf32>,
      %swap3A_300 = arith.index_cast %scan3A_297 : i32 to index
      %swap3A_301 = arith.constant 16 : index
      %swap3A_302 = tpu.vector_load %arg11[%swap3A_300, %swap3A_301] {strides = array<i32>} : memref<125x128xf32, #tpu.memory_space<vmem>>, vector<16xf32>,
      tpu.vector_store %arg11[%swap3A_300, %swap3A_301], %broadcast_in_dim3A_1 {strides = array<i32>} : memref<125x128xf32, #tpu.memory_space<vmem>>, vector<16xf32>,
      %swap3A_303 = arith.index_cast %scan3A_297 : i32 to index
      %swap3A_304 = arith.constant 32 : index
      %swap3A_305 = tpu.vector_load %arg11[%swap3A_303, %swap3A_304] {strides = array<i32>} : memref<125x128xf32, #tpu.memory_space<vmem>>, vector<16xf32>,
      tpu.vector_store %arg11[%swap3A_303, %swap3A_304], %broadcast_in_dim3A_1 {strides = array<i32>} : memref<125x128xf32, #tpu.memory_space<vmem>>, vector<16xf32>,
      %swap3A_306 = arith.index_cast %scan3A_297 : i32 to index
      %swap3A_307 = arith.constant 48 : index
      %swap3A_308 = tpu.vector_load %arg11[%swap3A_306, %swap3A_307] {strides = array<i32>} : memref<125x128xf32, #tpu.memory_space<vmem>>, vector<16xf32>,
      tpu.vector_store %arg11[%swap3A_306, %swap3A_307], %broadcast_in_dim3A_1 {strides = array<i32>} : memref<125x128xf32, #tpu.memory_space<vmem>>, vector<16xf32>,
      %swap3A_309 = arith.index_cast %scan3A_297 : i32 to index
      %swap3A_310 = arith.constant 64 : index
      %swap3A_311 = tpu.vector_load %arg11[%swap3A_309, %swap3A_310] {strides = array<i32>} : memref<125x128xf32, #tpu.memory_space<vmem>>, vector<16xf32>,
      tpu.vector_store %arg11[%swap3A_309, %swap3A_310], %broadcast_in_dim3A_1 {strides = array<i32>} : memref<125x128xf32, #tpu.memory_space<vmem>>, vector<16xf32>,
      %swap3A_312 = arith.index_cast %scan3A_297 : i32 to index
      %swap3A_313 = arith.constant 80 : index
      %swap3A_314 = tpu.vector_load %arg11[%swap3A_312, %swap3A_313] {strides = array<i32>} : memref<125x128xf32, #tpu.memory_space<vmem>>, vector<16xf32>,
      tpu.vector_store %arg11[%swap3A_312, %swap3A_313], %broadcast_in_dim3A_1 {strides = array<i32>} : memref<125x128xf32, #tpu.memory_space<vmem>>, vector<16xf32>,
      %swap3A_315 = arith.index_cast %scan3A_297 : i32 to index
      %swap3A_316 = arith.constant 96 : index
      %swap3A_317 = tpu.vector_load %arg11[%swap3A_315, %swap3A_316] {strides = array<i32>} : memref<125x128xf32, #tpu.memory_space<vmem>>, vector<16xf32>,
      tpu.vector_store %arg11[%swap3A_315, %swap3A_316], %broadcast_in_dim3A_1 {strides = array<i32>} : memref<125x128xf32, #tpu.memory_space<vmem>>, vector<16xf32>,
      %swap3A_318 = arith.index_cast %scan3A_297 : i32 to index
      %swap3A_319 = arith.constant 112 : index
      %swap3A_320 = tpu.vector_load %arg11[%swap3A_318, %swap3A_319] {strides = array<i32>} : memref<125x128xf32, #tpu.memory_space<vmem>>, vector<16xf32>,
      tpu.vector_store %arg11[%swap3A_318, %swap3A_319], %broadcast_in_dim3A_1 {strides = array<i32>} : memref<125x128xf32, #tpu.memory_space<vmem>>, vector<16xf32>,
    }
    %scan3A_6 = arith.constant 125 : i32
    %mul3A_7 = arith.constant 625 : i32
    %mul3A_8 = arith.muli %arg1, %mul3A_7 : i32
    %add3A_9 = arith.constant 0 : i32
    %add3A_10 = arith.addi %mul3A_8, %add3A_9 : i32
    "tpu.region"() ({
      %run_scoped3A = tpu.sem_alloc : memref<!tpu.dma_semaphore, #tpu.memory_space<semaphore_mem>>
      %dma_start3A = arith.constant 0 : i32
      %dma_start3A_297 = tpu.memref_slice %arg12[%add3A_10, %dma_start3A] : memref<10000x128xf32, #tpu.memory_space<vmem_shared>> -> memref<125x128xf32, #tpu.memory_space<vmem_shared>>
      %dma_start3A_298 = arith.constant 0 : i32
      %dma_start3A_299 = tpu.memref_slice %arg12[%add3A_10, %dma_start3A_298] : memref<10000x128xf32, #tpu.memory_space<vmem_shared>> -> memref<125x128xf32, #tpu.memory_space<vmem_shared>>
      tpu.enqueue_dma source(%arg11 : memref<125x128xf32, #tpu.memory_space<vmem>>) target(%dma_start3A_299 : memref<125x128xf32, #tpu.memory_space<vmem_shared>>) target_semaphore(%run_scoped3A : memref<!tpu.dma_semaphore, #tpu.memory_space<semaphore_mem>>)
      %dma_wait3A = arith.constant 0 : i32
      %dma_wait3A_300 = tpu.memref_slice %arg12[%add3A_10, %dma_wait3A] : memref<10000x128xf32, #tpu.memory_space<vmem_shared>> -> memref<125x128xf32, #tpu.memory_space<vmem_shared>>
      %dma_wait3A_301 = arith.constant 0 : i32
      %dma_wait3A_302 = tpu.memref_slice %arg12[%add3A_10, %dma_wait3A_301] : memref<10000x128xf32, #tpu.memory_space<vmem_shared>> -> memref<125x128xf32, #tpu.memory_space<vmem_shared>>
      tpu.wait_dma2 semaphore(%run_scoped3A : memref<!tpu.dma_semaphore, #tpu.memory_space<semaphore_mem>>) src(%arg11 : memref<125x128xf32, #tpu.memory_space<vmem>>) dst(%dma_wait3A_302 : memref<125x128xf32, #tpu.memory_space<vmem_shared>>)
      tpu.yield
    }) : () -> ()
    %mul3A_11 = arith.constant 625 : i32
    %mul3A_12 = arith.muli %arg1, %mul3A_11 : i32
    %add3A_13 = arith.constant 125 : i32
    %add3A_14 = arith.addi %mul3A_12, %add3A_13 : i32
    "tpu.region"() ({
      %run_scoped3A = tpu.sem_alloc : memref<!tpu.dma_semaphore, #tpu.memory_space<semaphore_mem>>
      %dma_start3A = arith.constant 0 : i32
      %dma_start3A_297 = tpu.memref_slice %arg12[%add3A_14, %dma_start3A] : memref<10000x128xf32, #tpu.memory_space<vmem_shared>> -> memref<125x128xf32, #tpu.memory_space<vmem_shared>>
      %dma_start3A_298 = arith.constant 0 : i32
      %dma_start3A_299 = tpu.memref_slice %arg12[%add3A_14, %dma_start3A_298] : memref<10000x128xf32, #tpu.memory_space<vmem_shared>> -> memref<125x128xf32, #tpu.memory_space<vmem_shared>>
      tpu.enqueue_dma source(%arg11 : memref<125x128xf32, #tpu.memory_space<vmem>>) target(%dma_start3A_299 : memref<125x128xf32, #tpu.memory_space<vmem_shared>>) target_semaphore(%run_scoped3A : memref<!tpu.dma_semaphore, #tpu.memory_space<semaphore_mem>>)
      %dma_wait3A = arith.constant 0 : i32
      %dma_wait3A_300 = tpu.memref_slice %arg12[%add3A_14, %dma_wait3A] : memref<10000x128xf32, #tpu.memory_space<vmem_shared>> -> memref<125x128xf32, #tpu.memory_space<vmem_shared>>
      %dma_wait3A_301 = arith.constant 0 : i32
      %dma_wait3A_302 = tpu.memref_slice %arg12[%add3A_14, %dma_wait3A_301] : memref<10000x128xf32, #tpu.memory_space<vmem_shared>> -> memref<125x128xf32, #tpu.memory_space<vmem_shared>>
      tpu.wait_dma2 semaphore(%run_scoped3A : memref<!tpu.dma_semaphore, #tpu.memory_space<semaphore_mem>>) src(%arg11 : memref<125x128xf32, #tpu.memory_space<vmem>>) dst(%dma_wait3A_302 : memref<125x128xf32, #tpu.memory_space<vmem_shared>>)
      tpu.yield
    }) : () -> ()
    %mul3A_15 = arith.constant 625 : i32
    %mul3A_16 = arith.muli %arg1, %mul3A_15 : i32
    %add3A_17 = arith.constant 250 : i32
    %add3A_18 = arith.addi %mul3A_16, %add3A_17 : i32
    "tpu.region"() ({
      %run_scoped3A = tpu.sem_alloc : memref<!tpu.dma_semaphore, #tpu.memory_space<semaphore_mem>>
      %dma_start3A = arith.constant 0 : i32
      %dma_start3A_297 = tpu.memref_slice %arg12[%add3A_18, %dma_start3A] : memref<10000x128xf32, #tpu.memory_space<vmem_shared>> -> memref<125x128xf32, #tpu.memory_space<vmem_shared>>
      %dma_start3A_298 = arith.constant 0 : i32
      %dma_start3A_299 = tpu.memref_slice %arg12[%add3A_18, %dma_start3A_298] : memref<10000x128xf32, #tpu.memory_space<vmem_shared>> -> memref<125x128xf32, #tpu.memory_space<vmem_shared>>
      tpu.enqueue_dma source(%arg11 : memref<125x128xf32, #tpu.memory_space<vmem>>) target(%dma_start3A_299 : memref<125x128xf32, #tpu.memory_space<vmem_shared>>) target_semaphore(%run_scoped3A : memref<!tpu.dma_semaphore, #tpu.memory_space<semaphore_mem>>)
      %dma_wait3A = arith.constant 0 : i32
      %dma_wait3A_300 = tpu.memref_slice %arg12[%add3A_18, %dma_wait3A] : memref<10000x128xf32, #tpu.memory_space<vmem_shared>> -> memref<125x128xf32, #tpu.memory_space<vmem_shared>>
      %dma_wait3A_301 = arith.constant 0 : i32
      %dma_wait3A_302 = tpu.memref_slice %arg12[%add3A_18, %dma_wait3A_301] : memref<10000x128xf32, #tpu.memory_space<vmem_shared>> -> memref<125x128xf32, #tpu.memory_space<vmem_shared>>
      tpu.wait_dma2 semaphore(%run_scoped3A : memref<!tpu.dma_semaphore, #tpu.memory_space<semaphore_mem>>) src(%arg11 : memref<125x128xf32, #tpu.memory_space<vmem>>) dst(%dma_wait3A_302 : memref<125x128xf32, #tpu.memory_space<vmem_shared>>)
      tpu.yield
    }) : () -> ()
    %mul3A_19 = arith.constant 625 : i32
    %mul3A_20 = arith.muli %arg1, %mul3A_19 : i32
    %add3A_21 = arith.constant 375 : i32
    %add3A_22 = arith.addi %mul3A_20, %add3A_21 : i32
    "tpu.region"() ({
      %run_scoped3A = tpu.sem_alloc : memref<!tpu.dma_semaphore, #tpu.memory_space<semaphore_mem>>
      %dma_start3A = arith.constant 0 : i32
      %dma_start3A_297 = tpu.memref_slice %arg12[%add3A_22, %dma_start3A] : memref<10000x128xf32, #tpu.memory_space<vmem_shared>> -> memref<125x128xf32, #tpu.memory_space<vmem_shared>>
      %dma_start3A_298 = arith.constant 0 : i32
      %dma_start3A_299 = tpu.memref_slice %arg12[%add3A_22, %dma_start3A_298] : memref<10000x128xf32, #tpu.memory_space<vmem_shared>> -> memref<125x128xf32, #tpu.memory_space<vmem_shared>>
      tpu.enqueue_dma source(%arg11 : memref<125x128xf32, #tpu.memory_space<vmem>>) target(%dma_start3A_299 : memref<125x128xf32, #tpu.memory_space<vmem_shared>>) target_semaphore(%run_scoped3A : memref<!tpu.dma_semaphore, #tpu.memory_space<semaphore_mem>>)
      %dma_wait3A = arith.constant 0 : i32
      %dma_wait3A_300 = tpu.memref_slice %arg12[%add3A_22, %dma_wait3A] : memref<10000x128xf32, #tpu.memory_space<vmem_shared>> -> memref<125x128xf32, #tpu.memory_space<vmem_shared>>
      %dma_wait3A_301 = arith.constant 0 : i32
      %dma_wait3A_302 = tpu.memref_slice %arg12[%add3A_22, %dma_wait3A_301] : memref<10000x128xf32, #tpu.memory_space<vmem_shared>> -> memref<125x128xf32, #tpu.memory_space<vmem_shared>>
      tpu.wait_dma2 semaphore(%run_scoped3A : memref<!tpu.dma_semaphore, #tpu.memory_space<semaphore_mem>>) src(%arg11 : memref<125x128xf32, #tpu.memory_space<vmem>>) dst(%dma_wait3A_302 : memref<125x128xf32, #tpu.memory_space<vmem_shared>>)
      tpu.yield
    }) : () -> ()
    %mul3A_23 = arith.constant 625 : i32
    %mul3A_24 = arith.muli %arg1, %mul3A_23 : i32
    %add3A_25 = arith.constant 500 : i32
    %add3A_26 = arith.addi %mul3A_24, %add3A_25 : i32
    "tpu.region"() ({
      %run_scoped3A = tpu.sem_alloc : memref<!tpu.dma_semaphore, #tpu.memory_space<semaphore_mem>>
      %dma_start3A = arith.constant 0 : i32
      %dma_start3A_297 = tpu.memref_slice %arg12[%add3A_26, %dma_start3A] : memref<10000x128xf32, #tpu.memory_space<vmem_shared>> -> memref<125x128xf32, #tpu.memory_space<vmem_shared>>
      %dma_start3A_298 = arith.constant 0 : i32
      %dma_start3A_299 = tpu.memref_slice %arg12[%add3A_26, %dma_start3A_298] : memref<10000x128xf32, #tpu.memory_space<vmem_shared>> -> memref<125x128xf32, #tpu.memory_space<vmem_shared>>
      tpu.enqueue_dma source(%arg11 : memref<125x128xf32, #tpu.memory_space<vmem>>) target(%dma_start3A_299 : memref<125x128xf32, #tpu.memory_space<vmem_shared>>) target_semaphore(%run_scoped3A : memref<!tpu.dma_semaphore, #tpu.memory_space<semaphore_mem>>)
      %dma_wait3A = arith.constant 0 : i32
      %dma_wait3A_300 = tpu.memref_slice %arg12[%add3A_26, %dma_wait3A] : memref<10000x128xf32, #tpu.memory_space<vmem_shared>> -> memref<125x128xf32, #tpu.memory_space<vmem_shared>>
      %dma_wait3A_301 = arith.constant 0 : i32
      %dma_wait3A_302 = tpu.memref_slice %arg12[%add3A_26, %dma_wait3A_301] : memref<10000x128xf32, #tpu.memory_space<vmem_shared>> -> memref<125x128xf32, #tpu.memory_space<vmem_shared>>
      tpu.wait_dma2 semaphore(%run_scoped3A : memref<!tpu.dma_semaphore, #tpu.memory_space<semaphore_mem>>) src(%arg11 : memref<125x128xf32, #tpu.memory_space<vmem>>) dst(%dma_wait3A_302 : memref<125x128xf32, #tpu.memory_space<vmem_shared>>)
      tpu.yield
    }) : () -> ()
    %barrier3A = arith.constant 0 : index
    tpu.barrier barrier_id(%barrier3A)
    %ge3A = arith.constant 0 : i32
    %ge3A_27 = arith.constant 0 : i32
    %ge3A_28 = arith.cmpi sge, %ge3A, %ge3A_27 : i32
    %add3A_29 = arith.constant 0 : i32
    %add3A_30 = arith.addi %add3A, %add3A_29 : i32
    %lt3A = arith.constant 2500 : i32
    %lt3A_31 = arith.cmpi slt, %add3A_30, %lt3A : i32
    %and3A = arith.andi %ge3A_28, %lt3A_31 : i1
    %convert_element_type3A = arith.extui %and3A : i1 to i32
    %cond3A = arith.constant 0 : i32
    %cond3A_32 = arith.cmpi ne, %convert_element_type3A, %cond3A : i32
    scf.if %cond3A_32 {
      %add3A_297 = arith.constant 0 : i32
      %add3A_298 = arith.addi %add3A, %add3A_297 : i32
      %dma_start3A = arith.constant 0 : i32
      %dma_start3A_299 = arith.constant 0 : i32
      %dma_start3A_300 = tpu.memref_slice %arg3[%add3A_298, %dma_start3A, %dma_start3A_299] : memref<2500x2x128xi32, #tpu.memory_space<hbm>> -> memref<1x2x128xi32, #tpu.memory_space<hbm>>
      %dma_start3A_301 = tpu.memref_squeeze %dma_start3A_300 : memref<1x2x128xi32, #tpu.memory_space<hbm>> -> memref<2x128xi32, #tpu.memory_space<hbm>>
      %dma_start3A_302 = arith.constant 0 : i32
      %dma_start3A_303 = arith.constant 0 : i32
      %dma_start3A_304 = tpu.memref_slice %arg3[%add3A_298, %dma_start3A_302, %dma_start3A_303] : memref<2500x2x128xi32, #tpu.memory_space<hbm>> -> memref<1x2x128xi32, #tpu.memory_space<hbm>>
      %dma_start3A_305 = tpu.memref_squeeze %dma_start3A_304 : memref<1x2x128xi32, #tpu.memory_space<hbm>> -> memref<2x128xi32, #tpu.memory_space<hbm>>
      tpu.enqueue_dma source(%dma_start3A_305 : memref<2x128xi32, #tpu.memory_space<hbm>>) target(%arg5 : memref<2x128xi32, #tpu.memory_space<vmem>>) target_semaphore(%arg13 : memref<!tpu.dma_semaphore, #tpu.memory_space<semaphore_mem>>)
    } else {
    }
    %ge3A_33 = arith.constant 1 : i32
    %ge3A_34 = arith.constant 0 : i32
    %ge3A_35 = arith.cmpi sge, %ge3A_33, %ge3A_34 : i32
    %add3A_36 = arith.constant 32 : i32
    %add3A_37 = arith.addi %add3A, %add3A_36 : i32
    %lt3A_38 = arith.constant 2500 : i32
    %lt3A_39 = arith.cmpi slt, %add3A_37, %lt3A_38 : i32
    %and3A_40 = arith.andi %ge3A_35, %lt3A_39 : i1
    %convert_element_type3A_41 = arith.extui %and3A_40 : i1 to i32
    %cond3A_42 = arith.constant 0 : i32
    %cond3A_43 = arith.cmpi ne, %convert_element_type3A_41, %cond3A_42 : i32
    scf.if %cond3A_43 {
      %add3A_297 = arith.constant 32 : i32
      %add3A_298 = arith.addi %add3A, %add3A_297 : i32
      %dma_start3A = arith.constant 0 : i32
      %dma_start3A_299 = arith.constant 0 : i32
      %dma_start3A_300 = tpu.memref_slice %arg3[%add3A_298, %dma_start3A, %dma_start3A_299] : memref<2500x2x128xi32, #tpu.memory_space<hbm>> -> memref<1x2x128xi32, #tpu.memory_space<hbm>>
      %dma_start3A_301 = tpu.memref_squeeze %dma_start3A_300 : memref<1x2x128xi32, #tpu.memory_space<hbm>> -> memref<2x128xi32, #tpu.memory_space<hbm>>
      %dma_start3A_302 = arith.constant 0 : i32
      %dma_start3A_303 = arith.constant 0 : i32
      %dma_start3A_304 = tpu.memref_slice %arg3[%add3A_298, %dma_start3A_302, %dma_start3A_303] : memref<2500x2x128xi32, #tpu.memory_space<hbm>> -> memref<1x2x128xi32, #tpu.memory_space<hbm>>
      %dma_start3A_305 = tpu.memref_squeeze %dma_start3A_304 : memref<1x2x128xi32, #tpu.memory_space<hbm>> -> memref<2x128xi32, #tpu.memory_space<hbm>>
      tpu.enqueue_dma source(%dma_start3A_305 : memref<2x128xi32, #tpu.memory_space<hbm>>) target(%arg6 : memref<2x128xi32, #tpu.memory_space<vmem>>) target_semaphore(%arg14 : memref<!tpu.dma_semaphore, #tpu.memory_space<semaphore_mem>>)
    } else {
    }
    %ge3A_44 = arith.constant 2 : i32
    %ge3A_45 = arith.constant 0 : i32
    %ge3A_46 = arith.cmpi sge, %ge3A_44, %ge3A_45 : i32
    %add3A_47 = arith.constant 64 : i32
    %add3A_48 = arith.addi %add3A, %add3A_47 : i32
    %lt3A_49 = arith.constant 2500 : i32
    %lt3A_50 = arith.cmpi slt, %add3A_48, %lt3A_49 : i32
    %and3A_51 = arith.andi %ge3A_46, %lt3A_50 : i1
    %convert_element_type3A_52 = arith.extui %and3A_51 : i1 to i32
    %cond3A_53 = arith.constant 0 : i32
    %cond3A_54 = arith.cmpi ne, %convert_element_type3A_52, %cond3A_53 : i32
    scf.if %cond3A_54 {
      %add3A_297 = arith.constant 64 : i32
      %add3A_298 = arith.addi %add3A, %add3A_297 : i32
      %dma_start3A = arith.constant 0 : i32
      %dma_start3A_299 = arith.constant 0 : i32
      %dma_start3A_300 = tpu.memref_slice %arg3[%add3A_298, %dma_start3A, %dma_start3A_299] : memref<2500x2x128xi32, #tpu.memory_space<hbm>> -> memref<1x2x128xi32, #tpu.memory_space<hbm>>
      %dma_start3A_301 = tpu.memref_squeeze %dma_start3A_300 : memref<1x2x128xi32, #tpu.memory_space<hbm>> -> memref<2x128xi32, #tpu.memory_space<hbm>>
      %dma_start3A_302 = arith.constant 0 : i32
      %dma_start3A_303 = arith.constant 0 : i32
      %dma_start3A_304 = tpu.memref_slice %arg3[%add3A_298, %dma_start3A_302, %dma_start3A_303] : memref<2500x2x128xi32, #tpu.memory_space<hbm>> -> memref<1x2x128xi32, #tpu.memory_space<hbm>>
      %dma_start3A_305 = tpu.memref_squeeze %dma_start3A_304 : memref<1x2x128xi32, #tpu.memory_space<hbm>> -> memref<2x128xi32, #tpu.memory_space<hbm>>
      tpu.enqueue_dma source(%dma_start3A_305 : memref<2x128xi32, #tpu.memory_space<hbm>>) target(%arg7 : memref<2x128xi32, #tpu.memory_space<vmem>>) target_semaphore(%arg15 : memref<!tpu.dma_semaphore, #tpu.memory_space<semaphore_mem>>)
    } else {
    }
    %ge3A_55 = arith.constant 0 : i32
    %ge3A_56 = arith.constant 0 : i32
    %ge3A_57 = arith.cmpi sge, %ge3A_55, %ge3A_56 : i32
    %add3A_58 = arith.constant 0 : i32
    %add3A_59 = arith.addi %add3A, %add3A_58 : i32
    %lt3A_60 = arith.constant 2500 : i32
    %lt3A_61 = arith.cmpi slt, %add3A_59, %lt3A_60 : i32
    %and3A_62 = arith.andi %ge3A_57, %lt3A_61 : i1
    %convert_element_type3A_63 = arith.extui %and3A_62 : i1 to i32
    %cond3A_64 = arith.constant 0 : i32
    %cond3A_65 = arith.cmpi ne, %convert_element_type3A_63, %cond3A_64 : i32
    scf.if %cond3A_65 {
      %add3A_297 = arith.constant 0 : i32
      %add3A_298 = arith.addi %add3A, %add3A_297 : i32
      %dma_wait3A = arith.constant 0 : i32
      %dma_wait3A_299 = arith.constant 0 : i32
      %dma_wait3A_300 = tpu.memref_slice %arg3[%add3A_298, %dma_wait3A, %dma_wait3A_299] : memref<2500x2x128xi32, #tpu.memory_space<hbm>> -> memref<1x2x128xi32, #tpu.memory_space<hbm>>
      %dma_wait3A_301 = tpu.memref_squeeze %dma_wait3A_300 : memref<1x2x128xi32, #tpu.memory_space<hbm>> -> memref<2x128xi32, #tpu.memory_space<hbm>>
      %dma_wait3A_302 = arith.constant 0 : i32
      %dma_wait3A_303 = arith.constant 0 : i32
      %dma_wait3A_304 = tpu.memref_slice %arg3[%add3A_298, %dma_wait3A_302, %dma_wait3A_303] : memref<2500x2x128xi32, #tpu.memory_space<hbm>> -> memref<1x2x128xi32, #tpu.memory_space<hbm>>
      %dma_wait3A_305 = tpu.memref_squeeze %dma_wait3A_304 : memref<1x2x128xi32, #tpu.memory_space<hbm>> -> memref<2x128xi32, #tpu.memory_space<hbm>>
      tpu.wait_dma2 semaphore(%arg13 : memref<!tpu.dma_semaphore, #tpu.memory_space<semaphore_mem>>) src(%dma_wait3A_305 : memref<2x128xi32, #tpu.memory_space<hbm>>) dst(%arg5 : memref<2x128xi32, #tpu.memory_space<vmem>>)
    } else {
    }
    %ge3A_66 = arith.constant 0 : i32
    %ge3A_67 = arith.constant 0 : i32
    %ge3A_68 = arith.cmpi sge, %ge3A_66, %ge3A_67 : i32
    %add3A_69 = arith.constant 0 : i32
    %add3A_70 = arith.addi %add3A, %add3A_69 : i32
    %lt3A_71 = arith.constant 2500 : i32
    %lt3A_72 = arith.cmpi slt, %add3A_70, %lt3A_71 : i32
    %and3A_73 = arith.andi %ge3A_68, %lt3A_72 : i1
    %convert_element_type3A_74 = arith.extui %and3A_73 : i1 to i32
    %cond3A_75 = arith.constant 0 : i32
    %cond3A_76 = arith.cmpi ne, %convert_element_type3A_74, %cond3A_75 : i32
    scf.if %cond3A_76 {
      %add3A_297 = arith.constant 0 : i32
      %add3A_298 = arith.addi %add3A, %add3A_297 : i32
      %dma_start3A = arith.constant 0 : i32
      %dma_start3A_299 = arith.constant 0 : i32
      %dma_start3A_300 = tpu.memref_slice %arg5[%dma_start3A, %dma_start3A_299] : memref<2x128xi32, #tpu.memory_space<vmem>> -> memref<1x128xi32, #tpu.memory_space<vmem>>
      %dma_start3A_301 = tpu.memref_squeeze %dma_start3A_300 : memref<1x128xi32, #tpu.memory_space<vmem>> -> memref<128xi32, #tpu.memory_space<vmem>>
      %dma_start3A_302 = arith.constant 0 : i32
      %dma_start3A_303 = arith.constant 0 : i32
      %dma_start3A_304 = tpu.memref_slice %arg2[%dma_start3A_302, %dma_start3A_303] : memref<10000x128xf32, #tpu.memory_space<hbm>> -> memref<10000x128xf32, #tpu.memory_space<hbm>>
      tpu.enqueue_indirect_dma source(%dma_start3A_304 : memref<10000x128xf32, #tpu.memory_space<hbm>>) target(%arg9 : memref<128x128xf32, #tpu.memory_space<vmem>>) offsets(%dma_start3A_301 : memref<128xi32, #tpu.memory_space<vmem>>) semaphore(%arg17 : memref<!tpu.dma_semaphore, #tpu.memory_space<semaphore_mem>>)
    } else {
    }
    %scan3A_77 = arith.constant 0 : i32
    %scan3A_78 = arith.constant 0 : i32
    %scan3A_79 = arith.constant 19 : i32
    %scan3A_80 = arith.addi %scan3A_78, %scan3A_79 : i32
    %scan3A_81 = arith.constant 1 : i32
    scf.for %scan3A_297 = %scan3A_78 to %scan3A_80 step %scan3A_81  : i32 {
      %mul3A_298 = arith.constant 4 : i32
      %mul3A_299 = arith.muli %mul3A_298, %scan3A_297 : i32
      %add3A_300 = arith.constant 0 : i32
      %add3A_301 = arith.addi %mul3A_299, %add3A_300 : i32
      %ge3A_302 = arith.constant 0 : i32
      %ge3A_303 = arith.cmpi sge, %add3A_301, %ge3A_302 : i32
      %mul3A_304 = arith.constant 32 : i32
      %mul3A_305 = arith.muli %mul3A_304, %add3A_301 : i32
      %add3A_306 = arith.addi %add3A, %mul3A_305 : i32
      %lt3A_307 = arith.constant 2500 : i32
      %lt3A_308 = arith.cmpi slt, %add3A_306, %lt3A_307 : i32
      %and3A_309 = arith.andi %ge3A_303, %lt3A_308 : i1
      %convert_element_type3A_310 = arith.extui %and3A_309 : i1 to i32
      %cond3A_311 = arith.constant 0 : i32
      %cond3A_312 = arith.cmpi ne, %convert_element_type3A_310, %cond3A_311 : i32
      scf.if %cond3A_312 {
        %mul3A_609 = arith.constant 32 : i32
        %mul3A_610 = arith.muli %mul3A_609, %add3A_301 : i32
        %add3A_611 = arith.addi %add3A, %mul3A_610 : i32
        %dma_wait3A = arith.constant 0 : i32
        %dma_wait3A_612 = arith.constant 0 : i32
        %dma_wait3A_613 = tpu.memref_slice %arg5[%dma_wait3A, %dma_wait3A_612] : memref<2x128xi32, #tpu.memory_space<vmem>> -> memref<1x128xi32, #tpu.memory_space<vmem>>
        %dma_wait3A_614 = tpu.memref_squeeze %dma_wait3A_613 : memref<1x128xi32, #tpu.memory_space<vmem>> -> memref<128xi32, #tpu.memory_space<vmem>>
        %dma_wait3A_615 = arith.constant 0 : i32
        %dma_wait3A_616 = arith.constant 0 : i32
        %dma_wait3A_617 = tpu.memref_slice %arg2[%dma_wait3A_615, %dma_wait3A_616] : memref<10000x128xf32, #tpu.memory_space<hbm>> -> memref<10000x128xf32, #tpu.memory_space<hbm>>
        tpu.wait_indirect_dma semaphore(%arg17 : memref<!tpu.dma_semaphore, #tpu.memory_space<semaphore_mem>>) src(%dma_wait3A_617 : memref<10000x128xf32, #tpu.memory_space<hbm>>) dst(%arg9 : memref<128x128xf32, #tpu.memory_space<vmem>>)
      } else {
      }
      %ge3A_313 = arith.constant 0 : i32
      %ge3A_314 = arith.cmpi sge, %add3A_301, %ge3A_313 : i32
      %mul3A_315 = arith.constant 32 : i32
      %mul3A_316 = arith.muli %mul3A_315, %add3A_301 : i32
      %add3A_317 = arith.addi %add3A, %mul3A_316 : i32
      %lt3A_318 = arith.constant 2500 : i32
      %lt3A_319 = arith.cmpi slt, %add3A_317, %lt3A_318 : i32
      %and3A_320 = arith.andi %ge3A_314, %lt3A_319 : i1
      %convert_element_type3A_321 = arith.extui %and3A_320 : i1 to i32
      %cond3A_322 = arith.constant 0 : i32
      %cond3A_323 = arith.cmpi ne, %convert_element_type3A_321, %cond3A_322 : i32
      scf.if %cond3A_323 {
        %mul3A_609 = arith.constant 32 : i32
        %mul3A_610 = arith.muli %mul3A_609, %add3A_301 : i32
        %add3A_611 = arith.addi %add3A, %mul3A_610 : i32
        %dma_start3A = arith.constant 1 : i32
        %dma_start3A_612 = arith.constant 0 : i32
        %dma_start3A_613 = tpu.memref_slice %arg5[%dma_start3A, %dma_start3A_612] : memref<2x128xi32, #tpu.memory_space<vmem>> -> memref<1x128xi32, #tpu.memory_space<vmem>>
        %dma_start3A_614 = tpu.memref_squeeze %dma_start3A_613 : memref<1x128xi32, #tpu.memory_space<vmem>> -> memref<128xi32, #tpu.memory_space<vmem>>
        %dma_start3A_615 = arith.constant 0 : i32
        %dma_start3A_616 = arith.constant 0 : i32
        %dma_start3A_617 = tpu.memref_slice %arg12[%dma_start3A_615, %dma_start3A_616] : memref<10000x128xf32, #tpu.memory_space<vmem_shared>> -> memref<10000x128xf32, #tpu.memory_space<vmem_shared>>
        tpu.enqueue_indirect_dma source(%arg9 : memref<128x128xf32, #tpu.memory_space<vmem>>) target(%dma_start3A_617 : memref<10000x128xf32, #tpu.memory_space<vmem_shared>>) offsets(%dma_start3A_614 : memref<128xi32, #tpu.memory_space<vmem>>) semaphore(%arg19 : memref<!tpu.dma_semaphore, #tpu.memory_space<semaphore_mem>>) {add = true}
      } else {
      }
      %add3A_324 = arith.constant 1 : i32
      %add3A_325 = arith.addi %add3A_301, %add3A_324 : i32
      %ge3A_326 = arith.constant 0 : i32
      %ge3A_327 = arith.cmpi sge, %add3A_325, %ge3A_326 : i32
      %mul3A_328 = arith.constant 32 : i32
      %mul3A_329 = arith.muli %mul3A_328, %add3A_325 : i32
      %add3A_330 = arith.addi %add3A, %mul3A_329 : i32
      %lt3A_331 = arith.constant 2500 : i32
      %lt3A_332 = arith.cmpi slt, %add3A_330, %lt3A_331 : i32
      %and3A_333 = arith.andi %ge3A_327, %lt3A_332 : i1
      %convert_element_type3A_334 = arith.extui %and3A_333 : i1 to i32
      %cond3A_335 = arith.constant 0 : i32
      %cond3A_336 = arith.cmpi ne, %convert_element_type3A_334, %cond3A_335 : i32
      scf.if %cond3A_336 {
        %mul3A_609 = arith.constant 32 : i32
        %mul3A_610 = arith.muli %mul3A_609, %add3A_325 : i32
        %add3A_611 = arith.addi %add3A, %mul3A_610 : i32
        %dma_wait3A = arith.constant 0 : i32
        %dma_wait3A_612 = arith.constant 0 : i32
        %dma_wait3A_613 = tpu.memref_slice %arg3[%add3A_611, %dma_wait3A, %dma_wait3A_612] : memref<2500x2x128xi32, #tpu.memory_space<hbm>> -> memref<1x2x128xi32, #tpu.memory_space<hbm>>
        %dma_wait3A_614 = tpu.memref_squeeze %dma_wait3A_613 : memref<1x2x128xi32, #tpu.memory_space<hbm>> -> memref<2x128xi32, #tpu.memory_space<hbm>>
        %dma_wait3A_615 = arith.constant 0 : i32
        %dma_wait3A_616 = arith.constant 0 : i32
        %dma_wait3A_617 = tpu.memref_slice %arg3[%add3A_611, %dma_wait3A_615, %dma_wait3A_616] : memref<2500x2x128xi32, #tpu.memory_space<hbm>> -> memref<1x2x128xi32, #tpu.memory_space<hbm>>
        %dma_wait3A_618 = tpu.memref_squeeze %dma_wait3A_617 : memref<1x2x128xi32, #tpu.memory_space<hbm>> -> memref<2x128xi32, #tpu.memory_space<hbm>>
        tpu.wait_dma2 semaphore(%arg14 : memref<!tpu.dma_semaphore, #tpu.memory_space<semaphore_mem>>) src(%dma_wait3A_618 : memref<2x128xi32, #tpu.memory_space<hbm>>) dst(%arg6 : memref<2x128xi32, #tpu.memory_space<vmem>>)
      } else {
      }
      %sub3A = arith.constant 1 : i32
      %sub3A_337 = arith.subi %add3A_301, %sub3A : i32
      %ge3A_338 = arith.constant 0 : i32
      %ge3A_339 = arith.cmpi sge, %sub3A_337, %ge3A_338 : i32
      %mul3A_340 = arith.constant 32 : i32
      %mul3A_341 = arith.muli %mul3A_340, %sub3A_337 : i32
      %add3A_342 = arith.addi %add3A, %mul3A_341 : i32
      %lt3A_343 = arith.constant 2500 : i32
      %lt3A_344 = arith.cmpi slt, %add3A_342, %lt3A_343 : i32
      %and3A_345 = arith.andi %ge3A_339, %lt3A_344 : i1
      %convert_element_type3A_346 = arith.extui %and3A_345 : i1 to i32
      %cond3A_347 = arith.constant 0 : i32
      %cond3A_348 = arith.cmpi ne, %convert_element_type3A_346, %cond3A_347 : i32
      scf.if %cond3A_348 {
        %mul3A_609 = arith.constant 32 : i32
        %mul3A_610 = arith.muli %mul3A_609, %sub3A_337 : i32
        %add3A_611 = arith.addi %add3A, %mul3A_610 : i32
        %dma_wait3A = arith.constant 1 : i32
        %dma_wait3A_612 = arith.constant 0 : i32
        %dma_wait3A_613 = tpu.memref_slice %arg8[%dma_wait3A, %dma_wait3A_612] : memref<2x128xi32, #tpu.memory_space<vmem>> -> memref<1x128xi32, #tpu.memory_space<vmem>>
        %dma_wait3A_614 = tpu.memref_squeeze %dma_wait3A_613 : memref<1x128xi32, #tpu.memory_space<vmem>> -> memref<128xi32, #tpu.memory_space<vmem>>
        %dma_wait3A_615 = arith.constant 0 : i32
        %dma_wait3A_616 = arith.constant 0 : i32
        %dma_wait3A_617 = tpu.memref_slice %arg12[%dma_wait3A_615, %dma_wait3A_616] : memref<10000x128xf32, #tpu.memory_space<vmem_shared>> -> memref<10000x128xf32, #tpu.memory_space<vmem_shared>>
        tpu.wait_indirect_dma semaphore(%arg20 : memref<!tpu.dma_semaphore, #tpu.memory_space<semaphore_mem>>) src(%arg10 : memref<128x128xf32, #tpu.memory_space<vmem>>) dst(%dma_wait3A_617 : memref<10000x128xf32, #tpu.memory_space<vmem_shared>>)
      } else {
      }
      %add3A_349 = arith.constant 1 : i32
      %add3A_350 = arith.addi %add3A_301, %add3A_349 : i32
      %ge3A_351 = arith.constant 0 : i32
      %ge3A_352 = arith.cmpi sge, %add3A_350, %ge3A_351 : i32
      %mul3A_353 = arith.constant 32 : i32
      %mul3A_354 = arith.muli %mul3A_353, %add3A_350 : i32
      %add3A_355 = arith.addi %add3A, %mul3A_354 : i32
      %lt3A_356 = arith.constant 2500 : i32
      %lt3A_357 = arith.cmpi slt, %add3A_355, %lt3A_356 : i32
      %and3A_358 = arith.andi %ge3A_352, %lt3A_357 : i1
      %convert_element_type3A_359 = arith.extui %and3A_358 : i1 to i32
      %cond3A_360 = arith.constant 0 : i32
      %cond3A_361 = arith.cmpi ne, %convert_element_type3A_359, %cond3A_360 : i32
      scf.if %cond3A_361 {
        %mul3A_609 = arith.constant 32 : i32
        %mul3A_610 = arith.muli %mul3A_609, %add3A_350 : i32
        %add3A_611 = arith.addi %add3A, %mul3A_610 : i32
        %dma_start3A = arith.constant 0 : i32
        %dma_start3A_612 = arith.constant 0 : i32
        %dma_start3A_613 = tpu.memref_slice %arg6[%dma_start3A, %dma_start3A_612] : memref<2x128xi32, #tpu.memory_space<vmem>> -> memref<1x128xi32, #tpu.memory_space<vmem>>
        %dma_start3A_614 = tpu.memref_squeeze %dma_start3A_613 : memref<1x128xi32, #tpu.memory_space<vmem>> -> memref<128xi32, #tpu.memory_space<vmem>>
        %dma_start3A_615 = arith.constant 0 : i32
        %dma_start3A_616 = arith.constant 0 : i32
        %dma_start3A_617 = tpu.memref_slice %arg2[%dma_start3A_615, %dma_start3A_616] : memref<10000x128xf32, #tpu.memory_space<hbm>> -> memref<10000x128xf32, #tpu.memory_space<hbm>>
        tpu.enqueue_indirect_dma source(%dma_start3A_617 : memref<10000x128xf32, #tpu.memory_space<hbm>>) target(%arg10 : memref<128x128xf32, #tpu.memory_space<vmem>>) offsets(%dma_start3A_614 : memref<128xi32, #tpu.memory_space<vmem>>) semaphore(%arg18 : memref<!tpu.dma_semaphore, #tpu.memory_space<semaphore_mem>>)
      } else {
      }
      %add3A_362 = arith.constant 3 : i32
      %add3A_363 = arith.addi %add3A_301, %add3A_362 : i32
      %ge3A_364 = arith.constant 0 : i32
      %ge3A_365 = arith.cmpi sge, %add3A_363, %ge3A_364 : i32
      %mul3A_366 = arith.constant 32 : i32
      %mul3A_367 = arith.muli %mul3A_366, %add3A_363 : i32
      %add3A_368 = arith.addi %add3A, %mul3A_367 : i32
      %lt3A_369 = arith.constant 2500 : i32
      %lt3A_370 = arith.cmpi slt, %add3A_368, %lt3A_369 : i32
      %and3A_371 = arith.andi %ge3A_365, %lt3A_370 : i1
      %convert_element_type3A_372 = arith.extui %and3A_371 : i1 to i32
      %cond3A_373 = arith.constant 0 : i32
      %cond3A_374 = arith.cmpi ne, %convert_element_type3A_372, %cond3A_373 : i32
      scf.if %cond3A_374 {
        %mul3A_609 = arith.constant 32 : i32
        %mul3A_610 = arith.muli %mul3A_609, %add3A_363 : i32
        %add3A_611 = arith.addi %add3A, %mul3A_610 : i32
        %dma_start3A = arith.constant 0 : i32
        %dma_start3A_612 = arith.constant 0 : i32
        %dma_start3A_613 = tpu.memref_slice %arg3[%add3A_611, %dma_start3A, %dma_start3A_612] : memref<2500x2x128xi32, #tpu.memory_space<hbm>> -> memref<1x2x128xi32, #tpu.memory_space<hbm>>
        %dma_start3A_614 = tpu.memref_squeeze %dma_start3A_613 : memref<1x2x128xi32, #tpu.memory_space<hbm>> -> memref<2x128xi32, #tpu.memory_space<hbm>>
        %dma_start3A_615 = arith.constant 0 : i32
        %dma_start3A_616 = arith.constant 0 : i32
        %dma_start3A_617 = tpu.memref_slice %arg3[%add3A_611, %dma_start3A_615, %dma_start3A_616] : memref<2500x2x128xi32, #tpu.memory_space<hbm>> -> memref<1x2x128xi32, #tpu.memory_space<hbm>>
        %dma_start3A_618 = tpu.memref_squeeze %dma_start3A_617 : memref<1x2x128xi32, #tpu.memory_space<hbm>> -> memref<2x128xi32, #tpu.memory_space<hbm>>
        tpu.enqueue_dma source(%dma_start3A_618 : memref<2x128xi32, #tpu.memory_space<hbm>>) target(%arg8 : memref<2x128xi32, #tpu.memory_space<vmem>>) target_semaphore(%arg16 : memref<!tpu.dma_semaphore, #tpu.memory_space<semaphore_mem>>)
      } else {
      }
      %mul3A_375 = arith.constant 4 : i32
      %mul3A_376 = arith.muli %mul3A_375, %scan3A_297 : i32
      %add3A_377 = arith.constant 1 : i32
      %add3A_378 = arith.addi %mul3A_376, %add3A_377 : i32
      %ge3A_379 = arith.constant 0 : i32
      %ge3A_380 = arith.cmpi sge, %add3A_378, %ge3A_379 : i32
      %mul3A_381 = arith.constant 32 : i32
      %mul3A_382 = arith.muli %mul3A_381, %add3A_378 : i32
      %add3A_383 = arith.addi %add3A, %mul3A_382 : i32
      %lt3A_384 = arith.constant 2500 : i32
      %lt3A_385 = arith.cmpi slt, %add3A_383, %lt3A_384 : i32
      %and3A_386 = arith.andi %ge3A_380, %lt3A_385 : i1
      %convert_element_type3A_387 = arith.extui %and3A_386 : i1 to i32
      %cond3A_388 = arith.constant 0 : i32
      %cond3A_389 = arith.cmpi ne, %convert_element_type3A_387, %cond3A_388 : i32
      scf.if %cond3A_389 {
        %mul3A_609 = arith.constant 32 : i32
        %mul3A_610 = arith.muli %mul3A_609, %add3A_378 : i32
        %add3A_611 = arith.addi %add3A, %mul3A_610 : i32
        %dma_wait3A = arith.constant 0 : i32
        %dma_wait3A_612 = arith.constant 0 : i32
        %dma_wait3A_613 = tpu.memref_slice %arg6[%dma_wait3A, %dma_wait3A_612] : memref<2x128xi32, #tpu.memory_space<vmem>> -> memref<1x128xi32, #tpu.memory_space<vmem>>
        %dma_wait3A_614 = tpu.memref_squeeze %dma_wait3A_613 : memref<1x128xi32, #tpu.memory_space<vmem>> -> memref<128xi32, #tpu.memory_space<vmem>>
        %dma_wait3A_615 = arith.constant 0 : i32
        %dma_wait3A_616 = arith.constant 0 : i32
        %dma_wait3A_617 = tpu.memref_slice %arg2[%dma_wait3A_615, %dma_wait3A_616] : memref<10000x128xf32, #tpu.memory_space<hbm>> -> memref<10000x128xf32, #tpu.memory_space<hbm>>
        tpu.wait_indirect_dma semaphore(%arg18 : memref<!tpu.dma_semaphore, #tpu.memory_space<semaphore_mem>>) src(%dma_wait3A_617 : memref<10000x128xf32, #tpu.memory_space<hbm>>) dst(%arg10 : memref<128x128xf32, #tpu.memory_space<vmem>>)
      } else {
      }
      %ge3A_390 = arith.constant 0 : i32
      %ge3A_391 = arith.cmpi sge, %add3A_378, %ge3A_390 : i32
      %mul3A_392 = arith.constant 32 : i32
      %mul3A_393 = arith.muli %mul3A_392, %add3A_378 : i32
      %add3A_394 = arith.addi %add3A, %mul3A_393 : i32
      %lt3A_395 = arith.constant 2500 : i32
      %lt3A_396 = arith.cmpi slt, %add3A_394, %lt3A_395 : i32
      %and3A_397 = arith.andi %ge3A_391, %lt3A_396 : i1
      %convert_element_type3A_398 = arith.extui %and3A_397 : i1 to i32
      %cond3A_399 = arith.constant 0 : i32
      %cond3A_400 = arith.cmpi ne, %convert_element_type3A_398, %cond3A_399 : i32
      scf.if %cond3A_400 {
        %mul3A_609 = arith.constant 32 : i32
        %mul3A_610 = arith.muli %mul3A_609, %add3A_378 : i32
        %add3A_611 = arith.addi %add3A, %mul3A_610 : i32
        %dma_start3A = arith.constant 1 : i32
        %dma_start3A_612 = arith.constant 0 : i32
        %dma_start3A_613 = tpu.memref_slice %arg6[%dma_start3A, %dma_start3A_612] : memref<2x128xi32, #tpu.memory_space<vmem>> -> memref<1x128xi32, #tpu.memory_space<vmem>>
        %dma_start3A_614 = tpu.memref_squeeze %dma_start3A_613 : memref<1x128xi32, #tpu.memory_space<vmem>> -> memref<128xi32, #tpu.memory_space<vmem>>
        %dma_start3A_615 = arith.constant 0 : i32
        %dma_start3A_616 = arith.constant 0 : i32
        %dma_start3A_617 = tpu.memref_slice %arg12[%dma_start3A_615, %dma_start3A_616] : memref<10000x128xf32, #tpu.memory_space<vmem_shared>> -> memref<10000x128xf32, #tpu.memory_space<vmem_shared>>
        tpu.enqueue_indirect_dma source(%arg10 : memref<128x128xf32, #tpu.memory_space<vmem>>) target(%dma_start3A_617 : memref<10000x128xf32, #tpu.memory_space<vmem_shared>>) offsets(%dma_start3A_614 : memref<128xi32, #tpu.memory_space<vmem>>) semaphore(%arg20 : memref<!tpu.dma_semaphore, #tpu.memory_space<semaphore_mem>>) {add = true}
      } else {
      }
      %add3A_401 = arith.constant 1 : i32
      %add3A_402 = arith.addi %add3A_378, %add3A_401 : i32
      %ge3A_403 = arith.constant 0 : i32
      %ge3A_404 = arith.cmpi sge, %add3A_402, %ge3A_403 : i32
      %mul3A_405 = arith.constant 32 : i32
      %mul3A_406 = arith.muli %mul3A_405, %add3A_402 : i32
      %add3A_407 = arith.addi %add3A, %mul3A_406 : i32
      %lt3A_408 = arith.constant 2500 : i32
      %lt3A_409 = arith.cmpi slt, %add3A_407, %lt3A_408 : i32
      %and3A_410 = arith.andi %ge3A_404, %lt3A_409 : i1
      %convert_element_type3A_411 = arith.extui %and3A_410 : i1 to i32
      %cond3A_412 = arith.constant 0 : i32
      %cond3A_413 = arith.cmpi ne, %convert_element_type3A_411, %cond3A_412 : i32
      scf.if %cond3A_413 {
        %mul3A_609 = arith.constant 32 : i32
        %mul3A_610 = arith.muli %mul3A_609, %add3A_402 : i32
        %add3A_611 = arith.addi %add3A, %mul3A_610 : i32
        %dma_wait3A = arith.constant 0 : i32
        %dma_wait3A_612 = arith.constant 0 : i32
        %dma_wait3A_613 = tpu.memref_slice %arg3[%add3A_611, %dma_wait3A, %dma_wait3A_612] : memref<2500x2x128xi32, #tpu.memory_space<hbm>> -> memref<1x2x128xi32, #tpu.memory_space<hbm>>
        %dma_wait3A_614 = tpu.memref_squeeze %dma_wait3A_613 : memref<1x2x128xi32, #tpu.memory_space<hbm>> -> memref<2x128xi32, #tpu.memory_space<hbm>>
        %dma_wait3A_615 = arith.constant 0 : i32
        %dma_wait3A_616 = arith.constant 0 : i32
        %dma_wait3A_617 = tpu.memref_slice %arg3[%add3A_611, %dma_wait3A_615, %dma_wait3A_616] : memref<2500x2x128xi32, #tpu.memory_space<hbm>> -> memref<1x2x128xi32, #tpu.memory_space<hbm>>
        %dma_wait3A_618 = tpu.memref_squeeze %dma_wait3A_617 : memref<1x2x128xi32, #tpu.memory_space<hbm>> -> memref<2x128xi32, #tpu.memory_space<hbm>>
        tpu.wait_dma2 semaphore(%arg15 : memref<!tpu.dma_semaphore, #tpu.memory_space<semaphore_mem>>) src(%dma_wait3A_618 : memref<2x128xi32, #tpu.memory_space<hbm>>) dst(%arg7 : memref<2x128xi32, #tpu.memory_space<vmem>>)
      } else {
      }
      %sub3A_414 = arith.constant 1 : i32
      %sub3A_415 = arith.subi %add3A_378, %sub3A_414 : i32
      %ge3A_416 = arith.constant 0 : i32
      %ge3A_417 = arith.cmpi sge, %sub3A_415, %ge3A_416 : i32
      %mul3A_418 = arith.constant 32 : i32
      %mul3A_419 = arith.muli %mul3A_418, %sub3A_415 : i32
      %add3A_420 = arith.addi %add3A, %mul3A_419 : i32
      %lt3A_421 = arith.constant 2500 : i32
      %lt3A_422 = arith.cmpi slt, %add3A_420, %lt3A_421 : i32
      %and3A_423 = arith.andi %ge3A_417, %lt3A_422 : i1
      %convert_element_type3A_424 = arith.extui %and3A_423 : i1 to i32
      %cond3A_425 = arith.constant 0 : i32
      %cond3A_426 = arith.cmpi ne, %convert_element_type3A_424, %cond3A_425 : i32
      scf.if %cond3A_426 {
        %mul3A_609 = arith.constant 32 : i32
        %mul3A_610 = arith.muli %mul3A_609, %sub3A_415 : i32
        %add3A_611 = arith.addi %add3A, %mul3A_610 : i32
        %dma_wait3A = arith.constant 1 : i32
        %dma_wait3A_612 = arith.constant 0 : i32
        %dma_wait3A_613 = tpu.memref_slice %arg5[%dma_wait3A, %dma_wait3A_612] : memref<2x128xi32, #tpu.memory_space<vmem>> -> memref<1x128xi32, #tpu.memory_space<vmem>>
        %dma_wait3A_614 = tpu.memref_squeeze %dma_wait3A_613 : memref<1x128xi32, #tpu.memory_space<vmem>> -> memref<128xi32, #tpu.memory_space<vmem>>
        %dma_wait3A_615 = arith.constant 0 : i32
        %dma_wait3A_616 = arith.constant 0 : i32
        %dma_wait3A_617 = tpu.memref_slice %arg12[%dma_wait3A_615, %dma_wait3A_616] : memref<10000x128xf32, #tpu.memory_space<vmem_shared>> -> memref<10000x128xf32, #tpu.memory_space<vmem_shared>>
        tpu.wait_indirect_dma semaphore(%arg19 : memref<!tpu.dma_semaphore, #tpu.memory_space<semaphore_mem>>) src(%arg9 : memref<128x128xf32, #tpu.memory_space<vmem>>) dst(%dma_wait3A_617 : memref<10000x128xf32, #tpu.memory_space<vmem_shared>>)
      } else {
      }
      %add3A_427 = arith.constant 1 : i32
      %add3A_428 = arith.addi %add3A_378, %add3A_427 : i32
      %ge3A_429 = arith.constant 0 : i32
      %ge3A_430 = arith.cmpi sge, %add3A_428, %ge3A_429 : i32
      %mul3A_431 = arith.constant 32 : i32
      %mul3A_432 = arith.muli %mul3A_431, %add3A_428 : i32
      %add3A_433 = arith.addi %add3A, %mul3A_432 : i32
      %lt3A_434 = arith.constant 2500 : i32
      %lt3A_435 = arith.cmpi slt, %add3A_433, %lt3A_434 : i32
      %and3A_436 = arith.andi %ge3A_430, %lt3A_435 : i1
      %convert_element_type3A_437 = arith.extui %and3A_436 : i1 to i32
      %cond3A_438 = arith.constant 0 : i32
      %cond3A_439 = arith.cmpi ne, %convert_element_type3A_437, %cond3A_438 : i32
      scf.if %cond3A_439 {
        %mul3A_609 = arith.constant 32 : i32
        %mul3A_610 = arith.muli %mul3A_609, %add3A_428 : i32
        %add3A_611 = arith.addi %add3A, %mul3A_610 : i32
        %dma_start3A = arith.constant 0 : i32
        %dma_start3A_612 = arith.constant 0 : i32
        %dma_start3A_613 = tpu.memref_slice %arg7[%dma_start3A, %dma_start3A_612] : memref<2x128xi32, #tpu.memory_space<vmem>> -> memref<1x128xi32, #tpu.memory_space<vmem>>
        %dma_start3A_614 = tpu.memref_squeeze %dma_start3A_613 : memref<1x128xi32, #tpu.memory_space<vmem>> -> memref<128xi32, #tpu.memory_space<vmem>>
        %dma_start3A_615 = arith.constant 0 : i32
        %dma_start3A_616 = arith.constant 0 : i32
        %dma_start3A_617 = tpu.memref_slice %arg2[%dma_start3A_615, %dma_start3A_616] : memref<10000x128xf32, #tpu.memory_space<hbm>> -> memref<10000x128xf32, #tpu.memory_space<hbm>>
        tpu.enqueue_indirect_dma source(%dma_start3A_617 : memref<10000x128xf32, #tpu.memory_space<hbm>>) target(%arg9 : memref<128x128xf32, #tpu.memory_space<vmem>>) offsets(%dma_start3A_614 : memref<128xi32, #tpu.memory_space<vmem>>) semaphore(%arg17 : memref<!tpu.dma_semaphore, #tpu.memory_space<semaphore_mem>>)
      } else {
      }
      %add3A_440 = arith.constant 3 : i32
      %add3A_441 = arith.addi %add3A_378, %add3A_440 : i32
      %ge3A_442 = arith.constant 0 : i32
      %ge3A_443 = arith.cmpi sge, %add3A_441, %ge3A_442 : i32
      %mul3A_444 = arith.constant 32 : i32
      %mul3A_445 = arith.muli %mul3A_444, %add3A_441 : i32
      %add3A_446 = arith.addi %add3A, %mul3A_445 : i32
      %lt3A_447 = arith.constant 2500 : i32
      %lt3A_448 = arith.cmpi slt, %add3A_446, %lt3A_447 : i32
      %and3A_449 = arith.andi %ge3A_443, %lt3A_448 : i1
      %convert_element_type3A_450 = arith.extui %and3A_449 : i1 to i32
      %cond3A_451 = arith.constant 0 : i32
      %cond3A_452 = arith.cmpi ne, %convert_element_type3A_450, %cond3A_451 : i32
      scf.if %cond3A_452 {
        %mul3A_609 = arith.constant 32 : i32
        %mul3A_610 = arith.muli %mul3A_609, %add3A_441 : i32
        %add3A_611 = arith.addi %add3A, %mul3A_610 : i32
        %dma_start3A = arith.constant 0 : i32
        %dma_start3A_612 = arith.constant 0 : i32
        %dma_start3A_613 = tpu.memref_slice %arg3[%add3A_611, %dma_start3A, %dma_start3A_612] : memref<2500x2x128xi32, #tpu.memory_space<hbm>> -> memref<1x2x128xi32, #tpu.memory_space<hbm>>
        %dma_start3A_614 = tpu.memref_squeeze %dma_start3A_613 : memref<1x2x128xi32, #tpu.memory_space<hbm>> -> memref<2x128xi32, #tpu.memory_space<hbm>>
        %dma_start3A_615 = arith.constant 0 : i32
        %dma_start3A_616 = arith.constant 0 : i32
        %dma_start3A_617 = tpu.memref_slice %arg3[%add3A_611, %dma_start3A_615, %dma_start3A_616] : memref<2500x2x128xi32, #tpu.memory_space<hbm>> -> memref<1x2x128xi32, #tpu.memory_space<hbm>>
        %dma_start3A_618 = tpu.memref_squeeze %dma_start3A_617 : memref<1x2x128xi32, #tpu.memory_space<hbm>> -> memref<2x128xi32, #tpu.memory_space<hbm>>
        tpu.enqueue_dma source(%dma_start3A_618 : memref<2x128xi32, #tpu.memory_space<hbm>>) target(%arg5 : memref<2x128xi32, #tpu.memory_space<vmem>>) target_semaphore(%arg13 : memref<!tpu.dma_semaphore, #tpu.memory_space<semaphore_mem>>)
      } else {
      }
      %mul3A_453 = arith.constant 4 : i32
      %mul3A_454 = arith.muli %mul3A_453, %scan3A_297 : i32
      %add3A_455 = arith.constant 2 : i32
      %add3A_456 = arith.addi %mul3A_454, %add3A_455 : i32
      %ge3A_457 = arith.constant 0 : i32
      %ge3A_458 = arith.cmpi sge, %add3A_456, %ge3A_457 : i32
      %mul3A_459 = arith.constant 32 : i32
      %mul3A_460 = arith.muli %mul3A_459, %add3A_456 : i32
      %add3A_461 = arith.addi %add3A, %mul3A_460 : i32
      %lt3A_462 = arith.constant 2500 : i32
      %lt3A_463 = arith.cmpi slt, %add3A_461, %lt3A_462 : i32
      %and3A_464 = arith.andi %ge3A_458, %lt3A_463 : i1
      %convert_element_type3A_465 = arith.extui %and3A_464 : i1 to i32
      %cond3A_466 = arith.constant 0 : i32
      %cond3A_467 = arith.cmpi ne, %convert_element_type3A_465, %cond3A_466 : i32
      scf.if %cond3A_467 {
        %mul3A_609 = arith.constant 32 : i32
        %mul3A_610 = arith.muli %mul3A_609, %add3A_456 : i32
        %add3A_611 = arith.addi %add3A, %mul3A_610 : i32
        %dma_wait3A = arith.constant 0 : i32
        %dma_wait3A_612 = arith.constant 0 : i32
        %dma_wait3A_613 = tpu.memref_slice %arg7[%dma_wait3A, %dma_wait3A_612] : memref<2x128xi32, #tpu.memory_space<vmem>> -> memref<1x128xi32, #tpu.memory_space<vmem>>
        %dma_wait3A_614 = tpu.memref_squeeze %dma_wait3A_613 : memref<1x128xi32, #tpu.memory_space<vmem>> -> memref<128xi32, #tpu.memory_space<vmem>>
        %dma_wait3A_615 = arith.constant 0 : i32
        %dma_wait3A_616 = arith.constant 0 : i32
        %dma_wait3A_617 = tpu.memref_slice %arg2[%dma_wait3A_615, %dma_wait3A_616] : memref<10000x128xf32, #tpu.memory_space<hbm>> -> memref<10000x128xf32, #tpu.memory_space<hbm>>
        tpu.wait_indirect_dma semaphore(%arg17 : memref<!tpu.dma_semaphore, #tpu.memory_space<semaphore_mem>>) src(%dma_wait3A_617 : memref<10000x128xf32, #tpu.memory_space<hbm>>) dst(%arg9 : memref<128x128xf32, #tpu.memory_space<vmem>>)
      } else {
      }
      %ge3A_468 = arith.constant 0 : i32
      %ge3A_469 = arith.cmpi sge, %add3A_456, %ge3A_468 : i32
      %mul3A_470 = arith.constant 32 : i32
      %mul3A_471 = arith.muli %mul3A_470, %add3A_456 : i32
      %add3A_472 = arith.addi %add3A, %mul3A_471 : i32
      %lt3A_473 = arith.constant 2500 : i32
      %lt3A_474 = arith.cmpi slt, %add3A_472, %lt3A_473 : i32
      %and3A_475 = arith.andi %ge3A_469, %lt3A_474 : i1
      %convert_element_type3A_476 = arith.extui %and3A_475 : i1 to i32
      %cond3A_477 = arith.constant 0 : i32
      %cond3A_478 = arith.cmpi ne, %convert_element_type3A_476, %cond3A_477 : i32
      scf.if %cond3A_478 {
        %mul3A_609 = arith.constant 32 : i32
        %mul3A_610 = arith.muli %mul3A_609, %add3A_456 : i32
        %add3A_611 = arith.addi %add3A, %mul3A_610 : i32
        %dma_start3A = arith.constant 1 : i32
        %dma_start3A_612 = arith.constant 0 : i32
        %dma_start3A_613 = tpu.memref_slice %arg7[%dma_start3A, %dma_start3A_612] : memref<2x128xi32, #tpu.memory_space<vmem>> -> memref<1x128xi32, #tpu.memory_space<vmem>>
        %dma_start3A_614 = tpu.memref_squeeze %dma_start3A_613 : memref<1x128xi32, #tpu.memory_space<vmem>> -> memref<128xi32, #tpu.memory_space<vmem>>
        %dma_start3A_615 = arith.constant 0 : i32
        %dma_start3A_616 = arith.constant 0 : i32
        %dma_start3A_617 = tpu.memref_slice %arg12[%dma_start3A_615, %dma_start3A_616] : memref<10000x128xf32, #tpu.memory_space<vmem_shared>> -> memref<10000x128xf32, #tpu.memory_space<vmem_shared>>
        tpu.enqueue_indirect_dma source(%arg9 : memref<128x128xf32, #tpu.memory_space<vmem>>) target(%dma_start3A_617 : memref<10000x128xf32, #tpu.memory_space<vmem_shared>>) offsets(%dma_start3A_614 : memref<128xi32, #tpu.memory_space<vmem>>) semaphore(%arg19 : memref<!tpu.dma_semaphore, #tpu.memory_space<semaphore_mem>>) {add = true}
      } else {
      }
      %add3A_479 = arith.constant 1 : i32
      %add3A_480 = arith.addi %add3A_456, %add3A_479 : i32
      %ge3A_481 = arith.constant 0 : i32
      %ge3A_482 = arith.cmpi sge, %add3A_480, %ge3A_481 : i32
      %mul3A_483 = arith.constant 32 : i32
      %mul3A_484 = arith.muli %mul3A_483, %add3A_480 : i32
      %add3A_485 = arith.addi %add3A, %mul3A_484 : i32
      %lt3A_486 = arith.constant 2500 : i32
      %lt3A_487 = arith.cmpi slt, %add3A_485, %lt3A_486 : i32
      %and3A_488 = arith.andi %ge3A_482, %lt3A_487 : i1
      %convert_element_type3A_489 = arith.extui %and3A_488 : i1 to i32
      %cond3A_490 = arith.constant 0 : i32
      %cond3A_491 = arith.cmpi ne, %convert_element_type3A_489, %cond3A_490 : i32
      scf.if %cond3A_491 {
        %mul3A_609 = arith.constant 32 : i32
        %mul3A_610 = arith.muli %mul3A_609, %add3A_480 : i32
        %add3A_611 = arith.addi %add3A, %mul3A_610 : i32
        %dma_wait3A = arith.constant 0 : i32
        %dma_wait3A_612 = arith.constant 0 : i32
        %dma_wait3A_613 = tpu.memref_slice %arg3[%add3A_611, %dma_wait3A, %dma_wait3A_612] : memref<2500x2x128xi32, #tpu.memory_space<hbm>> -> memref<1x2x128xi32, #tpu.memory_space<hbm>>
        %dma_wait3A_614 = tpu.memref_squeeze %dma_wait3A_613 : memref<1x2x128xi32, #tpu.memory_space<hbm>> -> memref<2x128xi32, #tpu.memory_space<hbm>>
        %dma_wait3A_615 = arith.constant 0 : i32
        %dma_wait3A_616 = arith.constant 0 : i32
        %dma_wait3A_617 = tpu.memref_slice %arg3[%add3A_611, %dma_wait3A_615, %dma_wait3A_616] : memref<2500x2x128xi32, #tpu.memory_space<hbm>> -> memref<1x2x128xi32, #tpu.memory_space<hbm>>
        %dma_wait3A_618 = tpu.memref_squeeze %dma_wait3A_617 : memref<1x2x128xi32, #tpu.memory_space<hbm>> -> memref<2x128xi32, #tpu.memory_space<hbm>>
        tpu.wait_dma2 semaphore(%arg16 : memref<!tpu.dma_semaphore, #tpu.memory_space<semaphore_mem>>) src(%dma_wait3A_618 : memref<2x128xi32, #tpu.memory_space<hbm>>) dst(%arg8 : memref<2x128xi32, #tpu.memory_space<vmem>>)
      } else {
      }
      %sub3A_492 = arith.constant 1 : i32
      %sub3A_493 = arith.subi %add3A_456, %sub3A_492 : i32
      %ge3A_494 = arith.constant 0 : i32
      %ge3A_495 = arith.cmpi sge, %sub3A_493, %ge3A_494 : i32
      %mul3A_496 = arith.constant 32 : i32
      %mul3A_497 = arith.muli %mul3A_496, %sub3A_493 : i32
      %add3A_498 = arith.addi %add3A, %mul3A_497 : i32
      %lt3A_499 = arith.constant 2500 : i32
      %lt3A_500 = arith.cmpi slt, %add3A_498, %lt3A_499 : i32
      %and3A_501 = arith.andi %ge3A_495, %lt3A_500 : i1
      %convert_element_type3A_502 = arith.extui %and3A_501 : i1 to i32
      %cond3A_503 = arith.constant 0 : i32
      %cond3A_504 = arith.cmpi ne, %convert_element_type3A_502, %cond3A_503 : i32
      scf.if %cond3A_504 {
        %mul3A_609 = arith.constant 32 : i32
        %mul3A_610 = arith.muli %mul3A_609, %sub3A_493 : i32
        %add3A_611 = arith.addi %add3A, %mul3A_610 : i32
        %dma_wait3A = arith.constant 1 : i32
        %dma_wait3A_612 = arith.constant 0 : i32
        %dma_wait3A_613 = tpu.memref_slice %arg6[%dma_wait3A, %dma_wait3A_612] : memref<2x128xi32, #tpu.memory_space<vmem>> -> memref<1x128xi32, #tpu.memory_space<vmem>>
        %dma_wait3A_614 = tpu.memref_squeeze %dma_wait3A_613 : memref<1x128xi32, #tpu.memory_space<vmem>> -> memref<128xi32, #tpu.memory_space<vmem>>
        %dma_wait3A_615 = arith.constant 0 : i32
        %dma_wait3A_616 = arith.constant 0 : i32
        %dma_wait3A_617 = tpu.memref_slice %arg12[%dma_wait3A_615, %dma_wait3A_616] : memref<10000x128xf32, #tpu.memory_space<vmem_shared>> -> memref<10000x128xf32, #tpu.memory_space<vmem_shared>>
        tpu.wait_indirect_dma semaphore(%arg20 : memref<!tpu.dma_semaphore, #tpu.memory_space<semaphore_mem>>) src(%arg10 : memref<128x128xf32, #tpu.memory_space<vmem>>) dst(%dma_wait3A_617 : memref<10000x128xf32, #tpu.memory_space<vmem_shared>>)
      } else {
      }
      %add3A_505 = arith.constant 1 : i32
      %add3A_506 = arith.addi %add3A_456, %add3A_505 : i32
      %ge3A_507 = arith.constant 0 : i32
      %ge3A_508 = arith.cmpi sge, %add3A_506, %ge3A_507 : i32
      %mul3A_509 = arith.constant 32 : i32
      %mul3A_510 = arith.muli %mul3A_509, %add3A_506 : i32
      %add3A_511 = arith.addi %add3A, %mul3A_510 : i32
      %lt3A_512 = arith.constant 2500 : i32
      %lt3A_513 = arith.cmpi slt, %add3A_511, %lt3A_512 : i32
      %and3A_514 = arith.andi %ge3A_508, %lt3A_513 : i1
      %convert_element_type3A_515 = arith.extui %and3A_514 : i1 to i32
      %cond3A_516 = arith.constant 0 : i32
      %cond3A_517 = arith.cmpi ne, %convert_element_type3A_515, %cond3A_516 : i32
      scf.if %cond3A_517 {
        %mul3A_609 = arith.constant 32 : i32
        %mul3A_610 = arith.muli %mul3A_609, %add3A_506 : i32
        %add3A_611 = arith.addi %add3A, %mul3A_610 : i32
        %dma_start3A = arith.constant 0 : i32
        %dma_start3A_612 = arith.constant 0 : i32
        %dma_start3A_613 = tpu.memref_slice %arg8[%dma_start3A, %dma_start3A_612] : memref<2x128xi32, #tpu.memory_space<vmem>> -> memref<1x128xi32, #tpu.memory_space<vmem>>
        %dma_start3A_614 = tpu.memref_squeeze %dma_start3A_613 : memref<1x128xi32, #tpu.memory_space<vmem>> -> memref<128xi32, #tpu.memory_space<vmem>>
        %dma_start3A_615 = arith.constant 0 : i32
        %dma_start3A_616 = arith.constant 0 : i32
        %dma_start3A_617 = tpu.memref_slice %arg2[%dma_start3A_615, %dma_start3A_616] : memref<10000x128xf32, #tpu.memory_space<hbm>> -> memref<10000x128xf32, #tpu.memory_space<hbm>>
        tpu.enqueue_indirect_dma source(%dma_start3A_617 : memref<10000x128xf32, #tpu.memory_space<hbm>>) target(%arg10 : memref<128x128xf32, #tpu.memory_space<vmem>>) offsets(%dma_start3A_614 : memref<128xi32, #tpu.memory_space<vmem>>) semaphore(%arg18 : memref<!tpu.dma_semaphore, #tpu.memory_space<semaphore_mem>>)
      } else {
      }
      %add3A_518 = arith.constant 3 : i32
      %add3A_519 = arith.addi %add3A_456, %add3A_518 : i32
      %ge3A_520 = arith.constant 0 : i32
      %ge3A_521 = arith.cmpi sge, %add3A_519, %ge3A_520 : i32
      %mul3A_522 = arith.constant 32 : i32
      %mul3A_523 = arith.muli %mul3A_522, %add3A_519 : i32
      %add3A_524 = arith.addi %add3A, %mul3A_523 : i32
      %lt3A_525 = arith.constant 2500 : i32
      %lt3A_526 = arith.cmpi slt, %add3A_524, %lt3A_525 : i32
      %and3A_527 = arith.andi %ge3A_521, %lt3A_526 : i1
      %convert_element_type3A_528 = arith.extui %and3A_527 : i1 to i32
      %cond3A_529 = arith.constant 0 : i32
      %cond3A_530 = arith.cmpi ne, %convert_element_type3A_528, %cond3A_529 : i32
      scf.if %cond3A_530 {
        %mul3A_609 = arith.constant 32 : i32
        %mul3A_610 = arith.muli %mul3A_609, %add3A_519 : i32
        %add3A_611 = arith.addi %add3A, %mul3A_610 : i32
        %dma_start3A = arith.constant 0 : i32
        %dma_start3A_612 = arith.constant 0 : i32
        %dma_start3A_613 = tpu.memref_slice %arg3[%add3A_611, %dma_start3A, %dma_start3A_612] : memref<2500x2x128xi32, #tpu.memory_space<hbm>> -> memref<1x2x128xi32, #tpu.memory_space<hbm>>
        %dma_start3A_614 = tpu.memref_squeeze %dma_start3A_613 : memref<1x2x128xi32, #tpu.memory_space<hbm>> -> memref<2x128xi32, #tpu.memory_space<hbm>>
        %dma_start3A_615 = arith.constant 0 : i32
        %dma_start3A_616 = arith.constant 0 : i32
        %dma_start3A_617 = tpu.memref_slice %arg3[%add3A_611, %dma_start3A_615, %dma_start3A_616] : memref<2500x2x128xi32, #tpu.memory_space<hbm>> -> memref<1x2x128xi32, #tpu.memory_space<hbm>>
        %dma_start3A_618 = tpu.memref_squeeze %dma_start3A_617 : memref<1x2x128xi32, #tpu.memory_space<hbm>> -> memref<2x128xi32, #tpu.memory_space<hbm>>
        tpu.enqueue_dma source(%dma_start3A_618 : memref<2x128xi32, #tpu.memory_space<hbm>>) target(%arg6 : memref<2x128xi32, #tpu.memory_space<vmem>>) target_semaphore(%arg14 : memref<!tpu.dma_semaphore, #tpu.memory_space<semaphore_mem>>)
      } else {
      }
      %mul3A_531 = arith.constant 4 : i32
      %mul3A_532 = arith.muli %mul3A_531, %scan3A_297 : i32
      %add3A_533 = arith.constant 3 : i32
      %add3A_534 = arith.addi %mul3A_532, %add3A_533 : i32
      %ge3A_535 = arith.constant 0 : i32
      %ge3A_536 = arith.cmpi sge, %add3A_534, %ge3A_535 : i32
      %mul3A_537 = arith.constant 32 : i32
      %mul3A_538 = arith.muli %mul3A_537, %add3A_534 : i32
      %add3A_539 = arith.addi %add3A, %mul3A_538 : i32
      %lt3A_540 = arith.constant 2500 : i32
      %lt3A_541 = arith.cmpi slt, %add3A_539, %lt3A_540 : i32
      %and3A_542 = arith.andi %ge3A_536, %lt3A_541 : i1
      %convert_element_type3A_543 = arith.extui %and3A_542 : i1 to i32
      %cond3A_544 = arith.constant 0 : i32
      %cond3A_545 = arith.cmpi ne, %convert_element_type3A_543, %cond3A_544 : i32
      scf.if %cond3A_545 {
        %mul3A_609 = arith.constant 32 : i32
        %mul3A_610 = arith.muli %mul3A_609, %add3A_534 : i32
        %add3A_611 = arith.addi %add3A, %mul3A_610 : i32
        %dma_wait3A = arith.constant 0 : i32
        %dma_wait3A_612 = arith.constant 0 : i32
        %dma_wait3A_613 = tpu.memref_slice %arg8[%dma_wait3A, %dma_wait3A_612] : memref<2x128xi32, #tpu.memory_space<vmem>> -> memref<1x128xi32, #tpu.memory_space<vmem>>
        %dma_wait3A_614 = tpu.memref_squeeze %dma_wait3A_613 : memref<1x128xi32, #tpu.memory_space<vmem>> -> memref<128xi32, #tpu.memory_space<vmem>>
        %dma_wait3A_615 = arith.constant 0 : i32
        %dma_wait3A_616 = arith.constant 0 : i32
        %dma_wait3A_617 = tpu.memref_slice %arg2[%dma_wait3A_615, %dma_wait3A_616] : memref<10000x128xf32, #tpu.memory_space<hbm>> -> memref<10000x128xf32, #tpu.memory_space<hbm>>
        tpu.wait_indirect_dma semaphore(%arg18 : memref<!tpu.dma_semaphore, #tpu.memory_space<semaphore_mem>>) src(%dma_wait3A_617 : memref<10000x128xf32, #tpu.memory_space<hbm>>) dst(%arg10 : memref<128x128xf32, #tpu.memory_space<vmem>>)
      } else {
      }
      %ge3A_546 = arith.constant 0 : i32
      %ge3A_547 = arith.cmpi sge, %add3A_534, %ge3A_546 : i32
      %mul3A_548 = arith.constant 32 : i32
      %mul3A_549 = arith.muli %mul3A_548, %add3A_534 : i32
      %add3A_550 = arith.addi %add3A, %mul3A_549 : i32
      %lt3A_551 = arith.constant 2500 : i32
      %lt3A_552 = arith.cmpi slt, %add3A_550, %lt3A_551 : i32
      %and3A_553 = arith.andi %ge3A_547, %lt3A_552 : i1
      %convert_element_type3A_554 = arith.extui %and3A_553 : i1 to i32
      %cond3A_555 = arith.constant 0 : i32
      %cond3A_556 = arith.cmpi ne, %convert_element_type3A_554, %cond3A_555 : i32
      scf.if %cond3A_556 {
        %mul3A_609 = arith.constant 32 : i32
        %mul3A_610 = arith.muli %mul3A_609, %add3A_534 : i32
        %add3A_611 = arith.addi %add3A, %mul3A_610 : i32
        %dma_start3A = arith.constant 1 : i32
        %dma_start3A_612 = arith.constant 0 : i32
        %dma_start3A_613 = tpu.memref_slice %arg8[%dma_start3A, %dma_start3A_612] : memref<2x128xi32, #tpu.memory_space<vmem>> -> memref<1x128xi32, #tpu.memory_space<vmem>>
        %dma_start3A_614 = tpu.memref_squeeze %dma_start3A_613 : memref<1x128xi32, #tpu.memory_space<vmem>> -> memref<128xi32, #tpu.memory_space<vmem>>
        %dma_start3A_615 = arith.constant 0 : i32
        %dma_start3A_616 = arith.constant 0 : i32
        %dma_start3A_617 = tpu.memref_slice %arg12[%dma_start3A_615, %dma_start3A_616] : memref<10000x128xf32, #tpu.memory_space<vmem_shared>> -> memref<10000x128xf32, #tpu.memory_space<vmem_shared>>
        tpu.enqueue_indirect_dma source(%arg10 : memref<128x128xf32, #tpu.memory_space<vmem>>) target(%dma_start3A_617 : memref<10000x128xf32, #tpu.memory_space<vmem_shared>>) offsets(%dma_start3A_614 : memref<128xi32, #tpu.memory_space<vmem>>) semaphore(%arg20 : memref<!tpu.dma_semaphore, #tpu.memory_space<semaphore_mem>>) {add = true}
      } else {
      }
      %add3A_557 = arith.constant 1 : i32
      %add3A_558 = arith.addi %add3A_534, %add3A_557 : i32
      %ge3A_559 = arith.constant 0 : i32
      %ge3A_560 = arith.cmpi sge, %add3A_558, %ge3A_559 : i32
      %mul3A_561 = arith.constant 32 : i32
      %mul3A_562 = arith.muli %mul3A_561, %add3A_558 : i32
      %add3A_563 = arith.addi %add3A, %mul3A_562 : i32
      %lt3A_564 = arith.constant 2500 : i32
      %lt3A_565 = arith.cmpi slt, %add3A_563, %lt3A_564 : i32
      %and3A_566 = arith.andi %ge3A_560, %lt3A_565 : i1
      %convert_element_type3A_567 = arith.extui %and3A_566 : i1 to i32
      %cond3A_568 = arith.constant 0 : i32
      %cond3A_569 = arith.cmpi ne, %convert_element_type3A_567, %cond3A_568 : i32
      scf.if %cond3A_569 {
        %mul3A_609 = arith.constant 32 : i32
        %mul3A_610 = arith.muli %mul3A_609, %add3A_558 : i32
        %add3A_611 = arith.addi %add3A, %mul3A_610 : i32
        %dma_wait3A = arith.constant 0 : i32
        %dma_wait3A_612 = arith.constant 0 : i32
        %dma_wait3A_613 = tpu.memref_slice %arg3[%add3A_611, %dma_wait3A, %dma_wait3A_612] : memref<2500x2x128xi32, #tpu.memory_space<hbm>> -> memref<1x2x128xi32, #tpu.memory_space<hbm>>
        %dma_wait3A_614 = tpu.memref_squeeze %dma_wait3A_613 : memref<1x2x128xi32, #tpu.memory_space<hbm>> -> memref<2x128xi32, #tpu.memory_space<hbm>>
        %dma_wait3A_615 = arith.constant 0 : i32
        %dma_wait3A_616 = arith.constant 0 : i32
        %dma_wait3A_617 = tpu.memref_slice %arg3[%add3A_611, %dma_wait3A_615, %dma_wait3A_616] : memref<2500x2x128xi32, #tpu.memory_space<hbm>> -> memref<1x2x128xi32, #tpu.memory_space<hbm>>
        %dma_wait3A_618 = tpu.memref_squeeze %dma_wait3A_617 : memref<1x2x128xi32, #tpu.memory_space<hbm>> -> memref<2x128xi32, #tpu.memory_space<hbm>>
        tpu.wait_dma2 semaphore(%arg13 : memref<!tpu.dma_semaphore, #tpu.memory_space<semaphore_mem>>) src(%dma_wait3A_618 : memref<2x128xi32, #tpu.memory_space<hbm>>) dst(%arg5 : memref<2x128xi32, #tpu.memory_space<vmem>>)
      } else {
      }
      %sub3A_570 = arith.constant 1 : i32
      %sub3A_571 = arith.subi %add3A_534, %sub3A_570 : i32
      %ge3A_572 = arith.constant 0 : i32
      %ge3A_573 = arith.cmpi sge, %sub3A_571, %ge3A_572 : i32
      %mul3A_574 = arith.constant 32 : i32
      %mul3A_575 = arith.muli %mul3A_574, %sub3A_571 : i32
      %add3A_576 = arith.addi %add3A, %mul3A_575 : i32
      %lt3A_577 = arith.constant 2500 : i32
      %lt3A_578 = arith.cmpi slt, %add3A_576, %lt3A_577 : i32
      %and3A_579 = arith.andi %ge3A_573, %lt3A_578 : i1
      %convert_element_type3A_580 = arith.extui %and3A_579 : i1 to i32
      %cond3A_581 = arith.constant 0 : i32
      %cond3A_582 = arith.cmpi ne, %convert_element_type3A_580, %cond3A_581 : i32
      scf.if %cond3A_582 {
        %mul3A_609 = arith.constant 32 : i32
        %mul3A_610 = arith.muli %mul3A_609, %sub3A_571 : i32
        %add3A_611 = arith.addi %add3A, %mul3A_610 : i32
        %dma_wait3A = arith.constant 1 : i32
        %dma_wait3A_612 = arith.constant 0 : i32
        %dma_wait3A_613 = tpu.memref_slice %arg7[%dma_wait3A, %dma_wait3A_612] : memref<2x128xi32, #tpu.memory_space<vmem>> -> memref<1x128xi32, #tpu.memory_space<vmem>>
        %dma_wait3A_614 = tpu.memref_squeeze %dma_wait3A_613 : memref<1x128xi32, #tpu.memory_space<vmem>> -> memref<128xi32, #tpu.memory_space<vmem>>
        %dma_wait3A_615 = arith.constant 0 : i32
        %dma_wait3A_616 = arith.constant 0 : i32
        %dma_wait3A_617 = tpu.memref_slice %arg12[%dma_wait3A_615, %dma_wait3A_616] : memref<10000x128xf32, #tpu.memory_space<vmem_shared>> -> memref<10000x128xf32, #tpu.memory_space<vmem_shared>>
        tpu.wait_indirect_dma semaphore(%arg19 : memref<!tpu.dma_semaphore, #tpu.memory_space<semaphore_mem>>) src(%arg9 : memref<128x128xf32, #tpu.memory_space<vmem>>) dst(%dma_wait3A_617 : memref<10000x128xf32, #tpu.memory_space<vmem_shared>>)
      } else {
      }
      %add3A_583 = arith.constant 1 : i32
      %add3A_584 = arith.addi %add3A_534, %add3A_583 : i32
      %ge3A_585 = arith.constant 0 : i32
      %ge3A_586 = arith.cmpi sge, %add3A_584, %ge3A_585 : i32
      %mul3A_587 = arith.constant 32 : i32
      %mul3A_588 = arith.muli %mul3A_587, %add3A_584 : i32
      %add3A_589 = arith.addi %add3A, %mul3A_588 : i32
      %lt3A_590 = arith.constant 2500 : i32
      %lt3A_591 = arith.cmpi slt, %add3A_589, %lt3A_590 : i32
      %and3A_592 = arith.andi %ge3A_586, %lt3A_591 : i1
      %convert_element_type3A_593 = arith.extui %and3A_592 : i1 to i32
      %cond3A_594 = arith.constant 0 : i32
      %cond3A_595 = arith.cmpi ne, %convert_element_type3A_593, %cond3A_594 : i32
      scf.if %cond3A_595 {
        %mul3A_609 = arith.constant 32 : i32
        %mul3A_610 = arith.muli %mul3A_609, %add3A_584 : i32
        %add3A_611 = arith.addi %add3A, %mul3A_610 : i32
        %dma_start3A = arith.constant 0 : i32
        %dma_start3A_612 = arith.constant 0 : i32
        %dma_start3A_613 = tpu.memref_slice %arg5[%dma_start3A, %dma_start3A_612] : memref<2x128xi32, #tpu.memory_space<vmem>> -> memref<1x128xi32, #tpu.memory_space<vmem>>
        %dma_start3A_614 = tpu.memref_squeeze %dma_start3A_613 : memref<1x128xi32, #tpu.memory_space<vmem>> -> memref<128xi32, #tpu.memory_space<vmem>>
        %dma_start3A_615 = arith.constant 0 : i32
        %dma_start3A_616 = arith.constant 0 : i32
        %dma_start3A_617 = tpu.memref_slice %arg2[%dma_start3A_615, %dma_start3A_616] : memref<10000x128xf32, #tpu.memory_space<hbm>> -> memref<10000x128xf32, #tpu.memory_space<hbm>>
        tpu.enqueue_indirect_dma source(%dma_start3A_617 : memref<10000x128xf32, #tpu.memory_space<hbm>>) target(%arg9 : memref<128x128xf32, #tpu.memory_space<vmem>>) offsets(%dma_start3A_614 : memref<128xi32, #tpu.memory_space<vmem>>) semaphore(%arg17 : memref<!tpu.dma_semaphore, #tpu.memory_space<semaphore_mem>>)
      } else {
      }
      %add3A_596 = arith.constant 3 : i32
      %add3A_597 = arith.addi %add3A_534, %add3A_596 : i32
      %ge3A_598 = arith.constant 0 : i32
      %ge3A_599 = arith.cmpi sge, %add3A_597, %ge3A_598 : i32
      %mul3A_600 = arith.constant 32 : i32
      %mul3A_601 = arith.muli %mul3A_600, %add3A_597 : i32
      %add3A_602 = arith.addi %add3A, %mul3A_601 : i32
      %lt3A_603 = arith.constant 2500 : i32
      %lt3A_604 = arith.cmpi slt, %add3A_602, %lt3A_603 : i32
      %and3A_605 = arith.andi %ge3A_599, %lt3A_604 : i1
      %convert_element_type3A_606 = arith.extui %and3A_605 : i1 to i32
      %cond3A_607 = arith.constant 0 : i32
      %cond3A_608 = arith.cmpi ne, %convert_element_type3A_606, %cond3A_607 : i32
      scf.if %cond3A_608 {
        %mul3A_609 = arith.constant 32 : i32
        %mul3A_610 = arith.muli %mul3A_609, %add3A_597 : i32
        %add3A_611 = arith.addi %add3A, %mul3A_610 : i32
        %dma_start3A = arith.constant 0 : i32
        %dma_start3A_612 = arith.constant 0 : i32
        %dma_start3A_613 = tpu.memref_slice %arg3[%add3A_611, %dma_start3A, %dma_start3A_612] : memref<2500x2x128xi32, #tpu.memory_space<hbm>> -> memref<1x2x128xi32, #tpu.memory_space<hbm>>
        %dma_start3A_614 = tpu.memref_squeeze %dma_start3A_613 : memref<1x2x128xi32, #tpu.memory_space<hbm>> -> memref<2x128xi32, #tpu.memory_space<hbm>>
        %dma_start3A_615 = arith.constant 0 : i32
        %dma_start3A_616 = arith.constant 0 : i32
        %dma_start3A_617 = tpu.memref_slice %arg3[%add3A_611, %dma_start3A_615, %dma_start3A_616] : memref<2500x2x128xi32, #tpu.memory_space<hbm>> -> memref<1x2x128xi32, #tpu.memory_space<hbm>>
        %dma_start3A_618 = tpu.memref_squeeze %dma_start3A_617 : memref<1x2x128xi32, #tpu.memory_space<hbm>> -> memref<2x128xi32, #tpu.memory_space<hbm>>
        tpu.enqueue_dma source(%dma_start3A_618 : memref<2x128xi32, #tpu.memory_space<hbm>>) target(%arg7 : memref<2x128xi32, #tpu.memory_space<vmem>>) target_semaphore(%arg15 : memref<!tpu.dma_semaphore, #tpu.memory_space<semaphore_mem>>)
      } else {
      }
    }
    %scan3A_82 = arith.constant 19 : i32
    %ge3A_83 = arith.constant 76 : i32
    %ge3A_84 = arith.constant 0 : i32
    %ge3A_85 = arith.cmpi sge, %ge3A_83, %ge3A_84 : i32
    %add3A_86 = arith.constant 2432 : i32
    %add3A_87 = arith.addi %add3A, %add3A_86 : i32
    %lt3A_88 = arith.constant 2500 : i32
    %lt3A_89 = arith.cmpi slt, %add3A_87, %lt3A_88 : i32
    %and3A_90 = arith.andi %ge3A_85, %lt3A_89 : i1
    %convert_element_type3A_91 = arith.extui %and3A_90 : i1 to i32
    %cond3A_92 = arith.constant 0 : i32
    %cond3A_93 = arith.cmpi ne, %convert_element_type3A_91, %cond3A_92 : i32
    scf.if %cond3A_93 {
      %add3A_297 = arith.constant 2432 : i32
      %add3A_298 = arith.addi %add3A, %add3A_297 : i32
      %dma_wait3A = arith.constant 0 : i32
      %dma_wait3A_299 = arith.constant 0 : i32
      %dma_wait3A_300 = tpu.memref_slice %arg5[%dma_wait3A, %dma_wait3A_299] : memref<2x128xi32, #tpu.memory_space<vmem>> -> memref<1x128xi32, #tpu.memory_space<vmem>>
      %dma_wait3A_301 = tpu.memref_squeeze %dma_wait3A_300 : memref<1x128xi32, #tpu.memory_space<vmem>> -> memref<128xi32, #tpu.memory_space<vmem>>
      %dma_wait3A_302 = arith.constant 0 : i32
      %dma_wait3A_303 = arith.constant 0 : i32
      %dma_wait3A_304 = tpu.memref_slice %arg2[%dma_wait3A_302, %dma_wait3A_303] : memref<10000x128xf32, #tpu.memory_space<hbm>> -> memref<10000x128xf32, #tpu.memory_space<hbm>>
      tpu.wait_indirect_dma semaphore(%arg17 : memref<!tpu.dma_semaphore, #tpu.memory_space<semaphore_mem>>) src(%dma_wait3A_304 : memref<10000x128xf32, #tpu.memory_space<hbm>>) dst(%arg9 : memref<128x128xf32, #tpu.memory_space<vmem>>)
    } else {
    }
    %ge3A_94 = arith.constant 76 : i32
    %ge3A_95 = arith.constant 0 : i32
    %ge3A_96 = arith.cmpi sge, %ge3A_94, %ge3A_95 : i32
    %add3A_97 = arith.constant 2432 : i32
    %add3A_98 = arith.addi %add3A, %add3A_97 : i32
    %lt3A_99 = arith.constant 2500 : i32
    %lt3A_100 = arith.cmpi slt, %add3A_98, %lt3A_99 : i32
    %and3A_101 = arith.andi %ge3A_96, %lt3A_100 : i1
    %convert_element_type3A_102 = arith.extui %and3A_101 : i1 to i32
    %cond3A_103 = arith.constant 0 : i32
    %cond3A_104 = arith.cmpi ne, %convert_element_type3A_102, %cond3A_103 : i32
    scf.if %cond3A_104 {
      %add3A_297 = arith.constant 2432 : i32
      %add3A_298 = arith.addi %add3A, %add3A_297 : i32
      %dma_start3A = arith.constant 1 : i32
      %dma_start3A_299 = arith.constant 0 : i32
      %dma_start3A_300 = tpu.memref_slice %arg5[%dma_start3A, %dma_start3A_299] : memref<2x128xi32, #tpu.memory_space<vmem>> -> memref<1x128xi32, #tpu.memory_space<vmem>>
      %dma_start3A_301 = tpu.memref_squeeze %dma_start3A_300 : memref<1x128xi32, #tpu.memory_space<vmem>> -> memref<128xi32, #tpu.memory_space<vmem>>
      %dma_start3A_302 = arith.constant 0 : i32
      %dma_start3A_303 = arith.constant 0 : i32
      %dma_start3A_304 = tpu.memref_slice %arg12[%dma_start3A_302, %dma_start3A_303] : memref<10000x128xf32, #tpu.memory_space<vmem_shared>> -> memref<10000x128xf32, #tpu.memory_space<vmem_shared>>
      tpu.enqueue_indirect_dma source(%arg9 : memref<128x128xf32, #tpu.memory_space<vmem>>) target(%dma_start3A_304 : memref<10000x128xf32, #tpu.memory_space<vmem_shared>>) offsets(%dma_start3A_301 : memref<128xi32, #tpu.memory_space<vmem>>) semaphore(%arg19 : memref<!tpu.dma_semaphore, #tpu.memory_space<semaphore_mem>>) {add = true}
    } else {
    }
    %ge3A_105 = arith.constant 77 : i32
    %ge3A_106 = arith.constant 0 : i32
    %ge3A_107 = arith.cmpi sge, %ge3A_105, %ge3A_106 : i32
    %add3A_108 = arith.constant 2464 : i32
    %add3A_109 = arith.addi %add3A, %add3A_108 : i32
    %lt3A_110 = arith.constant 2500 : i32
    %lt3A_111 = arith.cmpi slt, %add3A_109, %lt3A_110 : i32
    %and3A_112 = arith.andi %ge3A_107, %lt3A_111 : i1
    %convert_element_type3A_113 = arith.extui %and3A_112 : i1 to i32
    %cond3A_114 = arith.constant 0 : i32
    %cond3A_115 = arith.cmpi ne, %convert_element_type3A_113, %cond3A_114 : i32
    scf.if %cond3A_115 {
      %add3A_297 = arith.constant 2464 : i32
      %add3A_298 = arith.addi %add3A, %add3A_297 : i32
      %dma_wait3A = arith.constant 0 : i32
      %dma_wait3A_299 = arith.constant 0 : i32
      %dma_wait3A_300 = tpu.memref_slice %arg3[%add3A_298, %dma_wait3A, %dma_wait3A_299] : memref<2500x2x128xi32, #tpu.memory_space<hbm>> -> memref<1x2x128xi32, #tpu.memory_space<hbm>>
      %dma_wait3A_301 = tpu.memref_squeeze %dma_wait3A_300 : memref<1x2x128xi32, #tpu.memory_space<hbm>> -> memref<2x128xi32, #tpu.memory_space<hbm>>
      %dma_wait3A_302 = arith.constant 0 : i32
      %dma_wait3A_303 = arith.constant 0 : i32
      %dma_wait3A_304 = tpu.memref_slice %arg3[%add3A_298, %dma_wait3A_302, %dma_wait3A_303] : memref<2500x2x128xi32, #tpu.memory_space<hbm>> -> memref<1x2x128xi32, #tpu.memory_space<hbm>>
      %dma_wait3A_305 = tpu.memref_squeeze %dma_wait3A_304 : memref<1x2x128xi32, #tpu.memory_space<hbm>> -> memref<2x128xi32, #tpu.memory_space<hbm>>
      tpu.wait_dma2 semaphore(%arg14 : memref<!tpu.dma_semaphore, #tpu.memory_space<semaphore_mem>>) src(%dma_wait3A_305 : memref<2x128xi32, #tpu.memory_space<hbm>>) dst(%arg6 : memref<2x128xi32, #tpu.memory_space<vmem>>)
    } else {
    }
    %ge3A_116 = arith.constant 75 : i32
    %ge3A_117 = arith.constant 0 : i32
    %ge3A_118 = arith.cmpi sge, %ge3A_116, %ge3A_117 : i32
    %add3A_119 = arith.constant 2400 : i32
    %add3A_120 = arith.addi %add3A, %add3A_119 : i32
    %lt3A_121 = arith.constant 2500 : i32
    %lt3A_122 = arith.cmpi slt, %add3A_120, %lt3A_121 : i32
    %and3A_123 = arith.andi %ge3A_118, %lt3A_122 : i1
    %convert_element_type3A_124 = arith.extui %and3A_123 : i1 to i32
    %cond3A_125 = arith.constant 0 : i32
    %cond3A_126 = arith.cmpi ne, %convert_element_type3A_124, %cond3A_125 : i32
    scf.if %cond3A_126 {
      %add3A_297 = arith.constant 2400 : i32
      %add3A_298 = arith.addi %add3A, %add3A_297 : i32
      %dma_wait3A = arith.constant 1 : i32
      %dma_wait3A_299 = arith.constant 0 : i32
      %dma_wait3A_300 = tpu.memref_slice %arg8[%dma_wait3A, %dma_wait3A_299] : memref<2x128xi32, #tpu.memory_space<vmem>> -> memref<1x128xi32, #tpu.memory_space<vmem>>
      %dma_wait3A_301 = tpu.memref_squeeze %dma_wait3A_300 : memref<1x128xi32, #tpu.memory_space<vmem>> -> memref<128xi32, #tpu.memory_space<vmem>>
      %dma_wait3A_302 = arith.constant 0 : i32
      %dma_wait3A_303 = arith.constant 0 : i32
      %dma_wait3A_304 = tpu.memref_slice %arg12[%dma_wait3A_302, %dma_wait3A_303] : memref<10000x128xf32, #tpu.memory_space<vmem_shared>> -> memref<10000x128xf32, #tpu.memory_space<vmem_shared>>
      tpu.wait_indirect_dma semaphore(%arg20 : memref<!tpu.dma_semaphore, #tpu.memory_space<semaphore_mem>>) src(%arg10 : memref<128x128xf32, #tpu.memory_space<vmem>>) dst(%dma_wait3A_304 : memref<10000x128xf32, #tpu.memory_space<vmem_shared>>)
    } else {
    }
    %ge3A_127 = arith.constant 77 : i32
    %ge3A_128 = arith.constant 0 : i32
    %ge3A_129 = arith.cmpi sge, %ge3A_127, %ge3A_128 : i32
    %add3A_130 = arith.constant 2464 : i32
    %add3A_131 = arith.addi %add3A, %add3A_130 : i32
    %lt3A_132 = arith.constant 2500 : i32
    %lt3A_133 = arith.cmpi slt, %add3A_131, %lt3A_132 : i32
    %and3A_134 = arith.andi %ge3A_129, %lt3A_133 : i1
    %convert_element_type3A_135 = arith.extui %and3A_134 : i1 to i32
    %cond3A_136 = arith.constant 0 : i32
    %cond3A_137 = arith.cmpi ne, %convert_element_type3A_135, %cond3A_136 : i32
    scf.if %cond3A_137 {
      %add3A_297 = arith.constant 2464 : i32
      %add3A_298 = arith.addi %add3A, %add3A_297 : i32
      %dma_start3A = arith.constant 0 : i32
      %dma_start3A_299 = arith.constant 0 : i32
      %dma_start3A_300 = tpu.memref_slice %arg6[%dma_start3A, %dma_start3A_299] : memref<2x128xi32, #tpu.memory_space<vmem>> -> memref<1x128xi32, #tpu.memory_space<vmem>>
      %dma_start3A_301 = tpu.memref_squeeze %dma_start3A_300 : memref<1x128xi32, #tpu.memory_space<vmem>> -> memref<128xi32, #tpu.memory_space<vmem>>
      %dma_start3A_302 = arith.constant 0 : i32
      %dma_start3A_303 = arith.constant 0 : i32
      %dma_start3A_304 = tpu.memref_slice %arg2[%dma_start3A_302, %dma_start3A_303] : memref<10000x128xf32, #tpu.memory_space<hbm>> -> memref<10000x128xf32, #tpu.memory_space<hbm>>
      tpu.enqueue_indirect_dma source(%dma_start3A_304 : memref<10000x128xf32, #tpu.memory_space<hbm>>) target(%arg10 : memref<128x128xf32, #tpu.memory_space<vmem>>) offsets(%dma_start3A_301 : memref<128xi32, #tpu.memory_space<vmem>>) semaphore(%arg18 : memref<!tpu.dma_semaphore, #tpu.memory_space<semaphore_mem>>)
    } else {
    }
    %ge3A_138 = arith.constant 79 : i32
    %ge3A_139 = arith.constant 0 : i32
    %ge3A_140 = arith.cmpi sge, %ge3A_138, %ge3A_139 : i32
    %add3A_141 = arith.constant 2528 : i32
    %add3A_142 = arith.addi %add3A, %add3A_141 : i32
    %lt3A_143 = arith.constant 2500 : i32
    %lt3A_144 = arith.cmpi slt, %add3A_142, %lt3A_143 : i32
    %and3A_145 = arith.andi %ge3A_140, %lt3A_144 : i1
    %convert_element_type3A_146 = arith.extui %and3A_145 : i1 to i32
    %cond3A_147 = arith.constant 0 : i32
    %cond3A_148 = arith.cmpi ne, %convert_element_type3A_146, %cond3A_147 : i32
    scf.if %cond3A_148 {
      %add3A_297 = arith.constant 2528 : i32
      %add3A_298 = arith.addi %add3A, %add3A_297 : i32
      %dma_start3A = arith.constant 0 : i32
      %dma_start3A_299 = arith.constant 0 : i32
      %dma_start3A_300 = tpu.memref_slice %arg3[%add3A_298, %dma_start3A, %dma_start3A_299] : memref<2500x2x128xi32, #tpu.memory_space<hbm>> -> memref<1x2x128xi32, #tpu.memory_space<hbm>>
      %dma_start3A_301 = tpu.memref_squeeze %dma_start3A_300 : memref<1x2x128xi32, #tpu.memory_space<hbm>> -> memref<2x128xi32, #tpu.memory_space<hbm>>
      %dma_start3A_302 = arith.constant 0 : i32
      %dma_start3A_303 = arith.constant 0 : i32
      %dma_start3A_304 = tpu.memref_slice %arg3[%add3A_298, %dma_start3A_302, %dma_start3A_303] : memref<2500x2x128xi32, #tpu.memory_space<hbm>> -> memref<1x2x128xi32, #tpu.memory_space<hbm>>
      %dma_start3A_305 = tpu.memref_squeeze %dma_start3A_304 : memref<1x2x128xi32, #tpu.memory_space<hbm>> -> memref<2x128xi32, #tpu.memory_space<hbm>>
      tpu.enqueue_dma source(%dma_start3A_305 : memref<2x128xi32, #tpu.memory_space<hbm>>) target(%arg8 : memref<2x128xi32, #tpu.memory_space<vmem>>) target_semaphore(%arg16 : memref<!tpu.dma_semaphore, #tpu.memory_space<semaphore_mem>>)
    } else {
    }
    %ge3A_149 = arith.constant 77 : i32
    %ge3A_150 = arith.constant 0 : i32
    %ge3A_151 = arith.cmpi sge, %ge3A_149, %ge3A_150 : i32
    %add3A_152 = arith.constant 2464 : i32
    %add3A_153 = arith.addi %add3A, %add3A_152 : i32
    %lt3A_154 = arith.constant 2500 : i32
    %lt3A_155 = arith.cmpi slt, %add3A_153, %lt3A_154 : i32
    %and3A_156 = arith.andi %ge3A_151, %lt3A_155 : i1
    %convert_element_type3A_157 = arith.extui %and3A_156 : i1 to i32
    %cond3A_158 = arith.constant 0 : i32
    %cond3A_159 = arith.cmpi ne, %convert_element_type3A_157, %cond3A_158 : i32
    scf.if %cond3A_159 {
      %add3A_297 = arith.constant 2464 : i32
      %add3A_298 = arith.addi %add3A, %add3A_297 : i32
      %dma_wait3A = arith.constant 0 : i32
      %dma_wait3A_299 = arith.constant 0 : i32
      %dma_wait3A_300 = tpu.memref_slice %arg6[%dma_wait3A, %dma_wait3A_299] : memref<2x128xi32, #tpu.memory_space<vmem>> -> memref<1x128xi32, #tpu.memory_space<vmem>>
      %dma_wait3A_301 = tpu.memref_squeeze %dma_wait3A_300 : memref<1x128xi32, #tpu.memory_space<vmem>> -> memref<128xi32, #tpu.memory_space<vmem>>
      %dma_wait3A_302 = arith.constant 0 : i32
      %dma_wait3A_303 = arith.constant 0 : i32
      %dma_wait3A_304 = tpu.memref_slice %arg2[%dma_wait3A_302, %dma_wait3A_303] : memref<10000x128xf32, #tpu.memory_space<hbm>> -> memref<10000x128xf32, #tpu.memory_space<hbm>>
      tpu.wait_indirect_dma semaphore(%arg18 : memref<!tpu.dma_semaphore, #tpu.memory_space<semaphore_mem>>) src(%dma_wait3A_304 : memref<10000x128xf32, #tpu.memory_space<hbm>>) dst(%arg10 : memref<128x128xf32, #tpu.memory_space<vmem>>)
    } else {
    }
    %ge3A_160 = arith.constant 77 : i32
    %ge3A_161 = arith.constant 0 : i32
    %ge3A_162 = arith.cmpi sge, %ge3A_160, %ge3A_161 : i32
    %add3A_163 = arith.constant 2464 : i32
    %add3A_164 = arith.addi %add3A, %add3A_163 : i32
    %lt3A_165 = arith.constant 2500 : i32
    %lt3A_166 = arith.cmpi slt, %add3A_164, %lt3A_165 : i32
    %and3A_167 = arith.andi %ge3A_162, %lt3A_166 : i1
    %convert_element_type3A_168 = arith.extui %and3A_167 : i1 to i32
    %cond3A_169 = arith.constant 0 : i32
    %cond3A_170 = arith.cmpi ne, %convert_element_type3A_168, %cond3A_169 : i32
    scf.if %cond3A_170 {
      %add3A_297 = arith.constant 2464 : i32
      %add3A_298 = arith.addi %add3A, %add3A_297 : i32
      %dma_start3A = arith.constant 1 : i32
      %dma_start3A_299 = arith.constant 0 : i32
      %dma_start3A_300 = tpu.memref_slice %arg6[%dma_start3A, %dma_start3A_299] : memref<2x128xi32, #tpu.memory_space<vmem>> -> memref<1x128xi32, #tpu.memory_space<vmem>>
      %dma_start3A_301 = tpu.memref_squeeze %dma_start3A_300 : memref<1x128xi32, #tpu.memory_space<vmem>> -> memref<128xi32, #tpu.memory_space<vmem>>
      %dma_start3A_302 = arith.constant 0 : i32
      %dma_start3A_303 = arith.constant 0 : i32
      %dma_start3A_304 = tpu.memref_slice %arg12[%dma_start3A_302, %dma_start3A_303] : memref<10000x128xf32, #tpu.memory_space<vmem_shared>> -> memref<10000x128xf32, #tpu.memory_space<vmem_shared>>
      tpu.enqueue_indirect_dma source(%arg10 : memref<128x128xf32, #tpu.memory_space<vmem>>) target(%dma_start3A_304 : memref<10000x128xf32, #tpu.memory_space<vmem_shared>>) offsets(%dma_start3A_301 : memref<128xi32, #tpu.memory_space<vmem>>) semaphore(%arg20 : memref<!tpu.dma_semaphore, #tpu.memory_space<semaphore_mem>>) {add = true}
    } else {
    }
    %ge3A_171 = arith.constant 78 : i32
    %ge3A_172 = arith.constant 0 : i32
    %ge3A_173 = arith.cmpi sge, %ge3A_171, %ge3A_172 : i32
    %add3A_174 = arith.constant 2496 : i32
    %add3A_175 = arith.addi %add3A, %add3A_174 : i32
    %lt3A_176 = arith.constant 2500 : i32
    %lt3A_177 = arith.cmpi slt, %add3A_175, %lt3A_176 : i32
    %and3A_178 = arith.andi %ge3A_173, %lt3A_177 : i1
    %convert_element_type3A_179 = arith.extui %and3A_178 : i1 to i32
    %cond3A_180 = arith.constant 0 : i32
    %cond3A_181 = arith.cmpi ne, %convert_element_type3A_179, %cond3A_180 : i32
    scf.if %cond3A_181 {
      %add3A_297 = arith.constant 2496 : i32
      %add3A_298 = arith.addi %add3A, %add3A_297 : i32
      %dma_wait3A = arith.constant 0 : i32
      %dma_wait3A_299 = arith.constant 0 : i32
      %dma_wait3A_300 = tpu.memref_slice %arg3[%add3A_298, %dma_wait3A, %dma_wait3A_299] : memref<2500x2x128xi32, #tpu.memory_space<hbm>> -> memref<1x2x128xi32, #tpu.memory_space<hbm>>
      %dma_wait3A_301 = tpu.memref_squeeze %dma_wait3A_300 : memref<1x2x128xi32, #tpu.memory_space<hbm>> -> memref<2x128xi32, #tpu.memory_space<hbm>>
      %dma_wait3A_302 = arith.constant 0 : i32
      %dma_wait3A_303 = arith.constant 0 : i32
      %dma_wait3A_304 = tpu.memref_slice %arg3[%add3A_298, %dma_wait3A_302, %dma_wait3A_303] : memref<2500x2x128xi32, #tpu.memory_space<hbm>> -> memref<1x2x128xi32, #tpu.memory_space<hbm>>
      %dma_wait3A_305 = tpu.memref_squeeze %dma_wait3A_304 : memref<1x2x128xi32, #tpu.memory_space<hbm>> -> memref<2x128xi32, #tpu.memory_space<hbm>>
      tpu.wait_dma2 semaphore(%arg15 : memref<!tpu.dma_semaphore, #tpu.memory_space<semaphore_mem>>) src(%dma_wait3A_305 : memref<2x128xi32, #tpu.memory_space<hbm>>) dst(%arg7 : memref<2x128xi32, #tpu.memory_space<vmem>>)
    } else {
    }
    %ge3A_182 = arith.constant 76 : i32
    %ge3A_183 = arith.constant 0 : i32
    %ge3A_184 = arith.cmpi sge, %ge3A_182, %ge3A_183 : i32
    %add3A_185 = arith.constant 2432 : i32
    %add3A_186 = arith.addi %add3A, %add3A_185 : i32
    %lt3A_187 = arith.constant 2500 : i32
    %lt3A_188 = arith.cmpi slt, %add3A_186, %lt3A_187 : i32
    %and3A_189 = arith.andi %ge3A_184, %lt3A_188 : i1
    %convert_element_type3A_190 = arith.extui %and3A_189 : i1 to i32
    %cond3A_191 = arith.constant 0 : i32
    %cond3A_192 = arith.cmpi ne, %convert_element_type3A_190, %cond3A_191 : i32
    scf.if %cond3A_192 {
      %add3A_297 = arith.constant 2432 : i32
      %add3A_298 = arith.addi %add3A, %add3A_297 : i32
      %dma_wait3A = arith.constant 1 : i32
      %dma_wait3A_299 = arith.constant 0 : i32
      %dma_wait3A_300 = tpu.memref_slice %arg5[%dma_wait3A, %dma_wait3A_299] : memref<2x128xi32, #tpu.memory_space<vmem>> -> memref<1x128xi32, #tpu.memory_space<vmem>>
      %dma_wait3A_301 = tpu.memref_squeeze %dma_wait3A_300 : memref<1x128xi32, #tpu.memory_space<vmem>> -> memref<128xi32, #tpu.memory_space<vmem>>
      %dma_wait3A_302 = arith.constant 0 : i32
      %dma_wait3A_303 = arith.constant 0 : i32
      %dma_wait3A_304 = tpu.memref_slice %arg12[%dma_wait3A_302, %dma_wait3A_303] : memref<10000x128xf32, #tpu.memory_space<vmem_shared>> -> memref<10000x128xf32, #tpu.memory_space<vmem_shared>>
      tpu.wait_indirect_dma semaphore(%arg19 : memref<!tpu.dma_semaphore, #tpu.memory_space<semaphore_mem>>) src(%arg9 : memref<128x128xf32, #tpu.memory_space<vmem>>) dst(%dma_wait3A_304 : memref<10000x128xf32, #tpu.memory_space<vmem_shared>>)
    } else {
    }
    %ge3A_193 = arith.constant 78 : i32
    %ge3A_194 = arith.constant 0 : i32
    %ge3A_195 = arith.cmpi sge, %ge3A_193, %ge3A_194 : i32
    %add3A_196 = arith.constant 2496 : i32
    %add3A_197 = arith.addi %add3A, %add3A_196 : i32
    %lt3A_198 = arith.constant 2500 : i32
    %lt3A_199 = arith.cmpi slt, %add3A_197, %lt3A_198 : i32
    %and3A_200 = arith.andi %ge3A_195, %lt3A_199 : i1
    %convert_element_type3A_201 = arith.extui %and3A_200 : i1 to i32
    %cond3A_202 = arith.constant 0 : i32
    %cond3A_203 = arith.cmpi ne, %convert_element_type3A_201, %cond3A_202 : i32
    scf.if %cond3A_203 {
      %add3A_297 = arith.constant 2496 : i32
      %add3A_298 = arith.addi %add3A, %add3A_297 : i32
      %dma_start3A = arith.constant 0 : i32
      %dma_start3A_299 = arith.constant 0 : i32
      %dma_start3A_300 = tpu.memref_slice %arg7[%dma_start3A, %dma_start3A_299] : memref<2x128xi32, #tpu.memory_space<vmem>> -> memref<1x128xi32, #tpu.memory_space<vmem>>
      %dma_start3A_301 = tpu.memref_squeeze %dma_start3A_300 : memref<1x128xi32, #tpu.memory_space<vmem>> -> memref<128xi32, #tpu.memory_space<vmem>>
      %dma_start3A_302 = arith.constant 0 : i32
      %dma_start3A_303 = arith.constant 0 : i32
      %dma_start3A_304 = tpu.memref_slice %arg2[%dma_start3A_302, %dma_start3A_303] : memref<10000x128xf32, #tpu.memory_space<hbm>> -> memref<10000x128xf32, #tpu.memory_space<hbm>>
      tpu.enqueue_indirect_dma source(%dma_start3A_304 : memref<10000x128xf32, #tpu.memory_space<hbm>>) target(%arg9 : memref<128x128xf32, #tpu.memory_space<vmem>>) offsets(%dma_start3A_301 : memref<128xi32, #tpu.memory_space<vmem>>) semaphore(%arg17 : memref<!tpu.dma_semaphore, #tpu.memory_space<semaphore_mem>>)
    } else {
    }
    %ge3A_204 = arith.constant 80 : i32
    %ge3A_205 = arith.constant 0 : i32
    %ge3A_206 = arith.cmpi sge, %ge3A_204, %ge3A_205 : i32
    %add3A_207 = arith.constant 2560 : i32
    %add3A_208 = arith.addi %add3A, %add3A_207 : i32
    %lt3A_209 = arith.constant 2500 : i32
    %lt3A_210 = arith.cmpi slt, %add3A_208, %lt3A_209 : i32
    %and3A_211 = arith.andi %ge3A_206, %lt3A_210 : i1
    %convert_element_type3A_212 = arith.extui %and3A_211 : i1 to i32
    %cond3A_213 = arith.constant 0 : i32
    %cond3A_214 = arith.cmpi ne, %convert_element_type3A_212, %cond3A_213 : i32
    scf.if %cond3A_214 {
      %add3A_297 = arith.constant 2560 : i32
      %add3A_298 = arith.addi %add3A, %add3A_297 : i32
      %dma_start3A = arith.constant 0 : i32
      %dma_start3A_299 = arith.constant 0 : i32
      %dma_start3A_300 = tpu.memref_slice %arg3[%add3A_298, %dma_start3A, %dma_start3A_299] : memref<2500x2x128xi32, #tpu.memory_space<hbm>> -> memref<1x2x128xi32, #tpu.memory_space<hbm>>
      %dma_start3A_301 = tpu.memref_squeeze %dma_start3A_300 : memref<1x2x128xi32, #tpu.memory_space<hbm>> -> memref<2x128xi32, #tpu.memory_space<hbm>>
      %dma_start3A_302 = arith.constant 0 : i32
      %dma_start3A_303 = arith.constant 0 : i32
      %dma_start3A_304 = tpu.memref_slice %arg3[%add3A_298, %dma_start3A_302, %dma_start3A_303] : memref<2500x2x128xi32, #tpu.memory_space<hbm>> -> memref<1x2x128xi32, #tpu.memory_space<hbm>>
      %dma_start3A_305 = tpu.memref_squeeze %dma_start3A_304 : memref<1x2x128xi32, #tpu.memory_space<hbm>> -> memref<2x128xi32, #tpu.memory_space<hbm>>
      tpu.enqueue_dma source(%dma_start3A_305 : memref<2x128xi32, #tpu.memory_space<hbm>>) target(%arg5 : memref<2x128xi32, #tpu.memory_space<vmem>>) target_semaphore(%arg13 : memref<!tpu.dma_semaphore, #tpu.memory_space<semaphore_mem>>)
    } else {
    }
    %ge3A_215 = arith.constant 78 : i32
    %ge3A_216 = arith.constant 0 : i32
    %ge3A_217 = arith.cmpi sge, %ge3A_215, %ge3A_216 : i32
    %add3A_218 = arith.constant 2496 : i32
    %add3A_219 = arith.addi %add3A, %add3A_218 : i32
    %lt3A_220 = arith.constant 2500 : i32
    %lt3A_221 = arith.cmpi slt, %add3A_219, %lt3A_220 : i32
    %and3A_222 = arith.andi %ge3A_217, %lt3A_221 : i1
    %convert_element_type3A_223 = arith.extui %and3A_222 : i1 to i32
    %cond3A_224 = arith.constant 0 : i32
    %cond3A_225 = arith.cmpi ne, %convert_element_type3A_223, %cond3A_224 : i32
    scf.if %cond3A_225 {
      %add3A_297 = arith.constant 2496 : i32
      %add3A_298 = arith.addi %add3A, %add3A_297 : i32
      %dma_wait3A = arith.constant 0 : i32
      %dma_wait3A_299 = arith.constant 0 : i32
      %dma_wait3A_300 = tpu.memref_slice %arg7[%dma_wait3A, %dma_wait3A_299] : memref<2x128xi32, #tpu.memory_space<vmem>> -> memref<1x128xi32, #tpu.memory_space<vmem>>
      %dma_wait3A_301 = tpu.memref_squeeze %dma_wait3A_300 : memref<1x128xi32, #tpu.memory_space<vmem>> -> memref<128xi32, #tpu.memory_space<vmem>>
      %dma_wait3A_302 = arith.constant 0 : i32
      %dma_wait3A_303 = arith.constant 0 : i32
      %dma_wait3A_304 = tpu.memref_slice %arg2[%dma_wait3A_302, %dma_wait3A_303] : memref<10000x128xf32, #tpu.memory_space<hbm>> -> memref<10000x128xf32, #tpu.memory_space<hbm>>
      tpu.wait_indirect_dma semaphore(%arg17 : memref<!tpu.dma_semaphore, #tpu.memory_space<semaphore_mem>>) src(%dma_wait3A_304 : memref<10000x128xf32, #tpu.memory_space<hbm>>) dst(%arg9 : memref<128x128xf32, #tpu.memory_space<vmem>>)
    } else {
    }
    %ge3A_226 = arith.constant 78 : i32
    %ge3A_227 = arith.constant 0 : i32
    %ge3A_228 = arith.cmpi sge, %ge3A_226, %ge3A_227 : i32
    %add3A_229 = arith.constant 2496 : i32
    %add3A_230 = arith.addi %add3A, %add3A_229 : i32
    %lt3A_231 = arith.constant 2500 : i32
    %lt3A_232 = arith.cmpi slt, %add3A_230, %lt3A_231 : i32
    %and3A_233 = arith.andi %ge3A_228, %lt3A_232 : i1
    %convert_element_type3A_234 = arith.extui %and3A_233 : i1 to i32
    %cond3A_235 = arith.constant 0 : i32
    %cond3A_236 = arith.cmpi ne, %convert_element_type3A_234, %cond3A_235 : i32
    scf.if %cond3A_236 {
      %add3A_297 = arith.constant 2496 : i32
      %add3A_298 = arith.addi %add3A, %add3A_297 : i32
      %dma_start3A = arith.constant 1 : i32
      %dma_start3A_299 = arith.constant 0 : i32
      %dma_start3A_300 = tpu.memref_slice %arg7[%dma_start3A, %dma_start3A_299] : memref<2x128xi32, #tpu.memory_space<vmem>> -> memref<1x128xi32, #tpu.memory_space<vmem>>
      %dma_start3A_301 = tpu.memref_squeeze %dma_start3A_300 : memref<1x128xi32, #tpu.memory_space<vmem>> -> memref<128xi32, #tpu.memory_space<vmem>>
      %dma_start3A_302 = arith.constant 0 : i32
      %dma_start3A_303 = arith.constant 0 : i32
      %dma_start3A_304 = tpu.memref_slice %arg12[%dma_start3A_302, %dma_start3A_303] : memref<10000x128xf32, #tpu.memory_space<vmem_shared>> -> memref<10000x128xf32, #tpu.memory_space<vmem_shared>>
      tpu.enqueue_indirect_dma source(%arg9 : memref<128x128xf32, #tpu.memory_space<vmem>>) target(%dma_start3A_304 : memref<10000x128xf32, #tpu.memory_space<vmem_shared>>) offsets(%dma_start3A_301 : memref<128xi32, #tpu.memory_space<vmem>>) semaphore(%arg19 : memref<!tpu.dma_semaphore, #tpu.memory_space<semaphore_mem>>) {add = true}
    } else {
    }
    %ge3A_237 = arith.constant 79 : i32
    %ge3A_238 = arith.constant 0 : i32
    %ge3A_239 = arith.cmpi sge, %ge3A_237, %ge3A_238 : i32
    %add3A_240 = arith.constant 2528 : i32
    %add3A_241 = arith.addi %add3A, %add3A_240 : i32
    %lt3A_242 = arith.constant 2500 : i32
    %lt3A_243 = arith.cmpi slt, %add3A_241, %lt3A_242 : i32
    %and3A_244 = arith.andi %ge3A_239, %lt3A_243 : i1
    %convert_element_type3A_245 = arith.extui %and3A_244 : i1 to i32
    %cond3A_246 = arith.constant 0 : i32
    %cond3A_247 = arith.cmpi ne, %convert_element_type3A_245, %cond3A_246 : i32
    scf.if %cond3A_247 {
      %add3A_297 = arith.constant 2528 : i32
      %add3A_298 = arith.addi %add3A, %add3A_297 : i32
      %dma_wait3A = arith.constant 0 : i32
      %dma_wait3A_299 = arith.constant 0 : i32
      %dma_wait3A_300 = tpu.memref_slice %arg3[%add3A_298, %dma_wait3A, %dma_wait3A_299] : memref<2500x2x128xi32, #tpu.memory_space<hbm>> -> memref<1x2x128xi32, #tpu.memory_space<hbm>>
      %dma_wait3A_301 = tpu.memref_squeeze %dma_wait3A_300 : memref<1x2x128xi32, #tpu.memory_space<hbm>> -> memref<2x128xi32, #tpu.memory_space<hbm>>
      %dma_wait3A_302 = arith.constant 0 : i32
      %dma_wait3A_303 = arith.constant 0 : i32
      %dma_wait3A_304 = tpu.memref_slice %arg3[%add3A_298, %dma_wait3A_302, %dma_wait3A_303] : memref<2500x2x128xi32, #tpu.memory_space<hbm>> -> memref<1x2x128xi32, #tpu.memory_space<hbm>>
      %dma_wait3A_305 = tpu.memref_squeeze %dma_wait3A_304 : memref<1x2x128xi32, #tpu.memory_space<hbm>> -> memref<2x128xi32, #tpu.memory_space<hbm>>
      tpu.wait_dma2 semaphore(%arg16 : memref<!tpu.dma_semaphore, #tpu.memory_space<semaphore_mem>>) src(%dma_wait3A_305 : memref<2x128xi32, #tpu.memory_space<hbm>>) dst(%arg8 : memref<2x128xi32, #tpu.memory_space<vmem>>)
    } else {
    }
    %ge3A_248 = arith.constant 77 : i32
    %ge3A_249 = arith.constant 0 : i32
    %ge3A_250 = arith.cmpi sge, %ge3A_248, %ge3A_249 : i32
    %add3A_251 = arith.constant 2464 : i32
    %add3A_252 = arith.addi %add3A, %add3A_251 : i32
    %lt3A_253 = arith.constant 2500 : i32
    %lt3A_254 = arith.cmpi slt, %add3A_252, %lt3A_253 : i32
    %and3A_255 = arith.andi %ge3A_250, %lt3A_254 : i1
    %convert_element_type3A_256 = arith.extui %and3A_255 : i1 to i32
    %cond3A_257 = arith.constant 0 : i32
    %cond3A_258 = arith.cmpi ne, %convert_element_type3A_256, %cond3A_257 : i32
    scf.if %cond3A_258 {
      %add3A_297 = arith.constant 2464 : i32
      %add3A_298 = arith.addi %add3A, %add3A_297 : i32
      %dma_wait3A = arith.constant 1 : i32
      %dma_wait3A_299 = arith.constant 0 : i32
      %dma_wait3A_300 = tpu.memref_slice %arg6[%dma_wait3A, %dma_wait3A_299] : memref<2x128xi32, #tpu.memory_space<vmem>> -> memref<1x128xi32, #tpu.memory_space<vmem>>
      %dma_wait3A_301 = tpu.memref_squeeze %dma_wait3A_300 : memref<1x128xi32, #tpu.memory_space<vmem>> -> memref<128xi32, #tpu.memory_space<vmem>>
      %dma_wait3A_302 = arith.constant 0 : i32
      %dma_wait3A_303 = arith.constant 0 : i32
      %dma_wait3A_304 = tpu.memref_slice %arg12[%dma_wait3A_302, %dma_wait3A_303] : memref<10000x128xf32, #tpu.memory_space<vmem_shared>> -> memref<10000x128xf32, #tpu.memory_space<vmem_shared>>
      tpu.wait_indirect_dma semaphore(%arg20 : memref<!tpu.dma_semaphore, #tpu.memory_space<semaphore_mem>>) src(%arg10 : memref<128x128xf32, #tpu.memory_space<vmem>>) dst(%dma_wait3A_304 : memref<10000x128xf32, #tpu.memory_space<vmem_shared>>)
    } else {
    }
    %ge3A_259 = arith.constant 79 : i32
    %ge3A_260 = arith.constant 0 : i32
    %ge3A_261 = arith.cmpi sge, %ge3A_259, %ge3A_260 : i32
    %add3A_262 = arith.constant 2528 : i32
    %add3A_263 = arith.addi %add3A, %add3A_262 : i32
    %lt3A_264 = arith.constant 2500 : i32
    %lt3A_265 = arith.cmpi slt, %add3A_263, %lt3A_264 : i32
    %and3A_266 = arith.andi %ge3A_261, %lt3A_265 : i1
    %convert_element_type3A_267 = arith.extui %and3A_266 : i1 to i32
    %cond3A_268 = arith.constant 0 : i32
    %cond3A_269 = arith.cmpi ne, %convert_element_type3A_267, %cond3A_268 : i32
    scf.if %cond3A_269 {
      %add3A_297 = arith.constant 2528 : i32
      %add3A_298 = arith.addi %add3A, %add3A_297 : i32
      %dma_start3A = arith.constant 0 : i32
      %dma_start3A_299 = arith.constant 0 : i32
      %dma_start3A_300 = tpu.memref_slice %arg8[%dma_start3A, %dma_start3A_299] : memref<2x128xi32, #tpu.memory_space<vmem>> -> memref<1x128xi32, #tpu.memory_space<vmem>>
      %dma_start3A_301 = tpu.memref_squeeze %dma_start3A_300 : memref<1x128xi32, #tpu.memory_space<vmem>> -> memref<128xi32, #tpu.memory_space<vmem>>
      %dma_start3A_302 = arith.constant 0 : i32
      %dma_start3A_303 = arith.constant 0 : i32
      %dma_start3A_304 = tpu.memref_slice %arg2[%dma_start3A_302, %dma_start3A_303] : memref<10000x128xf32, #tpu.memory_space<hbm>> -> memref<10000x128xf32, #tpu.memory_space<hbm>>
      tpu.enqueue_indirect_dma source(%dma_start3A_304 : memref<10000x128xf32, #tpu.memory_space<hbm>>) target(%arg10 : memref<128x128xf32, #tpu.memory_space<vmem>>) offsets(%dma_start3A_301 : memref<128xi32, #tpu.memory_space<vmem>>) semaphore(%arg18 : memref<!tpu.dma_semaphore, #tpu.memory_space<semaphore_mem>>)
    } else {
    }
    %ge3A_270 = arith.constant 81 : i32
    %ge3A_271 = arith.constant 0 : i32
    %ge3A_272 = arith.cmpi sge, %ge3A_270, %ge3A_271 : i32
    %add3A_273 = arith.constant 2592 : i32
    %add3A_274 = arith.addi %add3A, %add3A_273 : i32
    %lt3A_275 = arith.constant 2500 : i32
    %lt3A_276 = arith.cmpi slt, %add3A_274, %lt3A_275 : i32
    %and3A_277 = arith.andi %ge3A_272, %lt3A_276 : i1
    %convert_element_type3A_278 = arith.extui %and3A_277 : i1 to i32
    %cond3A_279 = arith.constant 0 : i32
    %cond3A_280 = arith.cmpi ne, %convert_element_type3A_278, %cond3A_279 : i32
    scf.if %cond3A_280 {
      %add3A_297 = arith.constant 2592 : i32
      %add3A_298 = arith.addi %add3A, %add3A_297 : i32
      %dma_start3A = arith.constant 0 : i32
      %dma_start3A_299 = arith.constant 0 : i32
      %dma_start3A_300 = tpu.memref_slice %arg3[%add3A_298, %dma_start3A, %dma_start3A_299] : memref<2500x2x128xi32, #tpu.memory_space<hbm>> -> memref<1x2x128xi32, #tpu.memory_space<hbm>>
      %dma_start3A_301 = tpu.memref_squeeze %dma_start3A_300 : memref<1x2x128xi32, #tpu.memory_space<hbm>> -> memref<2x128xi32, #tpu.memory_space<hbm>>
      %dma_start3A_302 = arith.constant 0 : i32
      %dma_start3A_303 = arith.constant 0 : i32
      %dma_start3A_304 = tpu.memref_slice %arg3[%add3A_298, %dma_start3A_302, %dma_start3A_303] : memref<2500x2x128xi32, #tpu.memory_space<hbm>> -> memref<1x2x128xi32, #tpu.memory_space<hbm>>
      %dma_start3A_305 = tpu.memref_squeeze %dma_start3A_304 : memref<1x2x128xi32, #tpu.memory_space<hbm>> -> memref<2x128xi32, #tpu.memory_space<hbm>>
      tpu.enqueue_dma source(%dma_start3A_305 : memref<2x128xi32, #tpu.memory_space<hbm>>) target(%arg6 : memref<2x128xi32, #tpu.memory_space<vmem>>) target_semaphore(%arg14 : memref<!tpu.dma_semaphore, #tpu.memory_space<semaphore_mem>>)
    } else {
    }
    %ge3A_281 = arith.constant 78 : i32
    %ge3A_282 = arith.constant 0 : i32
    %ge3A_283 = arith.cmpi sge, %ge3A_281, %ge3A_282 : i32
    %add3A_284 = arith.constant 2496 : i32
    %add3A_285 = arith.addi %add3A, %add3A_284 : i32
    %lt3A_286 = arith.constant 2500 : i32
    %lt3A_287 = arith.cmpi slt, %add3A_285, %lt3A_286 : i32
    %and3A_288 = arith.andi %ge3A_283, %lt3A_287 : i1
    %convert_element_type3A_289 = arith.extui %and3A_288 : i1 to i32
    %cond3A_290 = arith.constant 0 : i32
    %cond3A_291 = arith.cmpi ne, %convert_element_type3A_289, %cond3A_290 : i32
    scf.if %cond3A_291 {
      %add3A_297 = arith.constant 2496 : i32
      %add3A_298 = arith.addi %add3A, %add3A_297 : i32
      %dma_wait3A = arith.constant 1 : i32
      %dma_wait3A_299 = arith.constant 0 : i32
      %dma_wait3A_300 = tpu.memref_slice %arg7[%dma_wait3A, %dma_wait3A_299] : memref<2x128xi32, #tpu.memory_space<vmem>> -> memref<1x128xi32, #tpu.memory_space<vmem>>
      %dma_wait3A_301 = tpu.memref_squeeze %dma_wait3A_300 : memref<1x128xi32, #tpu.memory_space<vmem>> -> memref<128xi32, #tpu.memory_space<vmem>>
      %dma_wait3A_302 = arith.constant 0 : i32
      %dma_wait3A_303 = arith.constant 0 : i32
      %dma_wait3A_304 = tpu.memref_slice %arg12[%dma_wait3A_302, %dma_wait3A_303] : memref<10000x128xf32, #tpu.memory_space<vmem_shared>> -> memref<10000x128xf32, #tpu.memory_space<vmem_shared>>
      tpu.wait_indirect_dma semaphore(%arg19 : memref<!tpu.dma_semaphore, #tpu.memory_space<semaphore_mem>>) src(%arg9 : memref<128x128xf32, #tpu.memory_space<vmem>>) dst(%dma_wait3A_304 : memref<10000x128xf32, #tpu.memory_space<vmem_shared>>)
    } else {
    }
    %barrier3A_292 = arith.constant 0 : index
    tpu.barrier barrier_id(%barrier3A_292)
    %mul3A_293 = arith.constant 625 : i32
    %mul3A_294 = arith.muli %arg1, %mul3A_293 : i32
    %mul3A_295 = arith.constant 625 : i32
    %mul3A_296 = arith.muli %arg1, %mul3A_295 : i32
    "tpu.region"() ({
      %run_scoped3A = tpu.sem_alloc : memref<!tpu.dma_semaphore, #tpu.memory_space<semaphore_mem>>
      %dma_start3A = arith.constant 0 : i32
      %dma_start3A_297 = tpu.memref_slice %arg4[%arg0, %mul3A_296, %dma_start3A] : memref<2x10000x128xf32, #tpu.memory_space<hbm>> -> memref<1x625x128xf32, #tpu.memory_space<hbm>>
      %dma_start3A_298 = tpu.memref_squeeze %dma_start3A_297 : memref<1x625x128xf32, #tpu.memory_space<hbm>> -> memref<625x128xf32, #tpu.memory_space<hbm>>
      %dma_start3A_299 = arith.constant 0 : i32
      %dma_start3A_300 = tpu.memref_slice %arg12[%mul3A_294, %dma_start3A_299] : memref<10000x128xf32, #tpu.memory_space<vmem_shared>> -> memref<625x128xf32, #tpu.memory_space<vmem_shared>>
      tpu.enqueue_dma source(%dma_start3A_300 : memref<625x128xf32, #tpu.memory_space<vmem_shared>>) target(%dma_start3A_298 : memref<625x128xf32, #tpu.memory_space<hbm>>) target_semaphore(%run_scoped3A : memref<!tpu.dma_semaphore, #tpu.memory_space<semaphore_mem>>)
      %dma_wait3A = arith.constant 0 : i32
      %dma_wait3A_301 = tpu.memref_slice %arg4[%arg0, %mul3A_296, %dma_wait3A] : memref<2x10000x128xf32, #tpu.memory_space<hbm>> -> memref<1x625x128xf32, #tpu.memory_space<hbm>>
      %dma_wait3A_302 = tpu.memref_squeeze %dma_wait3A_301 : memref<1x625x128xf32, #tpu.memory_space<hbm>> -> memref<625x128xf32, #tpu.memory_space<hbm>>
      %dma_wait3A_303 = arith.constant 0 : i32
      %dma_wait3A_304 = tpu.memref_slice %arg12[%mul3A_294, %dma_wait3A_303] : memref<10000x128xf32, #tpu.memory_space<vmem_shared>> -> memref<625x128xf32, #tpu.memory_space<vmem_shared>>
      tpu.wait_dma2 semaphore(%run_scoped3A : memref<!tpu.dma_semaphore, #tpu.memory_space<semaphore_mem>>) src(%dma_wait3A_304 : memref<625x128xf32, #tpu.memory_space<vmem_shared>>) dst(%dma_wait3A_302 : memref<625x128xf32, #tpu.memory_space<hbm>>)
      tpu.yield
    }) : () -> ()
    return
  }
}

module attributes {stable_mosaic.version = 14 : i64} {
  func.func @_tc0_body(%arg0: i32, %arg1: memref<2000x32xf32, #tpu.memory_space<vmem>>, %arg2: memref<2000x128xf32, #tpu.memory_space<vmem>>, %arg3: memref<128x128xf32, #tpu.memory_space<vmem>>, %arg4: memref<2000x128xf32, #tpu.memory_space<vmem>>) attributes {dimension_semantics = [#tpu.dimension_semantics<arbitrary>], iteration_bounds = array<i64: 5>, scalar_prefetch = 0 : i64, scratch_operands = 0 : i64, tpu.core_type = #tpu.core_type<tc>, window_params = [{transform_indices = @transform_0, window_bounds = array<i64: 2000, 32>}, {transform_indices = @transform_1, window_bounds = array<i64: 2000, 128>}, {pipeline_mode = #tpu.pipeline_mode<synchronous>, transform_indices = @transform_2, window_bounds = array<i64: 128, 128>}, {transform_indices = @transform_3, window_bounds = array<i64: 2000, 128>}]} {
    %get3A = arith.constant 0 : index
    %get3A_0 = arith.constant 0 : index
    %get3A_1 = vector.load %arg1[%get3A, %get3A_0] : memref<2000x32xf32, #tpu.memory_space<vmem>>, vector<2000x32xf32>
    %reduce_sum3A = arith.constant dense<0.000000e+00> : vector<2000xf32>
    %reduce_sum3A_2 = vector.multi_reduction <add>, %get3A_1, %reduce_sum3A [1] : vector<2000x32xf32> to vector<2000xf32>
    %add3A = arith.constant 2.000000e+00 : f32
    %add3A_3 = vector.broadcast %add3A : f32 to vector<2000xf32>
    %add3A_4 = arith.addf %reduce_sum3A_2, %add3A_3 : vector<2000xf32>
    %rsqrt3A = math.rsqrt %add3A_4 : vector<2000xf32>
    %broadcast_in_dim3A = vector.shape_cast %rsqrt3A : vector<2000xf32> to vector<2000x1xf32>
    %get3A_5 = arith.constant 0 : index
    %get3A_6 = arith.constant 0 : index
    %get3A_7 = vector.load %arg2[%get3A_5, %get3A_6] : memref<2000x128xf32, #tpu.memory_space<vmem>>, vector<2000x128xf32>
    %get3A_8 = arith.constant 0 : index
    %get3A_9 = arith.constant 0 : index
    %get3A_10 = vector.load %arg3[%get3A_8, %get3A_9] : memref<128x128xf32, #tpu.memory_space<vmem>>, vector<128x128xf32>
    %dot_general3A = arith.constant dense<0.000000e+00> : vector<2000x128xf32>
    %dot_general3A_11 = tpu.matmul %get3A_7, %get3A_10, %dot_general3A {dimension_numbers = #tpu.dot_dimension_numbers<[1], [0], [0], [1], [0, 0, 1, 1], [], []>, transpose_lhs_hint = false} : vector<2000x128xf32>, vector<128x128xf32>, vector<2000x128xf32> -> vector<2000x128xf32>
    %mul3A = vector.broadcast %broadcast_in_dim3A : vector<2000x1xf32> to vector<2000x128xf32>
    %mul3A_12 = arith.mulf %dot_general3A_11, %mul3A : vector<2000x128xf32>
    %swap3A = arith.constant 0 : index
    %swap3A_13 = arith.constant 0 : index
    %swap3A_14 = vector.load %arg4[%swap3A, %swap3A_13] : memref<2000x128xf32, #tpu.memory_space<vmem>>, vector<2000x128xf32>
    tpu.vector_store %arg4[%swap3A, %swap3A_13], %mul3A_12 {strides = array<i32>} : memref<2000x128xf32, #tpu.memory_space<vmem>>, vector<2000x128xf32>,
    return
  }
  func.func @transform_0(%arg0: i32) -> (i32, i32) {
    %c0_i32 = arith.constant 0 : i32
    %c0_i32_0 = arith.constant 0 : i32
    return %arg0, %c0_i32 : i32, i32
  }
  func.func @transform_1(%arg0: i32) -> (i32, i32) {
    %c0_i32 = arith.constant 0 : i32
    %c0_i32_0 = arith.constant 0 : i32
    return %arg0, %c0_i32 : i32, i32
  }
  func.func @transform_2(%arg0: i32) -> (i32, i32) {
    %c0_i32 = arith.constant 0 : i32
    %c0_i32_0 = arith.constant 0 : i32
    %c0_i32_1 = arith.constant 0 : i32
    return %c0_i32, %c0_i32_0 : i32, i32
  }
  func.func @transform_3(%arg0: i32) -> (i32, i32) {
    %c0_i32 = arith.constant 0 : i32
    %c0_i32_0 = arith.constant 0 : i32
    return %arg0, %c0_i32 : i32, i32
  }
}

module attributes {stable_mosaic.version = 14 : i64} {
  func.func @_tc1_body(%arg0: i32, %arg1: memref<2x2000x128xf32, #tpu.memory_space<vmem>>, %arg2: memref<2000x128xf32, #tpu.memory_space<vmem>>, %arg3: memref<2000x32xf32, #tpu.memory_space<vmem>>, %arg4: memref<1x128xf32, #tpu.memory_space<vmem>>, %arg5: memref<128x128xf32, #tpu.memory_space<vmem>>, %arg6: memref<2000x128xf32, #tpu.memory_space<vmem>>, %arg7: memref<2000x128xf32, #tpu.memory_space<vmem>>) attributes {dimension_semantics = [#tpu.dimension_semantics<arbitrary>], iteration_bounds = array<i64: 5>, scalar_prefetch = 0 : i64, scratch_operands = 0 : i64, tpu.core_type = #tpu.core_type<tc>, window_params = [{transform_indices = @transform_0, window_bounds = array<i64: 2, 2000, 128>}, {transform_indices = @transform_1, window_bounds = array<i64: 2000, 128>}, {transform_indices = @transform_2, window_bounds = array<i64: 2000, 32>}, {pipeline_mode = #tpu.pipeline_mode<synchronous>, transform_indices = @transform_3, window_bounds = array<i64: 1, 128>}, {pipeline_mode = #tpu.pipeline_mode<synchronous>, transform_indices = @transform_4, window_bounds = array<i64: 128, 128>}, {transform_indices = @transform_5, window_bounds = array<i64: 2000, 128>}, {transform_indices = @transform_6, window_bounds = array<i64: 2000, 128>}]} {
    %get3A = arith.constant 0 : index
    %get3A_0 = arith.constant 0 : index
    %get3A_1 = vector.load %arg3[%get3A, %get3A_0] : memref<2000x32xf32, #tpu.memory_space<vmem>>, vector<2000x32xf32>
    %reduce_sum3A = arith.constant dense<0.000000e+00> : vector<2000xf32>
    %reduce_sum3A_2 = vector.multi_reduction <add>, %get3A_1, %reduce_sum3A [1] : vector<2000x32xf32> to vector<2000xf32>
    %add3A = arith.constant 2.000000e+00 : f32
    %add3A_3 = vector.broadcast %add3A : f32 to vector<2000xf32>
    %add3A_4 = arith.addf %reduce_sum3A_2, %add3A_3 : vector<2000xf32>
    %rsqrt3A = math.rsqrt %add3A_4 : vector<2000xf32>
    %broadcast_in_dim3A = vector.shape_cast %rsqrt3A : vector<2000xf32> to vector<2000x1xf32>
    %get3A_5 = arith.constant 0 : index
    %get3A_6 = arith.constant 0 : index
    %get3A_7 = arith.constant 0 : index
    %get3A_8 = vector.load %arg1[%get3A_5, %get3A_6, %get3A_7] : memref<2x2000x128xf32, #tpu.memory_space<vmem>>, vector<1x2000x128xf32>
    %get3A_9 = vector.shape_cast %get3A_8 : vector<1x2000x128xf32> to vector<2000x128xf32>
    %get3A_10 = arith.constant 1 : index
    %get3A_11 = arith.constant 0 : index
    %get3A_12 = arith.constant 0 : index
    %get3A_13 = vector.load %arg1[%get3A_10, %get3A_11, %get3A_12] : memref<2x2000x128xf32, #tpu.memory_space<vmem>>, vector<1x2000x128xf32>
    %get3A_14 = vector.shape_cast %get3A_13 : vector<1x2000x128xf32> to vector<2000x128xf32>
    %add3A_15 = arith.addf %get3A_9, %get3A_14 : vector<2000x128xf32>
    %get3A_16 = arith.constant 0 : index
    %get3A_17 = arith.constant 0 : index
    %get3A_18 = vector.load %arg2[%get3A_16, %get3A_17] : memref<2000x128xf32, #tpu.memory_space<vmem>>, vector<2000x128xf32>
    %mul3A = arith.constant 2.000000e+00 : f32
    %mul3A_19 = vector.broadcast %mul3A : f32 to vector<2000x128xf32>
    %mul3A_20 = arith.mulf %mul3A_19, %get3A_18 : vector<2000x128xf32>
    %add3A_21 = arith.addf %add3A_15, %mul3A_20 : vector<2000x128xf32>
    %mul3A_22 = vector.broadcast %broadcast_in_dim3A : vector<2000x1xf32> to vector<2000x128xf32>
    %mul3A_23 = arith.mulf %add3A_21, %mul3A_22 : vector<2000x128xf32>
    %get3A_24 = arith.constant 0 : index
    %get3A_25 = arith.constant 0 : index
    %get3A_26 = vector.load %arg4[%get3A_24, %get3A_25] : memref<1x128xf32, #tpu.memory_space<vmem>>, vector<1x128xf32>
    %add3A_27 = vector.broadcast %get3A_26 : vector<1x128xf32> to vector<2000x128xf32>
    %add3A_28 = arith.addf %mul3A_23, %add3A_27 : vector<2000x128xf32>
    %mul3A_29 = arith.constant 5.000000e-01 : f32
    %mul3A_30 = vector.broadcast %mul3A_29 : f32 to vector<2000x128xf32>
    %mul3A_31 = arith.mulf %mul3A_30, %add3A_28 : vector<2000x128xf32>
    %mul3A_32 = arith.constant 0.707106769 : f32
    %mul3A_33 = vector.broadcast %mul3A_32 : f32 to vector<2000x128xf32>
    %mul3A_34 = arith.mulf %add3A_28, %mul3A_33 : vector<2000x128xf32>
    %erf3A = math.erf %mul3A_34 : vector<2000x128xf32>
    %add3A_35 = arith.constant 1.000000e+00 : f32
    %add3A_36 = vector.broadcast %add3A_35 : f32 to vector<2000x128xf32>
    %add3A_37 = arith.addf %add3A_36, %erf3A : vector<2000x128xf32>
    %mul3A_38 = arith.mulf %mul3A_31, %add3A_37 : vector<2000x128xf32>
    %swap3A = arith.constant 0 : index
    %swap3A_39 = arith.constant 0 : index
    %swap3A_40 = vector.load %arg6[%swap3A, %swap3A_39] : memref<2000x128xf32, #tpu.memory_space<vmem>>, vector<2000x128xf32>
    tpu.vector_store %arg6[%swap3A, %swap3A_39], %mul3A_38 {strides = array<i32>} : memref<2000x128xf32, #tpu.memory_space<vmem>>, vector<2000x128xf32>,
    %get3A_41 = arith.constant 0 : index
    %get3A_42 = arith.constant 0 : index
    %get3A_43 = vector.load %arg5[%get3A_41, %get3A_42] : memref<128x128xf32, #tpu.memory_space<vmem>>, vector<128x128xf32>
    %dot_general3A = arith.constant dense<0.000000e+00> : vector<2000x128xf32>
    %dot_general3A_44 = tpu.matmul %mul3A_38, %get3A_43, %dot_general3A {dimension_numbers = #tpu.dot_dimension_numbers<[1], [0], [0], [1], [0, 0, 1, 1], [], []>, transpose_lhs_hint = false} : vector<2000x128xf32>, vector<128x128xf32>, vector<2000x128xf32> -> vector<2000x128xf32>
    %mul3A_45 = vector.broadcast %broadcast_in_dim3A : vector<2000x1xf32> to vector<2000x128xf32>
    %mul3A_46 = arith.mulf %dot_general3A_44, %mul3A_45 : vector<2000x128xf32>
    %swap3A_47 = arith.constant 0 : index
    %swap3A_48 = arith.constant 0 : index
    %swap3A_49 = vector.load %arg7[%swap3A_47, %swap3A_48] : memref<2000x128xf32, #tpu.memory_space<vmem>>, vector<2000x128xf32>
    tpu.vector_store %arg7[%swap3A_47, %swap3A_48], %mul3A_46 {strides = array<i32>} : memref<2000x128xf32, #tpu.memory_space<vmem>>, vector<2000x128xf32>,
    return
  }
  func.func @transform_0(%arg0: i32) -> (i32, i32, i32) {
    %c0_i32 = arith.constant 0 : i32
    %c0_i32_0 = arith.constant 0 : i32
    %c0_i32_1 = arith.constant 0 : i32
    return %c0_i32, %arg0, %c0_i32_0 : i32, i32, i32
  }
  func.func @transform_1(%arg0: i32) -> (i32, i32) {
    %c0_i32 = arith.constant 0 : i32
    %c0_i32_0 = arith.constant 0 : i32
    return %arg0, %c0_i32 : i32, i32
  }
  func.func @transform_2(%arg0: i32) -> (i32, i32) {
    %c0_i32 = arith.constant 0 : i32
    %c0_i32_0 = arith.constant 0 : i32
    return %arg0, %c0_i32 : i32, i32
  }
  func.func @transform_3(%arg0: i32) -> (i32, i32) {
    %c0_i32 = arith.constant 0 : i32
    %c0_i32_0 = arith.constant 0 : i32
    %c0_i32_1 = arith.constant 0 : i32
    return %c0_i32, %c0_i32_0 : i32, i32
  }
  func.func @transform_4(%arg0: i32) -> (i32, i32) {
    %c0_i32 = arith.constant 0 : i32
    %c0_i32_0 = arith.constant 0 : i32
    %c0_i32_1 = arith.constant 0 : i32
    return %c0_i32, %c0_i32_0 : i32, i32
  }
  func.func @transform_5(%arg0: i32) -> (i32, i32) {
    %c0_i32 = arith.constant 0 : i32
    %c0_i32_0 = arith.constant 0 : i32
    return %arg0, %c0_i32 : i32, i32
  }
  func.func @transform_6(%arg0: i32) -> (i32, i32) {
    %c0_i32 = arith.constant 0 : i32
    %c0_i32_0 = arith.constant 0 : i32
    return %arg0, %c0_i32 : i32, i32
  }
}

module attributes {stable_mosaic.version = 14 : i64} {
  func.func @_tc2_body(%arg0: i32, %arg1: memref<2x2000x128xf32, #tpu.memory_space<vmem>>, %arg2: memref<2000x128xf32, #tpu.memory_space<vmem>>, %arg3: memref<2000x128xf32, #tpu.memory_space<vmem>>, %arg4: memref<2000x32xf32, #tpu.memory_space<vmem>>, %arg5: memref<1x128xf32, #tpu.memory_space<vmem>>, %arg6: memref<128x64xf32, #tpu.memory_space<vmem>>, %arg7: memref<2000x64xf32, #tpu.memory_space<vmem>>) attributes {dimension_semantics = [#tpu.dimension_semantics<arbitrary>], iteration_bounds = array<i64: 5>, scalar_prefetch = 0 : i64, scratch_operands = 0 : i64, tpu.core_type = #tpu.core_type<tc>, window_params = [{transform_indices = @transform_0, window_bounds = array<i64: 2, 2000, 128>}, {transform_indices = @transform_1, window_bounds = array<i64: 2000, 128>}, {transform_indices = @transform_2, window_bounds = array<i64: 2000, 128>}, {transform_indices = @transform_3, window_bounds = array<i64: 2000, 32>}, {pipeline_mode = #tpu.pipeline_mode<synchronous>, transform_indices = @transform_4, window_bounds = array<i64: 1, 128>}, {pipeline_mode = #tpu.pipeline_mode<synchronous>, transform_indices = @transform_5, window_bounds = array<i64: 128, 64>}, {transform_indices = @transform_6, window_bounds = array<i64: 2000, 64>}]} {
    %get3A = arith.constant 0 : index
    %get3A_0 = arith.constant 0 : index
    %get3A_1 = vector.load %arg4[%get3A, %get3A_0] : memref<2000x32xf32, #tpu.memory_space<vmem>>, vector<2000x32xf32>
    %reduce_sum3A = arith.constant dense<0.000000e+00> : vector<2000xf32>
    %reduce_sum3A_2 = vector.multi_reduction <add>, %get3A_1, %reduce_sum3A [1] : vector<2000x32xf32> to vector<2000xf32>
    %add3A = arith.constant 2.000000e+00 : f32
    %add3A_3 = vector.broadcast %add3A : f32 to vector<2000xf32>
    %add3A_4 = arith.addf %reduce_sum3A_2, %add3A_3 : vector<2000xf32>
    %rsqrt3A = math.rsqrt %add3A_4 : vector<2000xf32>
    %broadcast_in_dim3A = vector.shape_cast %rsqrt3A : vector<2000xf32> to vector<2000x1xf32>
    %get3A_5 = arith.constant 0 : index
    %get3A_6 = arith.constant 0 : index
    %get3A_7 = vector.load %arg3[%get3A_5, %get3A_6] : memref<2000x128xf32, #tpu.memory_space<vmem>>, vector<2000x128xf32>
    %get3A_8 = arith.constant 0 : index
    %get3A_9 = arith.constant 0 : index
    %get3A_10 = arith.constant 0 : index
    %get3A_11 = vector.load %arg1[%get3A_8, %get3A_9, %get3A_10] : memref<2x2000x128xf32, #tpu.memory_space<vmem>>, vector<1x2000x128xf32>
    %get3A_12 = vector.shape_cast %get3A_11 : vector<1x2000x128xf32> to vector<2000x128xf32>
    %get3A_13 = arith.constant 1 : index
    %get3A_14 = arith.constant 0 : index
    %get3A_15 = arith.constant 0 : index
    %get3A_16 = vector.load %arg1[%get3A_13, %get3A_14, %get3A_15] : memref<2x2000x128xf32, #tpu.memory_space<vmem>>, vector<1x2000x128xf32>
    %get3A_17 = vector.shape_cast %get3A_16 : vector<1x2000x128xf32> to vector<2000x128xf32>
    %add3A_18 = arith.addf %get3A_12, %get3A_17 : vector<2000x128xf32>
    %get3A_19 = arith.constant 0 : index
    %get3A_20 = arith.constant 0 : index
    %get3A_21 = vector.load %arg2[%get3A_19, %get3A_20] : memref<2000x128xf32, #tpu.memory_space<vmem>>, vector<2000x128xf32>
    %mul3A = arith.constant 2.000000e+00 : f32
    %mul3A_22 = vector.broadcast %mul3A : f32 to vector<2000x128xf32>
    %mul3A_23 = arith.mulf %mul3A_22, %get3A_21 : vector<2000x128xf32>
    %add3A_24 = arith.addf %add3A_18, %mul3A_23 : vector<2000x128xf32>
    %mul3A_25 = vector.broadcast %broadcast_in_dim3A : vector<2000x1xf32> to vector<2000x128xf32>
    %mul3A_26 = arith.mulf %add3A_24, %mul3A_25 : vector<2000x128xf32>
    %add3A_27 = arith.addf %get3A_7, %mul3A_26 : vector<2000x128xf32>
    %get3A_28 = arith.constant 0 : index
    %get3A_29 = arith.constant 0 : index
    %get3A_30 = vector.load %arg5[%get3A_28, %get3A_29] : memref<1x128xf32, #tpu.memory_space<vmem>>, vector<1x128xf32>
    %add3A_31 = vector.broadcast %get3A_30 : vector<1x128xf32> to vector<2000x128xf32>
    %add3A_32 = arith.addf %add3A_27, %add3A_31 : vector<2000x128xf32>
    %mul3A_33 = arith.constant 5.000000e-01 : f32
    %mul3A_34 = vector.broadcast %mul3A_33 : f32 to vector<2000x128xf32>
    %mul3A_35 = arith.mulf %mul3A_34, %add3A_32 : vector<2000x128xf32>
    %mul3A_36 = arith.constant 0.707106769 : f32
    %mul3A_37 = vector.broadcast %mul3A_36 : f32 to vector<2000x128xf32>
    %mul3A_38 = arith.mulf %add3A_32, %mul3A_37 : vector<2000x128xf32>
    %erf3A = math.erf %mul3A_38 : vector<2000x128xf32>
    %add3A_39 = arith.constant 1.000000e+00 : f32
    %add3A_40 = vector.broadcast %add3A_39 : f32 to vector<2000x128xf32>
    %add3A_41 = arith.addf %add3A_40, %erf3A : vector<2000x128xf32>
    %mul3A_42 = arith.mulf %mul3A_35, %add3A_41 : vector<2000x128xf32>
    %get3A_43 = arith.constant 0 : index
    %get3A_44 = arith.constant 0 : index
    %get3A_45 = vector.load %arg6[%get3A_43, %get3A_44] : memref<128x64xf32, #tpu.memory_space<vmem>>, vector<128x64xf32>
    %dot_general3A = arith.constant dense<0.000000e+00> : vector<2000x64xf32>
    %dot_general3A_46 = tpu.matmul %mul3A_42, %get3A_45, %dot_general3A {dimension_numbers = #tpu.dot_dimension_numbers<[1], [0], [0], [1], [0, 0, 1, 1], [], []>, transpose_lhs_hint = false} : vector<2000x128xf32>, vector<128x64xf32>, vector<2000x64xf32> -> vector<2000x64xf32>
    %mul3A_47 = vector.broadcast %broadcast_in_dim3A : vector<2000x1xf32> to vector<2000x64xf32>
    %mul3A_48 = arith.mulf %dot_general3A_46, %mul3A_47 : vector<2000x64xf32>
    %swap3A = arith.constant 0 : index
    %swap3A_49 = arith.constant 0 : index
    %swap3A_50 = vector.load %arg7[%swap3A, %swap3A_49] : memref<2000x64xf32, #tpu.memory_space<vmem>>, vector<2000x64xf32>
    tpu.vector_store %arg7[%swap3A, %swap3A_49], %mul3A_48 {strides = array<i32>} : memref<2000x64xf32, #tpu.memory_space<vmem>>, vector<2000x64xf32>,
    return
  }
  func.func @transform_0(%arg0: i32) -> (i32, i32, i32) {
    %c0_i32 = arith.constant 0 : i32
    %c0_i32_0 = arith.constant 0 : i32
    %c0_i32_1 = arith.constant 0 : i32
    return %c0_i32, %arg0, %c0_i32_0 : i32, i32, i32
  }
  func.func @transform_1(%arg0: i32) -> (i32, i32) {
    %c0_i32 = arith.constant 0 : i32
    %c0_i32_0 = arith.constant 0 : i32
    return %arg0, %c0_i32 : i32, i32
  }
  func.func @transform_2(%arg0: i32) -> (i32, i32) {
    %c0_i32 = arith.constant 0 : i32
    %c0_i32_0 = arith.constant 0 : i32
    return %arg0, %c0_i32 : i32, i32
  }
  func.func @transform_3(%arg0: i32) -> (i32, i32) {
    %c0_i32 = arith.constant 0 : i32
    %c0_i32_0 = arith.constant 0 : i32
    return %arg0, %c0_i32 : i32, i32
  }
  func.func @transform_4(%arg0: i32) -> (i32, i32) {
    %c0_i32 = arith.constant 0 : i32
    %c0_i32_0 = arith.constant 0 : i32
    %c0_i32_1 = arith.constant 0 : i32
    return %c0_i32, %c0_i32_0 : i32, i32
  }
  func.func @transform_5(%arg0: i32) -> (i32, i32) {
    %c0_i32 = arith.constant 0 : i32
    %c0_i32_0 = arith.constant 0 : i32
    %c0_i32_1 = arith.constant 0 : i32
    return %c0_i32, %c0_i32_0 : i32, i32
  }
  func.func @transform_6(%arg0: i32) -> (i32, i32) {
    %c0_i32 = arith.constant 0 : i32
    %c0_i32_0 = arith.constant 0 : i32
    return %arg0, %c0_i32 : i32, i32
  }
}

module attributes {stable_mosaic.version = 14 : i64} {
  func.func @_tc3_body(%arg0: i32, %arg1: memref<2x2000x64xf32, #tpu.memory_space<vmem>>, %arg2: memref<2000x64xf32, #tpu.memory_space<vmem>>, %arg3: memref<2000x32xf32, #tpu.memory_space<vmem>>, %arg4: memref<1x64xf32, #tpu.memory_space<vmem>>, %arg5: memref<2000x64xf32, #tpu.memory_space<vmem>>) attributes {dimension_semantics = [#tpu.dimension_semantics<arbitrary>], iteration_bounds = array<i64: 5>, scalar_prefetch = 0 : i64, scratch_operands = 0 : i64, tpu.core_type = #tpu.core_type<tc>, window_params = [{transform_indices = @transform_0, window_bounds = array<i64: 2, 2000, 64>}, {transform_indices = @transform_1, window_bounds = array<i64: 2000, 64>}, {transform_indices = @transform_2, window_bounds = array<i64: 2000, 32>}, {pipeline_mode = #tpu.pipeline_mode<synchronous>, transform_indices = @transform_3, window_bounds = array<i64: 1, 64>}, {transform_indices = @transform_4, window_bounds = array<i64: 2000, 64>}]} {
    %get3A = arith.constant 0 : index
    %get3A_0 = arith.constant 0 : index
    %get3A_1 = vector.load %arg3[%get3A, %get3A_0] : memref<2000x32xf32, #tpu.memory_space<vmem>>, vector<2000x32xf32>
    %reduce_sum3A = arith.constant dense<0.000000e+00> : vector<2000xf32>
    %reduce_sum3A_2 = vector.multi_reduction <add>, %get3A_1, %reduce_sum3A [1] : vector<2000x32xf32> to vector<2000xf32>
    %add3A = arith.constant 2.000000e+00 : f32
    %add3A_3 = vector.broadcast %add3A : f32 to vector<2000xf32>
    %add3A_4 = arith.addf %reduce_sum3A_2, %add3A_3 : vector<2000xf32>
    %rsqrt3A = math.rsqrt %add3A_4 : vector<2000xf32>
    %broadcast_in_dim3A = vector.shape_cast %rsqrt3A : vector<2000xf32> to vector<2000x1xf32>
    %get3A_5 = arith.constant 0 : index
    %get3A_6 = arith.constant 0 : index
    %get3A_7 = arith.constant 0 : index
    %get3A_8 = vector.load %arg1[%get3A_5, %get3A_6, %get3A_7] : memref<2x2000x64xf32, #tpu.memory_space<vmem>>, vector<1x2000x64xf32>
    %get3A_9 = vector.shape_cast %get3A_8 : vector<1x2000x64xf32> to vector<2000x64xf32>
    %get3A_10 = arith.constant 1 : index
    %get3A_11 = arith.constant 0 : index
    %get3A_12 = arith.constant 0 : index
    %get3A_13 = vector.load %arg1[%get3A_10, %get3A_11, %get3A_12] : memref<2x2000x64xf32, #tpu.memory_space<vmem>>, vector<1x2000x64xf32>
    %get3A_14 = vector.shape_cast %get3A_13 : vector<1x2000x64xf32> to vector<2000x64xf32>
    %add3A_15 = arith.addf %get3A_9, %get3A_14 : vector<2000x64xf32>
    %get3A_16 = arith.constant 0 : index
    %get3A_17 = arith.constant 0 : index
    %get3A_18 = vector.load %arg2[%get3A_16, %get3A_17] : memref<2000x64xf32, #tpu.memory_space<vmem>>, vector<2000x64xf32>
    %mul3A = arith.constant 2.000000e+00 : f32
    %mul3A_19 = vector.broadcast %mul3A : f32 to vector<2000x64xf32>
    %mul3A_20 = arith.mulf %mul3A_19, %get3A_18 : vector<2000x64xf32>
    %add3A_21 = arith.addf %add3A_15, %mul3A_20 : vector<2000x64xf32>
    %mul3A_22 = vector.broadcast %broadcast_in_dim3A : vector<2000x1xf32> to vector<2000x64xf32>
    %mul3A_23 = arith.mulf %add3A_21, %mul3A_22 : vector<2000x64xf32>
    %get3A_24 = arith.constant 0 : index
    %get3A_25 = arith.constant 0 : index
    %get3A_26 = vector.load %arg4[%get3A_24, %get3A_25] : memref<1x64xf32, #tpu.memory_space<vmem>>, vector<1x64xf32>
    %add3A_27 = vector.broadcast %get3A_26 : vector<1x64xf32> to vector<2000x64xf32>
    %add3A_28 = arith.addf %mul3A_23, %add3A_27 : vector<2000x64xf32>
    %swap3A = arith.constant 0 : index
    %swap3A_29 = arith.constant 0 : index
    %swap3A_30 = vector.load %arg5[%swap3A, %swap3A_29] : memref<2000x64xf32, #tpu.memory_space<vmem>>, vector<2000x64xf32>
    tpu.vector_store %arg5[%swap3A, %swap3A_29], %add3A_28 {strides = array<i32>} : memref<2000x64xf32, #tpu.memory_space<vmem>>, vector<2000x64xf32>,
    return
  }
  func.func @transform_0(%arg0: i32) -> (i32, i32, i32) {
    %c0_i32 = arith.constant 0 : i32
    %c0_i32_0 = arith.constant 0 : i32
    %c0_i32_1 = arith.constant 0 : i32
    return %c0_i32, %arg0, %c0_i32_0 : i32, i32, i32
  }
  func.func @transform_1(%arg0: i32) -> (i32, i32) {
    %c0_i32 = arith.constant 0 : i32
    %c0_i32_0 = arith.constant 0 : i32
    return %arg0, %c0_i32 : i32, i32
  }
  func.func @transform_2(%arg0: i32) -> (i32, i32) {
    %c0_i32 = arith.constant 0 : i32
    %c0_i32_0 = arith.constant 0 : i32
    return %arg0, %c0_i32 : i32, i32
  }
  func.func @transform_3(%arg0: i32) -> (i32, i32) {
    %c0_i32 = arith.constant 0 : i32
    %c0_i32_0 = arith.constant 0 : i32
    %c0_i32_1 = arith.constant 0 : i32
    return %c0_i32, %c0_i32_0 : i32, i32
  }
  func.func @transform_4(%arg0: i32) -> (i32, i32) {
    %c0_i32 = arith.constant 0 : i32
    %c0_i32_0 = arith.constant 0 : i32
    return %arg0, %c0_i32 : i32, i32
  }
}

</mosaic_0001>

<sc_bundles>
// kernel: kernel.10.cloned.1.call-start
scs
__scs_entry_jumppad:
0x0: {  	(pc) =	sbr.rel $0x88, $3  }
0x1: {  	(tag) =	ssettag $0x0;
	lr =	simm.s32 $0x1  }
0x2: {  	[smem:$0x3F99] =	sst lr;
	_ =	strace $0xD0000000  }
0x3: {  	_ = 	snop  }
0x4: {  	_ = 	snop  }
0x5: {  	_ = 	snop  }
0x6: {  	_ = 	snop  }
0x7: {  	_ = 	snop  }
__scs_overlays_trampoline_lowered:
0x8: {  	[smem:$0x3FA8] =	sst s0  }
0x9: {  	[smem:$0x3FA9] =	sst s1  }
0xa: {  	[smem:$0x3FAA] =	sst s2  }
0xb: {  	[smem:$0x3FAB] =	sst s3  }
0xc: {  	[smem:$0x3FAC] =	sst s4  }
0xd: {  	[smem:$0x3FAD] =	sst s5  }
0xe: {  	[smem:$0x3FAE] =	sst s6  }
0xf: {  	[smem:$0x3FAF] =	sst s7  }
0x10: {  	[smem:$0x3FB0] =	sst s8  }
0x11: {  	[smem:$0x3FB1] =	sst s9;
	s0 =	simm.s32 @!p0 $0x0  }
0x12: {  	s1 =	sld [smem:$0x3F97];
	s0 =	simm.s32 @p0 $0x1  }
0x13: {  	[smem:$0x3FB2] =	sst s0;
	s0 =	simm.s32 @!p1 $0x0  }
0x14: {  	s2 =	sld [smem:$0x3F96];
	s0 =	simm.s32 @p1 $0x1  }
0x15: {  	[smem:$0x3FB3] =	sst s0;
	s0 =	simm.s32 @!p2 $0x0  }
0x16: {  	s3 =	sld [smem:$0x3FDB];
	s0 =	simm.s32 @p2 $0x1  }
0x17: {  	s4 =	simm.s32 $0x1BF5;
	[smem:$0x3FB5] =	sst s0  }
0x18: {  	s0 =	sld [smem:$0x3F98];
	_ =	swait.ge [sflag:s4], $0x0  }
0x19: {  	s7 =	sld [smem:$0x3F99]  }
0x1a: {  	s8 =	sadd.s32 $0xFFFFE003, lr  }
0x1b: {  	s9 =	sadd.s32 $0xFFFFFEF7, lr;
	s5 =	simm.s32 $0xFFFFFFFF;
	p2 =	slt.u32 s8, $0xFFFFF086  }
0x1c: {  	p1 =	slt.u32 s9, $0xF7A;
	s5 =	simm.s32 @!p2 $0x0  }
0x1d: {  	s5 =	simm.s32 @p1 $0x1;
	p0 =	seq.s32 s7, s2  }
0x1e: {  	s7 =	smul.u32 @!p0 $0xF7A, s2;
	p2 =	seq.s32 @!p0 s5, $0x0  }
0x1f: {  	s9 =	smul.u32 $0xF7A, s1;
	s8 =	simm.s32 @!p0 $0x1BF5;
	p2 =	por !p2, p0  }
0x20: {  	[sflag:s8] =	ssyncset.s32 @!p0 $0xFFFFF086;
	s6 =	sadd.s32 @!p0 s3, s7;
	s7 =	simm.s32 @!p0 $0x108  }
0x21: {  	s3 =	sadd.s32 s3, s9;
	s6 =	sadd.s32 @!p0 $0x88, s6;
	s7 =	simm.s32 @p2 $0x1082  }
0x22: {  	[simem:s7], [sflag:s8] =	dma.local @!p0 [hbm:s6], $0xF7A  }
0x23: {  	s9 =	sor.u32 $0xD0000000, s2;
	s6 =	simm.s32 $0x108;
	_ =	swait.ge @!p0 [sflag:s8], $0x0  }
0x24: {  	s3 =	sadd.s32 $0x88, s3;
	s6 =	simm.s32 @!p1 $0x1082;
	[sflag:s4] =	ssyncset.s32 $0xFFFFF086  }
0x25: {  	[simem:s6], [sflag:s4] =	dma.local [hbm:s3], $0xF7A  }
0x26: {  	[smem:$0x3F99] =	sst s1;
	(tag) =	ssettag s2;
	_ =	strace s9  }
0x27: {  	s1 =	sld [smem:$0x3FA9]  }
0x28: {  	s2 =	sld [smem:$0x3FAA]  }
0x29: {  	s4 =	sld [smem:$0x3FAC]  }
0x2a: {  	p0 =	seq.s32 s5, $0x0;
	s5 =	sld [smem:$0x3FAD]  }
0x2b: {  	s6 =	sld [smem:$0x3FAE]  }
0x2c: {  	s7 =	sld [smem:$0x3FAF]  }
0x2d: {  	s3 =	simm.s32 $0x108;
	s8 =	sld [smem:$0x3FB0]  }
0x2e: {  	s3 =	simm.s32 @!p0 $0x1082;
	s9 =	sld [smem:$0x3FB1]  }
0x2f: {  	lr =	sadd.s32 s0, s3;
	s0 =	sld [smem:$0x3FA8]  }
0x30: {  	s3 =	sld [smem:$0x3FAB]  }
0x31: {  	[smem:$0x3FB4] =	sst s10  }
0x32: {  	s10 =	sld [smem:$0x3FB2];
	_ =	sdelay $0x3  }
0x33: {  	p0 =	seq.s32 s10, $0x1;
	s10 =	sld [smem:$0x3FB4];
	_ =	sdelay $0x3  }
0x34: {  	[smem:$0x3FB4] =	sst s10  }
0x35: {  	s10 =	sld [smem:$0x3FB3];
	_ =	sdelay $0x3  }
0x36: {  	p1 =	seq.s32 s10, $0x1;
	s10 =	sld [smem:$0x3FB4];
	_ =	sdelay $0x3  }
0x37: {  	[smem:$0x3FB4] =	sst s10  }
0x38: {  	s10 =	sld [smem:$0x3FB5]  }
0x39: {  	_ = 	snop;
	(pc) =	sbr.ind lr, $3  }
0x3a: {  	_ = 	snop  }
0x3b: {  	_ = 	snop  }
0x3c: {  	p2 =	seq.s32 s10, $0x1;
	s10 =	sld [smem:$0x3FB4]  }
0x3d: {  	_ =	shalt  }
0x3e: {  	_ =	shalt  }
0x3f: {  	_ =	shalt  }
0x40: {  	_ =	shalt  }
0x41: {  	_ =	shalt  }
0x42: {  	_ =	shalt  }
0x43: {  	_ =	shalt  }
0x44: {  	_ =	shalt  }
0x45: {  	_ =	shalt  }
0x46: {  	_ =	shalt  }
0x47: {  	_ =	shalt  }
0x48: {  	_ =	shalt  }
0x49: {  	_ =	shalt  }
0x4a: {  	_ =	shalt  }
0x4b: {  	_ =	shalt  }
0x4c: {  	_ =	shalt  }
0x4d: {  	_ =	shalt  }
0x4e: {  	_ =	shalt  }
0x4f: {  	_ =	shalt  }
0x50: {  	_ =	shalt  }
0x51: {  	_ =	shalt  }
0x52: {  	_ =	shalt  }
0x53: {  	_ =	shalt  }
0x54: {  	_ =	shalt  }
0x55: {  	_ =	shalt  }
0x56: {  	_ =	shalt  }
0x57: {  	_ =	shalt  }
0x58: {  	_ =	shalt  }
0x59: {  	_ =	shalt  }
0x5a: {  	_ =	shalt  }
0x5b: {  	_ =	shalt  }
0x5c: {  	_ =	shalt  }
0x5d: {  	_ =	shalt  }
0x5e: {  	_ =	shalt  }
0x5f: {  	_ =	shalt  }
0x60: {  	_ =	shalt  }
0x61: {  	_ =	shalt  }
0x62: {  	_ =	shalt  }
0x63: {  	_ =	shalt  }
0x64: {  	_ =	shalt  }
0x65: {  	_ =	shalt  }
0x66: {  	_ =	shalt  }
0x67: {  	_ =	shalt  }
0x68: {  	_ =	shalt  }
0x69: {  	_ =	shalt  }
0x6a: {  	_ =	shalt  }
0x6b: {  	_ =	shalt  }
0x6c: {  	_ =	shalt  }
0x6d: {  	_ =	shalt  }
0x6e: {  	_ =	shalt  }
0x6f: {  	_ =	shalt  }
0x70: {  	_ =	shalt  }
0x71: {  	_ =	shalt  }
0x72: {  	_ =	shalt  }
0x73: {  	_ =	shalt  }
0x74: {  	_ =	shalt  }
0x75: {  	_ =	shalt  }
0x76: {  	_ =	shalt  }
0x77: {  	_ =	shalt  }
0x78: {  	_ =	shalt  }
0x79: {  	_ =	shalt  }
0x7a: {  	_ =	shalt  }
0x7b: {  	_ =	shalt  }
0x7c: {  	_ =	shalt  }
0x7d: {  	_ =	shalt  }
0x7e: {  	_ =	shalt  }
0x7f: {  	_ =	shalt  }
0x80: {  	_ =	shalt  }
0x81: {  	_ =	shalt  }
0x82: {  	_ =	shalt  }
0x83: {  	_ =	shalt  }
0x84: {  	_ =	shalt  }
0x85: {  	_ =	shalt  }
0x86: {  	_ =	shalt  }
0x87: {  	_ =	shalt  }
.Lfunc_end0:
.L_simem_size_0:
called_computation_lowered:
.L_overlay_start_0:
0x88: {  	s2 =	sld [smem:$0x3FD9]  }
0x89: {  	s3 =	sld [smem:$0x3FFE];
	_ =	sdelay $0x1  }
0x8a: {  	s1 =	srdreg.scid  }
0x8b: {  	s0 =	sand.u32 $0x1, s1  }
0x8c: {  	s17 =	sshll.u32 s0, $0xA;
	s2 =	sadd.s32 s3, s2  }
0x8d: {  	s2 =	sadd.s32 s2, s17  }
0x8e: {  	[smem:$0x3FC0] =	sst s2  }
0x8f: {  	_ = 	snop  }
0x90: {  	s2 =	sld [smem:$0x3FD0];
	(tm) =	ssettm $0x1  }
0x91: {  	s18 =	sld [smem:$0x3FFB];
	_ =	sdelay $0x3  }
0x92: {  	_ =	strace s18  }
0x93: {  	s3 =	sld [smem:$0x3FFC];
	_ =	sdelay $0x3  }
0x94: {  	_ =	strace s3  }
0x95: {  	s3 =	sld [smem:$0x3FFD];
	_ =	sdelay $0x3  }
0x96: {  	_ =	strace s3  }
0x97: {  	_ =	strace $0x8FFFFFFF  }
0x98: {  	s19 =	sld [smem:$0x3FDB];
	_ =	sdelay $0x1  }
0x99: {  	s4 =	simm.s32 $_scs_section_size  }
0x9a: {  	s5 =	simm.s32 $_size__tile_overlayer_lowered;
	s6 =	simm.s32 $_tile_overlayer_lowered  }
0x9b: {  	s22 =	simm.s32 $0x1BFF;
	s21 =	sshll.u32 s6, $0x1;
	s3 =	sadd.s32 s4, s19  }
0x9c: {  	s7 =	simm.s32 $0x0;
	s20 =	sshll.u32 s5, $0x1;
	s5 =	sadd.s32 s21, s3  }
0x9d: {  	[timem:s7], [sflag:s22] =	dma.local [hbm:s5], s20  }
0x9e: {  	_ =	swait.ge [sflag:s22], s20  }
0x9f: {  	s4 =	ssub.s32 $0x0, s20;
	[sflag:s22] =	ssyncset.done $0x0  }
0xa0: {  	[sflag:s22] =	ssyncadd.s32 s4;
	_ =	sdelay $0x1  }
0xa1: {  	s23 =	simm.s32 $0x1B8B  }
0xa2: {  	_ =	swait.ge [sflag:s23], $0x1  }
0xa3: {  	[sflag:s23] =	ssyncset.done $0x0  }
0xa4: {  	s25 =	simm.s32 $0x1B8E;
	s24 =	sld [smem:$0x3FFE];
	[sflag:s23] =	ssyncadd.s32 $0xFFFFFFFF  }
0xa5: {  	s26 =	simm.s32 $execute0_lowered;
	[smem:$0x3FD2] =	sst s25  }
0xa6: {  	s5 =	sshll.u32 s26, $0x1;
	_ =	strace $0x80000046;
	[dreg:$0x1] =	wrdreg $0xFFFFFFFF  }
0xa7: {  	s28 =	simm.s32 $_size_execute0_lowered;
	s3 =	sadd.s32 s3, s5;
	[dreg:$0x0] =	wrdreg $0x0  }
0xa8: {  	s5 =	sshll.u32 s28, $0x1;
	[dreg:$0x2] =	wrdreg s3  }
0xa9: {  	[dreg:$0x3] =	wrdreg s5  }
0xaa: {  	[dreg:$0x4] =	wrdreg $0xC0  }
0xab: {  	_ =	task [dreg:s7], $0x5FFFF  }
0xac: {  	[dreg:$0x1] =	wrdreg $0xFFFFFFFF  }
0xad: {  	[dreg:$0x0] =	wrdreg $0x60  }
0xae: {  	[dreg:$0x2] =	wrdreg s2  }
0xaf: {  	[dreg:$0x3] =	wrdreg s24  }
0xb0: {  	[dreg:$0x4] =	wrdreg $0x9  }
0xb1: {  	_ =	task.clear_ibuf [dreg:s7], $0x5FFFF;
	_ =	strace $0x90000046  }
0xb2: {  	s29 =	simm.s32 $0x9;
	_ =	strace $0x80000048  }
0xb3: {  	_ =	swait.ge [sflag:s29], $0x1  }
0xb4: {  	[sflag:s29] =	ssyncadd.s32 $0xFFFFFFFF  }
0xb5: {  	_ =	strace $0x90000048  }
0xb6: {  	_ =	sfence  }
0xb7: {  	s30 =	sld [smem:$0x0];
	_ =	sdelay $0x2  }
0xb8: {  	s31 =	sshll.u32 s1, $0xD;
	s1 =	sshrl.u32 s1, $0x2  }
0xb9: {  	s3 =	sand.u32 $0x4000, s31;
	s1 =	sadd.s32 s1, s30  }
0xba: {  	s0 =	sor.u32 s3, s0;
	s1 =	sshll.u32 s1, $0x11  }
0xbb: {  	s0 =	sor.u32 s1, s0  }
0xbc: {  	s0 =	sadd.s32 $0x8F2B, s0  }
0xbd: {  	[sflag:s0] =	ssyncadd.remote.s32 $0x1  }
0xbe: {  	_ =	sfence.sel $0xFFFF  }
0xbf: {  	[dreg:$0x0] =	wrdreg $0xFFFFFFFF;
	(pc) =	sbr.abs _section_cstart, $3  }
0xc0: {  	[dreg:$0x1] =	wrdreg $0xFFFFFFFF  }
0xc1: {  	_ =	task.clear_ibuf [dreg:s7], $0x2FFFF;
	_ =	strace $0x9FFFFFFF  }
0xc2: {  	(tm) =	ssettm $0x7FFFFFFF  }
0xc3: {  	_ =	shalt  }
tec
execute0_lowered:
.L_overlay_start_1:
0x0: {  	(tag) =	ssettag $0x1  }
0x1: {  	s4 =	rddreg [dreg:$0x0];
	s1 =	srdreg.scid  }
0x2: {  	s0 =	stileid.u32;
	s5 =	rddreg [dreg:$0x1]  }
0x3: {  	s2 =	simm.s32 $0x0;
	s6 =	sand.u32 $0x1, s1;
	s1 =	rddreg [dreg:$0x2]  }
0x4: {  	s3 =	sshll.u32 s0, $0x1;
	[smem:$0x7FF] =	sst s2;
	s9 =	sshll.u32 s0, $0x5  }
0x5: {  	s3 =	sor.u32 s6, s3;
	_ =	strace $0x80000047;
	s8 =	ssub.s32 $0x2, s6  }
0x6: {  	s31 =	sadd.s32 s9, s4;
	s6 =	sshll.u32 s6, $0x4;
	s7 =	smul.u32 $0x4E2, s3  }
0x7: {  	s9 =	simm.s32 $0x0;
	s30 =	sshrl.u32 s8, $0x1;
	s6 =	sadd.s32 s6, s31  }
0x8: {  	s5 =	sadd.s32 s7, s5;
	s7 =	ssub.s32 s8, s30;
	s8 =	simm.s32 $0x1  }
0x9: {  	v0 =	vimm.f32 $0.0e+00;
	s4 =	sadd.s32 $0x2A00, s5;
	s5 =	smax.u32 s7, $0x1;
	s7 =	simm.s32 $0x80  }
.LBB2_1:
0xa: {  	s10 =	simm.s32 $0x0  }
.LBB2_2:
0xb: {  	p0 =	sne.s32 s10, $0x9C00  }
.Ltmp0:
0xc: {  	_ = 	snop;
	(pc) =	sbr.rel @p0 .LBB2_2-.Ltmp0, $3  }
0xd: {  	_ =	sdelay $0x1  }
0xe: {  	s11 =	sshra.s32 s10, $0x2  }
0xf: {  	s10 =	sadd.s32 $0x40, s10;
	[tilespmem:s11+$0x80] =	vst v0  }
0x10: {  	s10 =	simm.s32 $0x0;
	s11 =	smov.u32 s6  }
.LBB2_4:
0x11: {  	s12 =	sadd.s32 s10, s3  }
0x12: {  	p0 =	sgt.u32 s12, $0x9C3  }
0x13: {  	s12 =	simm.s32 @!p0 $0x0  }
0x14: {  	[tilespmem:s12], [sflag:$0x1] =	stream.linear.gather @!p0 [hbm4b:s11+s12], $0x80, $0x38;
	[tilespmem:$0x2790] =	vst v63  }
0x15: {  	s12 =	simm.s32 @!p0 $0x1  }
0x16: {  	_ =	swait.ge @!p0 [sflag:s12], $0x80  }
0x17: {  	[sflag:s12] =	ssyncset.done @!p0 $0x0  }
0x18: {  	[sflag:s12] =	ssyncadd.s32 @!p0 $0xFFFFFF80  }
0x19: {  	v1 =	vld @!p0 [tilespmem:$0x0];
	_ =	sdelay $0x6  }
0x1a: {  	v2 =	vimm.f32 @!p0 $1.000000000e+00;
	s12 =	simm.s32 @!p0 $0x80  }
0x1b: {  	[tilespmem:v1+s12+$0x0] =	vst.idx.add.f32.msk @!p0 $0xffff, v2  }
0x1c: {  	v1 =	vld @!p0 [tilespmem:$0x10];
	_ =	sdelay $0x7  }
0x1d: {  	[tilespmem:v1+s12+$0x0] =	vst.idx.add.f32.msk @!p0 $0xffff, v2  }
0x1e: {  	v1 =	vld @!p0 [tilespmem:$0x20];
	_ =	sdelay $0x7  }
0x1f: {  	[tilespmem:v1+s12+$0x0] =	vst.idx.add.f32.msk @!p0 $0xffff, v2  }
0x20: {  	v1 =	vld @!p0 [tilespmem:$0x30];
	_ =	sdelay $0x7  }
0x21: {  	[tilespmem:v1+s12+$0x0] =	vst.idx.add.f32.msk @!p0 $0xffff, v2  }
0x22: {  	v1 =	vld @!p0 [tilespmem:$0x40];
	_ =	sdelay $0x7  }
0x23: {  	[tilespmem:v1+s12+$0x0] =	vst.idx.add.f32.msk @!p0 $0xffff, v2  }
0x24: {  	v1 =	vld @!p0 [tilespmem:$0x50];
	_ =	sdelay $0x7  }
0x25: {  	[tilespmem:v1+s12+$0x0] =	vst.idx.add.f32.msk @!p0 $0xffff, v2  }
0x26: {  	v1 =	vld @!p0 [tilespmem:$0x60];
	_ =	sdelay $0x7  }
0x27: {  	[tilespmem:v1+s12+$0x0] =	vst.idx.add.f32.msk @!p0 $0xffff, v2  }
0x28: {  	v1 =	vld @!p0 [tilespmem:$0x70];
	_ =	sdelay $0x1  }
0x29: {  	s10 =	sadd.s32 $0x20, s10  }
0x2a: {  	p1 =	sne.s32 s10, $0x9E0  }
.Ltmp1:
0x2b: {  	_ = 	snop;
	(pc) =	sbr.rel @p1 .LBB2_4-.Ltmp1, $2  }
0x2c: {  	_ =	sdelay $0x2  }
0x2d: {  	s11 =	sadd.s32 $0x200, s11;
	[tilespmem:v1+s12+$0x0] =	vst.idx.add.f32.msk @!p0 $0xffff, v2  }
0x2e: {  	s9 =	sadd.s32 $0x1, s9  }
0x2f: {  	p0 =	sne.s32 s9, s5  }
.Ltmp2:
0x30: {  	_ = 	snop;
	(pc) =	sbr.rel @p0 .LBB2_1-.Ltmp2, $4  }
0x31: {  	[hbm4b:s4+s2] =	stream.linear.scatter [tilespmem:s7], [sflag:$0x1], $0x2710, $0x38;
	[tilespmem:$0x2790] =	vst v63  }
0x32: {  	_ =	swait.ge [sflag:s8], $0x2710  }
0x33: {  	[sflag:s8] =	ssyncset.done $0x0  }
0x34: {  	[sflag:s8] =	ssyncadd.s32 $0xFFFFD8F0  }
0x35: {  	_ =	sfence.sel $0x180000  }
0x36: {  	[bflag:$0x0] =	sbarrier.arrive $0xFFFF  }
0x37: {  	p0 =	sne.s32 s0, $0x0;
	_ =	strace $0x90000047  }
0x38: {  	s0 =	sadd.s32 @!p0 $0x100000, s1;
	[bflag:$0x2] =	sbarrier.arrive $0xFFFF  }
0x39: {  	[sflag:s0] =	ssyncadd.tile.s32 @!p0 $0x1;
	_ =	shalt  }
.Lfunc_end2:
_tile_overlayer_lowered:
.L_overlay_start_2:
0x3a: {  	(tag) =	ssettag $0x2  }
0x3b: {  	s0 =	rddreg [dreg:$0x0];
	s2 =	stileid.u32  }
0x3c: {  	s1 =	rddreg [dreg:$0x1];
	p0 =	sne.s32 s2, $0x0  }
0x3d: {  	s3 =	rddreg [dreg:$0x2];
	[bflag:$0x3] =	sbarrier.arrive $0xFFFF;
	s2 =	simm.s32 @!p0 $0x1C01  }
0x3e: {  	[timem:s3], [sflag:s2] =	dma.local @!p0 [hbm:s0], s1  }
0x3f: {  	s0 =	simm.s32 @!p0 $0x1  }
0x40: {  	_ =	swait.ge @!p0 [sflag:s0], s1  }
0x41: {  	s1 =	ssub.s32 @!p0 $0x0, s1;
	[sflag:s0] =	ssyncset.done @!p0 $0x0  }
0x42: {  	[sflag:s0] =	ssyncadd.s32 @!p0 s1  }
0x43: {  	[bflag:$0x3] =	sbarrier.arrive $0xFFFF  }
0x44: {  	_ =	shalt  }

// kernel: kernel.13.cloned.1.call-start
scs
__scs_entry_jumppad:
0x0: {  	(pc) =	sbr.rel $0x88, $3  }
0x1: {  	(tag) =	ssettag $0x0;
	lr =	simm.s32 $0x1  }
0x2: {  	[smem:$0x3F99] =	sst lr;
	_ =	strace $0xD0000000  }
0x3: {  	_ = 	snop  }
0x4: {  	_ = 	snop  }
0x5: {  	_ = 	snop  }
0x6: {  	_ = 	snop  }
0x7: {  	_ = 	snop  }
__scs_overlays_trampoline_lowered:
0x8: {  	[smem:$0x3FA8] =	sst s0  }
0x9: {  	[smem:$0x3FA9] =	sst s1  }
0xa: {  	[smem:$0x3FAA] =	sst s2  }
0xb: {  	[smem:$0x3FAB] =	sst s3  }
0xc: {  	[smem:$0x3FAC] =	sst s4  }
0xd: {  	[smem:$0x3FAD] =	sst s5  }
0xe: {  	[smem:$0x3FAE] =	sst s6  }
0xf: {  	[smem:$0x3FAF] =	sst s7  }
0x10: {  	[smem:$0x3FB0] =	sst s8  }
0x11: {  	[smem:$0x3FB1] =	sst s9;
	s0 =	simm.s32 @!p0 $0x0  }
0x12: {  	s1 =	sld [smem:$0x3F97];
	s0 =	simm.s32 @p0 $0x1  }
0x13: {  	[smem:$0x3FB2] =	sst s0;
	s0 =	simm.s32 @!p1 $0x0  }
0x14: {  	s2 =	sld [smem:$0x3F96];
	s0 =	simm.s32 @p1 $0x1  }
0x15: {  	[smem:$0x3FB3] =	sst s0;
	s0 =	simm.s32 @!p2 $0x0  }
0x16: {  	s3 =	sld [smem:$0x3FDB];
	s0 =	simm.s32 @p2 $0x1  }
0x17: {  	s4 =	simm.s32 $0x1BF5;
	[smem:$0x3FB5] =	sst s0  }
0x18: {  	s0 =	sld [smem:$0x3F98];
	_ =	swait.ge [sflag:s4], $0x0  }
0x19: {  	s7 =	sld [smem:$0x3F99]  }
0x1a: {  	s8 =	sadd.s32 $0xFFFFE003, lr  }
0x1b: {  	s9 =	sadd.s32 $0xFFFFFEF7, lr;
	s5 =	simm.s32 $0xFFFFFFFF;
	p2 =	slt.u32 s8, $0xFFFFF086  }
0x1c: {  	p1 =	slt.u32 s9, $0xF7A;
	s5 =	simm.s32 @!p2 $0x0  }
0x1d: {  	s5 =	simm.s32 @p1 $0x1;
	p0 =	seq.s32 s7, s2  }
0x1e: {  	s7 =	smul.u32 @!p0 $0xF7A, s2;
	p2 =	seq.s32 @!p0 s5, $0x0  }
0x1f: {  	s9 =	smul.u32 $0xF7A, s1;
	s8 =	simm.s32 @!p0 $0x1BF5;
	p2 =	por !p2, p0  }
0x20: {  	[sflag:s8] =	ssyncset.s32 @!p0 $0xFFFFF086;
	s6 =	sadd.s32 @!p0 s3, s7;
	s7 =	simm.s32 @!p0 $0x108  }
0x21: {  	s3 =	sadd.s32 s3, s9;
	s6 =	sadd.s32 @!p0 $0x88, s6;
	s7 =	simm.s32 @p2 $0x1082  }
0x22: {  	[simem:s7], [sflag:s8] =	dma.local @!p0 [hbm:s6], $0xF7A  }
0x23: {  	s9 =	sor.u32 $0xD0000000, s2;
	s6 =	simm.s32 $0x108;
	_ =	swait.ge @!p0 [sflag:s8], $0x0  }
0x24: {  	s3 =	sadd.s32 $0x88, s3;
	s6 =	simm.s32 @!p1 $0x1082;
	[sflag:s4] =	ssyncset.s32 $0xFFFFF086  }
0x25: {  	[simem:s6], [sflag:s4] =	dma.local [hbm:s3], $0xF7A  }
0x26: {  	[smem:$0x3F99] =	sst s1;
	(tag) =	ssettag s2;
	_ =	strace s9  }
0x27: {  	s1 =	sld [smem:$0x3FA9]  }
0x28: {  	s2 =	sld [smem:$0x3FAA]  }
0x29: {  	s4 =	sld [smem:$0x3FAC]  }
0x2a: {  	p0 =	seq.s32 s5, $0x0;
	s5 =	sld [smem:$0x3FAD]  }
0x2b: {  	s6 =	sld [smem:$0x3FAE]  }
0x2c: {  	s7 =	sld [smem:$0x3FAF]  }
0x2d: {  	s3 =	simm.s32 $0x108;
	s8 =	sld [smem:$0x3FB0]  }
0x2e: {  	s3 =	simm.s32 @!p0 $0x1082;
	s9 =	sld [smem:$0x3FB1]  }
0x2f: {  	lr =	sadd.s32 s0, s3;
	s0 =	sld [smem:$0x3FA8]  }
0x30: {  	s3 =	sld [smem:$0x3FAB]  }
0x31: {  	[smem:$0x3FB4] =	sst s10  }
0x32: {  	s10 =	sld [smem:$0x3FB2];
	_ =	sdelay $0x3  }
0x33: {  	p0 =	seq.s32 s10, $0x1;
	s10 =	sld [smem:$0x3FB4];
	_ =	sdelay $0x3  }
0x34: {  	[smem:$0x3FB4] =	sst s10  }
0x35: {  	s10 =	sld [smem:$0x3FB3];
	_ =	sdelay $0x3  }
0x36: {  	p1 =	seq.s32 s10, $0x1;
	s10 =	sld [smem:$0x3FB4];
	_ =	sdelay $0x3  }
0x37: {  	[smem:$0x3FB4] =	sst s10  }
0x38: {  	s10 =	sld [smem:$0x3FB5]  }
0x39: {  	_ = 	snop;
	(pc) =	sbr.ind lr, $3  }
0x3a: {  	_ = 	snop  }
0x3b: {  	_ = 	snop  }
0x3c: {  	p2 =	seq.s32 s10, $0x1;
	s10 =	sld [smem:$0x3FB4]  }
0x3d: {  	_ =	shalt  }
0x3e: {  	_ =	shalt  }
0x3f: {  	_ =	shalt  }
0x40: {  	_ =	shalt  }
0x41: {  	_ =	shalt  }
0x42: {  	_ =	shalt  }
0x43: {  	_ =	shalt  }
0x44: {  	_ =	shalt  }
0x45: {  	_ =	shalt  }
0x46: {  	_ =	shalt  }
0x47: {  	_ =	shalt  }
0x48: {  	_ =	shalt  }
0x49: {  	_ =	shalt  }
0x4a: {  	_ =	shalt  }
0x4b: {  	_ =	shalt  }
0x4c: {  	_ =	shalt  }
0x4d: {  	_ =	shalt  }
0x4e: {  	_ =	shalt  }
0x4f: {  	_ =	shalt  }
0x50: {  	_ =	shalt  }
0x51: {  	_ =	shalt  }
0x52: {  	_ =	shalt  }
0x53: {  	_ =	shalt  }
0x54: {  	_ =	shalt  }
0x55: {  	_ =	shalt  }
0x56: {  	_ =	shalt  }
0x57: {  	_ =	shalt  }
0x58: {  	_ =	shalt  }
0x59: {  	_ =	shalt  }
0x5a: {  	_ =	shalt  }
0x5b: {  	_ =	shalt  }
0x5c: {  	_ =	shalt  }
0x5d: {  	_ =	shalt  }
0x5e: {  	_ =	shalt  }
0x5f: {  	_ =	shalt  }
0x60: {  	_ =	shalt  }
0x61: {  	_ =	shalt  }
0x62: {  	_ =	shalt  }
0x63: {  	_ =	shalt  }
0x64: {  	_ =	shalt  }
0x65: {  	_ =	shalt  }
0x66: {  	_ =	shalt  }
0x67: {  	_ =	shalt  }
0x68: {  	_ =	shalt  }
0x69: {  	_ =	shalt  }
0x6a: {  	_ =	shalt  }
0x6b: {  	_ =	shalt  }
0x6c: {  	_ =	shalt  }
0x6d: {  	_ =	shalt  }
0x6e: {  	_ =	shalt  }
0x6f: {  	_ =	shalt  }
0x70: {  	_ =	shalt  }
0x71: {  	_ =	shalt  }
0x72: {  	_ =	shalt  }
0x73: {  	_ =	shalt  }
0x74: {  	_ =	shalt  }
0x75: {  	_ =	shalt  }
0x76: {  	_ =	shalt  }
0x77: {  	_ =	shalt  }
0x78: {  	_ =	shalt  }
0x79: {  	_ =	shalt  }
0x7a: {  	_ =	shalt  }
0x7b: {  	_ =	shalt  }
0x7c: {  	_ =	shalt  }
0x7d: {  	_ =	shalt  }
0x7e: {  	_ =	shalt  }
0x7f: {  	_ =	shalt  }
0x80: {  	_ =	shalt  }
0x81: {  	_ =	shalt  }
0x82: {  	_ =	shalt  }
0x83: {  	_ =	shalt  }
0x84: {  	_ =	shalt  }
0x85: {  	_ =	shalt  }
0x86: {  	_ =	shalt  }
0x87: {  	_ =	shalt  }
.Lfunc_end0:
.L_simem_size_0:
called_computation.1_lowered:
.L_overlay_start_0:
0x88: {  	s2 =	sld [smem:$0x3FD9]  }
0x89: {  	s3 =	sld [smem:$0x3FFE];
	_ =	sdelay $0x1  }
0x8a: {  	s1 =	srdreg.scid  }
0x8b: {  	s0 =	sand.u32 $0x1, s1  }
0x8c: {  	s17 =	sshll.u32 s0, $0xA;
	s2 =	sadd.s32 s3, s2  }
0x8d: {  	s2 =	sadd.s32 s2, s17  }
0x8e: {  	[smem:$0x3FC0] =	sst s2  }
0x8f: {  	_ = 	snop  }
0x90: {  	s2 =	sld [smem:$0x3FC8];
	(tm) =	ssettm $0x1  }
0x91: {  	s18 =	sld [smem:$0x3FFB];
	_ =	sdelay $0x3  }
0x92: {  	_ =	strace s18  }
0x93: {  	s3 =	sld [smem:$0x3FFC];
	_ =	sdelay $0x3  }
0x94: {  	_ =	strace s3  }
0x95: {  	s3 =	sld [smem:$0x3FFD];
	_ =	sdelay $0x3  }
0x96: {  	_ =	strace s3  }
0x97: {  	_ =	strace $0x8FFFFFFF  }
0x98: {  	s19 =	sld [smem:$0x3FDB];
	_ =	sdelay $0x1  }
0x99: {  	s4 =	simm.s32 $_scs_section_size  }
0x9a: {  	s5 =	simm.s32 $_size__tile_overlayer_lowered;
	s6 =	simm.s32 $_tile_overlayer_lowered  }
0x9b: {  	s22 =	simm.s32 $0x1BFF;
	s21 =	sshll.u32 s6, $0x1;
	s3 =	sadd.s32 s4, s19  }
0x9c: {  	s7 =	simm.s32 $0x0;
	s20 =	sshll.u32 s5, $0x1;
	s5 =	sadd.s32 s21, s3  }
0x9d: {  	[timem:s7], [sflag:s22] =	dma.local [hbm:s5], s20  }
0x9e: {  	_ =	swait.ge [sflag:s22], s20  }
0x9f: {  	s4 =	ssub.s32 $0x0, s20;
	[sflag:s22] =	ssyncset.done $0x0  }
0xa0: {  	[sflag:s22] =	ssyncadd.s32 s4;
	_ =	sdelay $0x1  }
0xa1: {  	s23 =	simm.s32 $0x1B8B  }
0xa2: {  	_ =	swait.ge [sflag:s23], $0x1  }
0xa3: {  	[sflag:s23] =	ssyncset.done $0x0  }
0xa4: {  	s25 =	simm.s32 $0x1B8E;
	s24 =	sld [smem:$0x3FFE];
	[sflag:s23] =	ssyncadd.s32 $0xFFFFFFFF  }
0xa5: {  	s26 =	simm.s32 $execute0_lowered;
	[smem:$0x3FD2] =	sst s25  }
0xa6: {  	s5 =	sshll.u32 s26, $0x1;
	_ =	strace $0x80000049;
	[dreg:$0x1] =	wrdreg $0xFFFFFFFF  }
0xa7: {  	s28 =	simm.s32 $_size_execute0_lowered;
	s3 =	sadd.s32 s3, s5;
	[dreg:$0x0] =	wrdreg $0x0  }
0xa8: {  	s5 =	sshll.u32 s28, $0x1;
	[dreg:$0x2] =	wrdreg s3  }
0xa9: {  	[dreg:$0x3] =	wrdreg s5  }
0xaa: {  	[dreg:$0x4] =	wrdreg $0xC0  }
0xab: {  	_ =	task [dreg:s7], $0x5FFFF  }
0xac: {  	[dreg:$0x1] =	wrdreg $0xFFFFFFFF  }
0xad: {  	[dreg:$0x0] =	wrdreg $0x60  }
0xae: {  	[dreg:$0x2] =	wrdreg s24  }
0xaf: {  	[dreg:$0x3] =	wrdreg s2  }
0xb0: {  	[dreg:$0x4] =	wrdreg $0xC2800  }
0xb1: {  	[dreg:$0x5] =	wrdreg $0x9  }
0xb2: {  	_ =	task.clear_ibuf [dreg:s7], $0x6FFFF;
	_ =	strace $0x90000049  }
0xb3: {  	s29 =	simm.s32 $0x9;
	_ =	strace $0x8000004B  }
0xb4: {  	_ =	swait.ge [sflag:s29], $0x1  }
0xb5: {  	[sflag:s29] =	ssyncadd.s32 $0xFFFFFFFF  }
0xb6: {  	_ =	strace $0x9000004B  }
0xb7: {  	_ =	sfence  }
0xb8: {  	s30 =	sld [smem:$0x0];
	_ =	sdelay $0x2  }
0xb9: {  	s31 =	sshll.u32 s1, $0xD;
	s1 =	sshrl.u32 s1, $0x2  }
0xba: {  	s3 =	sand.u32 $0x4000, s31;
	s1 =	sadd.s32 s1, s30  }
0xbb: {  	s0 =	sor.u32 s3, s0;
	s1 =	sshll.u32 s1, $0x11  }
0xbc: {  	s0 =	sor.u32 s1, s0  }
0xbd: {  	s0 =	sadd.s32 $0x8F2B, s0  }
0xbe: {  	[sflag:s0] =	ssyncadd.remote.s32 $0x1  }
0xbf: {  	_ =	sfence.sel $0xFFFF  }
0xc0: {  	[dreg:$0x0] =	wrdreg $0xFFFFFFFF;
	(pc) =	sbr.abs _section_cstart, $3  }
0xc1: {  	[dreg:$0x1] =	wrdreg $0xFFFFFFFF  }
0xc2: {  	_ =	task.clear_ibuf [dreg:s7], $0x2FFFF;
	_ =	strace $0x9FFFFFFF  }
0xc3: {  	(tm) =	ssettm $0x7FFFFFFF  }
tec
execute0_lowered:
.L_overlay_start_1:
0x0: {  	(tag) =	ssettag $0x1  }
0x1: {  	s0 =	rddreg [dreg:$0x0]  }
0x2: {  	s1 =	rddreg [dreg:$0x1];
	s3 =	srdreg.scid  }
0x3: {  	s11 =	stileid.u32;
	s2 =	rddreg [dreg:$0x2]  }
0x4: {  	s26 =	simm.s32 $0x280;
	s28 =	simm.s32 $0x4400;
	s29 =	simm.s32 $0x300  }
0x5: {  	s30 =	simm.s32 $0x6;
	s31 =	simm.s32 $0x180;
	s6 =	sand.u32 $0x1, s3  }
0x6: {  	s5 =	smul.u32 $0x13880, s11;
	s3 =	simm.s32 $0x0;
	s4 =	sadd.s32 $0x2A00, s0  }
0x7: {  	s9 =	smul.u32 $0x4E200, s11;
	s10 =	sshll.u32 s11, $0x1;
	s24 =	sshll.u32 s11, $0x6  }
0x8: {  	p0 =	sgt.u32 s11, $0x1;
	s7 =	smul.u32 $0x138800, s6;
	[smem:$0x7FF] =	sst s3  }
0x9: {  	s8 =	ssub.s32 $0x2, s6;
	s10 =	sor.u32 s6, s10;
	s25 =	sshll.u32 s6, $0x5  }
0xa: {  	s6 =	simm.s32 $0x4;
	_ =	strace $0x8000004A;
	s18 =	sshrl.u32 s8, $0x1  }
0xb: {  	s19 =	sshrl.u32 s9, $0x2;
	s20 =	sshll.u32 s10, $0x5;
	[dreg:$0xd] =	wrdreg s24  }
0xc: {  	s17 =	sor.u32 $0xC0, s10;
	[dreg:$0x4] =	wrdreg s26;
	s26 =	simm.s32 $0x2  }
0xd: {  	s10 =	simm.s32 $0x0;
	s7 =	sadd.s32 s5, s7;
	s9 =	sadd.s32 s19, s2  }
0xe: {  	s5 =	sadd.s32 s5, s2;
	s19 =	simm.s32 $0x9;
	s12 =	sadd.s32 $0x3E80, s9  }
0xf: {  	s7 =	sshrl.u32 s7, $0x3;
	s21 =	sadd.s32 $0x7D00, s9;
	[dreg:$0x5] =	wrdreg s12  }
0x10: {  	s22 =	sadd.s32 $0xBB80, s9;
	s9 =	sadd.s32 $0xFA00, s9;
	[dreg:$0x6] =	wrdreg s21  }
0x11: {  	s0 =	sadd.s32 s7, s0;
	s7 =	ssub.s32 s8, s18;
	[dreg:$0x8] =	wrdreg s22  }
0x12: {  	s8 =	sadd.s32 s1, s20;
	[dreg:$0x9] =	wrdreg s9;
	s18 =	simm.s32 $0x8400  }
0x13: {  	s20 =	simm.s32 $0x100;
	s23 =	sadd.s32 $0x400, s8;
	[dreg:$0x7] =	wrdreg s8  }
0x14: {  	s21 =	simm.s32 $0x200;
	s8 =	sadd.s32 $0x800, s8;
	[dreg:$0xa] =	wrdreg s23  }
0x15: {  	s22 =	simm.s32 $0x1;
	s0 =	sadd.s32 $0x29C00, s0;
	[dreg:$0xb] =	wrdreg s8  }
0x16: {  	s9 =	simm.s32 $0x380;
	s7 =	smax.u32 s7, $0x1;
	[dreg:$0xc] =	wrdreg s0  }
0x17: {  	[dreg:$0xe] =	wrdreg s7;
	s0 =	sadd.s32 s24, s1;
	s23 =	simm.s32 $0x80  }
0x18: {  	s24 =	simm.s32 $0x400;
	s1 =	simm.s32 $0x3;
	s7 =	simm.s32 $0x8  }
0x19: {  	v0 =	vimm.f32 $0.0e+00;
	s16 =	sadd.s32 s25, s0;
	s25 =	simm.s32 $0x5;
	s0 =	simm.s32 $0x7  }
.LBB2_1:
0x1a: {  	s11 =	simm.s32 $0x0;
	s12 =	simm.s32 $0x200  }
.LBB2_2:
0x1b: {  	p1 =	sne.s32 s12, $0xF800;
	[tilespmem:s11+$0x8470] =	vst v0  }
0x1c: {  	[tilespmem:s11+$0x8400] =	vst v0  }
0x1d: {  	[tilespmem:s11+$0x8410] =	vst v0  }
.Ltmp0:
0x1e: {  	[tilespmem:s11+$0x8420] =	vst v0;
	(pc) =	sbr.rel @p1 .LBB2_2-.Ltmp0, $4  }
0x1f: {  	[tilespmem:s11+$0x8430] =	vst v0  }
0x20: {  	[tilespmem:s11+$0x8440] =	vst v0  }
0x21: {  	[tilespmem:s11+$0x8450] =	vst v0  }
0x22: {  	[tilespmem:s11+$0x8460] =	vst v0;
	s11 =	sshra.s32 s12, $0x2;
	s12 =	sadd.s32 $0x200, s12  }
0x23: {  	[tilespmem:s11+$0x8470] =	vst v0  }
0x24: {  	[tilespmem:s11+$0x8400] =	vst v0  }
0x25: {  	[tilespmem:s11+$0x8410] =	vst v0  }
0x26: {  	[tilespmem:s11+$0x8420] =	vst v0  }
0x27: {  	[tilespmem:s11+$0x8430] =	vst v0  }
0x28: {  	[tilespmem:s11+$0x8440] =	vst v0  }
0x29: {  	[tilespmem:s11+$0x8450] =	vst v0  }
0x2a: {  	[tilespmem:s11+$0x8460] =	vst v0  }
0x2b: {  	[spmem:s5] =	stream.linear.scatter [tilespmem:s18], [sflag:$0x9], $0x3E80, $0x38;
	[tilespmem:$0x1FB00] =	vst v63  }
0x2c: {  	_ =	swait.ge [sflag:s19], $0x3E80  }
0x2d: {  	[sflag:s19] =	ssyncset.done $0x0  }
0x2e: {  	s8 =	rddreg [dreg:$0x5];
	[sflag:s19] =	ssyncadd.s32 $0xFFFFC180  }
0x2f: {  	[spmem:s8] =	stream.linear.scatter [tilespmem:s18], [sflag:$0x9], $0x3E80, $0x38;
	[tilespmem:$0x1FB00] =	vst v63  }
0x30: {  	_ =	swait.ge [sflag:s19], $0x3E80  }
0x31: {  	[sflag:s19] =	ssyncset.done $0x0  }
0x32: {  	s14 =	rddreg [dreg:$0x6];
	[sflag:s19] =	ssyncadd.s32 $0xFFFFC180  }
0x33: {  	[spmem:s14] =	stream.linear.scatter [tilespmem:s18], [sflag:$0x9], $0x3E80, $0x38;
	[tilespmem:$0x1FB00] =	vst v63  }
0x34: {  	_ =	swait.ge [sflag:s19], $0x3E80  }
0x35: {  	[sflag:s19] =	ssyncset.done $0x0  }
0x36: {  	s15 =	rddreg [dreg:$0x8];
	[sflag:s19] =	ssyncadd.s32 $0xFFFFC180  }
0x37: {  	[spmem:s15] =	stream.linear.scatter [tilespmem:s18], [sflag:$0x9], $0x3E80, $0x38;
	[tilespmem:$0x1FB00] =	vst v63  }
0x38: {  	_ =	swait.ge [sflag:s19], $0x3E80  }
0x39: {  	[sflag:s19] =	ssyncset.done $0x0  }
0x3a: {  	s11 =	rddreg [dreg:$0x9];
	[sflag:s19] =	ssyncadd.s32 $0xFFFFC180  }
0x3b: {  	[spmem:s11] =	stream.linear.scatter [tilespmem:s18], [sflag:$0x9], $0x3E80, $0x38;
	[tilespmem:$0x1FB00] =	vst v63  }
0x3c: {  	_ =	swait.ge [sflag:s19], $0x3E80  }
0x3d: {  	[sflag:s19] =	ssyncset.done $0x0  }
0x3e: {  	[sflag:s19] =	ssyncadd.s32 $0xFFFFC180  }
0x3f: {  	[bflag:$0x0] =	sbarrier.arrive $0xFFFF  }
0x40: {  	s12 =	simm.s32 $0x0;
	s13 =	rddreg [dreg:$0x7]  }
0x41: {  	[tilespmem:s12], [sflag:$0x1] =	stream.linear.gather [hbm4b:s13+s12], $0x100, $0x38;
	[tilespmem:$0x1FB00] =	vst v63  }
0x42: {  	s14 =	rddreg [dreg:$0xa]  }
0x43: {  	[tilespmem:s20], [sflag:$0x2] =	stream.linear.gather [hbm4b:s14+s12], $0x100, $0x38;
	[tilespmem:$0x1FB00] =	vst v63  }
0x44: {  	s15 =	rddreg [dreg:$0xb]  }
0x45: {  	[tilespmem:s21], [sflag:$0x3] =	stream.linear.gather [hbm4b:s15+s12], $0x100, $0x38;
	[tilespmem:$0x1FB00] =	vst v63  }
0x46: {  	_ =	swait.ge [sflag:s22], $0x100  }
0x47: {  	[sflag:s22] =	ssyncset.done $0x0  }
0x48: {  	[sflag:s22] =	ssyncadd.s32 $0xFFFFFF00  }
0x49: {  	[tilespmem:s24], [sflag:$0x5] =	stream.indirect.gather [hbm4b:s4+s23], $0x80, s12, s23, $0xb8;
	[tilespmem:$0x1FB00] =	vst v63  }
0x4a: {  	_ =	swait.ge [sflag:s25], $0x4000  }
0x4b: {  	[sflag:s25] =	ssyncset.done $0x0  }
0x4c: {  	[sflag:s25] =	ssyncadd.s32 $0xFFFFC000  }
0x4d: {  	[spmem:s2] =	stream.indirect.scatter.add.f32 [tilespmem:s24], [sflag:$0x7], $0x80, s23, s23, $0xb8;
	[tilespmem:$0x1FB00] =	vst v63  }
0x4e: {  	_ =	swait.ge [sflag:s26], $0x100  }
0x4f: {  	p1 =	por $0x1, $0x1;
	[sflag:s26] =	ssyncset.done $0x0  }
0x50: {  	s11 =	simm.s32 @!p1 $0x8;
	[sflag:s26] =	ssyncadd.s32 $0xFFFFFF00  }
0x51: {  	_ =	swait.ge @!p1 [sflag:s11], $0x4000  }
0x52: {  	[sflag:s11] =	ssyncset.done @!p1 $0x0  }
0x53: {  	s12 =	sadd.s32 $0x0, s16;
	[sflag:s11] =	ssyncadd.s32 @!p1 $0xFFFFC000  }
0x54: {  	[tilespmem:s28], [sflag:$0x6] =	stream.indirect.gather [hbm4b:s4+s23], $0x80, s20, s23, $0xb8;
	[tilespmem:$0x1FB00] =	vst v63  }
0x55: {  	s8 =	sadd.s32 $0xC00, s12  }
0x56: {  	[tilespmem:s29], [sflag:$0x4] =	stream.linear.gather [hbm4b:s8+s3], $0x100, $0x38;
	[tilespmem:$0x1FB00] =	vst v63  }
0x57: {  	_ =	swait.ge [sflag:s30], $0x4000  }
0x58: {  	[sflag:s30] =	ssyncset.done $0x0  }
0x59: {  	[sflag:s30] =	ssyncadd.s32 $0xFFFFC000  }
0x5a: {  	[spmem:s2] =	stream.indirect.scatter.add.f32 [tilespmem:s28], [sflag:$0x8], $0x80, s31, s23, $0xb8;
	[tilespmem:$0x1FB00] =	vst v63  }
0x5b: {  	_ =	swait.ge [sflag:s1], $0x100  }
0x5c: {  	[sflag:s1] =	ssyncset.done $0x0  }
0x5d: {  	[sflag:s1] =	ssyncadd.s32 $0xFFFFFF00  }
0x5e: {  	_ =	swait.ge [sflag:s0], $0x4000  }
0x5f: {  	[sflag:s0] =	ssyncset.done $0x0  }
0x60: {  	[sflag:s0] =	ssyncadd.s32 $0xFFFFC000  }
0x61: {  	[tilespmem:s24], [sflag:$0x5] =	stream.indirect.gather [hbm4b:s4+s23], $0x80, s21, s23, $0xb8;
	[tilespmem:$0x1FB00] =	vst v63  }
0x62: {  	s13 =	sadd.s32 $0x1000, s12  }
0x63: {  	[tilespmem:s3], [sflag:$0x1] =	stream.linear.gather [hbm4b:s13+s3], $0x100, $0x38;
	[tilespmem:$0x1FB00] =	vst v63  }
0x64: {  	_ =	swait.ge [sflag:s25], $0x4000  }
0x65: {  	[sflag:s25] =	ssyncset.done $0x0  }
0x66: {  	s14 =	rddreg [dreg:$0x4];
	[sflag:s25] =	ssyncadd.s32 $0xFFFFC000  }
0x67: {  	[spmem:s2] =	stream.indirect.scatter.add.f32 [tilespmem:s24], [sflag:$0x7], $0x80, s14, s23, $0xb8;
	[tilespmem:$0x1FB00] =	vst v63  }
0x68: {  	_ =	swait.ge [sflag:s6], $0x100  }
0x69: {  	[sflag:s6] =	ssyncset.done $0x0  }
0x6a: {  	[sflag:s6] =	ssyncadd.s32 $0xFFFFFF00  }
0x6b: {  	_ =	swait.ge [sflag:s7], $0x4000  }
0x6c: {  	[sflag:s7] =	ssyncset.done $0x0  }
0x6d: {  	[sflag:s7] =	ssyncadd.s32 $0xFFFFC000  }
0x6e: {  	[tilespmem:s28], [sflag:$0x6] =	stream.indirect.gather [hbm4b:s4+s23], $0x80, s29, s23, $0xb8;
	[tilespmem:$0x1FB00] =	vst v63  }
0x6f: {  	s15 =	sadd.s32 $0x1400, s12  }
0x70: {  	[tilespmem:s20], [sflag:$0x2] =	stream.linear.gather [hbm4b:s15+s3], $0x100, $0x38;
	[tilespmem:$0x1FB00] =	vst v63  }
0x71: {  	_ =	swait.ge [sflag:s30], $0x4000  }
0x72: {  	[sflag:s30] =	ssyncset.done $0x0  }
0x73: {  	[sflag:s30] =	ssyncadd.s32 $0xFFFFC000  }
0x74: {  	[spmem:s2] =	stream.indirect.scatter.add.f32 [tilespmem:s28], [sflag:$0x8], $0x80, s9, s23, $0xb8;
	[tilespmem:$0x1FB00] =	vst v63  }
0x75: {  	_ =	swait.ge [sflag:s22], $0x100  }
0x76: {  	[sflag:s22] =	ssyncset.done $0x0  }
0x77: {  	[sflag:s22] =	ssyncadd.s32 $0xFFFFFF00  }
0x78: {  	p2 =	sgt.u32 s17, $0x9C3;
	_ =	swait.ge [sflag:s0], $0x4000  }
0x79: {  	s12 =	sadd.s32 $0x80, s17;
	s11 =	simm.s32 $0x1000;
	[sflag:s0] =	ssyncset.done $0x0  }
0x7a: {  	s13 =	sadd.s32 @!p2 $0x0, s16;
	s15 =	simm.s32 @!p2 $0x200;
	[sflag:s0] =	ssyncadd.s32 $0xFFFFC000  }
0x7b: {  	[tilespmem:s24], [sflag:$0x5] =	stream.indirect.gather [hbm4b:s4+s23], $0x80, s3, s23, $0xb8;
	[tilespmem:$0x1FB00] =	vst v63  }
.LBB2_4:
0x7c: {  	s14 =	sadd.s32 @!p2 $0x1800, s13;
	s8 =	simm.s32 @!p2 $0x0  }
0x7d: {  	[tilespmem:s15], [sflag:$0x3] =	stream.linear.gather @!p2 [hbm4b:s14+s8], $0x100, $0x38;
	[tilespmem:$0x1FB00] =	vst v63  }
0x7e: {  	_ =	swait.ge [sflag:s25], $0x4000  }
0x7f: {  	[sflag:s25] =	ssyncset.done $0x0  }
0x80: {  	[sflag:s25] =	ssyncadd.s32 $0xFFFFC000  }
0x81: {  	[spmem:s2] =	stream.indirect.scatter.add.f32 [tilespmem:s24], [sflag:$0x7], $0x80, s23, s23, $0xb8;
	[tilespmem:$0x1FB00] =	vst v63  }
0x82: {  	s13 =	smov.u32 s11;
	_ =	swait.ge [sflag:s26], $0x100  }
0x83: {  	p2 =	seq.s32 s13, $0x0;
	[sflag:s26] =	ssyncset.done $0x0  }
0x84: {  	s8 =	simm.s32 @!p2 $0x8;
	[sflag:s26] =	ssyncadd.s32 $0xFFFFFF00  }
0x85: {  	_ =	swait.ge @!p2 [sflag:s8], $0x4000  }
0x86: {  	[sflag:s8] =	ssyncset.done @!p2 $0x0  }
0x87: {  	s14 =	sadd.s32 s13, s16;
	[sflag:s8] =	ssyncadd.s32 @!p2 $0xFFFFC000  }
0x88: {  	[tilespmem:s28], [sflag:$0x6] =	stream.indirect.gather [hbm4b:s4+s23], $0x80, s20, s23, $0xb8;
	[tilespmem:$0x1FB00] =	vst v63  }
0x89: {  	s15 =	sadd.s32 $0xC00, s14  }
0x8a: {  	[tilespmem:s29], [sflag:$0x4] =	stream.linear.gather [hbm4b:s15+s3], $0x100, $0x38;
	[tilespmem:$0x1FB00] =	vst v63  }
0x8b: {  	_ =	swait.ge [sflag:s30], $0x4000  }
0x8c: {  	[sflag:s30] =	ssyncset.done $0x0  }
0x8d: {  	[sflag:s30] =	ssyncadd.s32 $0xFFFFC000  }
0x8e: {  	[spmem:s2] =	stream.indirect.scatter.add.f32 [tilespmem:s28], [sflag:$0x8], $0x80, s31, s23, $0xb8;
	[tilespmem:$0x1FB00] =	vst v63  }
0x8f: {  	_ =	swait.ge [sflag:s1], $0x100  }
0x90: {  	[sflag:s1] =	ssyncset.done $0x0  }
0x91: {  	[sflag:s1] =	ssyncadd.s32 $0xFFFFFF00  }
0x92: {  	_ =	swait.ge [sflag:s0], $0x4000  }
0x93: {  	[sflag:s0] =	ssyncset.done $0x0  }
0x94: {  	[sflag:s0] =	ssyncadd.s32 $0xFFFFC000  }
0x95: {  	[tilespmem:s24], [sflag:$0x5] =	stream.indirect.gather [hbm4b:s4+s23], $0x80, s21, s23, $0xb8;
	[tilespmem:$0x1FB00] =	vst v63  }
0x96: {  	s15 =	sadd.s32 $0x1000, s14  }
0x97: {  	[tilespmem:s3], [sflag:$0x1] =	stream.linear.gather [hbm4b:s15+s3], $0x100, $0x38;
	[tilespmem:$0x1FB00] =	vst v63  }
0x98: {  	_ =	swait.ge [sflag:s25], $0x4000  }
0x99: {  	[sflag:s25] =	ssyncset.done $0x0  }
0x9a: {  	s15 =	rddreg [dreg:$0x4];
	[sflag:s25] =	ssyncadd.s32 $0xFFFFC000  }
0x9b: {  	[spmem:s2] =	stream.indirect.scatter.add.f32 [tilespmem:s24], [sflag:$0x7], $0x80, s15, s23, $0xb8;
	[tilespmem:$0x1FB00] =	vst v63  }
0x9c: {  	_ =	swait.ge [sflag:s6], $0x100  }
0x9d: {  	[sflag:s6] =	ssyncset.done $0x0  }
0x9e: {  	[sflag:s6] =	ssyncadd.s32 $0xFFFFFF00  }
0x9f: {  	_ =	swait.ge [sflag:s7], $0x4000  }
0xa0: {  	[sflag:s7] =	ssyncset.done $0x0  }
0xa1: {  	[sflag:s7] =	ssyncadd.s32 $0xFFFFC000  }
0xa2: {  	[tilespmem:s28], [sflag:$0x6] =	stream.indirect.gather [hbm4b:s4+s23], $0x80, s29, s23, $0xb8;
	[tilespmem:$0x1FB00] =	vst v63  }
0xa3: {  	s15 =	sadd.s32 $0x1400, s14  }
0xa4: {  	[tilespmem:s20], [sflag:$0x2] =	stream.linear.gather [hbm4b:s15+s3], $0x100, $0x38;
	[tilespmem:$0x1FB00] =	vst v63  }
0xa5: {  	_ =	swait.ge [sflag:s30], $0x4000  }
0xa6: {  	[sflag:s30] =	ssyncset.done $0x0  }
0xa7: {  	[sflag:s30] =	ssyncadd.s32 $0xFFFFC000  }
0xa8: {  	[spmem:s2] =	stream.indirect.scatter.add.f32 [tilespmem:s28], [sflag:$0x8], $0x80, s9, s23, $0xb8;
	[tilespmem:$0x1FB00] =	vst v63  }
0xa9: {  	s11 =	sadd.s32 $0x1000, s11;
	_ =	swait.ge [sflag:s22], $0x100  }
0xaa: {  	p1 =	sne.s32 s11, $0x13000;
	[sflag:s22] =	ssyncset.done $0x0  }
.Ltmp1:
0xab: {  	[sflag:s22] =	ssyncadd.s32 $0xFFFFFF00;
	(pc) =	sbr.rel @p1 .LBB2_4-.Ltmp1, $4  }
0xac: {  	_ =	swait.ge [sflag:s0], $0x4000  }
0xad: {  	p2 =	sgt.u32 s12, $0x9C3;
	s12 =	sadd.s32 $0x80, s12;
	[sflag:s0] =	ssyncset.done $0x0  }
0xae: {  	s13 =	sadd.s32 @!p2 s13, s16;
	s15 =	simm.s32 @!p2 $0x200;
	[sflag:s0] =	ssyncadd.s32 $0xFFFFC000  }
0xaf: {  	[tilespmem:s24], [sflag:$0x5] =	stream.indirect.gather [hbm4b:s4+s23], $0x80, s3, s23, $0xb8;
	[tilespmem:$0x1FB00] =	vst v63  }
0xb0: {  	s8 =	sadd.s32 @!p2 $0x1800, s13;
	s11 =	simm.s32 @!p2 $0x0  }
0xb1: {  	[tilespmem:s15], [sflag:$0x3] =	stream.linear.gather @!p2 [hbm4b:s8+s11], $0x100, $0x38;
	[tilespmem:$0x1FB00] =	vst v63  }
0xb2: {  	_ =	swait.ge [sflag:s25], $0x4000  }
0xb3: {  	[sflag:s25] =	ssyncset.done $0x0  }
0xb4: {  	[sflag:s25] =	ssyncadd.s32 $0xFFFFC000  }
0xb5: {  	[spmem:s2] =	stream.indirect.scatter.add.f32 [tilespmem:s24], [sflag:$0x7], $0x80, s23, s23, $0xb8;
	[tilespmem:$0x1FB00] =	vst v63  }
0xb6: {  	_ =	swait.ge [sflag:s26], $0x100  }
0xb7: {  	[sflag:s26] =	ssyncset.done $0x0  }
0xb8: {  	[sflag:s26] =	ssyncadd.s32 $0xFFFFFF00  }
0xb9: {  	_ =	swait.ge [sflag:s7], $0x4000  }
0xba: {  	[sflag:s7] =	ssyncset.done $0x0  }
0xbb: {  	[sflag:s7] =	ssyncadd.s32 $0xFFFFC000  }
0xbc: {  	[tilespmem:s28], [sflag:$0x6] =	stream.indirect.gather [hbm4b:s4+s23], $0x80, s20, s23, $0xb8;
	[tilespmem:$0x1FB00] =	vst v63  }
0xbd: {  	_ =	swait.ge [sflag:s30], $0x4000  }
0xbe: {  	[sflag:s30] =	ssyncset.done $0x0  }
0xbf: {  	s8 =	simm.s32 @!p0 $0x3;
	[sflag:s30] =	ssyncadd.s32 $0xFFFFC000  }
0xc0: {  	[spmem:s2] =	stream.indirect.scatter.add.f32 [tilespmem:s28], [sflag:$0x8], $0x80, s31, s23, $0xb8;
	[tilespmem:$0x1FB00] =	vst v63  }
0xc1: {  	_ =	swait.ge @!p0 [sflag:s8], $0x100  }
0xc2: {  	[sflag:s8] =	ssyncset.done @!p0 $0x0  }
0xc3: {  	[sflag:s8] =	ssyncadd.s32 @!p0 $0xFFFFFF00;
	s8 =	simm.s32 @!p0 $0x7  }
0xc4: {  	_ =	swait.ge @!p0 [sflag:s8], $0x4000  }
0xc5: {  	s12 =	simm.s32 @!p0 $0x200;
	[sflag:s8] =	ssyncset.done @!p0 $0x0  }
0xc6: {  	s13 =	simm.s32 @!p0 $0x400;
	s11 =	simm.s32 @!p0 $0x80;
	[sflag:s8] =	ssyncadd.s32 @!p0 $0xFFFFC000  }
0xc7: {  	[tilespmem:s13], [sflag:$0x5] =	stream.indirect.gather @!p0 [hbm4b:s4+s11], $0x80, s12, s11, $0xb8;
	[tilespmem:$0x1FB00] =	vst v63  }
0xc8: {  	s12 =	simm.s32 @!p0 $0x5  }
0xc9: {  	_ =	swait.ge @!p0 [sflag:s12], $0x4000  }
0xca: {  	[sflag:s12] =	ssyncset.done @!p0 $0x0  }
0xcb: {  	[sflag:s12] =	ssyncadd.s32 @!p0 $0xFFFFC000;
	s12 =	simm.s32 @!p0 $0x280  }
0xcc: {  	[spmem:s2] =	stream.indirect.scatter.add.f32 @!p0 [tilespmem:s13], [sflag:$0x7], $0x80, s12, s11, $0xb8;
	[tilespmem:$0x1FB00] =	vst v63  }
0xcd: {  	s11 =	simm.s32 @!p0 $0x8  }
0xce: {  	s11 =	simm.s32 @p0 $0x7  }
0xcf: {  	_ =	swait.ge [sflag:s11], $0x4000  }
0xd0: {  	[sflag:s11] =	ssyncset.done $0x0  }
0xd1: {  	s8 =	simm.s32 @p0 $0x8;
	[sflag:s11] =	ssyncadd.s32 $0xFFFFC000  }
0xd2: {  	_ =	swait.ge [sflag:s8], $0x4000  }
0xd3: {  	[sflag:s8] =	ssyncset.done $0x0  }
0xd4: {  	[sflag:s8] =	ssyncadd.s32 $0xFFFFC000  }
0xd5: {  	[bflag:$0x0] =	sbarrier.arrive $0xFFFF  }
0xd6: {  	s12 =	rddreg [dreg:$0xd]  }
0xd7: {  	s13 =	sshrl.u32 s5, $0x3;
	s14 =	rddreg [dreg:$0xc];
	s8 =	sor.u32 $0x1C09, s12  }
0xd8: {  	[hbm:s14], [sflag:s8] =	dma.local [spmem:s13], $0x2710  }
0xd9: {  	_ =	swait.ge [sflag:s19], $0x2710  }
0xda: {  	s10 =	sadd.s32 $0x1, s10;
	s15 =	rddreg [dreg:$0xe]  }
0xdb: {  	p1 =	sne.s32 s10, s15  }
.Ltmp2:
0xdc: {  	_ = 	snop;
	(pc) =	sbr.rel @p1 .LBB2_1-.Ltmp2, $3  }
0xdd: {  	_ =	sdelay $0x1  }
0xde: {  	[sflag:s19] =	ssyncset.done $0x0  }
0xdf: {  	[sflag:s19] =	ssyncadd.s32 $0xFFFFD8F0  }
0xe0: {  	_ =	sfence.sel $0x180000  }
0xe1: {  	[bflag:$0x0] =	sbarrier.arrive $0xFFFF  }
0xe2: {  	_ =	strace $0x9000004A  }
0xe3: {  	s0 =	stileid.u32;
	[bflag:$0x2] =	sbarrier.arrive $0xFFFF  }
0xe4: {  	p0 =	sne.s32 s0, $0x0;
	s0 =	rddreg [dreg:$0x3]  }
0xe5: {  	s0 =	sadd.s32 @!p0 $0x100000, s0  }
0xe6: {  	[sflag:s0] =	ssyncadd.tile.s32 @!p0 $0x1;
	_ =	shalt  }
.Lfunc_end2:
_tile_overlayer_lowered:
.L_overlay_start_2:
0xe7: {  	(tag) =	ssettag $0x2  }
0xe8: {  	s0 =	rddreg [dreg:$0x0];
	s2 =	stileid.u32  }
0xe9: {  	s1 =	rddreg [dreg:$0x1];
	p0 =	sne.s32 s2, $0x0  }
0xea: {  	s3 =	rddreg [dreg:$0x2];
	[bflag:$0x3] =	sbarrier.arrive $0xFFFF;
	s2 =	simm.s32 @!p0 $0x1C09  }
0xeb: {  	[timem:s3], [sflag:s2] =	dma.local @!p0 [hbm:s0], s1  }
0xec: {  	s0 =	simm.s32 @!p0 $0x9  }
0xed: {  	_ =	swait.ge @!p0 [sflag:s0], s1  }
0xee: {  	s1 =	ssub.s32 @!p0 $0x0, s1;
	[sflag:s0] =	ssyncset.done @!p0 $0x0  }
0xef: {  	[sflag:s0] =	ssyncadd.s32 @!p0 s1  }
0xf0: {  	[bflag:$0x3] =	sbarrier.arrive $0xFFFF  }
0xf1: {  	_ =	shalt  }

// kernel: kernel.16.cloned.1.call-start
scs
__scs_entry_jumppad:
0x0: {  	(pc) =	sbr.rel $0x88, $3  }
0x1: {  	(tag) =	ssettag $0x0;
	lr =	simm.s32 $0x1  }
0x2: {  	[smem:$0x3F99] =	sst lr;
	_ =	strace $0xD0000000  }
0x3: {  	_ = 	snop  }
0x4: {  	_ = 	snop  }
0x5: {  	_ = 	snop  }
0x6: {  	_ = 	snop  }
0x7: {  	_ = 	snop  }
__scs_overlays_trampoline_lowered:
0x8: {  	[smem:$0x3FA8] =	sst s0  }
0x9: {  	[smem:$0x3FA9] =	sst s1  }
0xa: {  	[smem:$0x3FAA] =	sst s2  }
0xb: {  	[smem:$0x3FAB] =	sst s3  }
0xc: {  	[smem:$0x3FAC] =	sst s4  }
0xd: {  	[smem:$0x3FAD] =	sst s5  }
0xe: {  	[smem:$0x3FAE] =	sst s6  }
0xf: {  	[smem:$0x3FAF] =	sst s7  }
0x10: {  	[smem:$0x3FB0] =	sst s8  }
0x11: {  	[smem:$0x3FB1] =	sst s9;
	s0 =	simm.s32 @!p0 $0x0  }
0x12: {  	s1 =	sld [smem:$0x3F97];
	s0 =	simm.s32 @p0 $0x1  }
0x13: {  	[smem:$0x3FB2] =	sst s0;
	s0 =	simm.s32 @!p1 $0x0  }
0x14: {  	s2 =	sld [smem:$0x3F96];
	s0 =	simm.s32 @p1 $0x1  }
0x15: {  	[smem:$0x3FB3] =	sst s0;
	s0 =	simm.s32 @!p2 $0x0  }
0x16: {  	s3 =	sld [smem:$0x3FDB];
	s0 =	simm.s32 @p2 $0x1  }
0x17: {  	s4 =	simm.s32 $0x1BF5;
	[smem:$0x3FB5] =	sst s0  }
0x18: {  	s0 =	sld [smem:$0x3F98];
	_ =	swait.ge [sflag:s4], $0x0  }
0x19: {  	s7 =	sld [smem:$0x3F99]  }
0x1a: {  	s8 =	sadd.s32 $0xFFFFE003, lr  }
0x1b: {  	s9 =	sadd.s32 $0xFFFFFEF7, lr;
	s5 =	simm.s32 $0xFFFFFFFF;
	p2 =	slt.u32 s8, $0xFFFFF086  }
0x1c: {  	p1 =	slt.u32 s9, $0xF7A;
	s5 =	simm.s32 @!p2 $0x0  }
0x1d: {  	s5 =	simm.s32 @p1 $0x1;
	p0 =	seq.s32 s7, s2  }
0x1e: {  	s7 =	smul.u32 @!p0 $0xF7A, s2;
	p2 =	seq.s32 @!p0 s5, $0x0  }
0x1f: {  	s9 =	smul.u32 $0xF7A, s1;
	s8 =	simm.s32 @!p0 $0x1BF5;
	p2 =	por !p2, p0  }
0x20: {  	[sflag:s8] =	ssyncset.s32 @!p0 $0xFFFFF086;
	s6 =	sadd.s32 @!p0 s3, s7;
	s7 =	simm.s32 @!p0 $0x108  }
0x21: {  	s3 =	sadd.s32 s3, s9;
	s6 =	sadd.s32 @!p0 $0x88, s6;
	s7 =	simm.s32 @p2 $0x1082  }
0x22: {  	[simem:s7], [sflag:s8] =	dma.local @!p0 [hbm:s6], $0xF7A  }
0x23: {  	s9 =	sor.u32 $0xD0000000, s2;
	s6 =	simm.s32 $0x108;
	_ =	swait.ge @!p0 [sflag:s8], $0x0  }
0x24: {  	s3 =	sadd.s32 $0x88, s3;
	s6 =	simm.s32 @!p1 $0x1082;
	[sflag:s4] =	ssyncset.s32 $0xFFFFF086  }
0x25: {  	[simem:s6], [sflag:s4] =	dma.local [hbm:s3], $0xF7A  }
0x26: {  	[smem:$0x3F99] =	sst s1;
	(tag) =	ssettag s2;
	_ =	strace s9  }
0x27: {  	s1 =	sld [smem:$0x3FA9]  }
0x28: {  	s2 =	sld [smem:$0x3FAA]  }
0x29: {  	s4 =	sld [smem:$0x3FAC]  }
0x2a: {  	p0 =	seq.s32 s5, $0x0;
	s5 =	sld [smem:$0x3FAD]  }
0x2b: {  	s6 =	sld [smem:$0x3FAE]  }
0x2c: {  	s7 =	sld [smem:$0x3FAF]  }
0x2d: {  	s3 =	simm.s32 $0x108;
	s8 =	sld [smem:$0x3FB0]  }
0x2e: {  	s3 =	simm.s32 @!p0 $0x1082;
	s9 =	sld [smem:$0x3FB1]  }
0x2f: {  	lr =	sadd.s32 s0, s3;
	s0 =	sld [smem:$0x3FA8]  }
0x30: {  	s3 =	sld [smem:$0x3FAB]  }
0x31: {  	[smem:$0x3FB4] =	sst s10  }
0x32: {  	s10 =	sld [smem:$0x3FB2];
	_ =	sdelay $0x3  }
0x33: {  	p0 =	seq.s32 s10, $0x1;
	s10 =	sld [smem:$0x3FB4];
	_ =	sdelay $0x3  }
0x34: {  	[smem:$0x3FB4] =	sst s10  }
0x35: {  	s10 =	sld [smem:$0x3FB3];
	_ =	sdelay $0x3  }
0x36: {  	p1 =	seq.s32 s10, $0x1;
	s10 =	sld [smem:$0x3FB4];
	_ =	sdelay $0x3  }
0x37: {  	[smem:$0x3FB4] =	sst s10  }
0x38: {  	s10 =	sld [smem:$0x3FB5]  }
0x39: {  	_ = 	snop;
	(pc) =	sbr.ind lr, $3  }
0x3a: {  	_ = 	snop  }
0x3b: {  	_ = 	snop  }
0x3c: {  	p2 =	seq.s32 s10, $0x1;
	s10 =	sld [smem:$0x3FB4]  }
0x3d: {  	_ =	shalt  }
0x3e: {  	_ =	shalt  }
0x3f: {  	_ =	shalt  }
0x40: {  	_ =	shalt  }
0x41: {  	_ =	shalt  }
0x42: {  	_ =	shalt  }
0x43: {  	_ =	shalt  }
0x44: {  	_ =	shalt  }
0x45: {  	_ =	shalt  }
0x46: {  	_ =	shalt  }
0x47: {  	_ =	shalt  }
0x48: {  	_ =	shalt  }
0x49: {  	_ =	shalt  }
0x4a: {  	_ =	shalt  }
0x4b: {  	_ =	shalt  }
0x4c: {  	_ =	shalt  }
0x4d: {  	_ =	shalt  }
0x4e: {  	_ =	shalt  }
0x4f: {  	_ =	shalt  }
0x50: {  	_ =	shalt  }
0x51: {  	_ =	shalt  }
0x52: {  	_ =	shalt  }
0x53: {  	_ =	shalt  }
0x54: {  	_ =	shalt  }
0x55: {  	_ =	shalt  }
0x56: {  	_ =	shalt  }
0x57: {  	_ =	shalt  }
0x58: {  	_ =	shalt  }
0x59: {  	_ =	shalt  }
0x5a: {  	_ =	shalt  }
0x5b: {  	_ =	shalt  }
0x5c: {  	_ =	shalt  }
0x5d: {  	_ =	shalt  }
0x5e: {  	_ =	shalt  }
0x5f: {  	_ =	shalt  }
0x60: {  	_ =	shalt  }
0x61: {  	_ =	shalt  }
0x62: {  	_ =	shalt  }
0x63: {  	_ =	shalt  }
0x64: {  	_ =	shalt  }
0x65: {  	_ =	shalt  }
0x66: {  	_ =	shalt  }
0x67: {  	_ =	shalt  }
0x68: {  	_ =	shalt  }
0x69: {  	_ =	shalt  }
0x6a: {  	_ =	shalt  }
0x6b: {  	_ =	shalt  }
0x6c: {  	_ =	shalt  }
0x6d: {  	_ =	shalt  }
0x6e: {  	_ =	shalt  }
0x6f: {  	_ =	shalt  }
0x70: {  	_ =	shalt  }
0x71: {  	_ =	shalt  }
0x72: {  	_ =	shalt  }
0x73: {  	_ =	shalt  }
0x74: {  	_ =	shalt  }
0x75: {  	_ =	shalt  }
0x76: {  	_ =	shalt  }
0x77: {  	_ =	shalt  }
0x78: {  	_ =	shalt  }
0x79: {  	_ =	shalt  }
0x7a: {  	_ =	shalt  }
0x7b: {  	_ =	shalt  }
0x7c: {  	_ =	shalt  }
0x7d: {  	_ =	shalt  }
0x7e: {  	_ =	shalt  }
0x7f: {  	_ =	shalt  }
0x80: {  	_ =	shalt  }
0x81: {  	_ =	shalt  }
0x82: {  	_ =	shalt  }
0x83: {  	_ =	shalt  }
0x84: {  	_ =	shalt  }
0x85: {  	_ =	shalt  }
0x86: {  	_ =	shalt  }
0x87: {  	_ =	shalt  }
.Lfunc_end0:
.L_simem_size_0:
called_computation.2_lowered:
.L_overlay_start_0:
0x88: {  	s2 =	sld [smem:$0x3FD9]  }
0x89: {  	s3 =	sld [smem:$0x3FFE];
	_ =	sdelay $0x1  }
0x8a: {  	s1 =	srdreg.scid  }
0x8b: {  	s0 =	sand.u32 $0x1, s1  }
0x8c: {  	s17 =	sshll.u32 s0, $0xA;
	s2 =	sadd.s32 s3, s2  }
0x8d: {  	s2 =	sadd.s32 s2, s17  }
0x8e: {  	[smem:$0x3FC0] =	sst s2  }
0x8f: {  	_ = 	snop  }
0x90: {  	s2 =	sld [smem:$0x3FC8];
	(tm) =	ssettm $0x1  }
0x91: {  	s18 =	sld [smem:$0x3FFB];
	_ =	sdelay $0x3  }
0x92: {  	_ =	strace s18  }
0x93: {  	s3 =	sld [smem:$0x3FFC];
	_ =	sdelay $0x3  }
0x94: {  	_ =	strace s3  }
0x95: {  	s3 =	sld [smem:$0x3FFD];
	_ =	sdelay $0x3  }
0x96: {  	_ =	strace s3  }
0x97: {  	_ =	strace $0x8FFFFFFF  }
0x98: {  	s19 =	sld [smem:$0x3FDB];
	_ =	sdelay $0x1  }
0x99: {  	s4 =	simm.s32 $_scs_section_size  }
0x9a: {  	s5 =	simm.s32 $_size__tile_overlayer_lowered;
	s6 =	simm.s32 $_tile_overlayer_lowered  }
0x9b: {  	s22 =	simm.s32 $0x1BFF;
	s21 =	sshll.u32 s6, $0x1;
	s3 =	sadd.s32 s4, s19  }
0x9c: {  	s7 =	simm.s32 $0x0;
	s20 =	sshll.u32 s5, $0x1;
	s5 =	sadd.s32 s21, s3  }
0x9d: {  	[timem:s7], [sflag:s22] =	dma.local [hbm:s5], s20  }
0x9e: {  	_ =	swait.ge [sflag:s22], s20  }
0x9f: {  	s4 =	ssub.s32 $0x0, s20;
	[sflag:s22] =	ssyncset.done $0x0  }
0xa0: {  	[sflag:s22] =	ssyncadd.s32 s4;
	_ =	sdelay $0x1  }
0xa1: {  	s23 =	simm.s32 $0x1B8B  }
0xa2: {  	_ =	swait.ge [sflag:s23], $0x1  }
0xa3: {  	[sflag:s23] =	ssyncset.done $0x0  }
0xa4: {  	s25 =	simm.s32 $0x1B8E;
	s24 =	sld [smem:$0x3FFE];
	[sflag:s23] =	ssyncadd.s32 $0xFFFFFFFF  }
0xa5: {  	s26 =	simm.s32 $execute0_lowered;
	[smem:$0x3FD2] =	sst s25  }
0xa6: {  	s5 =	sshll.u32 s26, $0x1;
	_ =	strace $0x8000004C;
	[dreg:$0x1] =	wrdreg $0xFFFFFFFF  }
0xa7: {  	s28 =	simm.s32 $_size_execute0_lowered;
	s3 =	sadd.s32 s3, s5;
	[dreg:$0x0] =	wrdreg $0x0  }
0xa8: {  	s5 =	sshll.u32 s28, $0x1;
	[dreg:$0x2] =	wrdreg s3  }
0xa9: {  	[dreg:$0x3] =	wrdreg s5  }
0xaa: {  	[dreg:$0x4] =	wrdreg $0xC0  }
0xab: {  	_ =	task [dreg:s7], $0x5FFFF  }
0xac: {  	[dreg:$0x1] =	wrdreg $0xFFFFFFFF  }
0xad: {  	[dreg:$0x0] =	wrdreg $0x60  }
0xae: {  	[dreg:$0x2] =	wrdreg s24  }
0xaf: {  	[dreg:$0x3] =	wrdreg s2  }
0xb0: {  	[dreg:$0x4] =	wrdreg $0xC2800  }
0xb1: {  	[dreg:$0x5] =	wrdreg $0x9  }
0xb2: {  	_ =	task.clear_ibuf [dreg:s7], $0x6FFFF;
	_ =	strace $0x9000004C  }
0xb3: {  	s29 =	simm.s32 $0x9;
	_ =	strace $0x8000004E  }
0xb4: {  	_ =	swait.ge [sflag:s29], $0x1  }
0xb5: {  	[sflag:s29] =	ssyncadd.s32 $0xFFFFFFFF  }
0xb6: {  	_ =	strace $0x9000004E  }
0xb7: {  	_ =	sfence  }
0xb8: {  	s30 =	sld [smem:$0x0];
	_ =	sdelay $0x2  }
0xb9: {  	s31 =	sshll.u32 s1, $0xD;
	s1 =	sshrl.u32 s1, $0x2  }
0xba: {  	s3 =	sand.u32 $0x4000, s31;
	s1 =	sadd.s32 s1, s30  }
0xbb: {  	s0 =	sor.u32 s3, s0;
	s1 =	sshll.u32 s1, $0x11  }
0xbc: {  	s0 =	sor.u32 s1, s0  }
0xbd: {  	s0 =	sadd.s32 $0x8F2B, s0  }
0xbe: {  	[sflag:s0] =	ssyncadd.remote.s32 $0x1  }
0xbf: {  	_ =	sfence.sel $0xFFFF  }
0xc0: {  	[dreg:$0x0] =	wrdreg $0xFFFFFFFF;
	(pc) =	sbr.abs _section_cstart, $3  }
0xc1: {  	[dreg:$0x1] =	wrdreg $0xFFFFFFFF  }
0xc2: {  	_ =	task.clear_ibuf [dreg:s7], $0x2FFFF;
	_ =	strace $0x9FFFFFFF  }
0xc3: {  	(tm) =	ssettm $0x7FFFFFFF  }
tec
execute0_lowered:
.L_overlay_start_1:
0x0: {  	(tag) =	ssettag $0x1  }
0x1: {  	s0 =	rddreg [dreg:$0x0]  }
0x2: {  	s1 =	rddreg [dreg:$0x1];
	s3 =	srdreg.scid  }
0x3: {  	s11 =	stileid.u32;
	s2 =	rddreg [dreg:$0x2]  }
0x4: {  	s26 =	simm.s32 $0x280;
	s28 =	simm.s32 $0x4400;
	s29 =	simm.s32 $0x300  }
0x5: {  	s30 =	simm.s32 $0x6;
	s31 =	simm.s32 $0x180;
	s6 =	sand.u32 $0x1, s3  }
0x6: {  	s5 =	smul.u32 $0x13880, s11;
	s3 =	simm.s32 $0x0;
	s4 =	sadd.s32 $0x2A00, s0  }
0x7: {  	s9 =	smul.u32 $0x4E200, s11;
	s10 =	sshll.u32 s11, $0x1;
	s24 =	sshll.u32 s11, $0x6  }
0x8: {  	p0 =	sgt.u32 s11, $0x1;
	s7 =	smul.u32 $0x138800, s6;
	[smem:$0x7FF] =	sst s3  }
0x9: {  	s8 =	ssub.s32 $0x2, s6;
	s10 =	sor.u32 s6, s10;
	s25 =	sshll.u32 s6, $0x5  }
0xa: {  	s6 =	simm.s32 $0x4;
	_ =	strace $0x8000004D;
	s18 =	sshrl.u32 s8, $0x1  }
0xb: {  	s19 =	sshrl.u32 s9, $0x2;
	s20 =	sshll.u32 s10, $0x5;
	[dreg:$0xd] =	wrdreg s24  }
0xc: {  	s17 =	sor.u32 $0xC0, s10;
	[dreg:$0x4] =	wrdreg s26;
	s26 =	simm.s32 $0x2  }
0xd: {  	s10 =	simm.s32 $0x0;
	s7 =	sadd.s32 s5, s7;
	s9 =	sadd.s32 s19, s2  }
0xe: {  	s5 =	sadd.s32 s5, s2;
	s19 =	simm.s32 $0x9;
	s12 =	sadd.s32 $0x3E80, s9  }
0xf: {  	s7 =	sshrl.u32 s7, $0x3;
	s21 =	sadd.s32 $0x7D00, s9;
	[dreg:$0x5] =	wrdreg s12  }
0x10: {  	s22 =	sadd.s32 $0xBB80, s9;
	s9 =	sadd.s32 $0xFA00, s9;
	[dreg:$0x6] =	wrdreg s21  }
0x11: {  	s0 =	sadd.s32 s7, s0;
	s7 =	ssub.s32 s8, s18;
	[dreg:$0x8] =	wrdreg s22  }
0x12: {  	s8 =	sadd.s32 s1, s20;
	[dreg:$0x9] =	wrdreg s9;
	s18 =	simm.s32 $0x8400  }
0x13: {  	s20 =	simm.s32 $0x100;
	s23 =	sadd.s32 $0x400, s8;
	[dreg:$0x7] =	wrdreg s8  }
0x14: {  	s21 =	simm.s32 $0x200;
	s8 =	sadd.s32 $0x800, s8;
	[dreg:$0xa] =	wrdreg s23  }
0x15: {  	s22 =	simm.s32 $0x1;
	s0 =	sadd.s32 $0x29C00, s0;
	[dreg:$0xb] =	wrdreg s8  }
0x16: {  	s9 =	simm.s32 $0x380;
	s7 =	smax.u32 s7, $0x1;
	[dreg:$0xc] =	wrdreg s0  }
0x17: {  	[dreg:$0xe] =	wrdreg s7;
	s0 =	sadd.s32 s24, s1;
	s23 =	simm.s32 $0x80  }
0x18: {  	s24 =	simm.s32 $0x400;
	s1 =	simm.s32 $0x3;
	s7 =	simm.s32 $0x8  }
0x19: {  	v0 =	vimm.f32 $0.0e+00;
	s16 =	sadd.s32 s25, s0;
	s25 =	simm.s32 $0x5;
	s0 =	simm.s32 $0x7  }
.LBB2_1:
0x1a: {  	s11 =	simm.s32 $0x0;
	s12 =	simm.s32 $0x200  }
.LBB2_2:
0x1b: {  	p1 =	sne.s32 s12, $0xF800;
	[tilespmem:s11+$0x8470] =	vst v0  }
0x1c: {  	[tilespmem:s11+$0x8400] =	vst v0  }
0x1d: {  	[tilespmem:s11+$0x8410] =	vst v0  }
.Ltmp0:
0x1e: {  	[tilespmem:s11+$0x8420] =	vst v0;
	(pc) =	sbr.rel @p1 .LBB2_2-.Ltmp0, $4  }
0x1f: {  	[tilespmem:s11+$0x8430] =	vst v0  }
0x20: {  	[tilespmem:s11+$0x8440] =	vst v0  }
0x21: {  	[tilespmem:s11+$0x8450] =	vst v0  }
0x22: {  	[tilespmem:s11+$0x8460] =	vst v0;
	s11 =	sshra.s32 s12, $0x2;
	s12 =	sadd.s32 $0x200, s12  }
0x23: {  	[tilespmem:s11+$0x8470] =	vst v0  }
0x24: {  	[tilespmem:s11+$0x8400] =	vst v0  }
0x25: {  	[tilespmem:s11+$0x8410] =	vst v0  }
0x26: {  	[tilespmem:s11+$0x8420] =	vst v0  }
0x27: {  	[tilespmem:s11+$0x8430] =	vst v0  }
0x28: {  	[tilespmem:s11+$0x8440] =	vst v0  }
0x29: {  	[tilespmem:s11+$0x8450] =	vst v0  }
0x2a: {  	[tilespmem:s11+$0x8460] =	vst v0  }
0x2b: {  	[spmem:s5] =	stream.linear.scatter [tilespmem:s18], [sflag:$0x9], $0x3E80, $0x38;
	[tilespmem:$0x1FB00] =	vst v63  }
0x2c: {  	_ =	swait.ge [sflag:s19], $0x3E80  }
0x2d: {  	[sflag:s19] =	ssyncset.done $0x0  }
0x2e: {  	s8 =	rddreg [dreg:$0x5];
	[sflag:s19] =	ssyncadd.s32 $0xFFFFC180  }
0x2f: {  	[spmem:s8] =	stream.linear.scatter [tilespmem:s18], [sflag:$0x9], $0x3E80, $0x38;
	[tilespmem:$0x1FB00] =	vst v63  }
0x30: {  	_ =	swait.ge [sflag:s19], $0x3E80  }
0x31: {  	[sflag:s19] =	ssyncset.done $0x0  }
0x32: {  	s14 =	rddreg [dreg:$0x6];
	[sflag:s19] =	ssyncadd.s32 $0xFFFFC180  }
0x33: {  	[spmem:s14] =	stream.linear.scatter [tilespmem:s18], [sflag:$0x9], $0x3E80, $0x38;
	[tilespmem:$0x1FB00] =	vst v63  }
0x34: {  	_ =	swait.ge [sflag:s19], $0x3E80  }
0x35: {  	[sflag:s19] =	ssyncset.done $0x0  }
0x36: {  	s15 =	rddreg [dreg:$0x8];
	[sflag:s19] =	ssyncadd.s32 $0xFFFFC180  }
0x37: {  	[spmem:s15] =	stream.linear.scatter [tilespmem:s18], [sflag:$0x9], $0x3E80, $0x38;
	[tilespmem:$0x1FB00] =	vst v63  }
0x38: {  	_ =	swait.ge [sflag:s19], $0x3E80  }
0x39: {  	[sflag:s19] =	ssyncset.done $0x0  }
0x3a: {  	s11 =	rddreg [dreg:$0x9];
	[sflag:s19] =	ssyncadd.s32 $0xFFFFC180  }
0x3b: {  	[spmem:s11] =	stream.linear.scatter [tilespmem:s18], [sflag:$0x9], $0x3E80, $0x38;
	[tilespmem:$0x1FB00] =	vst v63  }
0x3c: {  	_ =	swait.ge [sflag:s19], $0x3E80  }
0x3d: {  	[sflag:s19] =	ssyncset.done $0x0  }
0x3e: {  	[sflag:s19] =	ssyncadd.s32 $0xFFFFC180  }
0x3f: {  	[bflag:$0x0] =	sbarrier.arrive $0xFFFF  }
0x40: {  	s12 =	simm.s32 $0x0;
	s13 =	rddreg [dreg:$0x7]  }
0x41: {  	[tilespmem:s12], [sflag:$0x1] =	stream.linear.gather [hbm4b:s13+s12], $0x100, $0x38;
	[tilespmem:$0x1FB00] =	vst v63  }
0x42: {  	s14 =	rddreg [dreg:$0xa]  }
0x43: {  	[tilespmem:s20], [sflag:$0x2] =	stream.linear.gather [hbm4b:s14+s12], $0x100, $0x38;
	[tilespmem:$0x1FB00] =	vst v63  }
0x44: {  	s15 =	rddreg [dreg:$0xb]  }
0x45: {  	[tilespmem:s21], [sflag:$0x3] =	stream.linear.gather [hbm4b:s15+s12], $0x100, $0x38;
	[tilespmem:$0x1FB00] =	vst v63  }
0x46: {  	_ =	swait.ge [sflag:s22], $0x100  }
0x47: {  	[sflag:s22] =	ssyncset.done $0x0  }
0x48: {  	[sflag:s22] =	ssyncadd.s32 $0xFFFFFF00  }
0x49: {  	[tilespmem:s24], [sflag:$0x5] =	stream.indirect.gather [hbm4b:s4+s23], $0x80, s12, s23, $0xb8;
	[tilespmem:$0x1FB00] =	vst v63  }
0x4a: {  	_ =	swait.ge [sflag:s25], $0x4000  }
0x4b: {  	[sflag:s25] =	ssyncset.done $0x0  }
0x4c: {  	[sflag:s25] =	ssyncadd.s32 $0xFFFFC000  }
0x4d: {  	[spmem:s2] =	stream.indirect.scatter.add.f32 [tilespmem:s24], [sflag:$0x7], $0x80, s23, s23, $0xb8;
	[tilespmem:$0x1FB00] =	vst v63  }
0x4e: {  	_ =	swait.ge [sflag:s26], $0x100  }
0x4f: {  	p1 =	por $0x1, $0x1;
	[sflag:s26] =	ssyncset.done $0x0  }
0x50: {  	s11 =	simm.s32 @!p1 $0x8;
	[sflag:s26] =	ssyncadd.s32 $0xFFFFFF00  }
0x51: {  	_ =	swait.ge @!p1 [sflag:s11], $0x4000  }
0x52: {  	[sflag:s11] =	ssyncset.done @!p1 $0x0  }
0x53: {  	s12 =	sadd.s32 $0x0, s16;
	[sflag:s11] =	ssyncadd.s32 @!p1 $0xFFFFC000  }
0x54: {  	[tilespmem:s28], [sflag:$0x6] =	stream.indirect.gather [hbm4b:s4+s23], $0x80, s20, s23, $0xb8;
	[tilespmem:$0x1FB00] =	vst v63  }
0x55: {  	s8 =	sadd.s32 $0xC00, s12  }
0x56: {  	[tilespmem:s29], [sflag:$0x4] =	stream.linear.gather [hbm4b:s8+s3], $0x100, $0x38;
	[tilespmem:$0x1FB00] =	vst v63  }
0x57: {  	_ =	swait.ge [sflag:s30], $0x4000  }
0x58: {  	[sflag:s30] =	ssyncset.done $0x0  }
0x59: {  	[sflag:s30] =	ssyncadd.s32 $0xFFFFC000  }
0x5a: {  	[spmem:s2] =	stream.indirect.scatter.add.f32 [tilespmem:s28], [sflag:$0x8], $0x80, s31, s23, $0xb8;
	[tilespmem:$0x1FB00] =	vst v63  }
0x5b: {  	_ =	swait.ge [sflag:s1], $0x100  }
0x5c: {  	[sflag:s1] =	ssyncset.done $0x0  }
0x5d: {  	[sflag:s1] =	ssyncadd.s32 $0xFFFFFF00  }
0x5e: {  	_ =	swait.ge [sflag:s0], $0x4000  }
0x5f: {  	[sflag:s0] =	ssyncset.done $0x0  }
0x60: {  	[sflag:s0] =	ssyncadd.s32 $0xFFFFC000  }
0x61: {  	[tilespmem:s24], [sflag:$0x5] =	stream.indirect.gather [hbm4b:s4+s23], $0x80, s21, s23, $0xb8;
	[tilespmem:$0x1FB00] =	vst v63  }
0x62: {  	s13 =	sadd.s32 $0x1000, s12  }
0x63: {  	[tilespmem:s3], [sflag:$0x1] =	stream.linear.gather [hbm4b:s13+s3], $0x100, $0x38;
	[tilespmem:$0x1FB00] =	vst v63  }
0x64: {  	_ =	swait.ge [sflag:s25], $0x4000  }
0x65: {  	[sflag:s25] =	ssyncset.done $0x0  }
0x66: {  	s14 =	rddreg [dreg:$0x4];
	[sflag:s25] =	ssyncadd.s32 $0xFFFFC000  }
0x67: {  	[spmem:s2] =	stream.indirect.scatter.add.f32 [tilespmem:s24], [sflag:$0x7], $0x80, s14, s23, $0xb8;
	[tilespmem:$0x1FB00] =	vst v63  }
0x68: {  	_ =	swait.ge [sflag:s6], $0x100  }
0x69: {  	[sflag:s6] =	ssyncset.done $0x0  }
0x6a: {  	[sflag:s6] =	ssyncadd.s32 $0xFFFFFF00  }
0x6b: {  	_ =	swait.ge [sflag:s7], $0x4000  }
0x6c: {  	[sflag:s7] =	ssyncset.done $0x0  }
0x6d: {  	[sflag:s7] =	ssyncadd.s32 $0xFFFFC000  }
0x6e: {  	[tilespmem:s28], [sflag:$0x6] =	stream.indirect.gather [hbm4b:s4+s23], $0x80, s29, s23, $0xb8;
	[tilespmem:$0x1FB00] =	vst v63  }
0x6f: {  	s15 =	sadd.s32 $0x1400, s12  }
0x70: {  	[tilespmem:s20], [sflag:$0x2] =	stream.linear.gather [hbm4b:s15+s3], $0x100, $0x38;
	[tilespmem:$0x1FB00] =	vst v63  }
0x71: {  	_ =	swait.ge [sflag:s30], $0x4000  }
0x72: {  	[sflag:s30] =	ssyncset.done $0x0  }
0x73: {  	[sflag:s30] =	ssyncadd.s32 $0xFFFFC000  }
0x74: {  	[spmem:s2] =	stream.indirect.scatter.add.f32 [tilespmem:s28], [sflag:$0x8], $0x80, s9, s23, $0xb8;
	[tilespmem:$0x1FB00] =	vst v63  }
0x75: {  	_ =	swait.ge [sflag:s22], $0x100  }
0x76: {  	[sflag:s22] =	ssyncset.done $0x0  }
0x77: {  	[sflag:s22] =	ssyncadd.s32 $0xFFFFFF00  }
0x78: {  	p2 =	sgt.u32 s17, $0x9C3;
	_ =	swait.ge [sflag:s0], $0x4000  }
0x79: {  	s12 =	sadd.s32 $0x80, s17;
	s11 =	simm.s32 $0x1000;
	[sflag:s0] =	ssyncset.done $0x0  }
0x7a: {  	s13 =	sadd.s32 @!p2 $0x0, s16;
	s15 =	simm.s32 @!p2 $0x200;
	[sflag:s0] =	ssyncadd.s32 $0xFFFFC000  }
0x7b: {  	[tilespmem:s24], [sflag:$0x5] =	stream.indirect.gather [hbm4b:s4+s23], $0x80, s3, s23, $0xb8;
	[tilespmem:$0x1FB00] =	vst v63  }
.LBB2_4:
0x7c: {  	s14 =	sadd.s32 @!p2 $0x1800, s13;
	s8 =	simm.s32 @!p2 $0x0  }
0x7d: {  	[tilespmem:s15], [sflag:$0x3] =	stream.linear.gather @!p2 [hbm4b:s14+s8], $0x100, $0x38;
	[tilespmem:$0x1FB00] =	vst v63  }
0x7e: {  	_ =	swait.ge [sflag:s25], $0x4000  }
0x7f: {  	[sflag:s25] =	ssyncset.done $0x0  }
0x80: {  	[sflag:s25] =	ssyncadd.s32 $0xFFFFC000  }
0x81: {  	[spmem:s2] =	stream.indirect.scatter.add.f32 [tilespmem:s24], [sflag:$0x7], $0x80, s23, s23, $0xb8;
	[tilespmem:$0x1FB00] =	vst v63  }
0x82: {  	s13 =	smov.u32 s11;
	_ =	swait.ge [sflag:s26], $0x100  }
0x83: {  	p2 =	seq.s32 s13, $0x0;
	[sflag:s26] =	ssyncset.done $0x0  }
0x84: {  	s8 =	simm.s32 @!p2 $0x8;
	[sflag:s26] =	ssyncadd.s32 $0xFFFFFF00  }
0x85: {  	_ =	swait.ge @!p2 [sflag:s8], $0x4000  }
0x86: {  	[sflag:s8] =	ssyncset.done @!p2 $0x0  }
0x87: {  	s14 =	sadd.s32 s13, s16;
	[sflag:s8] =	ssyncadd.s32 @!p2 $0xFFFFC000  }
0x88: {  	[tilespmem:s28], [sflag:$0x6] =	stream.indirect.gather [hbm4b:s4+s23], $0x80, s20, s23, $0xb8;
	[tilespmem:$0x1FB00] =	vst v63  }
0x89: {  	s15 =	sadd.s32 $0xC00, s14  }
0x8a: {  	[tilespmem:s29], [sflag:$0x4] =	stream.linear.gather [hbm4b:s15+s3], $0x100, $0x38;
	[tilespmem:$0x1FB00] =	vst v63  }
0x8b: {  	_ =	swait.ge [sflag:s30], $0x4000  }
0x8c: {  	[sflag:s30] =	ssyncset.done $0x0  }
0x8d: {  	[sflag:s30] =	ssyncadd.s32 $0xFFFFC000  }
0x8e: {  	[spmem:s2] =	stream.indirect.scatter.add.f32 [tilespmem:s28], [sflag:$0x8], $0x80, s31, s23, $0xb8;
	[tilespmem:$0x1FB00] =	vst v63  }
0x8f: {  	_ =	swait.ge [sflag:s1], $0x100  }
0x90: {  	[sflag:s1] =	ssyncset.done $0x0  }
0x91: {  	[sflag:s1] =	ssyncadd.s32 $0xFFFFFF00  }
0x92: {  	_ =	swait.ge [sflag:s0], $0x4000  }
0x93: {  	[sflag:s0] =	ssyncset.done $0x0  }
0x94: {  	[sflag:s0] =	ssyncadd.s32 $0xFFFFC000  }
0x95: {  	[tilespmem:s24], [sflag:$0x5] =	stream.indirect.gather [hbm4b:s4+s23], $0x80, s21, s23, $0xb8;
	[tilespmem:$0x1FB00] =	vst v63  }
0x96: {  	s15 =	sadd.s32 $0x1000, s14  }
0x97: {  	[tilespmem:s3], [sflag:$0x1] =	stream.linear.gather [hbm4b:s15+s3], $0x100, $0x38;
	[tilespmem:$0x1FB00] =	vst v63  }
0x98: {  	_ =	swait.ge [sflag:s25], $0x4000  }
0x99: {  	[sflag:s25] =	ssyncset.done $0x0  }
0x9a: {  	s15 =	rddreg [dreg:$0x4];
	[sflag:s25] =	ssyncadd.s32 $0xFFFFC000  }
0x9b: {  	[spmem:s2] =	stream.indirect.scatter.add.f32 [tilespmem:s24], [sflag:$0x7], $0x80, s15, s23, $0xb8;
	[tilespmem:$0x1FB00] =	vst v63  }
0x9c: {  	_ =	swait.ge [sflag:s6], $0x100  }
0x9d: {  	[sflag:s6] =	ssyncset.done $0x0  }
0x9e: {  	[sflag:s6] =	ssyncadd.s32 $0xFFFFFF00  }
0x9f: {  	_ =	swait.ge [sflag:s7], $0x4000  }
0xa0: {  	[sflag:s7] =	ssyncset.done $0x0  }
0xa1: {  	[sflag:s7] =	ssyncadd.s32 $0xFFFFC000  }
0xa2: {  	[tilespmem:s28], [sflag:$0x6] =	stream.indirect.gather [hbm4b:s4+s23], $0x80, s29, s23, $0xb8;
	[tilespmem:$0x1FB00] =	vst v63  }
0xa3: {  	s15 =	sadd.s32 $0x1400, s14  }
0xa4: {  	[tilespmem:s20], [sflag:$0x2] =	stream.linear.gather [hbm4b:s15+s3], $0x100, $0x38;
	[tilespmem:$0x1FB00] =	vst v63  }
0xa5: {  	_ =	swait.ge [sflag:s30], $0x4000  }
0xa6: {  	[sflag:s30] =	ssyncset.done $0x0  }
0xa7: {  	[sflag:s30] =	ssyncadd.s32 $0xFFFFC000  }
0xa8: {  	[spmem:s2] =	stream.indirect.scatter.add.f32 [tilespmem:s28], [sflag:$0x8], $0x80, s9, s23, $0xb8;
	[tilespmem:$0x1FB00] =	vst v63  }
0xa9: {  	s11 =	sadd.s32 $0x1000, s11;
	_ =	swait.ge [sflag:s22], $0x100  }
0xaa: {  	p1 =	sne.s32 s11, $0x13000;
	[sflag:s22] =	ssyncset.done $0x0  }
.Ltmp1:
0xab: {  	[sflag:s22] =	ssyncadd.s32 $0xFFFFFF00;
	(pc) =	sbr.rel @p1 .LBB2_4-.Ltmp1, $4  }
0xac: {  	_ =	swait.ge [sflag:s0], $0x4000  }
0xad: {  	p2 =	sgt.u32 s12, $0x9C3;
	s12 =	sadd.s32 $0x80, s12;
	[sflag:s0] =	ssyncset.done $0x0  }
0xae: {  	s13 =	sadd.s32 @!p2 s13, s16;
	s15 =	simm.s32 @!p2 $0x200;
	[sflag:s0] =	ssyncadd.s32 $0xFFFFC000  }
0xaf: {  	[tilespmem:s24], [sflag:$0x5] =	stream.indirect.gather [hbm4b:s4+s23], $0x80, s3, s23, $0xb8;
	[tilespmem:$0x1FB00] =	vst v63  }
0xb0: {  	s8 =	sadd.s32 @!p2 $0x1800, s13;
	s11 =	simm.s32 @!p2 $0x0  }
0xb1: {  	[tilespmem:s15], [sflag:$0x3] =	stream.linear.gather @!p2 [hbm4b:s8+s11], $0x100, $0x38;
	[tilespmem:$0x1FB00] =	vst v63  }
0xb2: {  	_ =	swait.ge [sflag:s25], $0x4000  }
0xb3: {  	[sflag:s25] =	ssyncset.done $0x0  }
0xb4: {  	[sflag:s25] =	ssyncadd.s32 $0xFFFFC000  }
0xb5: {  	[spmem:s2] =	stream.indirect.scatter.add.f32 [tilespmem:s24], [sflag:$0x7], $0x80, s23, s23, $0xb8;
	[tilespmem:$0x1FB00] =	vst v63  }
0xb6: {  	_ =	swait.ge [sflag:s26], $0x100  }
0xb7: {  	[sflag:s26] =	ssyncset.done $0x0  }
0xb8: {  	[sflag:s26] =	ssyncadd.s32 $0xFFFFFF00  }
0xb9: {  	_ =	swait.ge [sflag:s7], $0x4000  }
0xba: {  	[sflag:s7] =	ssyncset.done $0x0  }
0xbb: {  	[sflag:s7] =	ssyncadd.s32 $0xFFFFC000  }
0xbc: {  	[tilespmem:s28], [sflag:$0x6] =	stream.indirect.gather [hbm4b:s4+s23], $0x80, s20, s23, $0xb8;
	[tilespmem:$0x1FB00] =	vst v63  }
0xbd: {  	_ =	swait.ge [sflag:s30], $0x4000  }
0xbe: {  	[sflag:s30] =	ssyncset.done $0x0  }
0xbf: {  	s8 =	simm.s32 @!p0 $0x3;
	[sflag:s30] =	ssyncadd.s32 $0xFFFFC000  }
0xc0: {  	[spmem:s2] =	stream.indirect.scatter.add.f32 [tilespmem:s28], [sflag:$0x8], $0x80, s31, s23, $0xb8;
	[tilespmem:$0x1FB00] =	vst v63  }
0xc1: {  	_ =	swait.ge @!p0 [sflag:s8], $0x100  }
0xc2: {  	[sflag:s8] =	ssyncset.done @!p0 $0x0  }
0xc3: {  	[sflag:s8] =	ssyncadd.s32 @!p0 $0xFFFFFF00;
	s8 =	simm.s32 @!p0 $0x7  }
0xc4: {  	_ =	swait.ge @!p0 [sflag:s8], $0x4000  }
0xc5: {  	s12 =	simm.s32 @!p0 $0x200;
	[sflag:s8] =	ssyncset.done @!p0 $0x0  }
0xc6: {  	s13 =	simm.s32 @!p0 $0x400;
	s11 =	simm.s32 @!p0 $0x80;
	[sflag:s8] =	ssyncadd.s32 @!p0 $0xFFFFC000  }
0xc7: {  	[tilespmem:s13], [sflag:$0x5] =	stream.indirect.gather @!p0 [hbm4b:s4+s11], $0x80, s12, s11, $0xb8;
	[tilespmem:$0x1FB00] =	vst v63  }
0xc8: {  	s12 =	simm.s32 @!p0 $0x5  }
0xc9: {  	_ =	swait.ge @!p0 [sflag:s12], $0x4000  }
0xca: {  	[sflag:s12] =	ssyncset.done @!p0 $0x0  }
0xcb: {  	[sflag:s12] =	ssyncadd.s32 @!p0 $0xFFFFC000;
	s12 =	simm.s32 @!p0 $0x280  }
0xcc: {  	[spmem:s2] =	stream.indirect.scatter.add.f32 @!p0 [tilespmem:s13], [sflag:$0x7], $0x80, s12, s11, $0xb8;
	[tilespmem:$0x1FB00] =	vst v63  }
0xcd: {  	s11 =	simm.s32 @!p0 $0x8  }
0xce: {  	s11 =	simm.s32 @p0 $0x7  }
0xcf: {  	_ =	swait.ge [sflag:s11], $0x4000  }
0xd0: {  	[sflag:s11] =	ssyncset.done $0x0  }
0xd1: {  	s8 =	simm.s32 @p0 $0x8;
	[sflag:s11] =	ssyncadd.s32 $0xFFFFC000  }
0xd2: {  	_ =	swait.ge [sflag:s8], $0x4000  }
0xd3: {  	[sflag:s8] =	ssyncset.done $0x0  }
0xd4: {  	[sflag:s8] =	ssyncadd.s32 $0xFFFFC000  }
0xd5: {  	[bflag:$0x0] =	sbarrier.arrive $0xFFFF  }
0xd6: {  	s12 =	rddreg [dreg:$0xd]  }
0xd7: {  	s13 =	sshrl.u32 s5, $0x3;
	s14 =	rddreg [dreg:$0xc];
	s8 =	sor.u32 $0x1C09, s12  }
0xd8: {  	[hbm:s14], [sflag:s8] =	dma.local [spmem:s13], $0x2710  }
0xd9: {  	_ =	swait.ge [sflag:s19], $0x2710  }
0xda: {  	s10 =	sadd.s32 $0x1, s10;
	s15 =	rddreg [dreg:$0xe]  }
0xdb: {  	p1 =	sne.s32 s10, s15  }
.Ltmp2:
0xdc: {  	_ = 	snop;
	(pc) =	sbr.rel @p1 .LBB2_1-.Ltmp2, $3  }
0xdd: {  	_ =	sdelay $0x1  }
0xde: {  	[sflag:s19] =	ssyncset.done $0x0  }
0xdf: {  	[sflag:s19] =	ssyncadd.s32 $0xFFFFD8F0  }
0xe0: {  	_ =	sfence.sel $0x180000  }
0xe1: {  	[bflag:$0x0] =	sbarrier.arrive $0xFFFF  }
0xe2: {  	_ =	strace $0x9000004D  }
0xe3: {  	s0 =	stileid.u32;
	[bflag:$0x2] =	sbarrier.arrive $0xFFFF  }
0xe4: {  	p0 =	sne.s32 s0, $0x0;
	s0 =	rddreg [dreg:$0x3]  }
0xe5: {  	s0 =	sadd.s32 @!p0 $0x100000, s0  }
0xe6: {  	[sflag:s0] =	ssyncadd.tile.s32 @!p0 $0x1;
	_ =	shalt  }
.Lfunc_end2:
_tile_overlayer_lowered:
.L_overlay_start_2:
0xe7: {  	(tag) =	ssettag $0x2  }
0xe8: {  	s0 =	rddreg [dreg:$0x0];
	s2 =	stileid.u32  }
0xe9: {  	s1 =	rddreg [dreg:$0x1];
	p0 =	sne.s32 s2, $0x0  }
0xea: {  	s3 =	rddreg [dreg:$0x2];
	[bflag:$0x3] =	sbarrier.arrive $0xFFFF;
	s2 =	simm.s32 @!p0 $0x1C09  }
0xeb: {  	[timem:s3], [sflag:s2] =	dma.local @!p0 [hbm:s0], s1  }
0xec: {  	s0 =	simm.s32 @!p0 $0x9  }
0xed: {  	_ =	swait.ge @!p0 [sflag:s0], s1  }
0xee: {  	s1 =	ssub.s32 @!p0 $0x0, s1;
	[sflag:s0] =	ssyncset.done @!p0 $0x0  }
0xef: {  	[sflag:s0] =	ssyncadd.s32 @!p0 s1  }
0xf0: {  	[bflag:$0x3] =	sbarrier.arrive $0xFFFF  }
0xf1: {  	_ =	shalt  }

// kernel: kernel.19.cloned.1.call-start
scs
__scs_entry_jumppad:
0x0: {  	(pc) =	sbr.rel $0x88, $3  }
0x1: {  	(tag) =	ssettag $0x0;
	lr =	simm.s32 $0x1  }
0x2: {  	[smem:$0x3F99] =	sst lr;
	_ =	strace $0xD0000000  }
0x3: {  	_ = 	snop  }
0x4: {  	_ = 	snop  }
0x5: {  	_ = 	snop  }
0x6: {  	_ = 	snop  }
0x7: {  	_ = 	snop  }
__scs_overlays_trampoline_lowered:
0x8: {  	[smem:$0x3FA8] =	sst s0  }
0x9: {  	[smem:$0x3FA9] =	sst s1  }
0xa: {  	[smem:$0x3FAA] =	sst s2  }
0xb: {  	[smem:$0x3FAB] =	sst s3  }
0xc: {  	[smem:$0x3FAC] =	sst s4  }
0xd: {  	[smem:$0x3FAD] =	sst s5  }
0xe: {  	[smem:$0x3FAE] =	sst s6  }
0xf: {  	[smem:$0x3FAF] =	sst s7  }
0x10: {  	[smem:$0x3FB0] =	sst s8  }
0x11: {  	[smem:$0x3FB1] =	sst s9;
	s0 =	simm.s32 @!p0 $0x0  }
0x12: {  	s1 =	sld [smem:$0x3F97];
	s0 =	simm.s32 @p0 $0x1  }
0x13: {  	[smem:$0x3FB2] =	sst s0;
	s0 =	simm.s32 @!p1 $0x0  }
0x14: {  	s2 =	sld [smem:$0x3F96];
	s0 =	simm.s32 @p1 $0x1  }
0x15: {  	[smem:$0x3FB3] =	sst s0;
	s0 =	simm.s32 @!p2 $0x0  }
0x16: {  	s3 =	sld [smem:$0x3FDB];
	s0 =	simm.s32 @p2 $0x1  }
0x17: {  	s4 =	simm.s32 $0x1BF5;
	[smem:$0x3FB5] =	sst s0  }
0x18: {  	s0 =	sld [smem:$0x3F98];
	_ =	swait.ge [sflag:s4], $0x0  }
0x19: {  	s7 =	sld [smem:$0x3F99]  }
0x1a: {  	s8 =	sadd.s32 $0xFFFFE003, lr  }
0x1b: {  	s9 =	sadd.s32 $0xFFFFFEF7, lr;
	s5 =	simm.s32 $0xFFFFFFFF;
	p2 =	slt.u32 s8, $0xFFFFF086  }
0x1c: {  	p1 =	slt.u32 s9, $0xF7A;
	s5 =	simm.s32 @!p2 $0x0  }
0x1d: {  	s5 =	simm.s32 @p1 $0x1;
	p0 =	seq.s32 s7, s2  }
0x1e: {  	s7 =	smul.u32 @!p0 $0xF7A, s2;
	p2 =	seq.s32 @!p0 s5, $0x0  }
0x1f: {  	s9 =	smul.u32 $0xF7A, s1;
	s8 =	simm.s32 @!p0 $0x1BF5;
	p2 =	por !p2, p0  }
0x20: {  	[sflag:s8] =	ssyncset.s32 @!p0 $0xFFFFF086;
	s6 =	sadd.s32 @!p0 s3, s7;
	s7 =	simm.s32 @!p0 $0x108  }
0x21: {  	s3 =	sadd.s32 s3, s9;
	s6 =	sadd.s32 @!p0 $0x88, s6;
	s7 =	simm.s32 @p2 $0x1082  }
0x22: {  	[simem:s7], [sflag:s8] =	dma.local @!p0 [hbm:s6], $0xF7A  }
0x23: {  	s9 =	sor.u32 $0xD0000000, s2;
	s6 =	simm.s32 $0x108;
	_ =	swait.ge @!p0 [sflag:s8], $0x0  }
0x24: {  	s3 =	sadd.s32 $0x88, s3;
	s6 =	simm.s32 @!p1 $0x1082;
	[sflag:s4] =	ssyncset.s32 $0xFFFFF086  }
0x25: {  	[simem:s6], [sflag:s4] =	dma.local [hbm:s3], $0xF7A  }
0x26: {  	[smem:$0x3F99] =	sst s1;
	(tag) =	ssettag s2;
	_ =	strace s9  }
0x27: {  	s1 =	sld [smem:$0x3FA9]  }
0x28: {  	s2 =	sld [smem:$0x3FAA]  }
0x29: {  	s4 =	sld [smem:$0x3FAC]  }
0x2a: {  	p0 =	seq.s32 s5, $0x0;
	s5 =	sld [smem:$0x3FAD]  }
0x2b: {  	s6 =	sld [smem:$0x3FAE]  }
0x2c: {  	s7 =	sld [smem:$0x3FAF]  }
0x2d: {  	s3 =	simm.s32 $0x108;
	s8 =	sld [smem:$0x3FB0]  }
0x2e: {  	s3 =	simm.s32 @!p0 $0x1082;
	s9 =	sld [smem:$0x3FB1]  }
0x2f: {  	lr =	sadd.s32 s0, s3;
	s0 =	sld [smem:$0x3FA8]  }
0x30: {  	s3 =	sld [smem:$0x3FAB]  }
0x31: {  	[smem:$0x3FB4] =	sst s10  }
0x32: {  	s10 =	sld [smem:$0x3FB2];
	_ =	sdelay $0x3  }
0x33: {  	p0 =	seq.s32 s10, $0x1;
	s10 =	sld [smem:$0x3FB4];
	_ =	sdelay $0x3  }
0x34: {  	[smem:$0x3FB4] =	sst s10  }
0x35: {  	s10 =	sld [smem:$0x3FB3];
	_ =	sdelay $0x3  }
0x36: {  	p1 =	seq.s32 s10, $0x1;
	s10 =	sld [smem:$0x3FB4];
	_ =	sdelay $0x3  }
0x37: {  	[smem:$0x3FB4] =	sst s10  }
0x38: {  	s10 =	sld [smem:$0x3FB5]  }
0x39: {  	_ = 	snop;
	(pc) =	sbr.ind lr, $3  }
0x3a: {  	_ = 	snop  }
0x3b: {  	_ = 	snop  }
0x3c: {  	p2 =	seq.s32 s10, $0x1;
	s10 =	sld [smem:$0x3FB4]  }
0x3d: {  	_ =	shalt  }
0x3e: {  	_ =	shalt  }
0x3f: {  	_ =	shalt  }
0x40: {  	_ =	shalt  }
0x41: {  	_ =	shalt  }
0x42: {  	_ =	shalt  }
0x43: {  	_ =	shalt  }
0x44: {  	_ =	shalt  }
0x45: {  	_ =	shalt  }
0x46: {  	_ =	shalt  }
0x47: {  	_ =	shalt  }
0x48: {  	_ =	shalt  }
0x49: {  	_ =	shalt  }
0x4a: {  	_ =	shalt  }
0x4b: {  	_ =	shalt  }
0x4c: {  	_ =	shalt  }
0x4d: {  	_ =	shalt  }
0x4e: {  	_ =	shalt  }
0x4f: {  	_ =	shalt  }
0x50: {  	_ =	shalt  }
0x51: {  	_ =	shalt  }
0x52: {  	_ =	shalt  }
0x53: {  	_ =	shalt  }
0x54: {  	_ =	shalt  }
0x55: {  	_ =	shalt  }
0x56: {  	_ =	shalt  }
0x57: {  	_ =	shalt  }
0x58: {  	_ =	shalt  }
0x59: {  	_ =	shalt  }
0x5a: {  	_ =	shalt  }
0x5b: {  	_ =	shalt  }
0x5c: {  	_ =	shalt  }
0x5d: {  	_ =	shalt  }
0x5e: {  	_ =	shalt  }
0x5f: {  	_ =	shalt  }
0x60: {  	_ =	shalt  }
0x61: {  	_ =	shalt  }
0x62: {  	_ =	shalt  }
0x63: {  	_ =	shalt  }
0x64: {  	_ =	shalt  }
0x65: {  	_ =	shalt  }
0x66: {  	_ =	shalt  }
0x67: {  	_ =	shalt  }
0x68: {  	_ =	shalt  }
0x69: {  	_ =	shalt  }
0x6a: {  	_ =	shalt  }
0x6b: {  	_ =	shalt  }
0x6c: {  	_ =	shalt  }
0x6d: {  	_ =	shalt  }
0x6e: {  	_ =	shalt  }
0x6f: {  	_ =	shalt  }
0x70: {  	_ =	shalt  }
0x71: {  	_ =	shalt  }
0x72: {  	_ =	shalt  }
0x73: {  	_ =	shalt  }
0x74: {  	_ =	shalt  }
0x75: {  	_ =	shalt  }
0x76: {  	_ =	shalt  }
0x77: {  	_ =	shalt  }
0x78: {  	_ =	shalt  }
0x79: {  	_ =	shalt  }
0x7a: {  	_ =	shalt  }
0x7b: {  	_ =	shalt  }
0x7c: {  	_ =	shalt  }
0x7d: {  	_ =	shalt  }
0x7e: {  	_ =	shalt  }
0x7f: {  	_ =	shalt  }
0x80: {  	_ =	shalt  }
0x81: {  	_ =	shalt  }
0x82: {  	_ =	shalt  }
0x83: {  	_ =	shalt  }
0x84: {  	_ =	shalt  }
0x85: {  	_ =	shalt  }
0x86: {  	_ =	shalt  }
0x87: {  	_ =	shalt  }
.Lfunc_end0:
.L_simem_size_0:
called_computation.3_lowered:
.L_overlay_start_0:
0x88: {  	s2 =	sld [smem:$0x3FD9]  }
0x89: {  	s3 =	sld [smem:$0x3FFE];
	_ =	sdelay $0x1  }
0x8a: {  	s1 =	srdreg.scid  }
0x8b: {  	s0 =	sand.u32 $0x1, s1  }
0x8c: {  	s17 =	sshll.u32 s0, $0xA;
	s2 =	sadd.s32 s3, s2  }
0x8d: {  	s2 =	sadd.s32 s2, s17  }
0x8e: {  	[smem:$0x3FC0] =	sst s2  }
0x8f: {  	_ = 	snop  }
0x90: {  	s2 =	sld [smem:$0x3FC8]  }
0x91: {  	s18 =	sld [smem:$0x3FD0];
	(tm) =	ssettm $0x1  }
0x92: {  	s4 =	sld [smem:$0x3FFB];
	_ =	sdelay $0x3  }
0x93: {  	_ =	strace s4  }
0x94: {  	s4 =	sld [smem:$0x3FFC];
	_ =	sdelay $0x3  }
0x95: {  	_ =	strace s4  }
0x96: {  	s4 =	sld [smem:$0x3FFD];
	_ =	sdelay $0x3  }
0x97: {  	_ =	strace s4  }
0x98: {  	_ =	strace $0x8FFFFFFF  }
0x99: {  	s19 =	sld [smem:$0x3FDB];
	_ =	sdelay $0x1  }
0x9a: {  	s5 =	simm.s32 $_scs_section_size  }
0x9b: {  	s6 =	simm.s32 $_size__tile_overlayer_lowered;
	s7 =	simm.s32 $_tile_overlayer_lowered  }
0x9c: {  	s22 =	simm.s32 $0x1BFF;
	s21 =	sshll.u32 s7, $0x1;
	s4 =	sadd.s32 s5, s19  }
0x9d: {  	s8 =	simm.s32 $0x0;
	s20 =	sshll.u32 s6, $0x1;
	s6 =	sadd.s32 s21, s4  }
0x9e: {  	[timem:s8], [sflag:s22] =	dma.local [hbm:s6], s20  }
0x9f: {  	_ =	swait.ge [sflag:s22], s20  }
0xa0: {  	s5 =	ssub.s32 $0x0, s20;
	[sflag:s22] =	ssyncset.done $0x0  }
0xa1: {  	[sflag:s22] =	ssyncadd.s32 s5;
	_ =	sdelay $0x1  }
0xa2: {  	s23 =	simm.s32 $0x1B8B  }
0xa3: {  	_ =	swait.ge [sflag:s23], $0x1  }
0xa4: {  	[sflag:s23] =	ssyncset.done $0x0  }
0xa5: {  	s25 =	simm.s32 $0x1B8E;
	s24 =	sld [smem:$0x3FFE];
	[sflag:s23] =	ssyncadd.s32 $0xFFFFFFFF  }
0xa6: {  	s26 =	simm.s32 $execute0_lowered;
	[smem:$0x3FD2] =	sst s25  }
0xa7: {  	s6 =	sshll.u32 s26, $0x1;
	_ =	strace $0x8000004F;
	[dreg:$0x1] =	wrdreg $0xFFFFFFFF  }
0xa8: {  	s28 =	simm.s32 $_size_execute0_lowered;
	s4 =	sadd.s32 s4, s6;
	[dreg:$0x0] =	wrdreg $0x0  }
0xa9: {  	s6 =	sshll.u32 s28, $0x1;
	[dreg:$0x2] =	wrdreg s4  }
0xaa: {  	[dreg:$0x3] =	wrdreg s6  }
0xab: {  	[dreg:$0x4] =	wrdreg $0xC0  }
0xac: {  	_ =	task [dreg:s8], $0x5FFFF  }
0xad: {  	[dreg:$0x1] =	wrdreg $0xFFFFFFFF  }
0xae: {  	[dreg:$0x0] =	wrdreg $0x60  }
0xaf: {  	[dreg:$0x2] =	wrdreg s18  }
0xb0: {  	[dreg:$0x3] =	wrdreg s2  }
0xb1: {  	[dreg:$0x4] =	wrdreg s24  }
0xb2: {  	[dreg:$0x5] =	wrdreg $0x63400  }
0xb3: {  	[dreg:$0x6] =	wrdreg $0x9  }
0xb4: {  	_ =	task.clear_ibuf [dreg:s8], $0x7FFFF;
	_ =	strace $0x9000004F  }
0xb5: {  	s29 =	simm.s32 $0x9;
	_ =	strace $0x80000051  }
0xb6: {  	_ =	swait.ge [sflag:s29], $0x1  }
0xb7: {  	[sflag:s29] =	ssyncadd.s32 $0xFFFFFFFF  }
0xb8: {  	_ =	strace $0x90000051  }
0xb9: {  	_ =	sfence  }
0xba: {  	s30 =	sld [smem:$0x0];
	_ =	sdelay $0x2  }
0xbb: {  	s31 =	sshll.u32 s1, $0xD;
	s1 =	sshrl.u32 s1, $0x2  }
0xbc: {  	s3 =	sand.u32 $0x4000, s31;
	s1 =	sadd.s32 s1, s30  }
0xbd: {  	s0 =	sor.u32 s3, s0;
	s1 =	sshll.u32 s1, $0x11  }
0xbe: {  	s0 =	sor.u32 s1, s0  }
0xbf: {  	s0 =	sadd.s32 $0x8F2B, s0  }
0xc0: {  	[sflag:s0] =	ssyncadd.remote.s32 $0x1  }
0xc1: {  	_ =	sfence.sel $0xFFFF  }
0xc2: {  	[dreg:$0x0] =	wrdreg $0xFFFFFFFF;
	(pc) =	sbr.abs _section_cstart, $3  }
0xc3: {  	[dreg:$0x1] =	wrdreg $0xFFFFFFFF  }
0xc4: {  	_ =	task.clear_ibuf [dreg:s8], $0x2FFFF;
	_ =	strace $0x9FFFFFFF  }
0xc5: {  	(tm) =	ssettm $0x7FFFFFFF  }
tec
execute0_lowered:
.L_overlay_start_1:
0x0: {  	(tag) =	ssettag $0x1  }
0x1: {  	s1 =	rddreg [dreg:$0x0]  }
0x2: {  	s0 =	rddreg [dreg:$0x1]  }
0x3: {  	s2 =	rddreg [dreg:$0x2]  }
0x4: {  	s4 =	srdreg.scid;
	s11 =	stileid.u32  }
0x5: {  	s3 =	rddreg [dreg:$0x3];
	s26 =	simm.s32 $0x280;
	s28 =	simm.s32 $0x2400  }
0x6: {  	s29 =	simm.s32 $0x300;
	s30 =	simm.s32 $0x6;
	s31 =	simm.s32 $0x180  }
0x7: {  	s6 =	sand.u32 $0x1, s4;
	s5 =	smul.u32 $0x9C40, s11;
	s4 =	simm.s32 $0x0  }
0x8: {  	s9 =	smul.u32 $0x27100, s11;
	s10 =	sshll.u32 s11, $0x1;
	s24 =	sshll.u32 s11, $0x6  }
0x9: {  	p0 =	sgt.u32 s11, $0x1;
	s7 =	smul.u32 $0x9C400, s6;
	[smem:$0x7FF] =	sst s4  }
0xa: {  	s8 =	ssub.s32 $0x2, s6;
	s10 =	sor.u32 s6, s10;
	s25 =	sshll.u32 s6, $0x5  }
0xb: {  	s6 =	simm.s32 $0x4;
	_ =	strace $0x80000050;
	s18 =	sshrl.u32 s8, $0x1  }
0xc: {  	s19 =	sshrl.u32 s9, $0x2;
	s20 =	sshll.u32 s10, $0x5;
	[dreg:$0xe] =	wrdreg s24  }
0xd: {  	s17 =	sor.u32 $0xC0, s10;
	[dreg:$0x5] =	wrdreg s26;
	s26 =	simm.s32 $0x2  }
0xe: {  	s10 =	simm.s32 $0x0;
	s7 =	sadd.s32 s5, s7;
	s9 =	sadd.s32 s19, s3  }
0xf: {  	s5 =	sadd.s32 s5, s3;
	s19 =	simm.s32 $0x9;
	s12 =	sadd.s32 $0x1F40, s9  }
0x10: {  	s7 =	sshrl.u32 s7, $0x3;
	s21 =	sadd.s32 $0x3E80, s9;
	[dreg:$0x6] =	wrdreg s12  }
0x11: {  	s22 =	sadd.s32 $0x5DC0, s9;
	s9 =	sadd.s32 $0x7D00, s9;
	[dreg:$0x7] =	wrdreg s21  }
0x12: {  	s2 =	sadd.s32 s7, s2;
	s7 =	ssub.s32 s8, s18;
	[dreg:$0x9] =	wrdreg s22  }
0x13: {  	s8 =	sadd.s32 s0, s20;
	[dreg:$0xa] =	wrdreg s9;
	s0 =	sadd.s32 s24, s0  }
0x14: {  	s18 =	simm.s32 $0x4400;
	s20 =	simm.s32 $0x100;
	s21 =	simm.s32 $0x200  }
0x15: {  	s22 =	simm.s32 $0x1;
	s23 =	sadd.s32 $0x400, s8;
	[dreg:$0x8] =	wrdreg s8  }
0x16: {  	s24 =	simm.s32 $0x400;
	s8 =	sadd.s32 $0x800, s8;
	[dreg:$0xb] =	wrdreg s23  }
0x17: {  	s9 =	simm.s32 $0x380;
	s2 =	sadd.s32 $0x2A00, s2;
	[dreg:$0xc] =	wrdreg s8  }
0x18: {  	s7 =	smax.u32 s7, $0x1;
	s16 =	sadd.s32 s25, s0;
	[dreg:$0xd] =	wrdreg s2  }
0x19: {  	s25 =	simm.s32 $0x5;
	s0 =	simm.s32 $0x7;
	[dreg:$0xf] =	wrdreg s7  }
0x1a: {  	v0 =	vimm.f32 $0.0e+00;
	s23 =	simm.s32 $0x80;
	s2 =	simm.s32 $0x3;
	s7 =	simm.s32 $0x8  }
.LBB2_1:
0x1b: {  	s12 =	simm.s32 $0x100;
	s11 =	simm.s32 $0x0  }
.LBB2_2:
0x1c: {  	p1 =	sne.s32 s12, $0x7C00;
	[tilespmem:s11+$0x4430] =	vst v0;
	s13 =	smov.u32 s12;
	s12 =	sadd.s32 $0x100, s12  }
.Ltmp0:
0x1d: {  	[tilespmem:s11+$0x4420] =	vst v0;
	(pc) =	sbr.rel @p1 .LBB2_2-.Ltmp0, $3  }
0x1e: {  	[tilespmem:s11+$0x4400] =	vst v0  }
0x1f: {  	[tilespmem:s11+$0x4410] =	vst v0;
	_ =	sdelay $0x1  }
0x20: {  	s11 =	sshra.s32 s13, $0x2  }
0x21: {  	[tilespmem:s11+$0x4430] =	vst v0  }
0x22: {  	[tilespmem:s11+$0x4420] =	vst v0  }
0x23: {  	[tilespmem:s11+$0x4400] =	vst v0  }
0x24: {  	[tilespmem:s11+$0x4410] =	vst v0  }
0x25: {  	[spmem:s5] =	stream.linear.scatter [tilespmem:s18], [sflag:$0x9], $0x1F40, $0x38;
	[tilespmem:$0xFF80] =	vst v63  }
0x26: {  	_ =	swait.ge [sflag:s19], $0x1F40  }
0x27: {  	[sflag:s19] =	ssyncset.done $0x0  }
0x28: {  	s8 =	rddreg [dreg:$0x6];
	[sflag:s19] =	ssyncadd.s32 $0xFFFFE0C0  }
0x29: {  	[spmem:s8] =	stream.linear.scatter [tilespmem:s18], [sflag:$0x9], $0x1F40, $0x38;
	[tilespmem:$0xFF80] =	vst v63  }
0x2a: {  	_ =	swait.ge [sflag:s19], $0x1F40  }
0x2b: {  	[sflag:s19] =	ssyncset.done $0x0  }
0x2c: {  	s14 =	rddreg [dreg:$0x7];
	[sflag:s19] =	ssyncadd.s32 $0xFFFFE0C0  }
0x2d: {  	[spmem:s14] =	stream.linear.scatter [tilespmem:s18], [sflag:$0x9], $0x1F40, $0x38;
	[tilespmem:$0xFF80] =	vst v63  }
0x2e: {  	_ =	swait.ge [sflag:s19], $0x1F40  }
0x2f: {  	[sflag:s19] =	ssyncset.done $0x0  }
0x30: {  	s15 =	rddreg [dreg:$0x9];
	[sflag:s19] =	ssyncadd.s32 $0xFFFFE0C0  }
0x31: {  	[spmem:s15] =	stream.linear.scatter [tilespmem:s18], [sflag:$0x9], $0x1F40, $0x38;
	[tilespmem:$0xFF80] =	vst v63  }
0x32: {  	_ =	swait.ge [sflag:s19], $0x1F40  }
0x33: {  	[sflag:s19] =	ssyncset.done $0x0  }
0x34: {  	s11 =	rddreg [dreg:$0xa];
	[sflag:s19] =	ssyncadd.s32 $0xFFFFE0C0  }
0x35: {  	[spmem:s11] =	stream.linear.scatter [tilespmem:s18], [sflag:$0x9], $0x1F40, $0x38;
	[tilespmem:$0xFF80] =	vst v63  }
0x36: {  	_ =	swait.ge [sflag:s19], $0x1F40  }
0x37: {  	[sflag:s19] =	ssyncset.done $0x0  }
0x38: {  	[sflag:s19] =	ssyncadd.s32 $0xFFFFE0C0  }
0x39: {  	[bflag:$0x0] =	sbarrier.arrive $0xFFFF  }
0x3a: {  	s12 =	simm.s32 $0x0;
	s13 =	rddreg [dreg:$0x8]  }
0x3b: {  	[tilespmem:s12], [sflag:$0x1] =	stream.linear.gather [hbm4b:s13+s12], $0x100, $0x38;
	[tilespmem:$0xFF80] =	vst v63  }
0x3c: {  	s14 =	rddreg [dreg:$0xb]  }
0x3d: {  	[tilespmem:s20], [sflag:$0x2] =	stream.linear.gather [hbm4b:s14+s12], $0x100, $0x38;
	[tilespmem:$0xFF80] =	vst v63  }
0x3e: {  	s15 =	rddreg [dreg:$0xc]  }
0x3f: {  	[tilespmem:s21], [sflag:$0x3] =	stream.linear.gather [hbm4b:s15+s12], $0x100, $0x38;
	[tilespmem:$0xFF80] =	vst v63  }
0x40: {  	_ =	swait.ge [sflag:s22], $0x100  }
0x41: {  	[sflag:s22] =	ssyncset.done $0x0  }
0x42: {  	[sflag:s22] =	ssyncadd.s32 $0xFFFFFF00  }
0x43: {  	[tilespmem:s24], [sflag:$0x5] =	stream.indirect.gather [hbm4b:s1+s23], $0x40, s12, s23, $0xb8;
	[tilespmem:$0xFF80] =	vst v63  }
0x44: {  	_ =	swait.ge [sflag:s25], $0x2000  }
0x45: {  	[sflag:s25] =	ssyncset.done $0x0  }
0x46: {  	[sflag:s25] =	ssyncadd.s32 $0xFFFFE000  }
0x47: {  	[spmem:s3] =	stream.indirect.scatter.add.f32 [tilespmem:s24], [sflag:$0x7], $0x40, s23, s23, $0xb8;
	[tilespmem:$0xFF80] =	vst v63  }
0x48: {  	_ =	swait.ge [sflag:s26], $0x100  }
0x49: {  	p1 =	por $0x1, $0x1;
	[sflag:s26] =	ssyncset.done $0x0  }
0x4a: {  	s11 =	simm.s32 @!p1 $0x8;
	[sflag:s26] =	ssyncadd.s32 $0xFFFFFF00  }
0x4b: {  	_ =	swait.ge @!p1 [sflag:s11], $0x2000  }
0x4c: {  	[sflag:s11] =	ssyncset.done @!p1 $0x0  }
0x4d: {  	s12 =	sadd.s32 $0x0, s16;
	[sflag:s11] =	ssyncadd.s32 @!p1 $0xFFFFE000  }
0x4e: {  	[tilespmem:s28], [sflag:$0x6] =	stream.indirect.gather [hbm4b:s1+s23], $0x40, s20, s23, $0xb8;
	[tilespmem:$0xFF80] =	vst v63  }
0x4f: {  	s8 =	sadd.s32 $0xC00, s12  }
0x50: {  	[tilespmem:s29], [sflag:$0x4] =	stream.linear.gather [hbm4b:s8+s4], $0x100, $0x38;
	[tilespmem:$0xFF80] =	vst v63  }
0x51: {  	_ =	swait.ge [sflag:s30], $0x2000  }
0x52: {  	[sflag:s30] =	ssyncset.done $0x0  }
0x53: {  	[sflag:s30] =	ssyncadd.s32 $0xFFFFE000  }
0x54: {  	[spmem:s3] =	stream.indirect.scatter.add.f32 [tilespmem:s28], [sflag:$0x8], $0x40, s31, s23, $0xb8;
	[tilespmem:$0xFF80] =	vst v63  }
0x55: {  	_ =	swait.ge [sflag:s2], $0x100  }
0x56: {  	[sflag:s2] =	ssyncset.done $0x0  }
0x57: {  	[sflag:s2] =	ssyncadd.s32 $0xFFFFFF00  }
0x58: {  	_ =	swait.ge [sflag:s0], $0x2000  }
0x59: {  	[sflag:s0] =	ssyncset.done $0x0  }
0x5a: {  	[sflag:s0] =	ssyncadd.s32 $0xFFFFE000  }
0x5b: {  	[tilespmem:s24], [sflag:$0x5] =	stream.indirect.gather [hbm4b:s1+s23], $0x40, s21, s23, $0xb8;
	[tilespmem:$0xFF80] =	vst v63  }
0x5c: {  	s13 =	sadd.s32 $0x1000, s12  }
0x5d: {  	[tilespmem:s4], [sflag:$0x1] =	stream.linear.gather [hbm4b:s13+s4], $0x100, $0x38;
	[tilespmem:$0xFF80] =	vst v63  }
0x5e: {  	_ =	swait.ge [sflag:s25], $0x2000  }
0x5f: {  	[sflag:s25] =	ssyncset.done $0x0  }
0x60: {  	s14 =	rddreg [dreg:$0x5];
	[sflag:s25] =	ssyncadd.s32 $0xFFFFE000  }
0x61: {  	[spmem:s3] =	stream.indirect.scatter.add.f32 [tilespmem:s24], [sflag:$0x7], $0x40, s14, s23, $0xb8;
	[tilespmem:$0xFF80] =	vst v63  }
0x62: {  	_ =	swait.ge [sflag:s6], $0x100  }
0x63: {  	[sflag:s6] =	ssyncset.done $0x0  }
0x64: {  	[sflag:s6] =	ssyncadd.s32 $0xFFFFFF00  }
0x65: {  	_ =	swait.ge [sflag:s7], $0x2000  }
0x66: {  	[sflag:s7] =	ssyncset.done $0x0  }
0x67: {  	[sflag:s7] =	ssyncadd.s32 $0xFFFFE000  }
0x68: {  	[tilespmem:s28], [sflag:$0x6] =	stream.indirect.gather [hbm4b:s1+s23], $0x40, s29, s23, $0xb8;
	[tilespmem:$0xFF80] =	vst v63  }
0x69: {  	s15 =	sadd.s32 $0x1400, s12  }
0x6a: {  	[tilespmem:s20], [sflag:$0x2] =	stream.linear.gather [hbm4b:s15+s4], $0x100, $0x38;
	[tilespmem:$0xFF80] =	vst v63  }
0x6b: {  	_ =	swait.ge [sflag:s30], $0x2000  }
0x6c: {  	[sflag:s30] =	ssyncset.done $0x0  }
0x6d: {  	[sflag:s30] =	ssyncadd.s32 $0xFFFFE000  }
0x6e: {  	[spmem:s3] =	stream.indirect.scatter.add.f32 [tilespmem:s28], [sflag:$0x8], $0x40, s9, s23, $0xb8;
	[tilespmem:$0xFF80] =	vst v63  }
0x6f: {  	_ =	swait.ge [sflag:s22], $0x100  }
0x70: {  	[sflag:s22] =	ssyncset.done $0x0  }
0x71: {  	[sflag:s22] =	ssyncadd.s32 $0xFFFFFF00  }
0x72: {  	p2 =	sgt.u32 s17, $0x9C3;
	_ =	swait.ge [sflag:s0], $0x2000  }
0x73: {  	s12 =	sadd.s32 $0x80, s17;
	s11 =	simm.s32 $0x1000;
	[sflag:s0] =	ssyncset.done $0x0  }
0x74: {  	s13 =	sadd.s32 @!p2 $0x0, s16;
	s15 =	simm.s32 @!p2 $0x200;
	[sflag:s0] =	ssyncadd.s32 $0xFFFFE000  }
0x75: {  	[tilespmem:s24], [sflag:$0x5] =	stream.indirect.gather [hbm4b:s1+s23], $0x40, s4, s23, $0xb8;
	[tilespmem:$0xFF80] =	vst v63  }
.LBB2_4:
0x76: {  	s14 =	sadd.s32 @!p2 $0x1800, s13;
	s8 =	simm.s32 @!p2 $0x0  }
0x77: {  	[tilespmem:s15], [sflag:$0x3] =	stream.linear.gather @!p2 [hbm4b:s14+s8], $0x100, $0x38;
	[tilespmem:$0xFF80] =	vst v63  }
0x78: {  	_ =	swait.ge [sflag:s25], $0x2000  }
0x79: {  	[sflag:s25] =	ssyncset.done $0x0  }
0x7a: {  	[sflag:s25] =	ssyncadd.s32 $0xFFFFE000  }
0x7b: {  	[spmem:s3] =	stream.indirect.scatter.add.f32 [tilespmem:s24], [sflag:$0x7], $0x40, s23, s23, $0xb8;
	[tilespmem:$0xFF80] =	vst v63  }
0x7c: {  	s13 =	smov.u32 s11;
	_ =	swait.ge [sflag:s26], $0x100  }
0x7d: {  	p2 =	seq.s32 s13, $0x0;
	[sflag:s26] =	ssyncset.done $0x0  }
0x7e: {  	s8 =	simm.s32 @!p2 $0x8;
	[sflag:s26] =	ssyncadd.s32 $0xFFFFFF00  }
0x7f: {  	_ =	swait.ge @!p2 [sflag:s8], $0x2000  }
0x80: {  	[sflag:s8] =	ssyncset.done @!p2 $0x0  }
0x81: {  	s14 =	sadd.s32 s13, s16;
	[sflag:s8] =	ssyncadd.s32 @!p2 $0xFFFFE000  }
0x82: {  	[tilespmem:s28], [sflag:$0x6] =	stream.indirect.gather [hbm4b:s1+s23], $0x40, s20, s23, $0xb8;
	[tilespmem:$0xFF80] =	vst v63  }
0x83: {  	s15 =	sadd.s32 $0xC00, s14  }
0x84: {  	[tilespmem:s29], [sflag:$0x4] =	stream.linear.gather [hbm4b:s15+s4], $0x100, $0x38;
	[tilespmem:$0xFF80] =	vst v63  }
0x85: {  	_ =	swait.ge [sflag:s30], $0x2000  }
0x86: {  	[sflag:s30] =	ssyncset.done $0x0  }
0x87: {  	[sflag:s30] =	ssyncadd.s32 $0xFFFFE000  }
0x88: {  	[spmem:s3] =	stream.indirect.scatter.add.f32 [tilespmem:s28], [sflag:$0x8], $0x40, s31, s23, $0xb8;
	[tilespmem:$0xFF80] =	vst v63  }
0x89: {  	_ =	swait.ge [sflag:s2], $0x100  }
0x8a: {  	[sflag:s2] =	ssyncset.done $0x0  }
0x8b: {  	[sflag:s2] =	ssyncadd.s32 $0xFFFFFF00  }
0x8c: {  	_ =	swait.ge [sflag:s0], $0x2000  }
0x8d: {  	[sflag:s0] =	ssyncset.done $0x0  }
0x8e: {  	[sflag:s0] =	ssyncadd.s32 $0xFFFFE000  }
0x8f: {  	[tilespmem:s24], [sflag:$0x5] =	stream.indirect.gather [hbm4b:s1+s23], $0x40, s21, s23, $0xb8;
	[tilespmem:$0xFF80] =	vst v63  }
0x90: {  	s15 =	sadd.s32 $0x1000, s14  }
0x91: {  	[tilespmem:s4], [sflag:$0x1] =	stream.linear.gather [hbm4b:s15+s4], $0x100, $0x38;
	[tilespmem:$0xFF80] =	vst v63  }
0x92: {  	_ =	swait.ge [sflag:s25], $0x2000  }
0x93: {  	[sflag:s25] =	ssyncset.done $0x0  }
0x94: {  	s15 =	rddreg [dreg:$0x5];
	[sflag:s25] =	ssyncadd.s32 $0xFFFFE000  }
0x95: {  	[spmem:s3] =	stream.indirect.scatter.add.f32 [tilespmem:s24], [sflag:$0x7], $0x40, s15, s23, $0xb8;
	[tilespmem:$0xFF80] =	vst v63  }
0x96: {  	_ =	swait.ge [sflag:s6], $0x100  }
0x97: {  	[sflag:s6] =	ssyncset.done $0x0  }
0x98: {  	[sflag:s6] =	ssyncadd.s32 $0xFFFFFF00  }
0x99: {  	_ =	swait.ge [sflag:s7], $0x2000  }
0x9a: {  	[sflag:s7] =	ssyncset.done $0x0  }
0x9b: {  	[sflag:s7] =	ssyncadd.s32 $0xFFFFE000  }
0x9c: {  	[tilespmem:s28], [sflag:$0x6] =	stream.indirect.gather [hbm4b:s1+s23], $0x40, s29, s23, $0xb8;
	[tilespmem:$0xFF80] =	vst v63  }
0x9d: {  	s15 =	sadd.s32 $0x1400, s14  }
0x9e: {  	[tilespmem:s20], [sflag:$0x2] =	stream.linear.gather [hbm4b:s15+s4], $0x100, $0x38;
	[tilespmem:$0xFF80] =	vst v63  }
0x9f: {  	_ =	swait.ge [sflag:s30], $0x2000  }
0xa0: {  	[sflag:s30] =	ssyncset.done $0x0  }
0xa1: {  	[sflag:s30] =	ssyncadd.s32 $0xFFFFE000  }
0xa2: {  	[spmem:s3] =	stream.indirect.scatter.add.f32 [tilespmem:s28], [sflag:$0x8], $0x40, s9, s23, $0xb8;
	[tilespmem:$0xFF80] =	vst v63  }
0xa3: {  	s11 =	sadd.s32 $0x1000, s11;
	_ =	swait.ge [sflag:s22], $0x100  }
0xa4: {  	p1 =	sne.s32 s11, $0x13000;
	[sflag:s22] =	ssyncset.done $0x0  }
.Ltmp1:
0xa5: {  	[sflag:s22] =	ssyncadd.s32 $0xFFFFFF00;
	(pc) =	sbr.rel @p1 .LBB2_4-.Ltmp1, $4  }
0xa6: {  	_ =	swait.ge [sflag:s0], $0x2000  }
0xa7: {  	p2 =	sgt.u32 s12, $0x9C3;
	s12 =	sadd.s32 $0x80, s12;
	[sflag:s0] =	ssyncset.done $0x0  }
0xa8: {  	s13 =	sadd.s32 @!p2 s13, s16;
	s15 =	simm.s32 @!p2 $0x200;
	[sflag:s0] =	ssyncadd.s32 $0xFFFFE000  }
0xa9: {  	[tilespmem:s24], [sflag:$0x5] =	stream.indirect.gather [hbm4b:s1+s23], $0x40, s4, s23, $0xb8;
	[tilespmem:$0xFF80] =	vst v63  }
0xaa: {  	s8 =	sadd.s32 @!p2 $0x1800, s13;
	s11 =	simm.s32 @!p2 $0x0  }
0xab: {  	[tilespmem:s15], [sflag:$0x3] =	stream.linear.gather @!p2 [hbm4b:s8+s11], $0x100, $0x38;
	[tilespmem:$0xFF80] =	vst v63  }
0xac: {  	_ =	swait.ge [sflag:s25], $0x2000  }
0xad: {  	[sflag:s25] =	ssyncset.done $0x0  }
0xae: {  	[sflag:s25] =	ssyncadd.s32 $0xFFFFE000  }
0xaf: {  	[spmem:s3] =	stream.indirect.scatter.add.f32 [tilespmem:s24], [sflag:$0x7], $0x40, s23, s23, $0xb8;
	[tilespmem:$0xFF80] =	vst v63  }
0xb0: {  	_ =	swait.ge [sflag:s26], $0x100  }
0xb1: {  	[sflag:s26] =	ssyncset.done $0x0  }
0xb2: {  	[sflag:s26] =	ssyncadd.s32 $0xFFFFFF00  }
0xb3: {  	_ =	swait.ge [sflag:s7], $0x2000  }
0xb4: {  	[sflag:s7] =	ssyncset.done $0x0  }
0xb5: {  	[sflag:s7] =	ssyncadd.s32 $0xFFFFE000  }
0xb6: {  	[tilespmem:s28], [sflag:$0x6] =	stream.indirect.gather [hbm4b:s1+s23], $0x40, s20, s23, $0xb8;
	[tilespmem:$0xFF80] =	vst v63  }
0xb7: {  	_ =	swait.ge [sflag:s30], $0x2000  }
0xb8: {  	[sflag:s30] =	ssyncset.done $0x0  }
0xb9: {  	s8 =	simm.s32 @!p0 $0x3;
	[sflag:s30] =	ssyncadd.s32 $0xFFFFE000  }
0xba: {  	[spmem:s3] =	stream.indirect.scatter.add.f32 [tilespmem:s28], [sflag:$0x8], $0x40, s31, s23, $0xb8;
	[tilespmem:$0xFF80] =	vst v63  }
0xbb: {  	_ =	swait.ge @!p0 [sflag:s8], $0x100  }
0xbc: {  	[sflag:s8] =	ssyncset.done @!p0 $0x0  }
0xbd: {  	[sflag:s8] =	ssyncadd.s32 @!p0 $0xFFFFFF00;
	s8 =	simm.s32 @!p0 $0x7  }
0xbe: {  	_ =	swait.ge @!p0 [sflag:s8], $0x2000  }
0xbf: {  	s12 =	simm.s32 @!p0 $0x200;
	[sflag:s8] =	ssyncset.done @!p0 $0x0  }
0xc0: {  	s13 =	simm.s32 @!p0 $0x400;
	s11 =	simm.s32 @!p0 $0x80;
	[sflag:s8] =	ssyncadd.s32 @!p0 $0xFFFFE000  }
0xc1: {  	[tilespmem:s13], [sflag:$0x5] =	stream.indirect.gather @!p0 [hbm4b:s1+s11], $0x40, s12, s11, $0xb8;
	[tilespmem:$0xFF80] =	vst v63  }
0xc2: {  	s12 =	simm.s32 @!p0 $0x5  }
0xc3: {  	_ =	swait.ge @!p0 [sflag:s12], $0x2000  }
0xc4: {  	[sflag:s12] =	ssyncset.done @!p0 $0x0  }
0xc5: {  	[sflag:s12] =	ssyncadd.s32 @!p0 $0xFFFFE000;
	s12 =	simm.s32 @!p0 $0x280  }
0xc6: {  	[spmem:s3] =	stream.indirect.scatter.add.f32 @!p0 [tilespmem:s13], [sflag:$0x7], $0x40, s12, s11, $0xb8;
	[tilespmem:$0xFF80] =	vst v63  }
0xc7: {  	s11 =	simm.s32 @!p0 $0x8  }
0xc8: {  	s11 =	simm.s32 @p0 $0x7  }
0xc9: {  	_ =	swait.ge [sflag:s11], $0x2000  }
0xca: {  	[sflag:s11] =	ssyncset.done $0x0  }
0xcb: {  	s8 =	simm.s32 @p0 $0x8;
	[sflag:s11] =	ssyncadd.s32 $0xFFFFE000  }
0xcc: {  	_ =	swait.ge [sflag:s8], $0x2000  }
0xcd: {  	[sflag:s8] =	ssyncset.done $0x0  }
0xce: {  	[sflag:s8] =	ssyncadd.s32 $0xFFFFE000  }
0xcf: {  	[bflag:$0x0] =	sbarrier.arrive $0xFFFF  }
0xd0: {  	s12 =	rddreg [dreg:$0xe]  }
0xd1: {  	s13 =	sshrl.u32 s5, $0x3;
	s14 =	rddreg [dreg:$0xd];
	s8 =	sor.u32 $0x1C09, s12  }
0xd2: {  	[hbm:s14], [sflag:s8] =	dma.local [spmem:s13], $0x1388  }
0xd3: {  	_ =	swait.ge [sflag:s19], $0x1388  }
0xd4: {  	s10 =	sadd.s32 $0x1, s10;
	s15 =	rddreg [dreg:$0xf]  }
0xd5: {  	p1 =	sne.s32 s10, s15  }
.Ltmp2:
0xd6: {  	_ = 	snop;
	(pc) =	sbr.rel @p1 .LBB2_1-.Ltmp2, $3  }
0xd7: {  	_ =	sdelay $0x1  }
0xd8: {  	[sflag:s19] =	ssyncset.done $0x0  }
0xd9: {  	[sflag:s19] =	ssyncadd.s32 $0xFFFFEC78  }
0xda: {  	_ =	sfence.sel $0x180000  }
0xdb: {  	[bflag:$0x0] =	sbarrier.arrive $0xFFFF  }
0xdc: {  	_ =	strace $0x90000050  }
0xdd: {  	s0 =	stileid.u32;
	[bflag:$0x2] =	sbarrier.arrive $0xFFFF  }
0xde: {  	p0 =	sne.s32 s0, $0x0;
	s0 =	rddreg [dreg:$0x4]  }
0xdf: {  	s0 =	sadd.s32 @!p0 $0x100000, s0  }
0xe0: {  	[sflag:s0] =	ssyncadd.tile.s32 @!p0 $0x1;
	_ =	shalt  }
.Lfunc_end2:
_tile_overlayer_lowered:
.L_overlay_start_2:
0xe1: {  	(tag) =	ssettag $0x2  }
0xe2: {  	s0 =	rddreg [dreg:$0x0];
	s2 =	stileid.u32  }
0xe3: {  	s1 =	rddreg [dreg:$0x1];
	p0 =	sne.s32 s2, $0x0  }
0xe4: {  	s3 =	rddreg [dreg:$0x2];
	[bflag:$0x3] =	sbarrier.arrive $0xFFFF;
	s2 =	simm.s32 @!p0 $0x1C09  }
0xe5: {  	[timem:s3], [sflag:s2] =	dma.local @!p0 [hbm:s0], s1  }
0xe6: {  	s0 =	simm.s32 @!p0 $0x9  }
0xe7: {  	_ =	swait.ge @!p0 [sflag:s0], s1  }
0xe8: {  	s1 =	ssub.s32 @!p0 $0x0, s1;
	[sflag:s0] =	ssyncset.done @!p0 $0x0  }
0xe9: {  	[sflag:s0] =	ssyncadd.s32 @!p0 s1  }
0xea: {  	[bflag:$0x3] =	sbarrier.arrive $0xFFFF  }
0xeb: {  	_ =	shalt  }

</sc_bundles>
